<compile_context>
chip_gen: v7x
topology: tpu7x:2x2x1
jax: 0.10.2.dev20260603
libtpu: 0.0.44.dev20260713+nightly
codegen_flags: <defaults>
</compile_context>

<pallas_src>
import functools

import jax
import jax.numpy as jnp
from jax import lax
from jax.experimental import pallas as pl
from jax.experimental.pallas import tpu as pltpu
from jax.experimental.pallas import tpu_sc as plsc

N = 10000
D = 128
E = 160000
EPS_LN = 1e-5

NT = 32
CH = 128
NCH = 40
E_PAD = NT * NCH * CH
STRIPE = 640
N_ACC = 16 * STRIPE
TRASH = 10008

RB = 1000
NB = N // RB
TB = 1000
NTB = N // TB

@functools.cache
def _mesh():
    return plsc.VectorSubcoreMesh(core_axis_name="c", subcore_axis_name="s")



def _sc_segment_sum(h, src3, dst3, zer128):

    @functools.partial(
        pl.kernel,
        out_type=jax.ShapeDtypeStruct((2, N_ACC, D), jnp.float32),
        mesh=_mesh(),
        scratch_types=[
            pltpu.VMEM((NCH, CH), jnp.int32),
            pltpu.VMEM((NCH, CH), jnp.int32),
            pltpu.VMEM((CH, D), jnp.float32),
            pltpu.VMEM_SHARED((N_ACC, D), jnp.float32),
            pltpu.SemaphoreType.DMA,
        ],
    )
    def k(h_h, src_h, dst_h, zer_h, out_h,
          idxs_v, idxd_v, rows_v, agg_sh, sem):
        cid = lax.axis_index("c")
        sid = lax.axis_index("s")
        tg = cid * 16 + sid
        pltpu.sync_copy(src_h.at[tg], idxs_v)
        pltpu.sync_copy(dst_h.at[tg], idxd_v)
        pltpu.sync_copy(zer_h, rows_v)
        for p in range(STRIPE // CH):
            pltpu.sync_copy(rows_v, agg_sh.at[pl.ds(sid * STRIPE + p * CH, CH)])
        plsc.subcore_barrier()

        def body(j, carry):
            pltpu.async_copy(h_h.at[idxs_v.at[j]], rows_v, sem).wait()
            pltpu.sync_copy(rows_v, agg_sh.at[idxd_v.at[j]], add=True)
            return carry

        lax.fori_loop(0, NCH, body, 0)
        plsc.subcore_barrier()
        for p in range(STRIPE // CH):
            sl = pl.ds(sid * STRIPE + p * CH, CH)
            pltpu.sync_copy(agg_sh.at[sl], rows_v)
            pltpu.sync_copy(rows_v, out_h.at[cid, sl])

    return k(h, src3, dst3, zer128)


def _sc_histogram(idx3, ones128, zer128):

    @functools.partial(
        pl.kernel,
        out_type=jax.ShapeDtypeStruct((2, N_ACC, D), jnp.float32),
        mesh=_mesh(),
        scratch_types=[
            pltpu.VMEM((NCH, CH), jnp.int32),
            pltpu.VMEM((CH, D), jnp.float32),
            pltpu.VMEM((CH, D), jnp.float32),
            pltpu.VMEM_SHARED((N_ACC, D), jnp.float32),
        ],
    )
    def k(idx_h, ones_h, zer_h, out_h, idx_v, ones_v, stg_v, agg_sh):
        cid = lax.axis_index("c")
        sid = lax.axis_index("s")
        tg = cid * 16 + sid
        pltpu.sync_copy(idx_h.at[tg], idx_v)
        pltpu.sync_copy(ones_h, ones_v)
        pltpu.sync_copy(zer_h, stg_v)
        for p in range(STRIPE // CH):
            pltpu.sync_copy(stg_v, agg_sh.at[pl.ds(sid * STRIPE + p * CH, CH)])
        plsc.subcore_barrier()

        def body(j, carry):
            pltpu.sync_copy(ones_v, agg_sh.at[idx_v.at[j]], add=True)
            return carry

        lax.fori_loop(0, NCH, body, 0)
        plsc.subcore_barrier()
        for p in range(STRIPE // CH):
            sl = pl.ds(sid * STRIPE + p * CH, CH)
            pltpu.sync_copy(agg_sh.at[sl], stg_v)
            pltpu.sync_copy(stg_v, out_h.at[cid, sl])

    return k(idx3, ones128, zer128)


def _sc_gather_pairs(q, s3, d3):

    @functools.partial(
        pl.kernel,
        out_type=(jax.ShapeDtypeStruct((E_PAD, D), jnp.float32),
                  jax.ShapeDtypeStruct((E_PAD, D), jnp.float32)),
        mesh=_mesh(),
        scratch_types=[
            pltpu.VMEM((NCH, CH), jnp.int32),
            pltpu.VMEM((NCH, CH), jnp.int32),
            pltpu.VMEM((CH, D), jnp.float32),
            pltpu.VMEM((CH, D), jnp.float32),
            pltpu.SemaphoreType.DMA,
        ],
    )
    def k(q_h, s_h, d_h, outs_h, outd_h, idxs_v, idxd_v, rs_v, rd_v, sem):
        cid = lax.axis_index("c")
        sid = lax.axis_index("s")
        tg = cid * 16 + sid
        pltpu.sync_copy(s_h.at[tg], idxs_v)
        pltpu.sync_copy(d_h.at[tg], idxd_v)

        def chunk(j, carry):
            base = tg * (NCH * CH) + j * CH
            cs = pltpu.async_copy(q_h.at[idxs_v.at[j]], rs_v, sem)
            cd = pltpu.async_copy(q_h.at[idxd_v.at[j]], rd_v, sem)
            cs.wait()
            cd.wait()
            pltpu.sync_copy(rs_v, outs_h.at[pl.ds(base, CH)])
            pltpu.sync_copy(rd_v, outd_h.at[pl.ds(base, CH)])
            return carry

        lax.fori_loop(0, NCH, chunk, 0)

    return k(q, s3, d3)



def _deg_rs(dref):
    s = dref[0, :, 0:1] + dref[1, :, 0:1]
    return lax.rsqrt(jnp.maximum(s, 1.0))


def _tc_prescale(feats, degO_p):
    def body(f_ref, dO_ref, o_ref):
        o_ref[...] = f_ref[...] * _deg_rs(dO_ref)

    return pl.pallas_call(
        body,
        grid=(NB,),
        in_specs=[
            pl.BlockSpec((RB, D), lambda t: (t, 0)),
            pl.BlockSpec((2, RB, 128), lambda t: (0, t, 0)),
        ],
        out_specs=pl.BlockSpec((RB, D), lambda t: (t, 0)),
        out_shape=jax.ShapeDtypeStruct((N, D), jnp.float32),
    )(feats, degO_p)


def _tc_layer1(agg_p, degI_p, degO_p, W1, b1, gamma, beta):
    def body(a_ref, dI_ref, dO_ref, w_ref, b_ref, g_ref, be_ref,
             h1_ref, h1s_ref):
        x = (a_ref[0] + a_ref[1]) * _deg_rs(dI_ref)
        y = jnp.dot(x, w_ref[...], preferred_element_type=jnp.float32)
        y = jnp.maximum(y + b_ref[...], 0.0)
        mu = jnp.mean(y, axis=1, keepdims=True)
        var = jnp.mean((y - mu) ** 2, axis=1, keepdims=True)
        h1 = (y - mu) * lax.rsqrt(var + EPS_LN) * g_ref[...] + be_ref[...]
        h1_ref[...] = h1
        h1s_ref[...] = h1 * _deg_rs(dO_ref)

    return pl.pallas_call(
        body,
        grid=(NB,),
        in_specs=[
            pl.BlockSpec((2, RB, D), lambda t: (0, t, 0)),
            pl.BlockSpec((2, RB, 128), lambda t: (0, t, 0)),
            pl.BlockSpec((2, RB, 128), lambda t: (0, t, 0)),
            pl.BlockSpec((D, D), lambda t: (0, 0)),
            pl.BlockSpec((1, D), lambda t: (0, 0)),
            pl.BlockSpec((1, D), lambda t: (0, 0)),
            pl.BlockSpec((1, D), lambda t: (0, 0)),
        ],
        out_specs=[
            pl.BlockSpec((RB, D), lambda t: (t, 0)),
            pl.BlockSpec((RB, D), lambda t: (t, 0)),
        ],
        out_shape=[jax.ShapeDtypeStruct((N, D), jnp.float32),
                   jax.ShapeDtypeStruct((N, D), jnp.float32)],
    )(agg_p, degI_p, degO_p, W1, b1.reshape(1, D), gamma.reshape(1, D),
      beta.reshape(1, D))


def _tc_layer2(agg_p, degI_p, W2, b2, dW1, db1, dW2, db2):
    def body(a_ref, dI_ref, w_ref, b_ref, w1_ref, c1_ref, w2_ref, c2_ref,
             h2_ref, q_ref, fl_ref):
        t = pl.program_id(0)
        x = (a_ref[0] + a_ref[1]) * _deg_rs(dI_ref)
        h2 = jnp.dot(x, w_ref[...], preferred_element_type=jnp.float32)
        h2 = jnp.maximum(h2 + b_ref[...], 0.0)
        q = jnp.dot(h2, w1_ref[...], preferred_element_type=jnp.float32) + c1_ref[...]
        qn = jnp.dot(h2, w2_ref[...], preferred_element_type=jnp.float32) + c2_ref[...]
        h2_ref[...] = h2
        q_ref[...] = q

        @pl.when(t == 0)
        def _():
            fl_ref[...] = jnp.zeros_like(fl_ref)

        fl_ref[...] += jnp.sum((h2 - qn) ** 2).reshape(1, 1)

    return pl.pallas_call(
        body,
        grid=(NB,),
        in_specs=[
            pl.BlockSpec((2, RB, D), lambda t: (0, t, 0)),
            pl.BlockSpec((2, RB, 128), lambda t: (0, t, 0)),
            pl.BlockSpec((D, D), lambda t: (0, 0)),
            pl.BlockSpec((1, D), lambda t: (0, 0)),
            pl.BlockSpec((D, D), lambda t: (0, 0)),
            pl.BlockSpec((1, D), lambda t: (0, 0)),
            pl.BlockSpec((D, D), lambda t: (0, 0)),
            pl.BlockSpec((1, D), lambda t: (0, 0)),
        ],
        out_specs=[
            pl.BlockSpec((RB, D), lambda t: (t, 0)),
            pl.BlockSpec((RB, D), lambda t: (t, 0)),
            pl.BlockSpec((1, 1), lambda t: (0, 0)),
        ],
        out_shape=[jax.ShapeDtypeStruct((N, D), jnp.float32),
                   jax.ShapeDtypeStruct((N, D), jnp.float32),
                   jax.ShapeDtypeStruct((1, 1), jnp.float32)],
    )(agg_p, degI_p, W2, b2.reshape(1, D), dW1, db1.reshape(1, D), dW2,
      db2.reshape(1, D))


def _softplus(x):
    return jnp.maximum(x, 0.0) + jnp.log1p(jnp.exp(-jnp.abs(x)))


def _tc_tri_loss(q, pairs):

    def body(p_ref, qi_ref, qj_ref, acc_ref):
        t = pl.program_id(0)
        bi = p_ref[0, t]
        bj = p_ref[1, t]
        a = lax.dot_general(qi_ref[...], qj_ref[...],
                            (((1,), (1,)), ((), ())),
                            preferred_element_type=jnp.float32)
        sp = _softplus(a)
        r = lax.broadcasted_iota(jnp.int32, (TB, TB), 0)
        c = lax.broadcasted_iota(jnp.int32, (TB, TB), 1)
        keep = jnp.logical_or(bi != bj, r < c)
        sp = jnp.where(keep, sp, 0.0)

        @pl.when(t == 0)
        def _():
            acc_ref[...] = jnp.zeros_like(acc_ref)

        acc_ref[...] += jnp.sum(sp).reshape(1, 1)

    npairs = pairs.shape[1]
    grid_spec = pltpu.PrefetchScalarGridSpec(
        num_scalar_prefetch=1,
        grid=(npairs,),
        in_specs=[
            pl.BlockSpec((TB, D), lambda t, p: (p[0, t], 0)),
            pl.BlockSpec((TB, D), lambda t, p: (p[1, t], 0)),
        ],
        out_specs=pl.BlockSpec((1, 1), lambda t, p: (0, 0)),
    )
    return pl.pallas_call(
        body,
        grid_spec=grid_spec,
        out_shape=jax.ShapeDtypeStruct((1, 1), jnp.float32),
    )(pairs, q, q)


def _tc_edge_terms(qs, qd, mask_col):
    blk = 1024
    steps = E_PAD // blk

    def body(qs_ref, qd_ref, m_ref, sp_ref, sd_ref, c_ref):
        t = pl.program_id(0)
        prod = qs_ref[...] * qd_ref[...]
        ones_m = jnp.full((D, D), 1.0, jnp.float32)
        a = jnp.dot(prod, ones_m, preferred_element_type=jnp.float32)
        m = m_ref[...]

        @pl.when(t == 0)
        def _():
            sp_ref[...] = jnp.zeros_like(sp_ref)
            sd_ref[...] = jnp.zeros_like(sd_ref)
            c_ref[...] = jnp.zeros_like(c_ref)

        sp_ref[...] += (jnp.sum(m * _softplus(a)) / D).reshape(1, 1)
        sd_ref[...] += (jnp.sum(m * a) / D).reshape(1, 1)
        c_ref[...] += jnp.sum(m).reshape(1, 1)

    return pl.pallas_call(
        body,
        grid=(steps,),
        in_specs=[
            pl.BlockSpec((blk, D), lambda t: (t, 0)),
            pl.BlockSpec((blk, D), lambda t: (t, 0)),
            pl.BlockSpec((blk, 1), lambda t: (t, 0)),
        ],
        out_specs=[
            pl.BlockSpec((1, 1), lambda t: (0, 0)),
            pl.BlockSpec((1, 1), lambda t: (0, 0)),
            pl.BlockSpec((1, 1), lambda t: (0, 0)),
        ],
        out_shape=[jax.ShapeDtypeStruct((1, 1), jnp.float32)] * 3,
    )(qs, qd, mask_col)



def kernel(feats, edge_index, W1, b1, W2, b2, gamma, beta, dW1, db1, dW2, db2):
    src = edge_index[0]
    dst = edge_index[1]
    pad = E_PAD - E

    trash = jnp.full((pad,), TRASH, jnp.int32)
    src_deg3 = jnp.concatenate([src, trash]).reshape(NT, NCH, CH)
    dst_deg3 = jnp.concatenate([dst, trash]).reshape(NT, NCH, CH)
    spread_pad = (jnp.arange(pad, dtype=jnp.int32) * 64) % N
    src_gat3 = jnp.concatenate([src, spread_pad]).reshape(NT, NCH, CH)

    big = jnp.int32(2147483647)
    key = jnp.where(src < dst, src * N + dst, big)
    ks = jnp.sort(key)
    valid_s = ks < big
    spread_e = (jnp.arange(E_PAD, dtype=jnp.int32) * 64) % N
    s2 = jnp.where(valid_s, ks // N, spread_e[:E])
    d2 = jnp.where(valid_s, ks % N, spread_e[:E])
    first = jnp.concatenate([jnp.ones((1,), bool), ks[1:] != ks[:-1]])
    uniq = (valid_s & first).astype(jnp.float32)
    s23 = jnp.concatenate([s2, spread_e[E:]]).reshape(NT, NCH, CH)
    d23 = jnp.concatenate([d2, spread_e[E:]]).reshape(NT, NCH, CH)
    mask_col = jnp.concatenate([uniq, jnp.zeros((pad,), jnp.float32)]).reshape(E_PAD, 1)

    zer128 = jnp.zeros((CH, D), jnp.float32)
    ones128 = jnp.ones((CH, D), jnp.float32)

    degO_p = _sc_histogram(src_deg3, ones128, zer128)
    degI_p = _sc_histogram(dst_deg3, ones128, zer128)

    h0s = _tc_prescale(feats, degO_p)
    agg1 = _sc_segment_sum(h0s, src_gat3, dst_deg3, zer128)
    h1, h1s = _tc_layer1(agg1, degI_p, degO_p, W1, b1, gamma, beta)
    agg2 = _sc_segment_sum(h1s, src_gat3, dst_deg3, zer128)
    h2, q, fl = _tc_layer2(agg2, degI_p, W2, b2, dW1, db1, dW2, db2)

    pairs = jnp.array([[bi for bi in range(NTB) for bj in range(bi, NTB)],
                       [bj for bi in range(NTB) for bj in range(bi, NTB)]],
                      dtype=jnp.int32)
    s_all = _tc_tri_loss(q, pairs)[0, 0]

    qs_rows, qd_rows = _sc_gather_pairs(q, s23, d23)
    spos, sdot, cnt = _tc_edge_terms(qs_rows, qd_rows, mask_col)
    spos = spos[0, 0]
    sneg = spos - sdot[0, 0]
    num_edges = cnt[0, 0]

    num_possible = N * N / 2.0
    pos_weight = (num_possible - num_edges) / (num_edges + 1e-6)
    count = N * (N - 1) / 2.0
    edge_loss = (s_all + pos_weight * sneg - spos) / count
    feature_rec_loss = fl[0, 0] / (N * D)
    loss = feature_rec_loss + edge_loss * 100.0
    return (h1, h2, q, h2, loss)

# --- scband reference (transcript-rebuilt; emitter-appended) ---
"""Pipeline reference for scband-gcn-25546465476774 (READ-ONLY COPY).

The authoritative reference and input builder live on the scoring server;
editing this copy changes nothing except your own understanding.
"""

import jax, jax.numpy as jnp
import numpy as np

N = 10000
D = 128
E = 160000
LAMB_EDGE = 1.0
LAMB_NODE = 1.0
EPS_LN = 1e-5


def _xavier(key, fan_in, fan_out):
    limit = np.sqrt(6.0 / (fan_in + fan_out)).astype(np.float32)
    return jax.random.uniform(key, (fan_in, fan_out), dtype=jnp.float32, minval=-limit, maxval=limit)


def setup_inputs(seed: int = 0) -> dict:
    key = jax.random.key(seed)
    ks = jax.random.split(key, 8)
    feats = jax.random.normal(ks[0], (N, D), dtype=jnp.float32)
    edge_index = jax.random.randint(ks[1], (2, E), 0, N, dtype=jnp.int32)
    W1 = _xavier(ks[2], D, D)
    b1 = jnp.zeros((D,), dtype=jnp.float32)
    W2 = _xavier(ks[3], D, D)
    b2 = jnp.zeros((D,), dtype=jnp.float32)
    gamma = jnp.ones((D,), dtype=jnp.float32)
    beta = jnp.zeros((D,), dtype=jnp.float32)
    dW1 = _xavier(ks[4], D, D)
    db1 = jnp.zeros((D,), dtype=jnp.float32)
    dW2 = _xavier(ks[5], D, D)
    db2 = jnp.zeros((D,), dtype=jnp.float32)
    return {"feats": feats, "edge_index": edge_index, "W1": W1, "b1": b1, "W2": W2, "b2": b2,
            "gamma": gamma, "beta": beta, "dW1": dW1, "db1": db1, "dW2": dW2, "db2": db2}


def _gcn_layer(h, src, dst, W, b):
    n = h.shape[0]
    ones = jnp.ones(src.shape[0], dtype=h.dtype)
    out_deg = jax.ops.segment_sum(ones, src, num_segments=n)
    in_deg = jax.ops.segment_sum(ones, dst, num_segments=n)
    h = h * jnp.power(jnp.clip(out_deg, 1.0), -0.5)[:, None]
    agg = jax.ops.segment_sum(h[src], dst, num_segments=n)
    agg = agg * jnp.power(jnp.clip(in_deg, 1.0), -0.5)[:, None]
    return jax.nn.relu(agg @ W + b)


def _layer_norm(x, g, b):
    mu = jnp.mean(x, axis=-1, keepdims=True)
    var = jnp.var(x, axis=-1, keepdims=True)
    return (x - mu) / jnp.sqrt(var + EPS_LN) * g + b


def reference(feats, edge_index, W1, b1, W2, b2, gamma, beta, dW1, db1, dW2, db2):
    src = edge_index[0]
    dst = edge_index[1]
    n = feats.shape[0]
    # layer 1 + norm (dropout is identity at eval / ratio 0.0)
    h1 = _gcn_layer(feats, src, dst, W1, b1)
    h1 = _layer_norm(h1, gamma, beta)
    # layer 2
    h2 = _gcn_layer(h1, src, dst, W2, b2)
    quantized_edge = h2 @ dW1 + db1
    quantized_node = h2 @ dW2 + db2
    # edge reconstruction loss (single graph in the batch)
    adj_true = jnp.zeros((n, n), dtype=feats.dtype).at[src, dst].set(1.0)
    adj_pred = quantized_edge @ quantized_edge.T
    num_edges = jnp.sum(jnp.triu(adj_true, k=1))
    num_possible = n * n / 2.0
    pos_weight = (num_possible - num_edges) / (num_edges + 1e-6)
    per_elem = pos_weight * adj_true * jax.nn.softplus(-adj_pred) + (1.0 - adj_true) * jax.nn.softplus(adj_pred)
    count = n * (n - 1) / 2.0
    edge_loss = jnp.sum(jnp.triu(per_elem, k=1)) / count
    edge_rec_loss = LAMB_EDGE * edge_loss
    feature_rec_loss = LAMB_NODE * jnp.mean((h2 - quantized_node) ** 2)
    alpha = 100.0
    loss = feature_rec_loss + edge_rec_loss * alpha
    # h_list = [h1, h2, quantized_edge]; also return h (==h2) and loss
    return (h1, h2, quantized_edge, h2, loss)

if __name__ == "__main__":
    import jax
    _d = setup_inputs()
    print(jax.jit(kernel)(*tuple(_d.values())))

</pallas_src>

<mosaic_0001>
#map = affine_map<(d0, d1) -> (0, 0)>
#map1 = affine_map<(d0, d1) -> (0, 0, 0)>
module attributes {stable_mosaic.version = 14 : i64} {
  func.func @k(%arg0: i32, %arg1: i32, %arg2: memref<10000x128xf32, #tpu.memory_space<hbm>>, %arg3: memref<32x40x128xi32, #tpu.memory_space<hbm>>, %arg4: memref<32x40x128xi32, #tpu.memory_space<hbm>>, %arg5: memref<128x128xf32, #tpu.memory_space<hbm>>, %arg6: memref<2x10240x128xf32, #tpu.memory_space<hbm>>, %arg7: memref<40x128xi32, #tpu.memory_space<vmem>>, %arg8: memref<40x128xi32, #tpu.memory_space<vmem>>, %arg9: memref<128x128xf32, #tpu.memory_space<vmem>>, %arg10: memref<10240x128xf32, #tpu.memory_space<vmem_shared>>, %arg11: memref<!tpu.dma_semaphore, #tpu.memory_space<semaphore_mem>>) attributes {dimension_semantics = [#tpu.dimension_semantics<core_parallel>, #tpu.dimension_semantics<subcore_parallel>], iteration_bounds = array<i64: 2, 16>, scalar_prefetch = 0 : i64, scratch_operands = 5 : i64, tpu.core_type = #tpu.core_type<sc_vector_subcore>, window_params = [{transform_indices = #map}, {transform_indices = #map1}, {transform_indices = #map1}, {transform_indices = #map}, {transform_indices = #map1}]} {
    %mul3A = arith.constant 16 : i32
    %mul3A_0 = arith.muli %arg0, %mul3A : i32
    %add3A = arith.addi %mul3A_0, %arg1 : i32
    "tpu.region"() ({
      %run_scoped3A = tpu.sem_alloc : memref<!tpu.dma_semaphore, #tpu.memory_space<semaphore_mem>>
      %dma_start3A = arith.constant 0 : i32
      %dma_start3A_47 = arith.constant 0 : i32
      %dma_start3A_48 = tpu.memref_slice %arg3[%add3A, %dma_start3A, %dma_start3A_47] : memref<32x40x128xi32, #tpu.memory_space<hbm>> -> memref<1x40x128xi32, #tpu.memory_space<hbm>>
      %dma_start3A_49 = tpu.memref_squeeze %dma_start3A_48 : memref<1x40x128xi32, #tpu.memory_space<hbm>> -> memref<40x128xi32, #tpu.memory_space<hbm>>
      %dma_start3A_50 = arith.constant 0 : i32
      %dma_start3A_51 = arith.constant 0 : i32
      %dma_start3A_52 = tpu.memref_slice %arg3[%add3A, %dma_start3A_50, %dma_start3A_51] : memref<32x40x128xi32, #tpu.memory_space<hbm>> -> memref<1x40x128xi32, #tpu.memory_space<hbm>>
      %dma_start3A_53 = tpu.memref_squeeze %dma_start3A_52 : memref<1x40x128xi32, #tpu.memory_space<hbm>> -> memref<40x128xi32, #tpu.memory_space<hbm>>
      tpu.enqueue_dma source(%dma_start3A_53 : memref<40x128xi32, #tpu.memory_space<hbm>>) target(%arg7 : memref<40x128xi32, #tpu.memory_space<vmem>>) target_semaphore(%run_scoped3A : memref<!tpu.dma_semaphore, #tpu.memory_space<semaphore_mem>>)
      %dma_wait3A = arith.constant 0 : i32
      %dma_wait3A_54 = arith.constant 0 : i32
      %dma_wait3A_55 = tpu.memref_slice %arg3[%add3A, %dma_wait3A, %dma_wait3A_54] : memref<32x40x128xi32, #tpu.memory_space<hbm>> -> memref<1x40x128xi32, #tpu.memory_space<hbm>>
      %dma_wait3A_56 = tpu.memref_squeeze %dma_wait3A_55 : memref<1x40x128xi32, #tpu.memory_space<hbm>> -> memref<40x128xi32, #tpu.memory_space<hbm>>
      %dma_wait3A_57 = arith.constant 0 : i32
      %dma_wait3A_58 = arith.constant 0 : i32
      %dma_wait3A_59 = tpu.memref_slice %arg3[%add3A, %dma_wait3A_57, %dma_wait3A_58] : memref<32x40x128xi32, #tpu.memory_space<hbm>> -> memref<1x40x128xi32, #tpu.memory_space<hbm>>
      %dma_wait3A_60 = tpu.memref_squeeze %dma_wait3A_59 : memref<1x40x128xi32, #tpu.memory_space<hbm>> -> memref<40x128xi32, #tpu.memory_space<hbm>>
      tpu.wait_dma2 semaphore(%run_scoped3A : memref<!tpu.dma_semaphore, #tpu.memory_space<semaphore_mem>>) src(%dma_wait3A_60 : memref<40x128xi32, #tpu.memory_space<hbm>>) dst(%arg7 : memref<40x128xi32, #tpu.memory_space<vmem>>)
      tpu.yield
    }) : () -> ()
    "tpu.region"() ({
      %run_scoped3A = tpu.sem_alloc : memref<!tpu.dma_semaphore, #tpu.memory_space<semaphore_mem>>
      %dma_start3A = arith.constant 0 : i32
      %dma_start3A_47 = arith.constant 0 : i32
      %dma_start3A_48 = tpu.memref_slice %arg4[%add3A, %dma_start3A, %dma_start3A_47] : memref<32x40x128xi32, #tpu.memory_space<hbm>> -> memref<1x40x128xi32, #tpu.memory_space<hbm>>
      %dma_start3A_49 = tpu.memref_squeeze %dma_start3A_48 : memref<1x40x128xi32, #tpu.memory_space<hbm>> -> memref<40x128xi32, #tpu.memory_space<hbm>>
      %dma_start3A_50 = arith.constant 0 : i32
      %dma_start3A_51 = arith.constant 0 : i32
      %dma_start3A_52 = tpu.memref_slice %arg4[%add3A, %dma_start3A_50, %dma_start3A_51] : memref<32x40x128xi32, #tpu.memory_space<hbm>> -> memref<1x40x128xi32, #tpu.memory_space<hbm>>
      %dma_start3A_53 = tpu.memref_squeeze %dma_start3A_52 : memref<1x40x128xi32, #tpu.memory_space<hbm>> -> memref<40x128xi32, #tpu.memory_space<hbm>>
      tpu.enqueue_dma source(%dma_start3A_53 : memref<40x128xi32, #tpu.memory_space<hbm>>) target(%arg8 : memref<40x128xi32, #tpu.memory_space<vmem>>) target_semaphore(%run_scoped3A : memref<!tpu.dma_semaphore, #tpu.memory_space<semaphore_mem>>)
      %dma_wait3A = arith.constant 0 : i32
      %dma_wait3A_54 = arith.constant 0 : i32
      %dma_wait3A_55 = tpu.memref_slice %arg4[%add3A, %dma_wait3A, %dma_wait3A_54] : memref<32x40x128xi32, #tpu.memory_space<hbm>> -> memref<1x40x128xi32, #tpu.memory_space<hbm>>
      %dma_wait3A_56 = tpu.memref_squeeze %dma_wait3A_55 : memref<1x40x128xi32, #tpu.memory_space<hbm>> -> memref<40x128xi32, #tpu.memory_space<hbm>>
      %dma_wait3A_57 = arith.constant 0 : i32
      %dma_wait3A_58 = arith.constant 0 : i32
      %dma_wait3A_59 = tpu.memref_slice %arg4[%add3A, %dma_wait3A_57, %dma_wait3A_58] : memref<32x40x128xi32, #tpu.memory_space<hbm>> -> memref<1x40x128xi32, #tpu.memory_space<hbm>>
      %dma_wait3A_60 = tpu.memref_squeeze %dma_wait3A_59 : memref<1x40x128xi32, #tpu.memory_space<hbm>> -> memref<40x128xi32, #tpu.memory_space<hbm>>
      tpu.wait_dma2 semaphore(%run_scoped3A : memref<!tpu.dma_semaphore, #tpu.memory_space<semaphore_mem>>) src(%dma_wait3A_60 : memref<40x128xi32, #tpu.memory_space<hbm>>) dst(%arg8 : memref<40x128xi32, #tpu.memory_space<vmem>>)
      tpu.yield
    }) : () -> ()
    "tpu.region"() ({
      %run_scoped3A = tpu.sem_alloc : memref<!tpu.dma_semaphore, #tpu.memory_space<semaphore_mem>>
      tpu.enqueue_dma source(%arg5 : memref<128x128xf32, #tpu.memory_space<hbm>>) target(%arg9 : memref<128x128xf32, #tpu.memory_space<vmem>>) target_semaphore(%run_scoped3A : memref<!tpu.dma_semaphore, #tpu.memory_space<semaphore_mem>>)
      tpu.wait_dma2 semaphore(%run_scoped3A : memref<!tpu.dma_semaphore, #tpu.memory_space<semaphore_mem>>) src(%arg5 : memref<128x128xf32, #tpu.memory_space<hbm>>) dst(%arg9 : memref<128x128xf32, #tpu.memory_space<vmem>>)
      tpu.yield
    }) : () -> ()
    %mul3A_1 = arith.constant 640 : i32
    %mul3A_2 = arith.muli %arg1, %mul3A_1 : i32
    %add3A_3 = arith.constant 0 : i32
    %add3A_4 = arith.addi %mul3A_2, %add3A_3 : i32
    "tpu.region"() ({
      %run_scoped3A = tpu.sem_alloc : memref<!tpu.dma_semaphore, #tpu.memory_space<semaphore_mem>>
      %dma_start3A = arith.constant 0 : i32
      %dma_start3A_47 = tpu.memref_slice %arg10[%add3A_4, %dma_start3A] : memref<10240x128xf32, #tpu.memory_space<vmem_shared>> -> memref<128x128xf32, #tpu.memory_space<vmem_shared>>
      %dma_start3A_48 = arith.constant 0 : i32
      %dma_start3A_49 = tpu.memref_slice %arg10[%add3A_4, %dma_start3A_48] : memref<10240x128xf32, #tpu.memory_space<vmem_shared>> -> memref<128x128xf32, #tpu.memory_space<vmem_shared>>
      tpu.enqueue_dma source(%arg9 : memref<128x128xf32, #tpu.memory_space<vmem>>) target(%dma_start3A_49 : memref<128x128xf32, #tpu.memory_space<vmem_shared>>) target_semaphore(%run_scoped3A : memref<!tpu.dma_semaphore, #tpu.memory_space<semaphore_mem>>)
      %dma_wait3A = arith.constant 0 : i32
      %dma_wait3A_50 = tpu.memref_slice %arg10[%add3A_4, %dma_wait3A] : memref<10240x128xf32, #tpu.memory_space<vmem_shared>> -> memref<128x128xf32, #tpu.memory_space<vmem_shared>>
      %dma_wait3A_51 = arith.constant 0 : i32
      %dma_wait3A_52 = tpu.memref_slice %arg10[%add3A_4, %dma_wait3A_51] : memref<10240x128xf32, #tpu.memory_space<vmem_shared>> -> memref<128x128xf32, #tpu.memory_space<vmem_shared>>
      tpu.wait_dma2 semaphore(%run_scoped3A : memref<!tpu.dma_semaphore, #tpu.memory_space<semaphore_mem>>) src(%arg9 : memref<128x128xf32, #tpu.memory_space<vmem>>) dst(%dma_wait3A_52 : memref<128x128xf32, #tpu.memory_space<vmem_shared>>)
      tpu.yield
    }) : () -> ()
    %mul3A_5 = arith.constant 640 : i32
    %mul3A_6 = arith.muli %arg1, %mul3A_5 : i32
    %add3A_7 = arith.constant 128 : i32
    %add3A_8 = arith.addi %mul3A_6, %add3A_7 : i32
    "tpu.region"() ({
      %run_scoped3A = tpu.sem_alloc : memref<!tpu.dma_semaphore, #tpu.memory_space<semaphore_mem>>
      %dma_start3A = arith.constant 0 : i32
      %dma_start3A_47 = tpu.memref_slice %arg10[%add3A_8, %dma_start3A] : memref<10240x128xf32, #tpu.memory_space<vmem_shared>> -> memref<128x128xf32, #tpu.memory_space<vmem_shared>>
      %dma_start3A_48 = arith.constant 0 : i32
      %dma_start3A_49 = tpu.memref_slice %arg10[%add3A_8, %dma_start3A_48] : memref<10240x128xf32, #tpu.memory_space<vmem_shared>> -> memref<128x128xf32, #tpu.memory_space<vmem_shared>>
      tpu.enqueue_dma source(%arg9 : memref<128x128xf32, #tpu.memory_space<vmem>>) target(%dma_start3A_49 : memref<128x128xf32, #tpu.memory_space<vmem_shared>>) target_semaphore(%run_scoped3A : memref<!tpu.dma_semaphore, #tpu.memory_space<semaphore_mem>>)
      %dma_wait3A = arith.constant 0 : i32
      %dma_wait3A_50 = tpu.memref_slice %arg10[%add3A_8, %dma_wait3A] : memref<10240x128xf32, #tpu.memory_space<vmem_shared>> -> memref<128x128xf32, #tpu.memory_space<vmem_shared>>
      %dma_wait3A_51 = arith.constant 0 : i32
      %dma_wait3A_52 = tpu.memref_slice %arg10[%add3A_8, %dma_wait3A_51] : memref<10240x128xf32, #tpu.memory_space<vmem_shared>> -> memref<128x128xf32, #tpu.memory_space<vmem_shared>>
      tpu.wait_dma2 semaphore(%run_scoped3A : memref<!tpu.dma_semaphore, #tpu.memory_space<semaphore_mem>>) src(%arg9 : memref<128x128xf32, #tpu.memory_space<vmem>>) dst(%dma_wait3A_52 : memref<128x128xf32, #tpu.memory_space<vmem_shared>>)
      tpu.yield
    }) : () -> ()
    %mul3A_9 = arith.constant 640 : i32
    %mul3A_10 = arith.muli %arg1, %mul3A_9 : i32
    %add3A_11 = arith.constant 256 : i32
    %add3A_12 = arith.addi %mul3A_10, %add3A_11 : i32
    "tpu.region"() ({
      %run_scoped3A = tpu.sem_alloc : memref<!tpu.dma_semaphore, #tpu.memory_space<semaphore_mem>>
      %dma_start3A = arith.constant 0 : i32
      %dma_start3A_47 = tpu.memref_slice %arg10[%add3A_12, %dma_start3A] : memref<10240x128xf32, #tpu.memory_space<vmem_shared>> -> memref<128x128xf32, #tpu.memory_space<vmem_shared>>
      %dma_start3A_48 = arith.constant 0 : i32
      %dma_start3A_49 = tpu.memref_slice %arg10[%add3A_12, %dma_start3A_48] : memref<10240x128xf32, #tpu.memory_space<vmem_shared>> -> memref<128x128xf32, #tpu.memory_space<vmem_shared>>
      tpu.enqueue_dma source(%arg9 : memref<128x128xf32, #tpu.memory_space<vmem>>) target(%dma_start3A_49 : memref<128x128xf32, #tpu.memory_space<vmem_shared>>) target_semaphore(%run_scoped3A : memref<!tpu.dma_semaphore, #tpu.memory_space<semaphore_mem>>)
      %dma_wait3A = arith.constant 0 : i32
      %dma_wait3A_50 = tpu.memref_slice %arg10[%add3A_12, %dma_wait3A] : memref<10240x128xf32, #tpu.memory_space<vmem_shared>> -> memref<128x128xf32, #tpu.memory_space<vmem_shared>>
      %dma_wait3A_51 = arith.constant 0 : i32
      %dma_wait3A_52 = tpu.memref_slice %arg10[%add3A_12, %dma_wait3A_51] : memref<10240x128xf32, #tpu.memory_space<vmem_shared>> -> memref<128x128xf32, #tpu.memory_space<vmem_shared>>
      tpu.wait_dma2 semaphore(%run_scoped3A : memref<!tpu.dma_semaphore, #tpu.memory_space<semaphore_mem>>) src(%arg9 : memref<128x128xf32, #tpu.memory_space<vmem>>) dst(%dma_wait3A_52 : memref<128x128xf32, #tpu.memory_space<vmem_shared>>)
      tpu.yield
    }) : () -> ()
    %mul3A_13 = arith.constant 640 : i32
    %mul3A_14 = arith.muli %arg1, %mul3A_13 : i32
    %add3A_15 = arith.constant 384 : i32
    %add3A_16 = arith.addi %mul3A_14, %add3A_15 : i32
    "tpu.region"() ({
      %run_scoped3A = tpu.sem_alloc : memref<!tpu.dma_semaphore, #tpu.memory_space<semaphore_mem>>
      %dma_start3A = arith.constant 0 : i32
      %dma_start3A_47 = tpu.memref_slice %arg10[%add3A_16, %dma_start3A] : memref<10240x128xf32, #tpu.memory_space<vmem_shared>> -> memref<128x128xf32, #tpu.memory_space<vmem_shared>>
      %dma_start3A_48 = arith.constant 0 : i32
      %dma_start3A_49 = tpu.memref_slice %arg10[%add3A_16, %dma_start3A_48] : memref<10240x128xf32, #tpu.memory_space<vmem_shared>> -> memref<128x128xf32, #tpu.memory_space<vmem_shared>>
      tpu.enqueue_dma source(%arg9 : memref<128x128xf32, #tpu.memory_space<vmem>>) target(%dma_start3A_49 : memref<128x128xf32, #tpu.memory_space<vmem_shared>>) target_semaphore(%run_scoped3A : memref<!tpu.dma_semaphore, #tpu.memory_space<semaphore_mem>>)
      %dma_wait3A = arith.constant 0 : i32
      %dma_wait3A_50 = tpu.memref_slice %arg10[%add3A_16, %dma_wait3A] : memref<10240x128xf32, #tpu.memory_space<vmem_shared>> -> memref<128x128xf32, #tpu.memory_space<vmem_shared>>
      %dma_wait3A_51 = arith.constant 0 : i32
      %dma_wait3A_52 = tpu.memref_slice %arg10[%add3A_16, %dma_wait3A_51] : memref<10240x128xf32, #tpu.memory_space<vmem_shared>> -> memref<128x128xf32, #tpu.memory_space<vmem_shared>>
      tpu.wait_dma2 semaphore(%run_scoped3A : memref<!tpu.dma_semaphore, #tpu.memory_space<semaphore_mem>>) src(%arg9 : memref<128x128xf32, #tpu.memory_space<vmem>>) dst(%dma_wait3A_52 : memref<128x128xf32, #tpu.memory_space<vmem_shared>>)
      tpu.yield
    }) : () -> ()
    %mul3A_17 = arith.constant 640 : i32
    %mul3A_18 = arith.muli %arg1, %mul3A_17 : i32
    %add3A_19 = arith.constant 512 : i32
    %add3A_20 = arith.addi %mul3A_18, %add3A_19 : i32
    "tpu.region"() ({
      %run_scoped3A = tpu.sem_alloc : memref<!tpu.dma_semaphore, #tpu.memory_space<semaphore_mem>>
      %dma_start3A = arith.constant 0 : i32
      %dma_start3A_47 = tpu.memref_slice %arg10[%add3A_20, %dma_start3A] : memref<10240x128xf32, #tpu.memory_space<vmem_shared>> -> memref<128x128xf32, #tpu.memory_space<vmem_shared>>
      %dma_start3A_48 = arith.constant 0 : i32
      %dma_start3A_49 = tpu.memref_slice %arg10[%add3A_20, %dma_start3A_48] : memref<10240x128xf32, #tpu.memory_space<vmem_shared>> -> memref<128x128xf32, #tpu.memory_space<vmem_shared>>
      tpu.enqueue_dma source(%arg9 : memref<128x128xf32, #tpu.memory_space<vmem>>) target(%dma_start3A_49 : memref<128x128xf32, #tpu.memory_space<vmem_shared>>) target_semaphore(%run_scoped3A : memref<!tpu.dma_semaphore, #tpu.memory_space<semaphore_mem>>)
      %dma_wait3A = arith.constant 0 : i32
      %dma_wait3A_50 = tpu.memref_slice %arg10[%add3A_20, %dma_wait3A] : memref<10240x128xf32, #tpu.memory_space<vmem_shared>> -> memref<128x128xf32, #tpu.memory_space<vmem_shared>>
      %dma_wait3A_51 = arith.constant 0 : i32
      %dma_wait3A_52 = tpu.memref_slice %arg10[%add3A_20, %dma_wait3A_51] : memref<10240x128xf32, #tpu.memory_space<vmem_shared>> -> memref<128x128xf32, #tpu.memory_space<vmem_shared>>
      tpu.wait_dma2 semaphore(%run_scoped3A : memref<!tpu.dma_semaphore, #tpu.memory_space<semaphore_mem>>) src(%arg9 : memref<128x128xf32, #tpu.memory_space<vmem>>) dst(%dma_wait3A_52 : memref<128x128xf32, #tpu.memory_space<vmem_shared>>)
      tpu.yield
    }) : () -> ()
    %barrier3A = arith.constant 0 : index
    tpu.barrier barrier_id(%barrier3A)
    %scan3A = arith.constant 0 : i32
    %scan3A_21 = arith.constant 0 : i32
    %scan3A_22 = arith.constant 40 : i32
    %scan3A_23 = arith.addi %scan3A_21, %scan3A_22 : i32
    %scan3A_24 = arith.constant 1 : i32
    scf.for %scan3A_47 = %scan3A_21 to %scan3A_23 step %scan3A_24  : i32 {
      %dma_start3A = arith.constant 0 : i32
      %dma_start3A_48 = tpu.memref_slice %arg7[%scan3A_47, %dma_start3A] : memref<40x128xi32, #tpu.memory_space<vmem>> -> memref<1x128xi32, #tpu.memory_space<vmem>>
      %dma_start3A_49 = tpu.memref_squeeze %dma_start3A_48 : memref<1x128xi32, #tpu.memory_space<vmem>> -> memref<128xi32, #tpu.memory_space<vmem>>
      %dma_start3A_50 = arith.constant 0 : i32
      %dma_start3A_51 = arith.constant 0 : i32
      %dma_start3A_52 = tpu.memref_slice %arg2[%dma_start3A_50, %dma_start3A_51] : memref<10000x128xf32, #tpu.memory_space<hbm>> -> memref<10000x128xf32, #tpu.memory_space<hbm>>
      tpu.enqueue_indirect_dma source(%dma_start3A_52 : memref<10000x128xf32, #tpu.memory_space<hbm>>) target(%arg9 : memref<128x128xf32, #tpu.memory_space<vmem>>) offsets(%dma_start3A_49 : memref<128xi32, #tpu.memory_space<vmem>>) semaphore(%arg11 : memref<!tpu.dma_semaphore, #tpu.memory_space<semaphore_mem>>)
      %dma_wait3A = arith.constant 0 : i32
      %dma_wait3A_53 = tpu.memref_slice %arg7[%scan3A_47, %dma_wait3A] : memref<40x128xi32, #tpu.memory_space<vmem>> -> memref<1x128xi32, #tpu.memory_space<vmem>>
      %dma_wait3A_54 = tpu.memref_squeeze %dma_wait3A_53 : memref<1x128xi32, #tpu.memory_space<vmem>> -> memref<128xi32, #tpu.memory_space<vmem>>
      %dma_wait3A_55 = arith.constant 0 : i32
      %dma_wait3A_56 = arith.constant 0 : i32
      %dma_wait3A_57 = tpu.memref_slice %arg2[%dma_wait3A_55, %dma_wait3A_56] : memref<10000x128xf32, #tpu.memory_space<hbm>> -> memref<10000x128xf32, #tpu.memory_space<hbm>>
      tpu.wait_indirect_dma semaphore(%arg11 : memref<!tpu.dma_semaphore, #tpu.memory_space<semaphore_mem>>) src(%dma_wait3A_57 : memref<10000x128xf32, #tpu.memory_space<hbm>>) dst(%arg9 : memref<128x128xf32, #tpu.memory_space<vmem>>)
      "tpu.region"() ({
        %run_scoped3A = tpu.sem_alloc : memref<!tpu.dma_semaphore, #tpu.memory_space<semaphore_mem>>
        %dma_start3A_58 = arith.constant 0 : i32
        %dma_start3A_59 = tpu.memref_slice %arg8[%scan3A_47, %dma_start3A_58] : memref<40x128xi32, #tpu.memory_space<vmem>> -> memref<1x128xi32, #tpu.memory_space<vmem>>
        %dma_start3A_60 = tpu.memref_squeeze %dma_start3A_59 : memref<1x128xi32, #tpu.memory_space<vmem>> -> memref<128xi32, #tpu.memory_space<vmem>>
        %dma_start3A_61 = arith.constant 0 : i32
        %dma_start3A_62 = arith.constant 0 : i32
        %dma_start3A_63 = tpu.memref_slice %arg10[%dma_start3A_61, %dma_start3A_62] : memref<10240x128xf32, #tpu.memory_space<vmem_shared>> -> memref<10240x128xf32, #tpu.memory_space<vmem_shared>>
        tpu.enqueue_indirect_dma source(%arg9 : memref<128x128xf32, #tpu.memory_space<vmem>>) target(%dma_start3A_63 : memref<10240x128xf32, #tpu.memory_space<vmem_shared>>) offsets(%dma_start3A_60 : memref<128xi32, #tpu.memory_space<vmem>>) semaphore(%run_scoped3A : memref<!tpu.dma_semaphore, #tpu.memory_space<semaphore_mem>>) {add = true}
        %dma_wait3A_64 = arith.constant 0 : i32
        %dma_wait3A_65 = tpu.memref_slice %arg8[%scan3A_47, %dma_wait3A_64] : memref<40x128xi32, #tpu.memory_space<vmem>> -> memref<1x128xi32, #tpu.memory_space<vmem>>
        %dma_wait3A_66 = tpu.memref_squeeze %dma_wait3A_65 : memref<1x128xi32, #tpu.memory_space<vmem>> -> memref<128xi32, #tpu.memory_space<vmem>>
        %dma_wait3A_67 = arith.constant 0 : i32
        %dma_wait3A_68 = arith.constant 0 : i32
        %dma_wait3A_69 = tpu.memref_slice %arg10[%dma_wait3A_67, %dma_wait3A_68] : memref<10240x128xf32, #tpu.memory_space<vmem_shared>> -> memref<10240x128xf32, #tpu.memory_space<vmem_shared>>
        tpu.wait_indirect_dma semaphore(%run_scoped3A : memref<!tpu.dma_semaphore, #tpu.memory_space<semaphore_mem>>) src(%arg9 : memref<128x128xf32, #tpu.memory_space<vmem>>) dst(%dma_wait3A_69 : memref<10240x128xf32, #tpu.memory_space<vmem_shared>>)
        tpu.yield
      }) : () -> ()
    }
    %scan3A_25 = arith.constant 40 : i32
    %barrier3A_26 = arith.constant 0 : index
    tpu.barrier barrier_id(%barrier3A_26)
    %mul3A_27 = arith.constant 640 : i32
    %mul3A_28 = arith.muli %arg1, %mul3A_27 : i32
    %add3A_29 = arith.constant 0 : i32
    %add3A_30 = arith.addi %mul3A_28, %add3A_29 : i32
    "tpu.region"() ({
      %run_scoped3A = tpu.sem_alloc : memref<!tpu.dma_semaphore, #tpu.memory_space<semaphore_mem>>
      %dma_start3A = arith.constant 0 : i32
      %dma_start3A_47 = tpu.memref_slice %arg10[%add3A_30, %dma_start3A] : memref<10240x128xf32, #tpu.memory_space<vmem_shared>> -> memref<128x128xf32, #tpu.memory_space<vmem_shared>>
      %dma_start3A_48 = arith.constant 0 : i32
      %dma_start3A_49 = tpu.memref_slice %arg10[%add3A_30, %dma_start3A_48] : memref<10240x128xf32, #tpu.memory_space<vmem_shared>> -> memref<128x128xf32, #tpu.memory_space<vmem_shared>>
      tpu.enqueue_dma source(%dma_start3A_49 : memref<128x128xf32, #tpu.memory_space<vmem_shared>>) target(%arg9 : memref<128x128xf32, #tpu.memory_space<vmem>>) target_semaphore(%run_scoped3A : memref<!tpu.dma_semaphore, #tpu.memory_space<semaphore_mem>>)
      %dma_wait3A = arith.constant 0 : i32
      %dma_wait3A_50 = tpu.memref_slice %arg10[%add3A_30, %dma_wait3A] : memref<10240x128xf32, #tpu.memory_space<vmem_shared>> -> memref<128x128xf32, #tpu.memory_space<vmem_shared>>
      %dma_wait3A_51 = arith.constant 0 : i32
      %dma_wait3A_52 = tpu.memref_slice %arg10[%add3A_30, %dma_wait3A_51] : memref<10240x128xf32, #tpu.memory_space<vmem_shared>> -> memref<128x128xf32, #tpu.memory_space<vmem_shared>>
      tpu.wait_dma2 semaphore(%run_scoped3A : memref<!tpu.dma_semaphore, #tpu.memory_space<semaphore_mem>>) src(%dma_wait3A_52 : memref<128x128xf32, #tpu.memory_space<vmem_shared>>) dst(%arg9 : memref<128x128xf32, #tpu.memory_space<vmem>>)
      tpu.yield
    }) : () -> ()
    "tpu.region"() ({
      %run_scoped3A = tpu.sem_alloc : memref<!tpu.dma_semaphore, #tpu.memory_space<semaphore_mem>>
      %dma_start3A = arith.constant 0 : i32
      %dma_start3A_47 = tpu.memref_slice %arg6[%arg0, %add3A_30, %dma_start3A] : memref<2x10240x128xf32, #tpu.memory_space<hbm>> -> memref<1x128x128xf32, #tpu.memory_space<hbm>>
      %dma_start3A_48 = tpu.memref_squeeze %dma_start3A_47 : memref<1x128x128xf32, #tpu.memory_space<hbm>> -> memref<128x128xf32, #tpu.memory_space<hbm>>
      %dma_start3A_49 = arith.constant 0 : i32
      %dma_start3A_50 = tpu.memref_slice %arg6[%arg0, %add3A_30, %dma_start3A_49] : memref<2x10240x128xf32, #tpu.memory_space<hbm>> -> memref<1x128x128xf32, #tpu.memory_space<hbm>>
      %dma_start3A_51 = tpu.memref_squeeze %dma_start3A_50 : memref<1x128x128xf32, #tpu.memory_space<hbm>> -> memref<128x128xf32, #tpu.memory_space<hbm>>
      tpu.enqueue_dma source(%arg9 : memref<128x128xf32, #tpu.memory_space<vmem>>) target(%dma_start3A_51 : memref<128x128xf32, #tpu.memory_space<hbm>>) target_semaphore(%run_scoped3A : memref<!tpu.dma_semaphore, #tpu.memory_space<semaphore_mem>>)
      %dma_wait3A = arith.constant 0 : i32
      %dma_wait3A_52 = tpu.memref_slice %arg6[%arg0, %add3A_30, %dma_wait3A] : memref<2x10240x128xf32, #tpu.memory_space<hbm>> -> memref<1x128x128xf32, #tpu.memory_space<hbm>>
      %dma_wait3A_53 = tpu.memref_squeeze %dma_wait3A_52 : memref<1x128x128xf32, #tpu.memory_space<hbm>> -> memref<128x128xf32, #tpu.memory_space<hbm>>
      %dma_wait3A_54 = arith.constant 0 : i32
      %dma_wait3A_55 = tpu.memref_slice %arg6[%arg0, %add3A_30, %dma_wait3A_54] : memref<2x10240x128xf32, #tpu.memory_space<hbm>> -> memref<1x128x128xf32, #tpu.memory_space<hbm>>
      %dma_wait3A_56 = tpu.memref_squeeze %dma_wait3A_55 : memref<1x128x128xf32, #tpu.memory_space<hbm>> -> memref<128x128xf32, #tpu.memory_space<hbm>>
      tpu.wait_dma2 semaphore(%run_scoped3A : memref<!tpu.dma_semaphore, #tpu.memory_space<semaphore_mem>>) src(%arg9 : memref<128x128xf32, #tpu.memory_space<vmem>>) dst(%dma_wait3A_56 : memref<128x128xf32, #tpu.memory_space<hbm>>)
      tpu.yield
    }) : () -> ()
    %mul3A_31 = arith.constant 640 : i32
    %mul3A_32 = arith.muli %arg1, %mul3A_31 : i32
    %add3A_33 = arith.constant 128 : i32
    %add3A_34 = arith.addi %mul3A_32, %add3A_33 : i32
    "tpu.region"() ({
      %run_scoped3A = tpu.sem_alloc : memref<!tpu.dma_semaphore, #tpu.memory_space<semaphore_mem>>
      %dma_start3A = arith.constant 0 : i32
      %dma_start3A_47 = tpu.memref_slice %arg10[%add3A_34, %dma_start3A] : memref<10240x128xf32, #tpu.memory_space<vmem_shared>> -> memref<128x128xf32, #tpu.memory_space<vmem_shared>>
      %dma_start3A_48 = arith.constant 0 : i32
      %dma_start3A_49 = tpu.memref_slice %arg10[%add3A_34, %dma_start3A_48] : memref<10240x128xf32, #tpu.memory_space<vmem_shared>> -> memref<128x128xf32, #tpu.memory_space<vmem_shared>>
      tpu.enqueue_dma source(%dma_start3A_49 : memref<128x128xf32, #tpu.memory_space<vmem_shared>>) target(%arg9 : memref<128x128xf32, #tpu.memory_space<vmem>>) target_semaphore(%run_scoped3A : memref<!tpu.dma_semaphore, #tpu.memory_space<semaphore_mem>>)
      %dma_wait3A = arith.constant 0 : i32
      %dma_wait3A_50 = tpu.memref_slice %arg10[%add3A_34, %dma_wait3A] : memref<10240x128xf32, #tpu.memory_space<vmem_shared>> -> memref<128x128xf32, #tpu.memory_space<vmem_shared>>
      %dma_wait3A_51 = arith.constant 0 : i32
      %dma_wait3A_52 = tpu.memref_slice %arg10[%add3A_34, %dma_wait3A_51] : memref<10240x128xf32, #tpu.memory_space<vmem_shared>> -> memref<128x128xf32, #tpu.memory_space<vmem_shared>>
      tpu.wait_dma2 semaphore(%run_scoped3A : memref<!tpu.dma_semaphore, #tpu.memory_space<semaphore_mem>>) src(%dma_wait3A_52 : memref<128x128xf32, #tpu.memory_space<vmem_shared>>) dst(%arg9 : memref<128x128xf32, #tpu.memory_space<vmem>>)
      tpu.yield
    }) : () -> ()
    "tpu.region"() ({
      %run_scoped3A = tpu.sem_alloc : memref<!tpu.dma_semaphore, #tpu.memory_space<semaphore_mem>>
      %dma_start3A = arith.constant 0 : i32
      %dma_start3A_47 = tpu.memref_slice %arg6[%arg0, %add3A_34, %dma_start3A] : memref<2x10240x128xf32, #tpu.memory_space<hbm>> -> memref<1x128x128xf32, #tpu.memory_space<hbm>>
      %dma_start3A_48 = tpu.memref_squeeze %dma_start3A_47 : memref<1x128x128xf32, #tpu.memory_space<hbm>> -> memref<128x128xf32, #tpu.memory_space<hbm>>
      %dma_start3A_49 = arith.constant 0 : i32
      %dma_start3A_50 = tpu.memref_slice %arg6[%arg0, %add3A_34, %dma_start3A_49] : memref<2x10240x128xf32, #tpu.memory_space<hbm>> -> memref<1x128x128xf32, #tpu.memory_space<hbm>>
      %dma_start3A_51 = tpu.memref_squeeze %dma_start3A_50 : memref<1x128x128xf32, #tpu.memory_space<hbm>> -> memref<128x128xf32, #tpu.memory_space<hbm>>
      tpu.enqueue_dma source(%arg9 : memref<128x128xf32, #tpu.memory_space<vmem>>) target(%dma_start3A_51 : memref<128x128xf32, #tpu.memory_space<hbm>>) target_semaphore(%run_scoped3A : memref<!tpu.dma_semaphore, #tpu.memory_space<semaphore_mem>>)
      %dma_wait3A = arith.constant 0 : i32
      %dma_wait3A_52 = tpu.memref_slice %arg6[%arg0, %add3A_34, %dma_wait3A] : memref<2x10240x128xf32, #tpu.memory_space<hbm>> -> memref<1x128x128xf32, #tpu.memory_space<hbm>>
      %dma_wait3A_53 = tpu.memref_squeeze %dma_wait3A_52 : memref<1x128x128xf32, #tpu.memory_space<hbm>> -> memref<128x128xf32, #tpu.memory_space<hbm>>
      %dma_wait3A_54 = arith.constant 0 : i32
      %dma_wait3A_55 = tpu.memref_slice %arg6[%arg0, %add3A_34, %dma_wait3A_54] : memref<2x10240x128xf32, #tpu.memory_space<hbm>> -> memref<1x128x128xf32, #tpu.memory_space<hbm>>
      %dma_wait3A_56 = tpu.memref_squeeze %dma_wait3A_55 : memref<1x128x128xf32, #tpu.memory_space<hbm>> -> memref<128x128xf32, #tpu.memory_space<hbm>>
      tpu.wait_dma2 semaphore(%run_scoped3A : memref<!tpu.dma_semaphore, #tpu.memory_space<semaphore_mem>>) src(%arg9 : memref<128x128xf32, #tpu.memory_space<vmem>>) dst(%dma_wait3A_56 : memref<128x128xf32, #tpu.memory_space<hbm>>)
      tpu.yield
    }) : () -> ()
    %mul3A_35 = arith.constant 640 : i32
    %mul3A_36 = arith.muli %arg1, %mul3A_35 : i32
    %add3A_37 = arith.constant 256 : i32
    %add3A_38 = arith.addi %mul3A_36, %add3A_37 : i32
    "tpu.region"() ({
      %run_scoped3A = tpu.sem_alloc : memref<!tpu.dma_semaphore, #tpu.memory_space<semaphore_mem>>
      %dma_start3A = arith.constant 0 : i32
      %dma_start3A_47 = tpu.memref_slice %arg10[%add3A_38, %dma_start3A] : memref<10240x128xf32, #tpu.memory_space<vmem_shared>> -> memref<128x128xf32, #tpu.memory_space<vmem_shared>>
      %dma_start3A_48 = arith.constant 0 : i32
      %dma_start3A_49 = tpu.memref_slice %arg10[%add3A_38, %dma_start3A_48] : memref<10240x128xf32, #tpu.memory_space<vmem_shared>> -> memref<128x128xf32, #tpu.memory_space<vmem_shared>>
      tpu.enqueue_dma source(%dma_start3A_49 : memref<128x128xf32, #tpu.memory_space<vmem_shared>>) target(%arg9 : memref<128x128xf32, #tpu.memory_space<vmem>>) target_semaphore(%run_scoped3A : memref<!tpu.dma_semaphore, #tpu.memory_space<semaphore_mem>>)
      %dma_wait3A = arith.constant 0 : i32
      %dma_wait3A_50 = tpu.memref_slice %arg10[%add3A_38, %dma_wait3A] : memref<10240x128xf32, #tpu.memory_space<vmem_shared>> -> memref<128x128xf32, #tpu.memory_space<vmem_shared>>
      %dma_wait3A_51 = arith.constant 0 : i32
      %dma_wait3A_52 = tpu.memref_slice %arg10[%add3A_38, %dma_wait3A_51] : memref<10240x128xf32, #tpu.memory_space<vmem_shared>> -> memref<128x128xf32, #tpu.memory_space<vmem_shared>>
      tpu.wait_dma2 semaphore(%run_scoped3A : memref<!tpu.dma_semaphore, #tpu.memory_space<semaphore_mem>>) src(%dma_wait3A_52 : memref<128x128xf32, #tpu.memory_space<vmem_shared>>) dst(%arg9 : memref<128x128xf32, #tpu.memory_space<vmem>>)
      tpu.yield
    }) : () -> ()
    "tpu.region"() ({
      %run_scoped3A = tpu.sem_alloc : memref<!tpu.dma_semaphore, #tpu.memory_space<semaphore_mem>>
      %dma_start3A = arith.constant 0 : i32
      %dma_start3A_47 = tpu.memref_slice %arg6[%arg0, %add3A_38, %dma_start3A] : memref<2x10240x128xf32, #tpu.memory_space<hbm>> -> memref<1x128x128xf32, #tpu.memory_space<hbm>>
      %dma_start3A_48 = tpu.memref_squeeze %dma_start3A_47 : memref<1x128x128xf32, #tpu.memory_space<hbm>> -> memref<128x128xf32, #tpu.memory_space<hbm>>
      %dma_start3A_49 = arith.constant 0 : i32
      %dma_start3A_50 = tpu.memref_slice %arg6[%arg0, %add3A_38, %dma_start3A_49] : memref<2x10240x128xf32, #tpu.memory_space<hbm>> -> memref<1x128x128xf32, #tpu.memory_space<hbm>>
      %dma_start3A_51 = tpu.memref_squeeze %dma_start3A_50 : memref<1x128x128xf32, #tpu.memory_space<hbm>> -> memref<128x128xf32, #tpu.memory_space<hbm>>
      tpu.enqueue_dma source(%arg9 : memref<128x128xf32, #tpu.memory_space<vmem>>) target(%dma_start3A_51 : memref<128x128xf32, #tpu.memory_space<hbm>>) target_semaphore(%run_scoped3A : memref<!tpu.dma_semaphore, #tpu.memory_space<semaphore_mem>>)
      %dma_wait3A = arith.constant 0 : i32
      %dma_wait3A_52 = tpu.memref_slice %arg6[%arg0, %add3A_38, %dma_wait3A] : memref<2x10240x128xf32, #tpu.memory_space<hbm>> -> memref<1x128x128xf32, #tpu.memory_space<hbm>>
      %dma_wait3A_53 = tpu.memref_squeeze %dma_wait3A_52 : memref<1x128x128xf32, #tpu.memory_space<hbm>> -> memref<128x128xf32, #tpu.memory_space<hbm>>
      %dma_wait3A_54 = arith.constant 0 : i32
      %dma_wait3A_55 = tpu.memref_slice %arg6[%arg0, %add3A_38, %dma_wait3A_54] : memref<2x10240x128xf32, #tpu.memory_space<hbm>> -> memref<1x128x128xf32, #tpu.memory_space<hbm>>
      %dma_wait3A_56 = tpu.memref_squeeze %dma_wait3A_55 : memref<1x128x128xf32, #tpu.memory_space<hbm>> -> memref<128x128xf32, #tpu.memory_space<hbm>>
      tpu.wait_dma2 semaphore(%run_scoped3A : memref<!tpu.dma_semaphore, #tpu.memory_space<semaphore_mem>>) src(%arg9 : memref<128x128xf32, #tpu.memory_space<vmem>>) dst(%dma_wait3A_56 : memref<128x128xf32, #tpu.memory_space<hbm>>)
      tpu.yield
    }) : () -> ()
    %mul3A_39 = arith.constant 640 : i32
    %mul3A_40 = arith.muli %arg1, %mul3A_39 : i32
    %add3A_41 = arith.constant 384 : i32
    %add3A_42 = arith.addi %mul3A_40, %add3A_41 : i32
    "tpu.region"() ({
      %run_scoped3A = tpu.sem_alloc : memref<!tpu.dma_semaphore, #tpu.memory_space<semaphore_mem>>
      %dma_start3A = arith.constant 0 : i32
      %dma_start3A_47 = tpu.memref_slice %arg10[%add3A_42, %dma_start3A] : memref<10240x128xf32, #tpu.memory_space<vmem_shared>> -> memref<128x128xf32, #tpu.memory_space<vmem_shared>>
      %dma_start3A_48 = arith.constant 0 : i32
      %dma_start3A_49 = tpu.memref_slice %arg10[%add3A_42, %dma_start3A_48] : memref<10240x128xf32, #tpu.memory_space<vmem_shared>> -> memref<128x128xf32, #tpu.memory_space<vmem_shared>>
      tpu.enqueue_dma source(%dma_start3A_49 : memref<128x128xf32, #tpu.memory_space<vmem_shared>>) target(%arg9 : memref<128x128xf32, #tpu.memory_space<vmem>>) target_semaphore(%run_scoped3A : memref<!tpu.dma_semaphore, #tpu.memory_space<semaphore_mem>>)
      %dma_wait3A = arith.constant 0 : i32
      %dma_wait3A_50 = tpu.memref_slice %arg10[%add3A_42, %dma_wait3A] : memref<10240x128xf32, #tpu.memory_space<vmem_shared>> -> memref<128x128xf32, #tpu.memory_space<vmem_shared>>
      %dma_wait3A_51 = arith.constant 0 : i32
      %dma_wait3A_52 = tpu.memref_slice %arg10[%add3A_42, %dma_wait3A_51] : memref<10240x128xf32, #tpu.memory_space<vmem_shared>> -> memref<128x128xf32, #tpu.memory_space<vmem_shared>>
      tpu.wait_dma2 semaphore(%run_scoped3A : memref<!tpu.dma_semaphore, #tpu.memory_space<semaphore_mem>>) src(%dma_wait3A_52 : memref<128x128xf32, #tpu.memory_space<vmem_shared>>) dst(%arg9 : memref<128x128xf32, #tpu.memory_space<vmem>>)
      tpu.yield
    }) : () -> ()
    "tpu.region"() ({
      %run_scoped3A = tpu.sem_alloc : memref<!tpu.dma_semaphore, #tpu.memory_space<semaphore_mem>>
      %dma_start3A = arith.constant 0 : i32
      %dma_start3A_47 = tpu.memref_slice %arg6[%arg0, %add3A_42, %dma_start3A] : memref<2x10240x128xf32, #tpu.memory_space<hbm>> -> memref<1x128x128xf32, #tpu.memory_space<hbm>>
      %dma_start3A_48 = tpu.memref_squeeze %dma_start3A_47 : memref<1x128x128xf32, #tpu.memory_space<hbm>> -> memref<128x128xf32, #tpu.memory_space<hbm>>
      %dma_start3A_49 = arith.constant 0 : i32
      %dma_start3A_50 = tpu.memref_slice %arg6[%arg0, %add3A_42, %dma_start3A_49] : memref<2x10240x128xf32, #tpu.memory_space<hbm>> -> memref<1x128x128xf32, #tpu.memory_space<hbm>>
      %dma_start3A_51 = tpu.memref_squeeze %dma_start3A_50 : memref<1x128x128xf32, #tpu.memory_space<hbm>> -> memref<128x128xf32, #tpu.memory_space<hbm>>
      tpu.enqueue_dma source(%arg9 : memref<128x128xf32, #tpu.memory_space<vmem>>) target(%dma_start3A_51 : memref<128x128xf32, #tpu.memory_space<hbm>>) target_semaphore(%run_scoped3A : memref<!tpu.dma_semaphore, #tpu.memory_space<semaphore_mem>>)
      %dma_wait3A = arith.constant 0 : i32
      %dma_wait3A_52 = tpu.memref_slice %arg6[%arg0, %add3A_42, %dma_wait3A] : memref<2x10240x128xf32, #tpu.memory_space<hbm>> -> memref<1x128x128xf32, #tpu.memory_space<hbm>>
      %dma_wait3A_53 = tpu.memref_squeeze %dma_wait3A_52 : memref<1x128x128xf32, #tpu.memory_space<hbm>> -> memref<128x128xf32, #tpu.memory_space<hbm>>
      %dma_wait3A_54 = arith.constant 0 : i32
      %dma_wait3A_55 = tpu.memref_slice %arg6[%arg0, %add3A_42, %dma_wait3A_54] : memref<2x10240x128xf32, #tpu.memory_space<hbm>> -> memref<1x128x128xf32, #tpu.memory_space<hbm>>
      %dma_wait3A_56 = tpu.memref_squeeze %dma_wait3A_55 : memref<1x128x128xf32, #tpu.memory_space<hbm>> -> memref<128x128xf32, #tpu.memory_space<hbm>>
      tpu.wait_dma2 semaphore(%run_scoped3A : memref<!tpu.dma_semaphore, #tpu.memory_space<semaphore_mem>>) src(%arg9 : memref<128x128xf32, #tpu.memory_space<vmem>>) dst(%dma_wait3A_56 : memref<128x128xf32, #tpu.memory_space<hbm>>)
      tpu.yield
    }) : () -> ()
    %mul3A_43 = arith.constant 640 : i32
    %mul3A_44 = arith.muli %arg1, %mul3A_43 : i32
    %add3A_45 = arith.constant 512 : i32
    %add3A_46 = arith.addi %mul3A_44, %add3A_45 : i32
    "tpu.region"() ({
      %run_scoped3A = tpu.sem_alloc : memref<!tpu.dma_semaphore, #tpu.memory_space<semaphore_mem>>
      %dma_start3A = arith.constant 0 : i32
      %dma_start3A_47 = tpu.memref_slice %arg10[%add3A_46, %dma_start3A] : memref<10240x128xf32, #tpu.memory_space<vmem_shared>> -> memref<128x128xf32, #tpu.memory_space<vmem_shared>>
      %dma_start3A_48 = arith.constant 0 : i32
      %dma_start3A_49 = tpu.memref_slice %arg10[%add3A_46, %dma_start3A_48] : memref<10240x128xf32, #tpu.memory_space<vmem_shared>> -> memref<128x128xf32, #tpu.memory_space<vmem_shared>>
      tpu.enqueue_dma source(%dma_start3A_49 : memref<128x128xf32, #tpu.memory_space<vmem_shared>>) target(%arg9 : memref<128x128xf32, #tpu.memory_space<vmem>>) target_semaphore(%run_scoped3A : memref<!tpu.dma_semaphore, #tpu.memory_space<semaphore_mem>>)
      %dma_wait3A = arith.constant 0 : i32
      %dma_wait3A_50 = tpu.memref_slice %arg10[%add3A_46, %dma_wait3A] : memref<10240x128xf32, #tpu.memory_space<vmem_shared>> -> memref<128x128xf32, #tpu.memory_space<vmem_shared>>
      %dma_wait3A_51 = arith.constant 0 : i32
      %dma_wait3A_52 = tpu.memref_slice %arg10[%add3A_46, %dma_wait3A_51] : memref<10240x128xf32, #tpu.memory_space<vmem_shared>> -> memref<128x128xf32, #tpu.memory_space<vmem_shared>>
      tpu.wait_dma2 semaphore(%run_scoped3A : memref<!tpu.dma_semaphore, #tpu.memory_space<semaphore_mem>>) src(%dma_wait3A_52 : memref<128x128xf32, #tpu.memory_space<vmem_shared>>) dst(%arg9 : memref<128x128xf32, #tpu.memory_space<vmem>>)
      tpu.yield
    }) : () -> ()
    "tpu.region"() ({
      %run_scoped3A = tpu.sem_alloc : memref<!tpu.dma_semaphore, #tpu.memory_space<semaphore_mem>>
      %dma_start3A = arith.constant 0 : i32
      %dma_start3A_47 = tpu.memref_slice %arg6[%arg0, %add3A_46, %dma_start3A] : memref<2x10240x128xf32, #tpu.memory_space<hbm>> -> memref<1x128x128xf32, #tpu.memory_space<hbm>>
      %dma_start3A_48 = tpu.memref_squeeze %dma_start3A_47 : memref<1x128x128xf32, #tpu.memory_space<hbm>> -> memref<128x128xf32, #tpu.memory_space<hbm>>
      %dma_start3A_49 = arith.constant 0 : i32
      %dma_start3A_50 = tpu.memref_slice %arg6[%arg0, %add3A_46, %dma_start3A_49] : memref<2x10240x128xf32, #tpu.memory_space<hbm>> -> memref<1x128x128xf32, #tpu.memory_space<hbm>>
      %dma_start3A_51 = tpu.memref_squeeze %dma_start3A_50 : memref<1x128x128xf32, #tpu.memory_space<hbm>> -> memref<128x128xf32, #tpu.memory_space<hbm>>
      tpu.enqueue_dma source(%arg9 : memref<128x128xf32, #tpu.memory_space<vmem>>) target(%dma_start3A_51 : memref<128x128xf32, #tpu.memory_space<hbm>>) target_semaphore(%run_scoped3A : memref<!tpu.dma_semaphore, #tpu.memory_space<semaphore_mem>>)
      %dma_wait3A = arith.constant 0 : i32
      %dma_wait3A_52 = tpu.memref_slice %arg6[%arg0, %add3A_46, %dma_wait3A] : memref<2x10240x128xf32, #tpu.memory_space<hbm>> -> memref<1x128x128xf32, #tpu.memory_space<hbm>>
      %dma_wait3A_53 = tpu.memref_squeeze %dma_wait3A_52 : memref<1x128x128xf32, #tpu.memory_space<hbm>> -> memref<128x128xf32, #tpu.memory_space<hbm>>
      %dma_wait3A_54 = arith.constant 0 : i32
      %dma_wait3A_55 = tpu.memref_slice %arg6[%arg0, %add3A_46, %dma_wait3A_54] : memref<2x10240x128xf32, #tpu.memory_space<hbm>> -> memref<1x128x128xf32, #tpu.memory_space<hbm>>
      %dma_wait3A_56 = tpu.memref_squeeze %dma_wait3A_55 : memref<1x128x128xf32, #tpu.memory_space<hbm>> -> memref<128x128xf32, #tpu.memory_space<hbm>>
      tpu.wait_dma2 semaphore(%run_scoped3A : memref<!tpu.dma_semaphore, #tpu.memory_space<semaphore_mem>>) src(%arg9 : memref<128x128xf32, #tpu.memory_space<vmem>>) dst(%dma_wait3A_56 : memref<128x128xf32, #tpu.memory_space<hbm>>)
      tpu.yield
    }) : () -> ()
    return
  }
}

#map = affine_map<(d0, d1) -> (0, 0, 0)>
#map1 = affine_map<(d0, d1) -> (0, 0)>
module attributes {stable_mosaic.version = 14 : i64} {
  func.func @k(%arg0: i32, %arg1: i32, %arg2: memref<32x40x128xi32, #tpu.memory_space<hbm>>, %arg3: memref<128x128xf32, #tpu.memory_space<hbm>>, %arg4: memref<128x128xf32, #tpu.memory_space<hbm>>, %arg5: memref<2x10240x128xf32, #tpu.memory_space<hbm>>, %arg6: memref<40x128xi32, #tpu.memory_space<vmem>>, %arg7: memref<128x128xf32, #tpu.memory_space<vmem>>, %arg8: memref<128x128xf32, #tpu.memory_space<vmem>>, %arg9: memref<10240x128xf32, #tpu.memory_space<vmem_shared>>) attributes {dimension_semantics = [#tpu.dimension_semantics<core_parallel>, #tpu.dimension_semantics<subcore_parallel>], iteration_bounds = array<i64: 2, 16>, scalar_prefetch = 0 : i64, scratch_operands = 4 : i64, tpu.core_type = #tpu.core_type<sc_vector_subcore>, window_params = [{transform_indices = #map}, {transform_indices = #map1}, {transform_indices = #map1}, {transform_indices = #map}]} {
    %mul3A = arith.constant 16 : i32
    %mul3A_0 = arith.muli %arg0, %mul3A : i32
    %add3A = arith.addi %mul3A_0, %arg1 : i32
    "tpu.region"() ({
      %run_scoped3A = tpu.sem_alloc : memref<!tpu.dma_semaphore, #tpu.memory_space<semaphore_mem>>
      %dma_start3A = arith.constant 0 : i32
      %dma_start3A_47 = arith.constant 0 : i32
      %dma_start3A_48 = tpu.memref_slice %arg2[%add3A, %dma_start3A, %dma_start3A_47] : memref<32x40x128xi32, #tpu.memory_space<hbm>> -> memref<1x40x128xi32, #tpu.memory_space<hbm>>
      %dma_start3A_49 = tpu.memref_squeeze %dma_start3A_48 : memref<1x40x128xi32, #tpu.memory_space<hbm>> -> memref<40x128xi32, #tpu.memory_space<hbm>>
      %dma_start3A_50 = arith.constant 0 : i32
      %dma_start3A_51 = arith.constant 0 : i32
      %dma_start3A_52 = tpu.memref_slice %arg2[%add3A, %dma_start3A_50, %dma_start3A_51] : memref<32x40x128xi32, #tpu.memory_space<hbm>> -> memref<1x40x128xi32, #tpu.memory_space<hbm>>
      %dma_start3A_53 = tpu.memref_squeeze %dma_start3A_52 : memref<1x40x128xi32, #tpu.memory_space<hbm>> -> memref<40x128xi32, #tpu.memory_space<hbm>>
      tpu.enqueue_dma source(%dma_start3A_53 : memref<40x128xi32, #tpu.memory_space<hbm>>) target(%arg6 : memref<40x128xi32, #tpu.memory_space<vmem>>) target_semaphore(%run_scoped3A : memref<!tpu.dma_semaphore, #tpu.memory_space<semaphore_mem>>)
      %dma_wait3A = arith.constant 0 : i32
      %dma_wait3A_54 = arith.constant 0 : i32
      %dma_wait3A_55 = tpu.memref_slice %arg2[%add3A, %dma_wait3A, %dma_wait3A_54] : memref<32x40x128xi32, #tpu.memory_space<hbm>> -> memref<1x40x128xi32, #tpu.memory_space<hbm>>
      %dma_wait3A_56 = tpu.memref_squeeze %dma_wait3A_55 : memref<1x40x128xi32, #tpu.memory_space<hbm>> -> memref<40x128xi32, #tpu.memory_space<hbm>>
      %dma_wait3A_57 = arith.constant 0 : i32
      %dma_wait3A_58 = arith.constant 0 : i32
      %dma_wait3A_59 = tpu.memref_slice %arg2[%add3A, %dma_wait3A_57, %dma_wait3A_58] : memref<32x40x128xi32, #tpu.memory_space<hbm>> -> memref<1x40x128xi32, #tpu.memory_space<hbm>>
      %dma_wait3A_60 = tpu.memref_squeeze %dma_wait3A_59 : memref<1x40x128xi32, #tpu.memory_space<hbm>> -> memref<40x128xi32, #tpu.memory_space<hbm>>
      tpu.wait_dma2 semaphore(%run_scoped3A : memref<!tpu.dma_semaphore, #tpu.memory_space<semaphore_mem>>) src(%dma_wait3A_60 : memref<40x128xi32, #tpu.memory_space<hbm>>) dst(%arg6 : memref<40x128xi32, #tpu.memory_space<vmem>>)
      tpu.yield
    }) : () -> ()
    "tpu.region"() ({
      %run_scoped3A = tpu.sem_alloc : memref<!tpu.dma_semaphore, #tpu.memory_space<semaphore_mem>>
      tpu.enqueue_dma source(%arg3 : memref<128x128xf32, #tpu.memory_space<hbm>>) target(%arg7 : memref<128x128xf32, #tpu.memory_space<vmem>>) target_semaphore(%run_scoped3A : memref<!tpu.dma_semaphore, #tpu.memory_space<semaphore_mem>>)
      tpu.wait_dma2 semaphore(%run_scoped3A : memref<!tpu.dma_semaphore, #tpu.memory_space<semaphore_mem>>) src(%arg3 : memref<128x128xf32, #tpu.memory_space<hbm>>) dst(%arg7 : memref<128x128xf32, #tpu.memory_space<vmem>>)
      tpu.yield
    }) : () -> ()
    "tpu.region"() ({
      %run_scoped3A = tpu.sem_alloc : memref<!tpu.dma_semaphore, #tpu.memory_space<semaphore_mem>>
      tpu.enqueue_dma source(%arg4 : memref<128x128xf32, #tpu.memory_space<hbm>>) target(%arg8 : memref<128x128xf32, #tpu.memory_space<vmem>>) target_semaphore(%run_scoped3A : memref<!tpu.dma_semaphore, #tpu.memory_space<semaphore_mem>>)
      tpu.wait_dma2 semaphore(%run_scoped3A : memref<!tpu.dma_semaphore, #tpu.memory_space<semaphore_mem>>) src(%arg4 : memref<128x128xf32, #tpu.memory_space<hbm>>) dst(%arg8 : memref<128x128xf32, #tpu.memory_space<vmem>>)
      tpu.yield
    }) : () -> ()
    %mul3A_1 = arith.constant 640 : i32
    %mul3A_2 = arith.muli %arg1, %mul3A_1 : i32
    %add3A_3 = arith.constant 0 : i32
    %add3A_4 = arith.addi %mul3A_2, %add3A_3 : i32
    "tpu.region"() ({
      %run_scoped3A = tpu.sem_alloc : memref<!tpu.dma_semaphore, #tpu.memory_space<semaphore_mem>>
      %dma_start3A = arith.constant 0 : i32
      %dma_start3A_47 = tpu.memref_slice %arg9[%add3A_4, %dma_start3A] : memref<10240x128xf32, #tpu.memory_space<vmem_shared>> -> memref<128x128xf32, #tpu.memory_space<vmem_shared>>
      %dma_start3A_48 = arith.constant 0 : i32
      %dma_start3A_49 = tpu.memref_slice %arg9[%add3A_4, %dma_start3A_48] : memref<10240x128xf32, #tpu.memory_space<vmem_shared>> -> memref<128x128xf32, #tpu.memory_space<vmem_shared>>
      tpu.enqueue_dma source(%arg8 : memref<128x128xf32, #tpu.memory_space<vmem>>) target(%dma_start3A_49 : memref<128x128xf32, #tpu.memory_space<vmem_shared>>) target_semaphore(%run_scoped3A : memref<!tpu.dma_semaphore, #tpu.memory_space<semaphore_mem>>)
      %dma_wait3A = arith.constant 0 : i32
      %dma_wait3A_50 = tpu.memref_slice %arg9[%add3A_4, %dma_wait3A] : memref<10240x128xf32, #tpu.memory_space<vmem_shared>> -> memref<128x128xf32, #tpu.memory_space<vmem_shared>>
      %dma_wait3A_51 = arith.constant 0 : i32
      %dma_wait3A_52 = tpu.memref_slice %arg9[%add3A_4, %dma_wait3A_51] : memref<10240x128xf32, #tpu.memory_space<vmem_shared>> -> memref<128x128xf32, #tpu.memory_space<vmem_shared>>
      tpu.wait_dma2 semaphore(%run_scoped3A : memref<!tpu.dma_semaphore, #tpu.memory_space<semaphore_mem>>) src(%arg8 : memref<128x128xf32, #tpu.memory_space<vmem>>) dst(%dma_wait3A_52 : memref<128x128xf32, #tpu.memory_space<vmem_shared>>)
      tpu.yield
    }) : () -> ()
    %mul3A_5 = arith.constant 640 : i32
    %mul3A_6 = arith.muli %arg1, %mul3A_5 : i32
    %add3A_7 = arith.constant 128 : i32
    %add3A_8 = arith.addi %mul3A_6, %add3A_7 : i32
    "tpu.region"() ({
      %run_scoped3A = tpu.sem_alloc : memref<!tpu.dma_semaphore, #tpu.memory_space<semaphore_mem>>
      %dma_start3A = arith.constant 0 : i32
      %dma_start3A_47 = tpu.memref_slice %arg9[%add3A_8, %dma_start3A] : memref<10240x128xf32, #tpu.memory_space<vmem_shared>> -> memref<128x128xf32, #tpu.memory_space<vmem_shared>>
      %dma_start3A_48 = arith.constant 0 : i32
      %dma_start3A_49 = tpu.memref_slice %arg9[%add3A_8, %dma_start3A_48] : memref<10240x128xf32, #tpu.memory_space<vmem_shared>> -> memref<128x128xf32, #tpu.memory_space<vmem_shared>>
      tpu.enqueue_dma source(%arg8 : memref<128x128xf32, #tpu.memory_space<vmem>>) target(%dma_start3A_49 : memref<128x128xf32, #tpu.memory_space<vmem_shared>>) target_semaphore(%run_scoped3A : memref<!tpu.dma_semaphore, #tpu.memory_space<semaphore_mem>>)
      %dma_wait3A = arith.constant 0 : i32
      %dma_wait3A_50 = tpu.memref_slice %arg9[%add3A_8, %dma_wait3A] : memref<10240x128xf32, #tpu.memory_space<vmem_shared>> -> memref<128x128xf32, #tpu.memory_space<vmem_shared>>
      %dma_wait3A_51 = arith.constant 0 : i32
      %dma_wait3A_52 = tpu.memref_slice %arg9[%add3A_8, %dma_wait3A_51] : memref<10240x128xf32, #tpu.memory_space<vmem_shared>> -> memref<128x128xf32, #tpu.memory_space<vmem_shared>>
      tpu.wait_dma2 semaphore(%run_scoped3A : memref<!tpu.dma_semaphore, #tpu.memory_space<semaphore_mem>>) src(%arg8 : memref<128x128xf32, #tpu.memory_space<vmem>>) dst(%dma_wait3A_52 : memref<128x128xf32, #tpu.memory_space<vmem_shared>>)
      tpu.yield
    }) : () -> ()
    %mul3A_9 = arith.constant 640 : i32
    %mul3A_10 = arith.muli %arg1, %mul3A_9 : i32
    %add3A_11 = arith.constant 256 : i32
    %add3A_12 = arith.addi %mul3A_10, %add3A_11 : i32
    "tpu.region"() ({
      %run_scoped3A = tpu.sem_alloc : memref<!tpu.dma_semaphore, #tpu.memory_space<semaphore_mem>>
      %dma_start3A = arith.constant 0 : i32
      %dma_start3A_47 = tpu.memref_slice %arg9[%add3A_12, %dma_start3A] : memref<10240x128xf32, #tpu.memory_space<vmem_shared>> -> memref<128x128xf32, #tpu.memory_space<vmem_shared>>
      %dma_start3A_48 = arith.constant 0 : i32
      %dma_start3A_49 = tpu.memref_slice %arg9[%add3A_12, %dma_start3A_48] : memref<10240x128xf32, #tpu.memory_space<vmem_shared>> -> memref<128x128xf32, #tpu.memory_space<vmem_shared>>
      tpu.enqueue_dma source(%arg8 : memref<128x128xf32, #tpu.memory_space<vmem>>) target(%dma_start3A_49 : memref<128x128xf32, #tpu.memory_space<vmem_shared>>) target_semaphore(%run_scoped3A : memref<!tpu.dma_semaphore, #tpu.memory_space<semaphore_mem>>)
      %dma_wait3A = arith.constant 0 : i32
      %dma_wait3A_50 = tpu.memref_slice %arg9[%add3A_12, %dma_wait3A] : memref<10240x128xf32, #tpu.memory_space<vmem_shared>> -> memref<128x128xf32, #tpu.memory_space<vmem_shared>>
      %dma_wait3A_51 = arith.constant 0 : i32
      %dma_wait3A_52 = tpu.memref_slice %arg9[%add3A_12, %dma_wait3A_51] : memref<10240x128xf32, #tpu.memory_space<vmem_shared>> -> memref<128x128xf32, #tpu.memory_space<vmem_shared>>
      tpu.wait_dma2 semaphore(%run_scoped3A : memref<!tpu.dma_semaphore, #tpu.memory_space<semaphore_mem>>) src(%arg8 : memref<128x128xf32, #tpu.memory_space<vmem>>) dst(%dma_wait3A_52 : memref<128x128xf32, #tpu.memory_space<vmem_shared>>)
      tpu.yield
    }) : () -> ()
    %mul3A_13 = arith.constant 640 : i32
    %mul3A_14 = arith.muli %arg1, %mul3A_13 : i32
    %add3A_15 = arith.constant 384 : i32
    %add3A_16 = arith.addi %mul3A_14, %add3A_15 : i32
    "tpu.region"() ({
      %run_scoped3A = tpu.sem_alloc : memref<!tpu.dma_semaphore, #tpu.memory_space<semaphore_mem>>
      %dma_start3A = arith.constant 0 : i32
      %dma_start3A_47 = tpu.memref_slice %arg9[%add3A_16, %dma_start3A] : memref<10240x128xf32, #tpu.memory_space<vmem_shared>> -> memref<128x128xf32, #tpu.memory_space<vmem_shared>>
      %dma_start3A_48 = arith.constant 0 : i32
      %dma_start3A_49 = tpu.memref_slice %arg9[%add3A_16, %dma_start3A_48] : memref<10240x128xf32, #tpu.memory_space<vmem_shared>> -> memref<128x128xf32, #tpu.memory_space<vmem_shared>>
      tpu.enqueue_dma source(%arg8 : memref<128x128xf32, #tpu.memory_space<vmem>>) target(%dma_start3A_49 : memref<128x128xf32, #tpu.memory_space<vmem_shared>>) target_semaphore(%run_scoped3A : memref<!tpu.dma_semaphore, #tpu.memory_space<semaphore_mem>>)
      %dma_wait3A = arith.constant 0 : i32
      %dma_wait3A_50 = tpu.memref_slice %arg9[%add3A_16, %dma_wait3A] : memref<10240x128xf32, #tpu.memory_space<vmem_shared>> -> memref<128x128xf32, #tpu.memory_space<vmem_shared>>
      %dma_wait3A_51 = arith.constant 0 : i32
      %dma_wait3A_52 = tpu.memref_slice %arg9[%add3A_16, %dma_wait3A_51] : memref<10240x128xf32, #tpu.memory_space<vmem_shared>> -> memref<128x128xf32, #tpu.memory_space<vmem_shared>>
      tpu.wait_dma2 semaphore(%run_scoped3A : memref<!tpu.dma_semaphore, #tpu.memory_space<semaphore_mem>>) src(%arg8 : memref<128x128xf32, #tpu.memory_space<vmem>>) dst(%dma_wait3A_52 : memref<128x128xf32, #tpu.memory_space<vmem_shared>>)
      tpu.yield
    }) : () -> ()
    %mul3A_17 = arith.constant 640 : i32
    %mul3A_18 = arith.muli %arg1, %mul3A_17 : i32
    %add3A_19 = arith.constant 512 : i32
    %add3A_20 = arith.addi %mul3A_18, %add3A_19 : i32
    "tpu.region"() ({
      %run_scoped3A = tpu.sem_alloc : memref<!tpu.dma_semaphore, #tpu.memory_space<semaphore_mem>>
      %dma_start3A = arith.constant 0 : i32
      %dma_start3A_47 = tpu.memref_slice %arg9[%add3A_20, %dma_start3A] : memref<10240x128xf32, #tpu.memory_space<vmem_shared>> -> memref<128x128xf32, #tpu.memory_space<vmem_shared>>
      %dma_start3A_48 = arith.constant 0 : i32
      %dma_start3A_49 = tpu.memref_slice %arg9[%add3A_20, %dma_start3A_48] : memref<10240x128xf32, #tpu.memory_space<vmem_shared>> -> memref<128x128xf32, #tpu.memory_space<vmem_shared>>
      tpu.enqueue_dma source(%arg8 : memref<128x128xf32, #tpu.memory_space<vmem>>) target(%dma_start3A_49 : memref<128x128xf32, #tpu.memory_space<vmem_shared>>) target_semaphore(%run_scoped3A : memref<!tpu.dma_semaphore, #tpu.memory_space<semaphore_mem>>)
      %dma_wait3A = arith.constant 0 : i32
      %dma_wait3A_50 = tpu.memref_slice %arg9[%add3A_20, %dma_wait3A] : memref<10240x128xf32, #tpu.memory_space<vmem_shared>> -> memref<128x128xf32, #tpu.memory_space<vmem_shared>>
      %dma_wait3A_51 = arith.constant 0 : i32
      %dma_wait3A_52 = tpu.memref_slice %arg9[%add3A_20, %dma_wait3A_51] : memref<10240x128xf32, #tpu.memory_space<vmem_shared>> -> memref<128x128xf32, #tpu.memory_space<vmem_shared>>
      tpu.wait_dma2 semaphore(%run_scoped3A : memref<!tpu.dma_semaphore, #tpu.memory_space<semaphore_mem>>) src(%arg8 : memref<128x128xf32, #tpu.memory_space<vmem>>) dst(%dma_wait3A_52 : memref<128x128xf32, #tpu.memory_space<vmem_shared>>)
      tpu.yield
    }) : () -> ()
    %barrier3A = arith.constant 0 : index
    tpu.barrier barrier_id(%barrier3A)
    %scan3A = arith.constant 0 : i32
    %scan3A_21 = arith.constant 0 : i32
    %scan3A_22 = arith.constant 40 : i32
    %scan3A_23 = arith.addi %scan3A_21, %scan3A_22 : i32
    %scan3A_24 = arith.constant 1 : i32
    scf.for %scan3A_47 = %scan3A_21 to %scan3A_23 step %scan3A_24  : i32 {
      "tpu.region"() ({
        %run_scoped3A = tpu.sem_alloc : memref<!tpu.dma_semaphore, #tpu.memory_space<semaphore_mem>>
        %dma_start3A = arith.constant 0 : i32
        %dma_start3A_48 = tpu.memref_slice %arg6[%scan3A_47, %dma_start3A] : memref<40x128xi32, #tpu.memory_space<vmem>> -> memref<1x128xi32, #tpu.memory_space<vmem>>
        %dma_start3A_49 = tpu.memref_squeeze %dma_start3A_48 : memref<1x128xi32, #tpu.memory_space<vmem>> -> memref<128xi32, #tpu.memory_space<vmem>>
        %dma_start3A_50 = arith.constant 0 : i32
        %dma_start3A_51 = arith.constant 0 : i32
        %dma_start3A_52 = tpu.memref_slice %arg9[%dma_start3A_50, %dma_start3A_51] : memref<10240x128xf32, #tpu.memory_space<vmem_shared>> -> memref<10240x128xf32, #tpu.memory_space<vmem_shared>>
        tpu.enqueue_indirect_dma source(%arg7 : memref<128x128xf32, #tpu.memory_space<vmem>>) target(%dma_start3A_52 : memref<10240x128xf32, #tpu.memory_space<vmem_shared>>) offsets(%dma_start3A_49 : memref<128xi32, #tpu.memory_space<vmem>>) semaphore(%run_scoped3A : memref<!tpu.dma_semaphore, #tpu.memory_space<semaphore_mem>>) {add = true}
        %dma_wait3A = arith.constant 0 : i32
        %dma_wait3A_53 = tpu.memref_slice %arg6[%scan3A_47, %dma_wait3A] : memref<40x128xi32, #tpu.memory_space<vmem>> -> memref<1x128xi32, #tpu.memory_space<vmem>>
        %dma_wait3A_54 = tpu.memref_squeeze %dma_wait3A_53 : memref<1x128xi32, #tpu.memory_space<vmem>> -> memref<128xi32, #tpu.memory_space<vmem>>
        %dma_wait3A_55 = arith.constant 0 : i32
        %dma_wait3A_56 = arith.constant 0 : i32
        %dma_wait3A_57 = tpu.memref_slice %arg9[%dma_wait3A_55, %dma_wait3A_56] : memref<10240x128xf32, #tpu.memory_space<vmem_shared>> -> memref<10240x128xf32, #tpu.memory_space<vmem_shared>>
        tpu.wait_indirect_dma semaphore(%run_scoped3A : memref<!tpu.dma_semaphore, #tpu.memory_space<semaphore_mem>>) src(%arg7 : memref<128x128xf32, #tpu.memory_space<vmem>>) dst(%dma_wait3A_57 : memref<10240x128xf32, #tpu.memory_space<vmem_shared>>)
        tpu.yield
      }) : () -> ()
    }
    %scan3A_25 = arith.constant 40 : i32
    %barrier3A_26 = arith.constant 0 : index
    tpu.barrier barrier_id(%barrier3A_26)
    %mul3A_27 = arith.constant 640 : i32
    %mul3A_28 = arith.muli %arg1, %mul3A_27 : i32
    %add3A_29 = arith.constant 0 : i32
    %add3A_30 = arith.addi %mul3A_28, %add3A_29 : i32
    "tpu.region"() ({
      %run_scoped3A = tpu.sem_alloc : memref<!tpu.dma_semaphore, #tpu.memory_space<semaphore_mem>>
      %dma_start3A = arith.constant 0 : i32
      %dma_start3A_47 = tpu.memref_slice %arg9[%add3A_30, %dma_start3A] : memref<10240x128xf32, #tpu.memory_space<vmem_shared>> -> memref<128x128xf32, #tpu.memory_space<vmem_shared>>
      %dma_start3A_48 = arith.constant 0 : i32
      %dma_start3A_49 = tpu.memref_slice %arg9[%add3A_30, %dma_start3A_48] : memref<10240x128xf32, #tpu.memory_space<vmem_shared>> -> memref<128x128xf32, #tpu.memory_space<vmem_shared>>
      tpu.enqueue_dma source(%dma_start3A_49 : memref<128x128xf32, #tpu.memory_space<vmem_shared>>) target(%arg8 : memref<128x128xf32, #tpu.memory_space<vmem>>) target_semaphore(%run_scoped3A : memref<!tpu.dma_semaphore, #tpu.memory_space<semaphore_mem>>)
      %dma_wait3A = arith.constant 0 : i32
      %dma_wait3A_50 = tpu.memref_slice %arg9[%add3A_30, %dma_wait3A] : memref<10240x128xf32, #tpu.memory_space<vmem_shared>> -> memref<128x128xf32, #tpu.memory_space<vmem_shared>>
      %dma_wait3A_51 = arith.constant 0 : i32
      %dma_wait3A_52 = tpu.memref_slice %arg9[%add3A_30, %dma_wait3A_51] : memref<10240x128xf32, #tpu.memory_space<vmem_shared>> -> memref<128x128xf32, #tpu.memory_space<vmem_shared>>
      tpu.wait_dma2 semaphore(%run_scoped3A : memref<!tpu.dma_semaphore, #tpu.memory_space<semaphore_mem>>) src(%dma_wait3A_52 : memref<128x128xf32, #tpu.memory_space<vmem_shared>>) dst(%arg8 : memref<128x128xf32, #tpu.memory_space<vmem>>)
      tpu.yield
    }) : () -> ()
    "tpu.region"() ({
      %run_scoped3A = tpu.sem_alloc : memref<!tpu.dma_semaphore, #tpu.memory_space<semaphore_mem>>
      %dma_start3A = arith.constant 0 : i32
      %dma_start3A_47 = tpu.memref_slice %arg5[%arg0, %add3A_30, %dma_start3A] : memref<2x10240x128xf32, #tpu.memory_space<hbm>> -> memref<1x128x128xf32, #tpu.memory_space<hbm>>
      %dma_start3A_48 = tpu.memref_squeeze %dma_start3A_47 : memref<1x128x128xf32, #tpu.memory_space<hbm>> -> memref<128x128xf32, #tpu.memory_space<hbm>>
      %dma_start3A_49 = arith.constant 0 : i32
      %dma_start3A_50 = tpu.memref_slice %arg5[%arg0, %add3A_30, %dma_start3A_49] : memref<2x10240x128xf32, #tpu.memory_space<hbm>> -> memref<1x128x128xf32, #tpu.memory_space<hbm>>
      %dma_start3A_51 = tpu.memref_squeeze %dma_start3A_50 : memref<1x128x128xf32, #tpu.memory_space<hbm>> -> memref<128x128xf32, #tpu.memory_space<hbm>>
      tpu.enqueue_dma source(%arg8 : memref<128x128xf32, #tpu.memory_space<vmem>>) target(%dma_start3A_51 : memref<128x128xf32, #tpu.memory_space<hbm>>) target_semaphore(%run_scoped3A : memref<!tpu.dma_semaphore, #tpu.memory_space<semaphore_mem>>)
      %dma_wait3A = arith.constant 0 : i32
      %dma_wait3A_52 = tpu.memref_slice %arg5[%arg0, %add3A_30, %dma_wait3A] : memref<2x10240x128xf32, #tpu.memory_space<hbm>> -> memref<1x128x128xf32, #tpu.memory_space<hbm>>
      %dma_wait3A_53 = tpu.memref_squeeze %dma_wait3A_52 : memref<1x128x128xf32, #tpu.memory_space<hbm>> -> memref<128x128xf32, #tpu.memory_space<hbm>>
      %dma_wait3A_54 = arith.constant 0 : i32
      %dma_wait3A_55 = tpu.memref_slice %arg5[%arg0, %add3A_30, %dma_wait3A_54] : memref<2x10240x128xf32, #tpu.memory_space<hbm>> -> memref<1x128x128xf32, #tpu.memory_space<hbm>>
      %dma_wait3A_56 = tpu.memref_squeeze %dma_wait3A_55 : memref<1x128x128xf32, #tpu.memory_space<hbm>> -> memref<128x128xf32, #tpu.memory_space<hbm>>
      tpu.wait_dma2 semaphore(%run_scoped3A : memref<!tpu.dma_semaphore, #tpu.memory_space<semaphore_mem>>) src(%arg8 : memref<128x128xf32, #tpu.memory_space<vmem>>) dst(%dma_wait3A_56 : memref<128x128xf32, #tpu.memory_space<hbm>>)
      tpu.yield
    }) : () -> ()
    %mul3A_31 = arith.constant 640 : i32
    %mul3A_32 = arith.muli %arg1, %mul3A_31 : i32
    %add3A_33 = arith.constant 128 : i32
    %add3A_34 = arith.addi %mul3A_32, %add3A_33 : i32
    "tpu.region"() ({
      %run_scoped3A = tpu.sem_alloc : memref<!tpu.dma_semaphore, #tpu.memory_space<semaphore_mem>>
      %dma_start3A = arith.constant 0 : i32
      %dma_start3A_47 = tpu.memref_slice %arg9[%add3A_34, %dma_start3A] : memref<10240x128xf32, #tpu.memory_space<vmem_shared>> -> memref<128x128xf32, #tpu.memory_space<vmem_shared>>
      %dma_start3A_48 = arith.constant 0 : i32
      %dma_start3A_49 = tpu.memref_slice %arg9[%add3A_34, %dma_start3A_48] : memref<10240x128xf32, #tpu.memory_space<vmem_shared>> -> memref<128x128xf32, #tpu.memory_space<vmem_shared>>
      tpu.enqueue_dma source(%dma_start3A_49 : memref<128x128xf32, #tpu.memory_space<vmem_shared>>) target(%arg8 : memref<128x128xf32, #tpu.memory_space<vmem>>) target_semaphore(%run_scoped3A : memref<!tpu.dma_semaphore, #tpu.memory_space<semaphore_mem>>)
      %dma_wait3A = arith.constant 0 : i32
      %dma_wait3A_50 = tpu.memref_slice %arg9[%add3A_34, %dma_wait3A] : memref<10240x128xf32, #tpu.memory_space<vmem_shared>> -> memref<128x128xf32, #tpu.memory_space<vmem_shared>>
      %dma_wait3A_51 = arith.constant 0 : i32
      %dma_wait3A_52 = tpu.memref_slice %arg9[%add3A_34, %dma_wait3A_51] : memref<10240x128xf32, #tpu.memory_space<vmem_shared>> -> memref<128x128xf32, #tpu.memory_space<vmem_shared>>
      tpu.wait_dma2 semaphore(%run_scoped3A : memref<!tpu.dma_semaphore, #tpu.memory_space<semaphore_mem>>) src(%dma_wait3A_52 : memref<128x128xf32, #tpu.memory_space<vmem_shared>>) dst(%arg8 : memref<128x128xf32, #tpu.memory_space<vmem>>)
      tpu.yield
    }) : () -> ()
    "tpu.region"() ({
      %run_scoped3A = tpu.sem_alloc : memref<!tpu.dma_semaphore, #tpu.memory_space<semaphore_mem>>
      %dma_start3A = arith.constant 0 : i32
      %dma_start3A_47 = tpu.memref_slice %arg5[%arg0, %add3A_34, %dma_start3A] : memref<2x10240x128xf32, #tpu.memory_space<hbm>> -> memref<1x128x128xf32, #tpu.memory_space<hbm>>
      %dma_start3A_48 = tpu.memref_squeeze %dma_start3A_47 : memref<1x128x128xf32, #tpu.memory_space<hbm>> -> memref<128x128xf32, #tpu.memory_space<hbm>>
      %dma_start3A_49 = arith.constant 0 : i32
      %dma_start3A_50 = tpu.memref_slice %arg5[%arg0, %add3A_34, %dma_start3A_49] : memref<2x10240x128xf32, #tpu.memory_space<hbm>> -> memref<1x128x128xf32, #tpu.memory_space<hbm>>
      %dma_start3A_51 = tpu.memref_squeeze %dma_start3A_50 : memref<1x128x128xf32, #tpu.memory_space<hbm>> -> memref<128x128xf32, #tpu.memory_space<hbm>>
      tpu.enqueue_dma source(%arg8 : memref<128x128xf32, #tpu.memory_space<vmem>>) target(%dma_start3A_51 : memref<128x128xf32, #tpu.memory_space<hbm>>) target_semaphore(%run_scoped3A : memref<!tpu.dma_semaphore, #tpu.memory_space<semaphore_mem>>)
      %dma_wait3A = arith.constant 0 : i32
      %dma_wait3A_52 = tpu.memref_slice %arg5[%arg0, %add3A_34, %dma_wait3A] : memref<2x10240x128xf32, #tpu.memory_space<hbm>> -> memref<1x128x128xf32, #tpu.memory_space<hbm>>
      %dma_wait3A_53 = tpu.memref_squeeze %dma_wait3A_52 : memref<1x128x128xf32, #tpu.memory_space<hbm>> -> memref<128x128xf32, #tpu.memory_space<hbm>>
      %dma_wait3A_54 = arith.constant 0 : i32
      %dma_wait3A_55 = tpu.memref_slice %arg5[%arg0, %add3A_34, %dma_wait3A_54] : memref<2x10240x128xf32, #tpu.memory_space<hbm>> -> memref<1x128x128xf32, #tpu.memory_space<hbm>>
      %dma_wait3A_56 = tpu.memref_squeeze %dma_wait3A_55 : memref<1x128x128xf32, #tpu.memory_space<hbm>> -> memref<128x128xf32, #tpu.memory_space<hbm>>
      tpu.wait_dma2 semaphore(%run_scoped3A : memref<!tpu.dma_semaphore, #tpu.memory_space<semaphore_mem>>) src(%arg8 : memref<128x128xf32, #tpu.memory_space<vmem>>) dst(%dma_wait3A_56 : memref<128x128xf32, #tpu.memory_space<hbm>>)
      tpu.yield
    }) : () -> ()
    %mul3A_35 = arith.constant 640 : i32
    %mul3A_36 = arith.muli %arg1, %mul3A_35 : i32
    %add3A_37 = arith.constant 256 : i32
    %add3A_38 = arith.addi %mul3A_36, %add3A_37 : i32
    "tpu.region"() ({
      %run_scoped3A = tpu.sem_alloc : memref<!tpu.dma_semaphore, #tpu.memory_space<semaphore_mem>>
      %dma_start3A = arith.constant 0 : i32
      %dma_start3A_47 = tpu.memref_slice %arg9[%add3A_38, %dma_start3A] : memref<10240x128xf32, #tpu.memory_space<vmem_shared>> -> memref<128x128xf32, #tpu.memory_space<vmem_shared>>
      %dma_start3A_48 = arith.constant 0 : i32
      %dma_start3A_49 = tpu.memref_slice %arg9[%add3A_38, %dma_start3A_48] : memref<10240x128xf32, #tpu.memory_space<vmem_shared>> -> memref<128x128xf32, #tpu.memory_space<vmem_shared>>
      tpu.enqueue_dma source(%dma_start3A_49 : memref<128x128xf32, #tpu.memory_space<vmem_shared>>) target(%arg8 : memref<128x128xf32, #tpu.memory_space<vmem>>) target_semaphore(%run_scoped3A : memref<!tpu.dma_semaphore, #tpu.memory_space<semaphore_mem>>)
      %dma_wait3A = arith.constant 0 : i32
      %dma_wait3A_50 = tpu.memref_slice %arg9[%add3A_38, %dma_wait3A] : memref<10240x128xf32, #tpu.memory_space<vmem_shared>> -> memref<128x128xf32, #tpu.memory_space<vmem_shared>>
      %dma_wait3A_51 = arith.constant 0 : i32
      %dma_wait3A_52 = tpu.memref_slice %arg9[%add3A_38, %dma_wait3A_51] : memref<10240x128xf32, #tpu.memory_space<vmem_shared>> -> memref<128x128xf32, #tpu.memory_space<vmem_shared>>
      tpu.wait_dma2 semaphore(%run_scoped3A : memref<!tpu.dma_semaphore, #tpu.memory_space<semaphore_mem>>) src(%dma_wait3A_52 : memref<128x128xf32, #tpu.memory_space<vmem_shared>>) dst(%arg8 : memref<128x128xf32, #tpu.memory_space<vmem>>)
      tpu.yield
    }) : () -> ()
    "tpu.region"() ({
      %run_scoped3A = tpu.sem_alloc : memref<!tpu.dma_semaphore, #tpu.memory_space<semaphore_mem>>
      %dma_start3A = arith.constant 0 : i32
      %dma_start3A_47 = tpu.memref_slice %arg5[%arg0, %add3A_38, %dma_start3A] : memref<2x10240x128xf32, #tpu.memory_space<hbm>> -> memref<1x128x128xf32, #tpu.memory_space<hbm>>
      %dma_start3A_48 = tpu.memref_squeeze %dma_start3A_47 : memref<1x128x128xf32, #tpu.memory_space<hbm>> -> memref<128x128xf32, #tpu.memory_space<hbm>>
      %dma_start3A_49 = arith.constant 0 : i32
      %dma_start3A_50 = tpu.memref_slice %arg5[%arg0, %add3A_38, %dma_start3A_49] : memref<2x10240x128xf32, #tpu.memory_space<hbm>> -> memref<1x128x128xf32, #tpu.memory_space<hbm>>
      %dma_start3A_51 = tpu.memref_squeeze %dma_start3A_50 : memref<1x128x128xf32, #tpu.memory_space<hbm>> -> memref<128x128xf32, #tpu.memory_space<hbm>>
      tpu.enqueue_dma source(%arg8 : memref<128x128xf32, #tpu.memory_space<vmem>>) target(%dma_start3A_51 : memref<128x128xf32, #tpu.memory_space<hbm>>) target_semaphore(%run_scoped3A : memref<!tpu.dma_semaphore, #tpu.memory_space<semaphore_mem>>)
      %dma_wait3A = arith.constant 0 : i32
      %dma_wait3A_52 = tpu.memref_slice %arg5[%arg0, %add3A_38, %dma_wait3A] : memref<2x10240x128xf32, #tpu.memory_space<hbm>> -> memref<1x128x128xf32, #tpu.memory_space<hbm>>
      %dma_wait3A_53 = tpu.memref_squeeze %dma_wait3A_52 : memref<1x128x128xf32, #tpu.memory_space<hbm>> -> memref<128x128xf32, #tpu.memory_space<hbm>>
      %dma_wait3A_54 = arith.constant 0 : i32
      %dma_wait3A_55 = tpu.memref_slice %arg5[%arg0, %add3A_38, %dma_wait3A_54] : memref<2x10240x128xf32, #tpu.memory_space<hbm>> -> memref<1x128x128xf32, #tpu.memory_space<hbm>>
      %dma_wait3A_56 = tpu.memref_squeeze %dma_wait3A_55 : memref<1x128x128xf32, #tpu.memory_space<hbm>> -> memref<128x128xf32, #tpu.memory_space<hbm>>
      tpu.wait_dma2 semaphore(%run_scoped3A : memref<!tpu.dma_semaphore, #tpu.memory_space<semaphore_mem>>) src(%arg8 : memref<128x128xf32, #tpu.memory_space<vmem>>) dst(%dma_wait3A_56 : memref<128x128xf32, #tpu.memory_space<hbm>>)
      tpu.yield
    }) : () -> ()
    %mul3A_39 = arith.constant 640 : i32
    %mul3A_40 = arith.muli %arg1, %mul3A_39 : i32
    %add3A_41 = arith.constant 384 : i32
    %add3A_42 = arith.addi %mul3A_40, %add3A_41 : i32
    "tpu.region"() ({
      %run_scoped3A = tpu.sem_alloc : memref<!tpu.dma_semaphore, #tpu.memory_space<semaphore_mem>>
      %dma_start3A = arith.constant 0 : i32
      %dma_start3A_47 = tpu.memref_slice %arg9[%add3A_42, %dma_start3A] : memref<10240x128xf32, #tpu.memory_space<vmem_shared>> -> memref<128x128xf32, #tpu.memory_space<vmem_shared>>
      %dma_start3A_48 = arith.constant 0 : i32
      %dma_start3A_49 = tpu.memref_slice %arg9[%add3A_42, %dma_start3A_48] : memref<10240x128xf32, #tpu.memory_space<vmem_shared>> -> memref<128x128xf32, #tpu.memory_space<vmem_shared>>
      tpu.enqueue_dma source(%dma_start3A_49 : memref<128x128xf32, #tpu.memory_space<vmem_shared>>) target(%arg8 : memref<128x128xf32, #tpu.memory_space<vmem>>) target_semaphore(%run_scoped3A : memref<!tpu.dma_semaphore, #tpu.memory_space<semaphore_mem>>)
      %dma_wait3A = arith.constant 0 : i32
      %dma_wait3A_50 = tpu.memref_slice %arg9[%add3A_42, %dma_wait3A] : memref<10240x128xf32, #tpu.memory_space<vmem_shared>> -> memref<128x128xf32, #tpu.memory_space<vmem_shared>>
      %dma_wait3A_51 = arith.constant 0 : i32
      %dma_wait3A_52 = tpu.memref_slice %arg9[%add3A_42, %dma_wait3A_51] : memref<10240x128xf32, #tpu.memory_space<vmem_shared>> -> memref<128x128xf32, #tpu.memory_space<vmem_shared>>
      tpu.wait_dma2 semaphore(%run_scoped3A : memref<!tpu.dma_semaphore, #tpu.memory_space<semaphore_mem>>) src(%dma_wait3A_52 : memref<128x128xf32, #tpu.memory_space<vmem_shared>>) dst(%arg8 : memref<128x128xf32, #tpu.memory_space<vmem>>)
      tpu.yield
    }) : () -> ()
    "tpu.region"() ({
      %run_scoped3A = tpu.sem_alloc : memref<!tpu.dma_semaphore, #tpu.memory_space<semaphore_mem>>
      %dma_start3A = arith.constant 0 : i32
      %dma_start3A_47 = tpu.memref_slice %arg5[%arg0, %add3A_42, %dma_start3A] : memref<2x10240x128xf32, #tpu.memory_space<hbm>> -> memref<1x128x128xf32, #tpu.memory_space<hbm>>
      %dma_start3A_48 = tpu.memref_squeeze %dma_start3A_47 : memref<1x128x128xf32, #tpu.memory_space<hbm>> -> memref<128x128xf32, #tpu.memory_space<hbm>>
      %dma_start3A_49 = arith.constant 0 : i32
      %dma_start3A_50 = tpu.memref_slice %arg5[%arg0, %add3A_42, %dma_start3A_49] : memref<2x10240x128xf32, #tpu.memory_space<hbm>> -> memref<1x128x128xf32, #tpu.memory_space<hbm>>
      %dma_start3A_51 = tpu.memref_squeeze %dma_start3A_50 : memref<1x128x128xf32, #tpu.memory_space<hbm>> -> memref<128x128xf32, #tpu.memory_space<hbm>>
      tpu.enqueue_dma source(%arg8 : memref<128x128xf32, #tpu.memory_space<vmem>>) target(%dma_start3A_51 : memref<128x128xf32, #tpu.memory_space<hbm>>) target_semaphore(%run_scoped3A : memref<!tpu.dma_semaphore, #tpu.memory_space<semaphore_mem>>)
      %dma_wait3A = arith.constant 0 : i32
      %dma_wait3A_52 = tpu.memref_slice %arg5[%arg0, %add3A_42, %dma_wait3A] : memref<2x10240x128xf32, #tpu.memory_space<hbm>> -> memref<1x128x128xf32, #tpu.memory_space<hbm>>
      %dma_wait3A_53 = tpu.memref_squeeze %dma_wait3A_52 : memref<1x128x128xf32, #tpu.memory_space<hbm>> -> memref<128x128xf32, #tpu.memory_space<hbm>>
      %dma_wait3A_54 = arith.constant 0 : i32
      %dma_wait3A_55 = tpu.memref_slice %arg5[%arg0, %add3A_42, %dma_wait3A_54] : memref<2x10240x128xf32, #tpu.memory_space<hbm>> -> memref<1x128x128xf32, #tpu.memory_space<hbm>>
      %dma_wait3A_56 = tpu.memref_squeeze %dma_wait3A_55 : memref<1x128x128xf32, #tpu.memory_space<hbm>> -> memref<128x128xf32, #tpu.memory_space<hbm>>
      tpu.wait_dma2 semaphore(%run_scoped3A : memref<!tpu.dma_semaphore, #tpu.memory_space<semaphore_mem>>) src(%arg8 : memref<128x128xf32, #tpu.memory_space<vmem>>) dst(%dma_wait3A_56 : memref<128x128xf32, #tpu.memory_space<hbm>>)
      tpu.yield
    }) : () -> ()
    %mul3A_43 = arith.constant 640 : i32
    %mul3A_44 = arith.muli %arg1, %mul3A_43 : i32
    %add3A_45 = arith.constant 512 : i32
    %add3A_46 = arith.addi %mul3A_44, %add3A_45 : i32
    "tpu.region"() ({
      %run_scoped3A = tpu.sem_alloc : memref<!tpu.dma_semaphore, #tpu.memory_space<semaphore_mem>>
      %dma_start3A = arith.constant 0 : i32
      %dma_start3A_47 = tpu.memref_slice %arg9[%add3A_46, %dma_start3A] : memref<10240x128xf32, #tpu.memory_space<vmem_shared>> -> memref<128x128xf32, #tpu.memory_space<vmem_shared>>
      %dma_start3A_48 = arith.constant 0 : i32
      %dma_start3A_49 = tpu.memref_slice %arg9[%add3A_46, %dma_start3A_48] : memref<10240x128xf32, #tpu.memory_space<vmem_shared>> -> memref<128x128xf32, #tpu.memory_space<vmem_shared>>
      tpu.enqueue_dma source(%dma_start3A_49 : memref<128x128xf32, #tpu.memory_space<vmem_shared>>) target(%arg8 : memref<128x128xf32, #tpu.memory_space<vmem>>) target_semaphore(%run_scoped3A : memref<!tpu.dma_semaphore, #tpu.memory_space<semaphore_mem>>)
      %dma_wait3A = arith.constant 0 : i32
      %dma_wait3A_50 = tpu.memref_slice %arg9[%add3A_46, %dma_wait3A] : memref<10240x128xf32, #tpu.memory_space<vmem_shared>> -> memref<128x128xf32, #tpu.memory_space<vmem_shared>>
      %dma_wait3A_51 = arith.constant 0 : i32
      %dma_wait3A_52 = tpu.memref_slice %arg9[%add3A_46, %dma_wait3A_51] : memref<10240x128xf32, #tpu.memory_space<vmem_shared>> -> memref<128x128xf32, #tpu.memory_space<vmem_shared>>
      tpu.wait_dma2 semaphore(%run_scoped3A : memref<!tpu.dma_semaphore, #tpu.memory_space<semaphore_mem>>) src(%dma_wait3A_52 : memref<128x128xf32, #tpu.memory_space<vmem_shared>>) dst(%arg8 : memref<128x128xf32, #tpu.memory_space<vmem>>)
      tpu.yield
    }) : () -> ()
    "tpu.region"() ({
      %run_scoped3A = tpu.sem_alloc : memref<!tpu.dma_semaphore, #tpu.memory_space<semaphore_mem>>
      %dma_start3A = arith.constant 0 : i32
      %dma_start3A_47 = tpu.memref_slice %arg5[%arg0, %add3A_46, %dma_start3A] : memref<2x10240x128xf32, #tpu.memory_space<hbm>> -> memref<1x128x128xf32, #tpu.memory_space<hbm>>
      %dma_start3A_48 = tpu.memref_squeeze %dma_start3A_47 : memref<1x128x128xf32, #tpu.memory_space<hbm>> -> memref<128x128xf32, #tpu.memory_space<hbm>>
      %dma_start3A_49 = arith.constant 0 : i32
      %dma_start3A_50 = tpu.memref_slice %arg5[%arg0, %add3A_46, %dma_start3A_49] : memref<2x10240x128xf32, #tpu.memory_space<hbm>> -> memref<1x128x128xf32, #tpu.memory_space<hbm>>
      %dma_start3A_51 = tpu.memref_squeeze %dma_start3A_50 : memref<1x128x128xf32, #tpu.memory_space<hbm>> -> memref<128x128xf32, #tpu.memory_space<hbm>>
      tpu.enqueue_dma source(%arg8 : memref<128x128xf32, #tpu.memory_space<vmem>>) target(%dma_start3A_51 : memref<128x128xf32, #tpu.memory_space<hbm>>) target_semaphore(%run_scoped3A : memref<!tpu.dma_semaphore, #tpu.memory_space<semaphore_mem>>)
      %dma_wait3A = arith.constant 0 : i32
      %dma_wait3A_52 = tpu.memref_slice %arg5[%arg0, %add3A_46, %dma_wait3A] : memref<2x10240x128xf32, #tpu.memory_space<hbm>> -> memref<1x128x128xf32, #tpu.memory_space<hbm>>
      %dma_wait3A_53 = tpu.memref_squeeze %dma_wait3A_52 : memref<1x128x128xf32, #tpu.memory_space<hbm>> -> memref<128x128xf32, #tpu.memory_space<hbm>>
      %dma_wait3A_54 = arith.constant 0 : i32
      %dma_wait3A_55 = tpu.memref_slice %arg5[%arg0, %add3A_46, %dma_wait3A_54] : memref<2x10240x128xf32, #tpu.memory_space<hbm>> -> memref<1x128x128xf32, #tpu.memory_space<hbm>>
      %dma_wait3A_56 = tpu.memref_squeeze %dma_wait3A_55 : memref<1x128x128xf32, #tpu.memory_space<hbm>> -> memref<128x128xf32, #tpu.memory_space<hbm>>
      tpu.wait_dma2 semaphore(%run_scoped3A : memref<!tpu.dma_semaphore, #tpu.memory_space<semaphore_mem>>) src(%arg8 : memref<128x128xf32, #tpu.memory_space<vmem>>) dst(%dma_wait3A_56 : memref<128x128xf32, #tpu.memory_space<hbm>>)
      tpu.yield
    }) : () -> ()
    return
  }
}

#map = affine_map<(d0, d1) -> (0, 0, 0)>
#map1 = affine_map<(d0, d1) -> (0, 0)>
module attributes {stable_mosaic.version = 14 : i64} {
  func.func @k(%arg0: i32, %arg1: i32, %arg2: memref<32x40x128xi32, #tpu.memory_space<hbm>>, %arg3: memref<128x128xf32, #tpu.memory_space<hbm>>, %arg4: memref<128x128xf32, #tpu.memory_space<hbm>>, %arg5: memref<2x10240x128xf32, #tpu.memory_space<hbm>>, %arg6: memref<40x128xi32, #tpu.memory_space<vmem>>, %arg7: memref<128x128xf32, #tpu.memory_space<vmem>>, %arg8: memref<128x128xf32, #tpu.memory_space<vmem>>, %arg9: memref<10240x128xf32, #tpu.memory_space<vmem_shared>>) attributes {dimension_semantics = [#tpu.dimension_semantics<core_parallel>, #tpu.dimension_semantics<subcore_parallel>], iteration_bounds = array<i64: 2, 16>, scalar_prefetch = 0 : i64, scratch_operands = 4 : i64, tpu.core_type = #tpu.core_type<sc_vector_subcore>, window_params = [{transform_indices = #map}, {transform_indices = #map1}, {transform_indices = #map1}, {transform_indices = #map}]} {
    %mul3A = arith.constant 16 : i32
    %mul3A_0 = arith.muli %arg0, %mul3A : i32
    %add3A = arith.addi %mul3A_0, %arg1 : i32
    "tpu.region"() ({
      %run_scoped3A = tpu.sem_alloc : memref<!tpu.dma_semaphore, #tpu.memory_space<semaphore_mem>>
      %dma_start3A = arith.constant 0 : i32
      %dma_start3A_47 = arith.constant 0 : i32
      %dma_start3A_48 = tpu.memref_slice %arg2[%add3A, %dma_start3A, %dma_start3A_47] : memref<32x40x128xi32, #tpu.memory_space<hbm>> -> memref<1x40x128xi32, #tpu.memory_space<hbm>>
      %dma_start3A_49 = tpu.memref_squeeze %dma_start3A_48 : memref<1x40x128xi32, #tpu.memory_space<hbm>> -> memref<40x128xi32, #tpu.memory_space<hbm>>
      %dma_start3A_50 = arith.constant 0 : i32
      %dma_start3A_51 = arith.constant 0 : i32
      %dma_start3A_52 = tpu.memref_slice %arg2[%add3A, %dma_start3A_50, %dma_start3A_51] : memref<32x40x128xi32, #tpu.memory_space<hbm>> -> memref<1x40x128xi32, #tpu.memory_space<hbm>>
      %dma_start3A_53 = tpu.memref_squeeze %dma_start3A_52 : memref<1x40x128xi32, #tpu.memory_space<hbm>> -> memref<40x128xi32, #tpu.memory_space<hbm>>
      tpu.enqueue_dma source(%dma_start3A_53 : memref<40x128xi32, #tpu.memory_space<hbm>>) target(%arg6 : memref<40x128xi32, #tpu.memory_space<vmem>>) target_semaphore(%run_scoped3A : memref<!tpu.dma_semaphore, #tpu.memory_space<semaphore_mem>>)
      %dma_wait3A = arith.constant 0 : i32
      %dma_wait3A_54 = arith.constant 0 : i32
      %dma_wait3A_55 = tpu.memref_slice %arg2[%add3A, %dma_wait3A, %dma_wait3A_54] : memref<32x40x128xi32, #tpu.memory_space<hbm>> -> memref<1x40x128xi32, #tpu.memory_space<hbm>>
      %dma_wait3A_56 = tpu.memref_squeeze %dma_wait3A_55 : memref<1x40x128xi32, #tpu.memory_space<hbm>> -> memref<40x128xi32, #tpu.memory_space<hbm>>
      %dma_wait3A_57 = arith.constant 0 : i32
      %dma_wait3A_58 = arith.constant 0 : i32
      %dma_wait3A_59 = tpu.memref_slice %arg2[%add3A, %dma_wait3A_57, %dma_wait3A_58] : memref<32x40x128xi32, #tpu.memory_space<hbm>> -> memref<1x40x128xi32, #tpu.memory_space<hbm>>
      %dma_wait3A_60 = tpu.memref_squeeze %dma_wait3A_59 : memref<1x40x128xi32, #tpu.memory_space<hbm>> -> memref<40x128xi32, #tpu.memory_space<hbm>>
      tpu.wait_dma2 semaphore(%run_scoped3A : memref<!tpu.dma_semaphore, #tpu.memory_space<semaphore_mem>>) src(%dma_wait3A_60 : memref<40x128xi32, #tpu.memory_space<hbm>>) dst(%arg6 : memref<40x128xi32, #tpu.memory_space<vmem>>)
      tpu.yield
    }) : () -> ()
    "tpu.region"() ({
      %run_scoped3A = tpu.sem_alloc : memref<!tpu.dma_semaphore, #tpu.memory_space<semaphore_mem>>
      tpu.enqueue_dma source(%arg3 : memref<128x128xf32, #tpu.memory_space<hbm>>) target(%arg7 : memref<128x128xf32, #tpu.memory_space<vmem>>) target_semaphore(%run_scoped3A : memref<!tpu.dma_semaphore, #tpu.memory_space<semaphore_mem>>)
      tpu.wait_dma2 semaphore(%run_scoped3A : memref<!tpu.dma_semaphore, #tpu.memory_space<semaphore_mem>>) src(%arg3 : memref<128x128xf32, #tpu.memory_space<hbm>>) dst(%arg7 : memref<128x128xf32, #tpu.memory_space<vmem>>)
      tpu.yield
    }) : () -> ()
    "tpu.region"() ({
      %run_scoped3A = tpu.sem_alloc : memref<!tpu.dma_semaphore, #tpu.memory_space<semaphore_mem>>
      tpu.enqueue_dma source(%arg4 : memref<128x128xf32, #tpu.memory_space<hbm>>) target(%arg8 : memref<128x128xf32, #tpu.memory_space<vmem>>) target_semaphore(%run_scoped3A : memref<!tpu.dma_semaphore, #tpu.memory_space<semaphore_mem>>)
      tpu.wait_dma2 semaphore(%run_scoped3A : memref<!tpu.dma_semaphore, #tpu.memory_space<semaphore_mem>>) src(%arg4 : memref<128x128xf32, #tpu.memory_space<hbm>>) dst(%arg8 : memref<128x128xf32, #tpu.memory_space<vmem>>)
      tpu.yield
    }) : () -> ()
    %mul3A_1 = arith.constant 640 : i32
    %mul3A_2 = arith.muli %arg1, %mul3A_1 : i32
    %add3A_3 = arith.constant 0 : i32
    %add3A_4 = arith.addi %mul3A_2, %add3A_3 : i32
    "tpu.region"() ({
      %run_scoped3A = tpu.sem_alloc : memref<!tpu.dma_semaphore, #tpu.memory_space<semaphore_mem>>
      %dma_start3A = arith.constant 0 : i32
      %dma_start3A_47 = tpu.memref_slice %arg9[%add3A_4, %dma_start3A] : memref<10240x128xf32, #tpu.memory_space<vmem_shared>> -> memref<128x128xf32, #tpu.memory_space<vmem_shared>>
      %dma_start3A_48 = arith.constant 0 : i32
      %dma_start3A_49 = tpu.memref_slice %arg9[%add3A_4, %dma_start3A_48] : memref<10240x128xf32, #tpu.memory_space<vmem_shared>> -> memref<128x128xf32, #tpu.memory_space<vmem_shared>>
      tpu.enqueue_dma source(%arg8 : memref<128x128xf32, #tpu.memory_space<vmem>>) target(%dma_start3A_49 : memref<128x128xf32, #tpu.memory_space<vmem_shared>>) target_semaphore(%run_scoped3A : memref<!tpu.dma_semaphore, #tpu.memory_space<semaphore_mem>>)
      %dma_wait3A = arith.constant 0 : i32
      %dma_wait3A_50 = tpu.memref_slice %arg9[%add3A_4, %dma_wait3A] : memref<10240x128xf32, #tpu.memory_space<vmem_shared>> -> memref<128x128xf32, #tpu.memory_space<vmem_shared>>
      %dma_wait3A_51 = arith.constant 0 : i32
      %dma_wait3A_52 = tpu.memref_slice %arg9[%add3A_4, %dma_wait3A_51] : memref<10240x128xf32, #tpu.memory_space<vmem_shared>> -> memref<128x128xf32, #tpu.memory_space<vmem_shared>>
      tpu.wait_dma2 semaphore(%run_scoped3A : memref<!tpu.dma_semaphore, #tpu.memory_space<semaphore_mem>>) src(%arg8 : memref<128x128xf32, #tpu.memory_space<vmem>>) dst(%dma_wait3A_52 : memref<128x128xf32, #tpu.memory_space<vmem_shared>>)
      tpu.yield
    }) : () -> ()
    %mul3A_5 = arith.constant 640 : i32
    %mul3A_6 = arith.muli %arg1, %mul3A_5 : i32
    %add3A_7 = arith.constant 128 : i32
    %add3A_8 = arith.addi %mul3A_6, %add3A_7 : i32
    "tpu.region"() ({
      %run_scoped3A = tpu.sem_alloc : memref<!tpu.dma_semaphore, #tpu.memory_space<semaphore_mem>>
      %dma_start3A = arith.constant 0 : i32
      %dma_start3A_47 = tpu.memref_slice %arg9[%add3A_8, %dma_start3A] : memref<10240x128xf32, #tpu.memory_space<vmem_shared>> -> memref<128x128xf32, #tpu.memory_space<vmem_shared>>
      %dma_start3A_48 = arith.constant 0 : i32
      %dma_start3A_49 = tpu.memref_slice %arg9[%add3A_8, %dma_start3A_48] : memref<10240x128xf32, #tpu.memory_space<vmem_shared>> -> memref<128x128xf32, #tpu.memory_space<vmem_shared>>
      tpu.enqueue_dma source(%arg8 : memref<128x128xf32, #tpu.memory_space<vmem>>) target(%dma_start3A_49 : memref<128x128xf32, #tpu.memory_space<vmem_shared>>) target_semaphore(%run_scoped3A : memref<!tpu.dma_semaphore, #tpu.memory_space<semaphore_mem>>)
      %dma_wait3A = arith.constant 0 : i32
      %dma_wait3A_50 = tpu.memref_slice %arg9[%add3A_8, %dma_wait3A] : memref<10240x128xf32, #tpu.memory_space<vmem_shared>> -> memref<128x128xf32, #tpu.memory_space<vmem_shared>>
      %dma_wait3A_51 = arith.constant 0 : i32
      %dma_wait3A_52 = tpu.memref_slice %arg9[%add3A_8, %dma_wait3A_51] : memref<10240x128xf32, #tpu.memory_space<vmem_shared>> -> memref<128x128xf32, #tpu.memory_space<vmem_shared>>
      tpu.wait_dma2 semaphore(%run_scoped3A : memref<!tpu.dma_semaphore, #tpu.memory_space<semaphore_mem>>) src(%arg8 : memref<128x128xf32, #tpu.memory_space<vmem>>) dst(%dma_wait3A_52 : memref<128x128xf32, #tpu.memory_space<vmem_shared>>)
      tpu.yield
    }) : () -> ()
    %mul3A_9 = arith.constant 640 : i32
    %mul3A_10 = arith.muli %arg1, %mul3A_9 : i32
    %add3A_11 = arith.constant 256 : i32
    %add3A_12 = arith.addi %mul3A_10, %add3A_11 : i32
    "tpu.region"() ({
      %run_scoped3A = tpu.sem_alloc : memref<!tpu.dma_semaphore, #tpu.memory_space<semaphore_mem>>
      %dma_start3A = arith.constant 0 : i32
      %dma_start3A_47 = tpu.memref_slice %arg9[%add3A_12, %dma_start3A] : memref<10240x128xf32, #tpu.memory_space<vmem_shared>> -> memref<128x128xf32, #tpu.memory_space<vmem_shared>>
      %dma_start3A_48 = arith.constant 0 : i32
      %dma_start3A_49 = tpu.memref_slice %arg9[%add3A_12, %dma_start3A_48] : memref<10240x128xf32, #tpu.memory_space<vmem_shared>> -> memref<128x128xf32, #tpu.memory_space<vmem_shared>>
      tpu.enqueue_dma source(%arg8 : memref<128x128xf32, #tpu.memory_space<vmem>>) target(%dma_start3A_49 : memref<128x128xf32, #tpu.memory_space<vmem_shared>>) target_semaphore(%run_scoped3A : memref<!tpu.dma_semaphore, #tpu.memory_space<semaphore_mem>>)
      %dma_wait3A = arith.constant 0 : i32
      %dma_wait3A_50 = tpu.memref_slice %arg9[%add3A_12, %dma_wait3A] : memref<10240x128xf32, #tpu.memory_space<vmem_shared>> -> memref<128x128xf32, #tpu.memory_space<vmem_shared>>
      %dma_wait3A_51 = arith.constant 0 : i32
      %dma_wait3A_52 = tpu.memref_slice %arg9[%add3A_12, %dma_wait3A_51] : memref<10240x128xf32, #tpu.memory_space<vmem_shared>> -> memref<128x128xf32, #tpu.memory_space<vmem_shared>>
      tpu.wait_dma2 semaphore(%run_scoped3A : memref<!tpu.dma_semaphore, #tpu.memory_space<semaphore_mem>>) src(%arg8 : memref<128x128xf32, #tpu.memory_space<vmem>>) dst(%dma_wait3A_52 : memref<128x128xf32, #tpu.memory_space<vmem_shared>>)
      tpu.yield
    }) : () -> ()
    %mul3A_13 = arith.constant 640 : i32
    %mul3A_14 = arith.muli %arg1, %mul3A_13 : i32
    %add3A_15 = arith.constant 384 : i32
    %add3A_16 = arith.addi %mul3A_14, %add3A_15 : i32
    "tpu.region"() ({
      %run_scoped3A = tpu.sem_alloc : memref<!tpu.dma_semaphore, #tpu.memory_space<semaphore_mem>>
      %dma_start3A = arith.constant 0 : i32
      %dma_start3A_47 = tpu.memref_slice %arg9[%add3A_16, %dma_start3A] : memref<10240x128xf32, #tpu.memory_space<vmem_shared>> -> memref<128x128xf32, #tpu.memory_space<vmem_shared>>
      %dma_start3A_48 = arith.constant 0 : i32
      %dma_start3A_49 = tpu.memref_slice %arg9[%add3A_16, %dma_start3A_48] : memref<10240x128xf32, #tpu.memory_space<vmem_shared>> -> memref<128x128xf32, #tpu.memory_space<vmem_shared>>
      tpu.enqueue_dma source(%arg8 : memref<128x128xf32, #tpu.memory_space<vmem>>) target(%dma_start3A_49 : memref<128x128xf32, #tpu.memory_space<vmem_shared>>) target_semaphore(%run_scoped3A : memref<!tpu.dma_semaphore, #tpu.memory_space<semaphore_mem>>)
      %dma_wait3A = arith.constant 0 : i32
      %dma_wait3A_50 = tpu.memref_slice %arg9[%add3A_16, %dma_wait3A] : memref<10240x128xf32, #tpu.memory_space<vmem_shared>> -> memref<128x128xf32, #tpu.memory_space<vmem_shared>>
      %dma_wait3A_51 = arith.constant 0 : i32
      %dma_wait3A_52 = tpu.memref_slice %arg9[%add3A_16, %dma_wait3A_51] : memref<10240x128xf32, #tpu.memory_space<vmem_shared>> -> memref<128x128xf32, #tpu.memory_space<vmem_shared>>
      tpu.wait_dma2 semaphore(%run_scoped3A : memref<!tpu.dma_semaphore, #tpu.memory_space<semaphore_mem>>) src(%arg8 : memref<128x128xf32, #tpu.memory_space<vmem>>) dst(%dma_wait3A_52 : memref<128x128xf32, #tpu.memory_space<vmem_shared>>)
      tpu.yield
    }) : () -> ()
    %mul3A_17 = arith.constant 640 : i32
    %mul3A_18 = arith.muli %arg1, %mul3A_17 : i32
    %add3A_19 = arith.constant 512 : i32
    %add3A_20 = arith.addi %mul3A_18, %add3A_19 : i32
    "tpu.region"() ({
      %run_scoped3A = tpu.sem_alloc : memref<!tpu.dma_semaphore, #tpu.memory_space<semaphore_mem>>
      %dma_start3A = arith.constant 0 : i32
      %dma_start3A_47 = tpu.memref_slice %arg9[%add3A_20, %dma_start3A] : memref<10240x128xf32, #tpu.memory_space<vmem_shared>> -> memref<128x128xf32, #tpu.memory_space<vmem_shared>>
      %dma_start3A_48 = arith.constant 0 : i32
      %dma_start3A_49 = tpu.memref_slice %arg9[%add3A_20, %dma_start3A_48] : memref<10240x128xf32, #tpu.memory_space<vmem_shared>> -> memref<128x128xf32, #tpu.memory_space<vmem_shared>>
      tpu.enqueue_dma source(%arg8 : memref<128x128xf32, #tpu.memory_space<vmem>>) target(%dma_start3A_49 : memref<128x128xf32, #tpu.memory_space<vmem_shared>>) target_semaphore(%run_scoped3A : memref<!tpu.dma_semaphore, #tpu.memory_space<semaphore_mem>>)
      %dma_wait3A = arith.constant 0 : i32
      %dma_wait3A_50 = tpu.memref_slice %arg9[%add3A_20, %dma_wait3A] : memref<10240x128xf32, #tpu.memory_space<vmem_shared>> -> memref<128x128xf32, #tpu.memory_space<vmem_shared>>
      %dma_wait3A_51 = arith.constant 0 : i32
      %dma_wait3A_52 = tpu.memref_slice %arg9[%add3A_20, %dma_wait3A_51] : memref<10240x128xf32, #tpu.memory_space<vmem_shared>> -> memref<128x128xf32, #tpu.memory_space<vmem_shared>>
      tpu.wait_dma2 semaphore(%run_scoped3A : memref<!tpu.dma_semaphore, #tpu.memory_space<semaphore_mem>>) src(%arg8 : memref<128x128xf32, #tpu.memory_space<vmem>>) dst(%dma_wait3A_52 : memref<128x128xf32, #tpu.memory_space<vmem_shared>>)
      tpu.yield
    }) : () -> ()
    %barrier3A = arith.constant 0 : index
    tpu.barrier barrier_id(%barrier3A)
    %scan3A = arith.constant 0 : i32
    %scan3A_21 = arith.constant 0 : i32
    %scan3A_22 = arith.constant 40 : i32
    %scan3A_23 = arith.addi %scan3A_21, %scan3A_22 : i32
    %scan3A_24 = arith.constant 1 : i32
    scf.for %scan3A_47 = %scan3A_21 to %scan3A_23 step %scan3A_24  : i32 {
      "tpu.region"() ({
        %run_scoped3A = tpu.sem_alloc : memref<!tpu.dma_semaphore, #tpu.memory_space<semaphore_mem>>
        %dma_start3A = arith.constant 0 : i32
        %dma_start3A_48 = tpu.memref_slice %arg6[%scan3A_47, %dma_start3A] : memref<40x128xi32, #tpu.memory_space<vmem>> -> memref<1x128xi32, #tpu.memory_space<vmem>>
        %dma_start3A_49 = tpu.memref_squeeze %dma_start3A_48 : memref<1x128xi32, #tpu.memory_space<vmem>> -> memref<128xi32, #tpu.memory_space<vmem>>
        %dma_start3A_50 = arith.constant 0 : i32
        %dma_start3A_51 = arith.constant 0 : i32
        %dma_start3A_52 = tpu.memref_slice %arg9[%dma_start3A_50, %dma_start3A_51] : memref<10240x128xf32, #tpu.memory_space<vmem_shared>> -> memref<10240x128xf32, #tpu.memory_space<vmem_shared>>
        tpu.enqueue_indirect_dma source(%arg7 : memref<128x128xf32, #tpu.memory_space<vmem>>) target(%dma_start3A_52 : memref<10240x128xf32, #tpu.memory_space<vmem_shared>>) offsets(%dma_start3A_49 : memref<128xi32, #tpu.memory_space<vmem>>) semaphore(%run_scoped3A : memref<!tpu.dma_semaphore, #tpu.memory_space<semaphore_mem>>) {add = true}
        %dma_wait3A = arith.constant 0 : i32
        %dma_wait3A_53 = tpu.memref_slice %arg6[%scan3A_47, %dma_wait3A] : memref<40x128xi32, #tpu.memory_space<vmem>> -> memref<1x128xi32, #tpu.memory_space<vmem>>
        %dma_wait3A_54 = tpu.memref_squeeze %dma_wait3A_53 : memref<1x128xi32, #tpu.memory_space<vmem>> -> memref<128xi32, #tpu.memory_space<vmem>>
        %dma_wait3A_55 = arith.constant 0 : i32
        %dma_wait3A_56 = arith.constant 0 : i32
        %dma_wait3A_57 = tpu.memref_slice %arg9[%dma_wait3A_55, %dma_wait3A_56] : memref<10240x128xf32, #tpu.memory_space<vmem_shared>> -> memref<10240x128xf32, #tpu.memory_space<vmem_shared>>
        tpu.wait_indirect_dma semaphore(%run_scoped3A : memref<!tpu.dma_semaphore, #tpu.memory_space<semaphore_mem>>) src(%arg7 : memref<128x128xf32, #tpu.memory_space<vmem>>) dst(%dma_wait3A_57 : memref<10240x128xf32, #tpu.memory_space<vmem_shared>>)
        tpu.yield
      }) : () -> ()
    }
    %scan3A_25 = arith.constant 40 : i32
    %barrier3A_26 = arith.constant 0 : index
    tpu.barrier barrier_id(%barrier3A_26)
    %mul3A_27 = arith.constant 640 : i32
    %mul3A_28 = arith.muli %arg1, %mul3A_27 : i32
    %add3A_29 = arith.constant 0 : i32
    %add3A_30 = arith.addi %mul3A_28, %add3A_29 : i32
    "tpu.region"() ({
      %run_scoped3A = tpu.sem_alloc : memref<!tpu.dma_semaphore, #tpu.memory_space<semaphore_mem>>
      %dma_start3A = arith.constant 0 : i32
      %dma_start3A_47 = tpu.memref_slice %arg9[%add3A_30, %dma_start3A] : memref<10240x128xf32, #tpu.memory_space<vmem_shared>> -> memref<128x128xf32, #tpu.memory_space<vmem_shared>>
      %dma_start3A_48 = arith.constant 0 : i32
      %dma_start3A_49 = tpu.memref_slice %arg9[%add3A_30, %dma_start3A_48] : memref<10240x128xf32, #tpu.memory_space<vmem_shared>> -> memref<128x128xf32, #tpu.memory_space<vmem_shared>>
      tpu.enqueue_dma source(%dma_start3A_49 : memref<128x128xf32, #tpu.memory_space<vmem_shared>>) target(%arg8 : memref<128x128xf32, #tpu.memory_space<vmem>>) target_semaphore(%run_scoped3A : memref<!tpu.dma_semaphore, #tpu.memory_space<semaphore_mem>>)
      %dma_wait3A = arith.constant 0 : i32
      %dma_wait3A_50 = tpu.memref_slice %arg9[%add3A_30, %dma_wait3A] : memref<10240x128xf32, #tpu.memory_space<vmem_shared>> -> memref<128x128xf32, #tpu.memory_space<vmem_shared>>
      %dma_wait3A_51 = arith.constant 0 : i32
      %dma_wait3A_52 = tpu.memref_slice %arg9[%add3A_30, %dma_wait3A_51] : memref<10240x128xf32, #tpu.memory_space<vmem_shared>> -> memref<128x128xf32, #tpu.memory_space<vmem_shared>>
      tpu.wait_dma2 semaphore(%run_scoped3A : memref<!tpu.dma_semaphore, #tpu.memory_space<semaphore_mem>>) src(%dma_wait3A_52 : memref<128x128xf32, #tpu.memory_space<vmem_shared>>) dst(%arg8 : memref<128x128xf32, #tpu.memory_space<vmem>>)
      tpu.yield
    }) : () -> ()
    "tpu.region"() ({
      %run_scoped3A = tpu.sem_alloc : memref<!tpu.dma_semaphore, #tpu.memory_space<semaphore_mem>>
      %dma_start3A = arith.constant 0 : i32
      %dma_start3A_47 = tpu.memref_slice %arg5[%arg0, %add3A_30, %dma_start3A] : memref<2x10240x128xf32, #tpu.memory_space<hbm>> -> memref<1x128x128xf32, #tpu.memory_space<hbm>>
      %dma_start3A_48 = tpu.memref_squeeze %dma_start3A_47 : memref<1x128x128xf32, #tpu.memory_space<hbm>> -> memref<128x128xf32, #tpu.memory_space<hbm>>
      %dma_start3A_49 = arith.constant 0 : i32
      %dma_start3A_50 = tpu.memref_slice %arg5[%arg0, %add3A_30, %dma_start3A_49] : memref<2x10240x128xf32, #tpu.memory_space<hbm>> -> memref<1x128x128xf32, #tpu.memory_space<hbm>>
      %dma_start3A_51 = tpu.memref_squeeze %dma_start3A_50 : memref<1x128x128xf32, #tpu.memory_space<hbm>> -> memref<128x128xf32, #tpu.memory_space<hbm>>
      tpu.enqueue_dma source(%arg8 : memref<128x128xf32, #tpu.memory_space<vmem>>) target(%dma_start3A_51 : memref<128x128xf32, #tpu.memory_space<hbm>>) target_semaphore(%run_scoped3A : memref<!tpu.dma_semaphore, #tpu.memory_space<semaphore_mem>>)
      %dma_wait3A = arith.constant 0 : i32
      %dma_wait3A_52 = tpu.memref_slice %arg5[%arg0, %add3A_30, %dma_wait3A] : memref<2x10240x128xf32, #tpu.memory_space<hbm>> -> memref<1x128x128xf32, #tpu.memory_space<hbm>>
      %dma_wait3A_53 = tpu.memref_squeeze %dma_wait3A_52 : memref<1x128x128xf32, #tpu.memory_space<hbm>> -> memref<128x128xf32, #tpu.memory_space<hbm>>
      %dma_wait3A_54 = arith.constant 0 : i32
      %dma_wait3A_55 = tpu.memref_slice %arg5[%arg0, %add3A_30, %dma_wait3A_54] : memref<2x10240x128xf32, #tpu.memory_space<hbm>> -> memref<1x128x128xf32, #tpu.memory_space<hbm>>
      %dma_wait3A_56 = tpu.memref_squeeze %dma_wait3A_55 : memref<1x128x128xf32, #tpu.memory_space<hbm>> -> memref<128x128xf32, #tpu.memory_space<hbm>>
      tpu.wait_dma2 semaphore(%run_scoped3A : memref<!tpu.dma_semaphore, #tpu.memory_space<semaphore_mem>>) src(%arg8 : memref<128x128xf32, #tpu.memory_space<vmem>>) dst(%dma_wait3A_56 : memref<128x128xf32, #tpu.memory_space<hbm>>)
      tpu.yield
    }) : () -> ()
    %mul3A_31 = arith.constant 640 : i32
    %mul3A_32 = arith.muli %arg1, %mul3A_31 : i32
    %add3A_33 = arith.constant 128 : i32
    %add3A_34 = arith.addi %mul3A_32, %add3A_33 : i32
    "tpu.region"() ({
      %run_scoped3A = tpu.sem_alloc : memref<!tpu.dma_semaphore, #tpu.memory_space<semaphore_mem>>
      %dma_start3A = arith.constant 0 : i32
      %dma_start3A_47 = tpu.memref_slice %arg9[%add3A_34, %dma_start3A] : memref<10240x128xf32, #tpu.memory_space<vmem_shared>> -> memref<128x128xf32, #tpu.memory_space<vmem_shared>>
      %dma_start3A_48 = arith.constant 0 : i32
      %dma_start3A_49 = tpu.memref_slice %arg9[%add3A_34, %dma_start3A_48] : memref<10240x128xf32, #tpu.memory_space<vmem_shared>> -> memref<128x128xf32, #tpu.memory_space<vmem_shared>>
      tpu.enqueue_dma source(%dma_start3A_49 : memref<128x128xf32, #tpu.memory_space<vmem_shared>>) target(%arg8 : memref<128x128xf32, #tpu.memory_space<vmem>>) target_semaphore(%run_scoped3A : memref<!tpu.dma_semaphore, #tpu.memory_space<semaphore_mem>>)
      %dma_wait3A = arith.constant 0 : i32
      %dma_wait3A_50 = tpu.memref_slice %arg9[%add3A_34, %dma_wait3A] : memref<10240x128xf32, #tpu.memory_space<vmem_shared>> -> memref<128x128xf32, #tpu.memory_space<vmem_shared>>
      %dma_wait3A_51 = arith.constant 0 : i32
      %dma_wait3A_52 = tpu.memref_slice %arg9[%add3A_34, %dma_wait3A_51] : memref<10240x128xf32, #tpu.memory_space<vmem_shared>> -> memref<128x128xf32, #tpu.memory_space<vmem_shared>>
      tpu.wait_dma2 semaphore(%run_scoped3A : memref<!tpu.dma_semaphore, #tpu.memory_space<semaphore_mem>>) src(%dma_wait3A_52 : memref<128x128xf32, #tpu.memory_space<vmem_shared>>) dst(%arg8 : memref<128x128xf32, #tpu.memory_space<vmem>>)
      tpu.yield
    }) : () -> ()
    "tpu.region"() ({
      %run_scoped3A = tpu.sem_alloc : memref<!tpu.dma_semaphore, #tpu.memory_space<semaphore_mem>>
      %dma_start3A = arith.constant 0 : i32
      %dma_start3A_47 = tpu.memref_slice %arg5[%arg0, %add3A_34, %dma_start3A] : memref<2x10240x128xf32, #tpu.memory_space<hbm>> -> memref<1x128x128xf32, #tpu.memory_space<hbm>>
      %dma_start3A_48 = tpu.memref_squeeze %dma_start3A_47 : memref<1x128x128xf32, #tpu.memory_space<hbm>> -> memref<128x128xf32, #tpu.memory_space<hbm>>
      %dma_start3A_49 = arith.constant 0 : i32
      %dma_start3A_50 = tpu.memref_slice %arg5[%arg0, %add3A_34, %dma_start3A_49] : memref<2x10240x128xf32, #tpu.memory_space<hbm>> -> memref<1x128x128xf32, #tpu.memory_space<hbm>>
      %dma_start3A_51 = tpu.memref_squeeze %dma_start3A_50 : memref<1x128x128xf32, #tpu.memory_space<hbm>> -> memref<128x128xf32, #tpu.memory_space<hbm>>
      tpu.enqueue_dma source(%arg8 : memref<128x128xf32, #tpu.memory_space<vmem>>) target(%dma_start3A_51 : memref<128x128xf32, #tpu.memory_space<hbm>>) target_semaphore(%run_scoped3A : memref<!tpu.dma_semaphore, #tpu.memory_space<semaphore_mem>>)
      %dma_wait3A = arith.constant 0 : i32
      %dma_wait3A_52 = tpu.memref_slice %arg5[%arg0, %add3A_34, %dma_wait3A] : memref<2x10240x128xf32, #tpu.memory_space<hbm>> -> memref<1x128x128xf32, #tpu.memory_space<hbm>>
      %dma_wait3A_53 = tpu.memref_squeeze %dma_wait3A_52 : memref<1x128x128xf32, #tpu.memory_space<hbm>> -> memref<128x128xf32, #tpu.memory_space<hbm>>
      %dma_wait3A_54 = arith.constant 0 : i32
      %dma_wait3A_55 = tpu.memref_slice %arg5[%arg0, %add3A_34, %dma_wait3A_54] : memref<2x10240x128xf32, #tpu.memory_space<hbm>> -> memref<1x128x128xf32, #tpu.memory_space<hbm>>
      %dma_wait3A_56 = tpu.memref_squeeze %dma_wait3A_55 : memref<1x128x128xf32, #tpu.memory_space<hbm>> -> memref<128x128xf32, #tpu.memory_space<hbm>>
      tpu.wait_dma2 semaphore(%run_scoped3A : memref<!tpu.dma_semaphore, #tpu.memory_space<semaphore_mem>>) src(%arg8 : memref<128x128xf32, #tpu.memory_space<vmem>>) dst(%dma_wait3A_56 : memref<128x128xf32, #tpu.memory_space<hbm>>)
      tpu.yield
    }) : () -> ()
    %mul3A_35 = arith.constant 640 : i32
    %mul3A_36 = arith.muli %arg1, %mul3A_35 : i32
    %add3A_37 = arith.constant 256 : i32
    %add3A_38 = arith.addi %mul3A_36, %add3A_37 : i32
    "tpu.region"() ({
      %run_scoped3A = tpu.sem_alloc : memref<!tpu.dma_semaphore, #tpu.memory_space<semaphore_mem>>
      %dma_start3A = arith.constant 0 : i32
      %dma_start3A_47 = tpu.memref_slice %arg9[%add3A_38, %dma_start3A] : memref<10240x128xf32, #tpu.memory_space<vmem_shared>> -> memref<128x128xf32, #tpu.memory_space<vmem_shared>>
      %dma_start3A_48 = arith.constant 0 : i32
      %dma_start3A_49 = tpu.memref_slice %arg9[%add3A_38, %dma_start3A_48] : memref<10240x128xf32, #tpu.memory_space<vmem_shared>> -> memref<128x128xf32, #tpu.memory_space<vmem_shared>>
      tpu.enqueue_dma source(%dma_start3A_49 : memref<128x128xf32, #tpu.memory_space<vmem_shared>>) target(%arg8 : memref<128x128xf32, #tpu.memory_space<vmem>>) target_semaphore(%run_scoped3A : memref<!tpu.dma_semaphore, #tpu.memory_space<semaphore_mem>>)
      %dma_wait3A = arith.constant 0 : i32
      %dma_wait3A_50 = tpu.memref_slice %arg9[%add3A_38, %dma_wait3A] : memref<10240x128xf32, #tpu.memory_space<vmem_shared>> -> memref<128x128xf32, #tpu.memory_space<vmem_shared>>
      %dma_wait3A_51 = arith.constant 0 : i32
      %dma_wait3A_52 = tpu.memref_slice %arg9[%add3A_38, %dma_wait3A_51] : memref<10240x128xf32, #tpu.memory_space<vmem_shared>> -> memref<128x128xf32, #tpu.memory_space<vmem_shared>>
      tpu.wait_dma2 semaphore(%run_scoped3A : memref<!tpu.dma_semaphore, #tpu.memory_space<semaphore_mem>>) src(%dma_wait3A_52 : memref<128x128xf32, #tpu.memory_space<vmem_shared>>) dst(%arg8 : memref<128x128xf32, #tpu.memory_space<vmem>>)
      tpu.yield
    }) : () -> ()
    "tpu.region"() ({
      %run_scoped3A = tpu.sem_alloc : memref<!tpu.dma_semaphore, #tpu.memory_space<semaphore_mem>>
      %dma_start3A = arith.constant 0 : i32
      %dma_start3A_47 = tpu.memref_slice %arg5[%arg0, %add3A_38, %dma_start3A] : memref<2x10240x128xf32, #tpu.memory_space<hbm>> -> memref<1x128x128xf32, #tpu.memory_space<hbm>>
      %dma_start3A_48 = tpu.memref_squeeze %dma_start3A_47 : memref<1x128x128xf32, #tpu.memory_space<hbm>> -> memref<128x128xf32, #tpu.memory_space<hbm>>
      %dma_start3A_49 = arith.constant 0 : i32
      %dma_start3A_50 = tpu.memref_slice %arg5[%arg0, %add3A_38, %dma_start3A_49] : memref<2x10240x128xf32, #tpu.memory_space<hbm>> -> memref<1x128x128xf32, #tpu.memory_space<hbm>>
      %dma_start3A_51 = tpu.memref_squeeze %dma_start3A_50 : memref<1x128x128xf32, #tpu.memory_space<hbm>> -> memref<128x128xf32, #tpu.memory_space<hbm>>
      tpu.enqueue_dma source(%arg8 : memref<128x128xf32, #tpu.memory_space<vmem>>) target(%dma_start3A_51 : memref<128x128xf32, #tpu.memory_space<hbm>>) target_semaphore(%run_scoped3A : memref<!tpu.dma_semaphore, #tpu.memory_space<semaphore_mem>>)
      %dma_wait3A = arith.constant 0 : i32
      %dma_wait3A_52 = tpu.memref_slice %arg5[%arg0, %add3A_38, %dma_wait3A] : memref<2x10240x128xf32, #tpu.memory_space<hbm>> -> memref<1x128x128xf32, #tpu.memory_space<hbm>>
      %dma_wait3A_53 = tpu.memref_squeeze %dma_wait3A_52 : memref<1x128x128xf32, #tpu.memory_space<hbm>> -> memref<128x128xf32, #tpu.memory_space<hbm>>
      %dma_wait3A_54 = arith.constant 0 : i32
      %dma_wait3A_55 = tpu.memref_slice %arg5[%arg0, %add3A_38, %dma_wait3A_54] : memref<2x10240x128xf32, #tpu.memory_space<hbm>> -> memref<1x128x128xf32, #tpu.memory_space<hbm>>
      %dma_wait3A_56 = tpu.memref_squeeze %dma_wait3A_55 : memref<1x128x128xf32, #tpu.memory_space<hbm>> -> memref<128x128xf32, #tpu.memory_space<hbm>>
      tpu.wait_dma2 semaphore(%run_scoped3A : memref<!tpu.dma_semaphore, #tpu.memory_space<semaphore_mem>>) src(%arg8 : memref<128x128xf32, #tpu.memory_space<vmem>>) dst(%dma_wait3A_56 : memref<128x128xf32, #tpu.memory_space<hbm>>)
      tpu.yield
    }) : () -> ()
    %mul3A_39 = arith.constant 640 : i32
    %mul3A_40 = arith.muli %arg1, %mul3A_39 : i32
    %add3A_41 = arith.constant 384 : i32
    %add3A_42 = arith.addi %mul3A_40, %add3A_41 : i32
    "tpu.region"() ({
      %run_scoped3A = tpu.sem_alloc : memref<!tpu.dma_semaphore, #tpu.memory_space<semaphore_mem>>
      %dma_start3A = arith.constant 0 : i32
      %dma_start3A_47 = tpu.memref_slice %arg9[%add3A_42, %dma_start3A] : memref<10240x128xf32, #tpu.memory_space<vmem_shared>> -> memref<128x128xf32, #tpu.memory_space<vmem_shared>>
      %dma_start3A_48 = arith.constant 0 : i32
      %dma_start3A_49 = tpu.memref_slice %arg9[%add3A_42, %dma_start3A_48] : memref<10240x128xf32, #tpu.memory_space<vmem_shared>> -> memref<128x128xf32, #tpu.memory_space<vmem_shared>>
      tpu.enqueue_dma source(%dma_start3A_49 : memref<128x128xf32, #tpu.memory_space<vmem_shared>>) target(%arg8 : memref<128x128xf32, #tpu.memory_space<vmem>>) target_semaphore(%run_scoped3A : memref<!tpu.dma_semaphore, #tpu.memory_space<semaphore_mem>>)
      %dma_wait3A = arith.constant 0 : i32
      %dma_wait3A_50 = tpu.memref_slice %arg9[%add3A_42, %dma_wait3A] : memref<10240x128xf32, #tpu.memory_space<vmem_shared>> -> memref<128x128xf32, #tpu.memory_space<vmem_shared>>
      %dma_wait3A_51 = arith.constant 0 : i32
      %dma_wait3A_52 = tpu.memref_slice %arg9[%add3A_42, %dma_wait3A_51] : memref<10240x128xf32, #tpu.memory_space<vmem_shared>> -> memref<128x128xf32, #tpu.memory_space<vmem_shared>>
      tpu.wait_dma2 semaphore(%run_scoped3A : memref<!tpu.dma_semaphore, #tpu.memory_space<semaphore_mem>>) src(%dma_wait3A_52 : memref<128x128xf32, #tpu.memory_space<vmem_shared>>) dst(%arg8 : memref<128x128xf32, #tpu.memory_space<vmem>>)
      tpu.yield
    }) : () -> ()
    "tpu.region"() ({
      %run_scoped3A = tpu.sem_alloc : memref<!tpu.dma_semaphore, #tpu.memory_space<semaphore_mem>>
      %dma_start3A = arith.constant 0 : i32
      %dma_start3A_47 = tpu.memref_slice %arg5[%arg0, %add3A_42, %dma_start3A] : memref<2x10240x128xf32, #tpu.memory_space<hbm>> -> memref<1x128x128xf32, #tpu.memory_space<hbm>>
      %dma_start3A_48 = tpu.memref_squeeze %dma_start3A_47 : memref<1x128x128xf32, #tpu.memory_space<hbm>> -> memref<128x128xf32, #tpu.memory_space<hbm>>
      %dma_start3A_49 = arith.constant 0 : i32
      %dma_start3A_50 = tpu.memref_slice %arg5[%arg0, %add3A_42, %dma_start3A_49] : memref<2x10240x128xf32, #tpu.memory_space<hbm>> -> memref<1x128x128xf32, #tpu.memory_space<hbm>>
      %dma_start3A_51 = tpu.memref_squeeze %dma_start3A_50 : memref<1x128x128xf32, #tpu.memory_space<hbm>> -> memref<128x128xf32, #tpu.memory_space<hbm>>
      tpu.enqueue_dma source(%arg8 : memref<128x128xf32, #tpu.memory_space<vmem>>) target(%dma_start3A_51 : memref<128x128xf32, #tpu.memory_space<hbm>>) target_semaphore(%run_scoped3A : memref<!tpu.dma_semaphore, #tpu.memory_space<semaphore_mem>>)
      %dma_wait3A = arith.constant 0 : i32
      %dma_wait3A_52 = tpu.memref_slice %arg5[%arg0, %add3A_42, %dma_wait3A] : memref<2x10240x128xf32, #tpu.memory_space<hbm>> -> memref<1x128x128xf32, #tpu.memory_space<hbm>>
      %dma_wait3A_53 = tpu.memref_squeeze %dma_wait3A_52 : memref<1x128x128xf32, #tpu.memory_space<hbm>> -> memref<128x128xf32, #tpu.memory_space<hbm>>
      %dma_wait3A_54 = arith.constant 0 : i32
      %dma_wait3A_55 = tpu.memref_slice %arg5[%arg0, %add3A_42, %dma_wait3A_54] : memref<2x10240x128xf32, #tpu.memory_space<hbm>> -> memref<1x128x128xf32, #tpu.memory_space<hbm>>
      %dma_wait3A_56 = tpu.memref_squeeze %dma_wait3A_55 : memref<1x128x128xf32, #tpu.memory_space<hbm>> -> memref<128x128xf32, #tpu.memory_space<hbm>>
      tpu.wait_dma2 semaphore(%run_scoped3A : memref<!tpu.dma_semaphore, #tpu.memory_space<semaphore_mem>>) src(%arg8 : memref<128x128xf32, #tpu.memory_space<vmem>>) dst(%dma_wait3A_56 : memref<128x128xf32, #tpu.memory_space<hbm>>)
      tpu.yield
    }) : () -> ()
    %mul3A_43 = arith.constant 640 : i32
    %mul3A_44 = arith.muli %arg1, %mul3A_43 : i32
    %add3A_45 = arith.constant 512 : i32
    %add3A_46 = arith.addi %mul3A_44, %add3A_45 : i32
    "tpu.region"() ({
      %run_scoped3A = tpu.sem_alloc : memref<!tpu.dma_semaphore, #tpu.memory_space<semaphore_mem>>
      %dma_start3A = arith.constant 0 : i32
      %dma_start3A_47 = tpu.memref_slice %arg9[%add3A_46, %dma_start3A] : memref<10240x128xf32, #tpu.memory_space<vmem_shared>> -> memref<128x128xf32, #tpu.memory_space<vmem_shared>>
      %dma_start3A_48 = arith.constant 0 : i32
      %dma_start3A_49 = tpu.memref_slice %arg9[%add3A_46, %dma_start3A_48] : memref<10240x128xf32, #tpu.memory_space<vmem_shared>> -> memref<128x128xf32, #tpu.memory_space<vmem_shared>>
      tpu.enqueue_dma source(%dma_start3A_49 : memref<128x128xf32, #tpu.memory_space<vmem_shared>>) target(%arg8 : memref<128x128xf32, #tpu.memory_space<vmem>>) target_semaphore(%run_scoped3A : memref<!tpu.dma_semaphore, #tpu.memory_space<semaphore_mem>>)
      %dma_wait3A = arith.constant 0 : i32
      %dma_wait3A_50 = tpu.memref_slice %arg9[%add3A_46, %dma_wait3A] : memref<10240x128xf32, #tpu.memory_space<vmem_shared>> -> memref<128x128xf32, #tpu.memory_space<vmem_shared>>
      %dma_wait3A_51 = arith.constant 0 : i32
      %dma_wait3A_52 = tpu.memref_slice %arg9[%add3A_46, %dma_wait3A_51] : memref<10240x128xf32, #tpu.memory_space<vmem_shared>> -> memref<128x128xf32, #tpu.memory_space<vmem_shared>>
      tpu.wait_dma2 semaphore(%run_scoped3A : memref<!tpu.dma_semaphore, #tpu.memory_space<semaphore_mem>>) src(%dma_wait3A_52 : memref<128x128xf32, #tpu.memory_space<vmem_shared>>) dst(%arg8 : memref<128x128xf32, #tpu.memory_space<vmem>>)
      tpu.yield
    }) : () -> ()
    "tpu.region"() ({
      %run_scoped3A = tpu.sem_alloc : memref<!tpu.dma_semaphore, #tpu.memory_space<semaphore_mem>>
      %dma_start3A = arith.constant 0 : i32
      %dma_start3A_47 = tpu.memref_slice %arg5[%arg0, %add3A_46, %dma_start3A] : memref<2x10240x128xf32, #tpu.memory_space<hbm>> -> memref<1x128x128xf32, #tpu.memory_space<hbm>>
      %dma_start3A_48 = tpu.memref_squeeze %dma_start3A_47 : memref<1x128x128xf32, #tpu.memory_space<hbm>> -> memref<128x128xf32, #tpu.memory_space<hbm>>
      %dma_start3A_49 = arith.constant 0 : i32
      %dma_start3A_50 = tpu.memref_slice %arg5[%arg0, %add3A_46, %dma_start3A_49] : memref<2x10240x128xf32, #tpu.memory_space<hbm>> -> memref<1x128x128xf32, #tpu.memory_space<hbm>>
      %dma_start3A_51 = tpu.memref_squeeze %dma_start3A_50 : memref<1x128x128xf32, #tpu.memory_space<hbm>> -> memref<128x128xf32, #tpu.memory_space<hbm>>
      tpu.enqueue_dma source(%arg8 : memref<128x128xf32, #tpu.memory_space<vmem>>) target(%dma_start3A_51 : memref<128x128xf32, #tpu.memory_space<hbm>>) target_semaphore(%run_scoped3A : memref<!tpu.dma_semaphore, #tpu.memory_space<semaphore_mem>>)
      %dma_wait3A = arith.constant 0 : i32
      %dma_wait3A_52 = tpu.memref_slice %arg5[%arg0, %add3A_46, %dma_wait3A] : memref<2x10240x128xf32, #tpu.memory_space<hbm>> -> memref<1x128x128xf32, #tpu.memory_space<hbm>>
      %dma_wait3A_53 = tpu.memref_squeeze %dma_wait3A_52 : memref<1x128x128xf32, #tpu.memory_space<hbm>> -> memref<128x128xf32, #tpu.memory_space<hbm>>
      %dma_wait3A_54 = arith.constant 0 : i32
      %dma_wait3A_55 = tpu.memref_slice %arg5[%arg0, %add3A_46, %dma_wait3A_54] : memref<2x10240x128xf32, #tpu.memory_space<hbm>> -> memref<1x128x128xf32, #tpu.memory_space<hbm>>
      %dma_wait3A_56 = tpu.memref_squeeze %dma_wait3A_55 : memref<1x128x128xf32, #tpu.memory_space<hbm>> -> memref<128x128xf32, #tpu.memory_space<hbm>>
      tpu.wait_dma2 semaphore(%run_scoped3A : memref<!tpu.dma_semaphore, #tpu.memory_space<semaphore_mem>>) src(%arg8 : memref<128x128xf32, #tpu.memory_space<vmem>>) dst(%dma_wait3A_56 : memref<128x128xf32, #tpu.memory_space<hbm>>)
      tpu.yield
    }) : () -> ()
    return
  }
}

#map = affine_map<(d0, d1) -> (0, 0)>
#map1 = affine_map<(d0, d1) -> (0, 0, 0)>
module attributes {stable_mosaic.version = 14 : i64} {
  func.func @k(%arg0: i32, %arg1: i32, %arg2: memref<10000x128xf32, #tpu.memory_space<hbm>>, %arg3: memref<32x40x128xi32, #tpu.memory_space<hbm>>, %arg4: memref<32x40x128xi32, #tpu.memory_space<hbm>>, %arg5: memref<128x128xf32, #tpu.memory_space<hbm>>, %arg6: memref<2x10240x128xf32, #tpu.memory_space<hbm>>, %arg7: memref<40x128xi32, #tpu.memory_space<vmem>>, %arg8: memref<40x128xi32, #tpu.memory_space<vmem>>, %arg9: memref<128x128xf32, #tpu.memory_space<vmem>>, %arg10: memref<10240x128xf32, #tpu.memory_space<vmem_shared>>, %arg11: memref<!tpu.dma_semaphore, #tpu.memory_space<semaphore_mem>>) attributes {dimension_semantics = [#tpu.dimension_semantics<core_parallel>, #tpu.dimension_semantics<subcore_parallel>], iteration_bounds = array<i64: 2, 16>, scalar_prefetch = 0 : i64, scratch_operands = 5 : i64, tpu.core_type = #tpu.core_type<sc_vector_subcore>, window_params = [{transform_indices = #map}, {transform_indices = #map1}, {transform_indices = #map1}, {transform_indices = #map}, {transform_indices = #map1}]} {
    %mul3A = arith.constant 16 : i32
    %mul3A_0 = arith.muli %arg0, %mul3A : i32
    %add3A = arith.addi %mul3A_0, %arg1 : i32
    "tpu.region"() ({
      %run_scoped3A = tpu.sem_alloc : memref<!tpu.dma_semaphore, #tpu.memory_space<semaphore_mem>>
      %dma_start3A = arith.constant 0 : i32
      %dma_start3A_47 = arith.constant 0 : i32
      %dma_start3A_48 = tpu.memref_slice %arg3[%add3A, %dma_start3A, %dma_start3A_47] : memref<32x40x128xi32, #tpu.memory_space<hbm>> -> memref<1x40x128xi32, #tpu.memory_space<hbm>>
      %dma_start3A_49 = tpu.memref_squeeze %dma_start3A_48 : memref<1x40x128xi32, #tpu.memory_space<hbm>> -> memref<40x128xi32, #tpu.memory_space<hbm>>
      %dma_start3A_50 = arith.constant 0 : i32
      %dma_start3A_51 = arith.constant 0 : i32
      %dma_start3A_52 = tpu.memref_slice %arg3[%add3A, %dma_start3A_50, %dma_start3A_51] : memref<32x40x128xi32, #tpu.memory_space<hbm>> -> memref<1x40x128xi32, #tpu.memory_space<hbm>>
      %dma_start3A_53 = tpu.memref_squeeze %dma_start3A_52 : memref<1x40x128xi32, #tpu.memory_space<hbm>> -> memref<40x128xi32, #tpu.memory_space<hbm>>
      tpu.enqueue_dma source(%dma_start3A_53 : memref<40x128xi32, #tpu.memory_space<hbm>>) target(%arg7 : memref<40x128xi32, #tpu.memory_space<vmem>>) target_semaphore(%run_scoped3A : memref<!tpu.dma_semaphore, #tpu.memory_space<semaphore_mem>>)
      %dma_wait3A = arith.constant 0 : i32
      %dma_wait3A_54 = arith.constant 0 : i32
      %dma_wait3A_55 = tpu.memref_slice %arg3[%add3A, %dma_wait3A, %dma_wait3A_54] : memref<32x40x128xi32, #tpu.memory_space<hbm>> -> memref<1x40x128xi32, #tpu.memory_space<hbm>>
      %dma_wait3A_56 = tpu.memref_squeeze %dma_wait3A_55 : memref<1x40x128xi32, #tpu.memory_space<hbm>> -> memref<40x128xi32, #tpu.memory_space<hbm>>
      %dma_wait3A_57 = arith.constant 0 : i32
      %dma_wait3A_58 = arith.constant 0 : i32
      %dma_wait3A_59 = tpu.memref_slice %arg3[%add3A, %dma_wait3A_57, %dma_wait3A_58] : memref<32x40x128xi32, #tpu.memory_space<hbm>> -> memref<1x40x128xi32, #tpu.memory_space<hbm>>
      %dma_wait3A_60 = tpu.memref_squeeze %dma_wait3A_59 : memref<1x40x128xi32, #tpu.memory_space<hbm>> -> memref<40x128xi32, #tpu.memory_space<hbm>>
      tpu.wait_dma2 semaphore(%run_scoped3A : memref<!tpu.dma_semaphore, #tpu.memory_space<semaphore_mem>>) src(%dma_wait3A_60 : memref<40x128xi32, #tpu.memory_space<hbm>>) dst(%arg7 : memref<40x128xi32, #tpu.memory_space<vmem>>)
      tpu.yield
    }) : () -> ()
    "tpu.region"() ({
      %run_scoped3A = tpu.sem_alloc : memref<!tpu.dma_semaphore, #tpu.memory_space<semaphore_mem>>
      %dma_start3A = arith.constant 0 : i32
      %dma_start3A_47 = arith.constant 0 : i32
      %dma_start3A_48 = tpu.memref_slice %arg4[%add3A, %dma_start3A, %dma_start3A_47] : memref<32x40x128xi32, #tpu.memory_space<hbm>> -> memref<1x40x128xi32, #tpu.memory_space<hbm>>
      %dma_start3A_49 = tpu.memref_squeeze %dma_start3A_48 : memref<1x40x128xi32, #tpu.memory_space<hbm>> -> memref<40x128xi32, #tpu.memory_space<hbm>>
      %dma_start3A_50 = arith.constant 0 : i32
      %dma_start3A_51 = arith.constant 0 : i32
      %dma_start3A_52 = tpu.memref_slice %arg4[%add3A, %dma_start3A_50, %dma_start3A_51] : memref<32x40x128xi32, #tpu.memory_space<hbm>> -> memref<1x40x128xi32, #tpu.memory_space<hbm>>
      %dma_start3A_53 = tpu.memref_squeeze %dma_start3A_52 : memref<1x40x128xi32, #tpu.memory_space<hbm>> -> memref<40x128xi32, #tpu.memory_space<hbm>>
      tpu.enqueue_dma source(%dma_start3A_53 : memref<40x128xi32, #tpu.memory_space<hbm>>) target(%arg8 : memref<40x128xi32, #tpu.memory_space<vmem>>) target_semaphore(%run_scoped3A : memref<!tpu.dma_semaphore, #tpu.memory_space<semaphore_mem>>)
      %dma_wait3A = arith.constant 0 : i32
      %dma_wait3A_54 = arith.constant 0 : i32
      %dma_wait3A_55 = tpu.memref_slice %arg4[%add3A, %dma_wait3A, %dma_wait3A_54] : memref<32x40x128xi32, #tpu.memory_space<hbm>> -> memref<1x40x128xi32, #tpu.memory_space<hbm>>
      %dma_wait3A_56 = tpu.memref_squeeze %dma_wait3A_55 : memref<1x40x128xi32, #tpu.memory_space<hbm>> -> memref<40x128xi32, #tpu.memory_space<hbm>>
      %dma_wait3A_57 = arith.constant 0 : i32
      %dma_wait3A_58 = arith.constant 0 : i32
      %dma_wait3A_59 = tpu.memref_slice %arg4[%add3A, %dma_wait3A_57, %dma_wait3A_58] : memref<32x40x128xi32, #tpu.memory_space<hbm>> -> memref<1x40x128xi32, #tpu.memory_space<hbm>>
      %dma_wait3A_60 = tpu.memref_squeeze %dma_wait3A_59 : memref<1x40x128xi32, #tpu.memory_space<hbm>> -> memref<40x128xi32, #tpu.memory_space<hbm>>
      tpu.wait_dma2 semaphore(%run_scoped3A : memref<!tpu.dma_semaphore, #tpu.memory_space<semaphore_mem>>) src(%dma_wait3A_60 : memref<40x128xi32, #tpu.memory_space<hbm>>) dst(%arg8 : memref<40x128xi32, #tpu.memory_space<vmem>>)
      tpu.yield
    }) : () -> ()
    "tpu.region"() ({
      %run_scoped3A = tpu.sem_alloc : memref<!tpu.dma_semaphore, #tpu.memory_space<semaphore_mem>>
      tpu.enqueue_dma source(%arg5 : memref<128x128xf32, #tpu.memory_space<hbm>>) target(%arg9 : memref<128x128xf32, #tpu.memory_space<vmem>>) target_semaphore(%run_scoped3A : memref<!tpu.dma_semaphore, #tpu.memory_space<semaphore_mem>>)
      tpu.wait_dma2 semaphore(%run_scoped3A : memref<!tpu.dma_semaphore, #tpu.memory_space<semaphore_mem>>) src(%arg5 : memref<128x128xf32, #tpu.memory_space<hbm>>) dst(%arg9 : memref<128x128xf32, #tpu.memory_space<vmem>>)
      tpu.yield
    }) : () -> ()
    %mul3A_1 = arith.constant 640 : i32
    %mul3A_2 = arith.muli %arg1, %mul3A_1 : i32
    %add3A_3 = arith.constant 0 : i32
    %add3A_4 = arith.addi %mul3A_2, %add3A_3 : i32
    "tpu.region"() ({
      %run_scoped3A = tpu.sem_alloc : memref<!tpu.dma_semaphore, #tpu.memory_space<semaphore_mem>>
      %dma_start3A = arith.constant 0 : i32
      %dma_start3A_47 = tpu.memref_slice %arg10[%add3A_4, %dma_start3A] : memref<10240x128xf32, #tpu.memory_space<vmem_shared>> -> memref<128x128xf32, #tpu.memory_space<vmem_shared>>
      %dma_start3A_48 = arith.constant 0 : i32
      %dma_start3A_49 = tpu.memref_slice %arg10[%add3A_4, %dma_start3A_48] : memref<10240x128xf32, #tpu.memory_space<vmem_shared>> -> memref<128x128xf32, #tpu.memory_space<vmem_shared>>
      tpu.enqueue_dma source(%arg9 : memref<128x128xf32, #tpu.memory_space<vmem>>) target(%dma_start3A_49 : memref<128x128xf32, #tpu.memory_space<vmem_shared>>) target_semaphore(%run_scoped3A : memref<!tpu.dma_semaphore, #tpu.memory_space<semaphore_mem>>)
      %dma_wait3A = arith.constant 0 : i32
      %dma_wait3A_50 = tpu.memref_slice %arg10[%add3A_4, %dma_wait3A] : memref<10240x128xf32, #tpu.memory_space<vmem_shared>> -> memref<128x128xf32, #tpu.memory_space<vmem_shared>>
      %dma_wait3A_51 = arith.constant 0 : i32
      %dma_wait3A_52 = tpu.memref_slice %arg10[%add3A_4, %dma_wait3A_51] : memref<10240x128xf32, #tpu.memory_space<vmem_shared>> -> memref<128x128xf32, #tpu.memory_space<vmem_shared>>
      tpu.wait_dma2 semaphore(%run_scoped3A : memref<!tpu.dma_semaphore, #tpu.memory_space<semaphore_mem>>) src(%arg9 : memref<128x128xf32, #tpu.memory_space<vmem>>) dst(%dma_wait3A_52 : memref<128x128xf32, #tpu.memory_space<vmem_shared>>)
      tpu.yield
    }) : () -> ()
    %mul3A_5 = arith.constant 640 : i32
    %mul3A_6 = arith.muli %arg1, %mul3A_5 : i32
    %add3A_7 = arith.constant 128 : i32
    %add3A_8 = arith.addi %mul3A_6, %add3A_7 : i32
    "tpu.region"() ({
      %run_scoped3A = tpu.sem_alloc : memref<!tpu.dma_semaphore, #tpu.memory_space<semaphore_mem>>
      %dma_start3A = arith.constant 0 : i32
      %dma_start3A_47 = tpu.memref_slice %arg10[%add3A_8, %dma_start3A] : memref<10240x128xf32, #tpu.memory_space<vmem_shared>> -> memref<128x128xf32, #tpu.memory_space<vmem_shared>>
      %dma_start3A_48 = arith.constant 0 : i32
      %dma_start3A_49 = tpu.memref_slice %arg10[%add3A_8, %dma_start3A_48] : memref<10240x128xf32, #tpu.memory_space<vmem_shared>> -> memref<128x128xf32, #tpu.memory_space<vmem_shared>>
      tpu.enqueue_dma source(%arg9 : memref<128x128xf32, #tpu.memory_space<vmem>>) target(%dma_start3A_49 : memref<128x128xf32, #tpu.memory_space<vmem_shared>>) target_semaphore(%run_scoped3A : memref<!tpu.dma_semaphore, #tpu.memory_space<semaphore_mem>>)
      %dma_wait3A = arith.constant 0 : i32
      %dma_wait3A_50 = tpu.memref_slice %arg10[%add3A_8, %dma_wait3A] : memref<10240x128xf32, #tpu.memory_space<vmem_shared>> -> memref<128x128xf32, #tpu.memory_space<vmem_shared>>
      %dma_wait3A_51 = arith.constant 0 : i32
      %dma_wait3A_52 = tpu.memref_slice %arg10[%add3A_8, %dma_wait3A_51] : memref<10240x128xf32, #tpu.memory_space<vmem_shared>> -> memref<128x128xf32, #tpu.memory_space<vmem_shared>>
      tpu.wait_dma2 semaphore(%run_scoped3A : memref<!tpu.dma_semaphore, #tpu.memory_space<semaphore_mem>>) src(%arg9 : memref<128x128xf32, #tpu.memory_space<vmem>>) dst(%dma_wait3A_52 : memref<128x128xf32, #tpu.memory_space<vmem_shared>>)
      tpu.yield
    }) : () -> ()
    %mul3A_9 = arith.constant 640 : i32
    %mul3A_10 = arith.muli %arg1, %mul3A_9 : i32
    %add3A_11 = arith.constant 256 : i32
    %add3A_12 = arith.addi %mul3A_10, %add3A_11 : i32
    "tpu.region"() ({
      %run_scoped3A = tpu.sem_alloc : memref<!tpu.dma_semaphore, #tpu.memory_space<semaphore_mem>>
      %dma_start3A = arith.constant 0 : i32
      %dma_start3A_47 = tpu.memref_slice %arg10[%add3A_12, %dma_start3A] : memref<10240x128xf32, #tpu.memory_space<vmem_shared>> -> memref<128x128xf32, #tpu.memory_space<vmem_shared>>
      %dma_start3A_48 = arith.constant 0 : i32
      %dma_start3A_49 = tpu.memref_slice %arg10[%add3A_12, %dma_start3A_48] : memref<10240x128xf32, #tpu.memory_space<vmem_shared>> -> memref<128x128xf32, #tpu.memory_space<vmem_shared>>
      tpu.enqueue_dma source(%arg9 : memref<128x128xf32, #tpu.memory_space<vmem>>) target(%dma_start3A_49 : memref<128x128xf32, #tpu.memory_space<vmem_shared>>) target_semaphore(%run_scoped3A : memref<!tpu.dma_semaphore, #tpu.memory_space<semaphore_mem>>)
      %dma_wait3A = arith.constant 0 : i32
      %dma_wait3A_50 = tpu.memref_slice %arg10[%add3A_12, %dma_wait3A] : memref<10240x128xf32, #tpu.memory_space<vmem_shared>> -> memref<128x128xf32, #tpu.memory_space<vmem_shared>>
      %dma_wait3A_51 = arith.constant 0 : i32
      %dma_wait3A_52 = tpu.memref_slice %arg10[%add3A_12, %dma_wait3A_51] : memref<10240x128xf32, #tpu.memory_space<vmem_shared>> -> memref<128x128xf32, #tpu.memory_space<vmem_shared>>
      tpu.wait_dma2 semaphore(%run_scoped3A : memref<!tpu.dma_semaphore, #tpu.memory_space<semaphore_mem>>) src(%arg9 : memref<128x128xf32, #tpu.memory_space<vmem>>) dst(%dma_wait3A_52 : memref<128x128xf32, #tpu.memory_space<vmem_shared>>)
      tpu.yield
    }) : () -> ()
    %mul3A_13 = arith.constant 640 : i32
    %mul3A_14 = arith.muli %arg1, %mul3A_13 : i32
    %add3A_15 = arith.constant 384 : i32
    %add3A_16 = arith.addi %mul3A_14, %add3A_15 : i32
    "tpu.region"() ({
      %run_scoped3A = tpu.sem_alloc : memref<!tpu.dma_semaphore, #tpu.memory_space<semaphore_mem>>
      %dma_start3A = arith.constant 0 : i32
      %dma_start3A_47 = tpu.memref_slice %arg10[%add3A_16, %dma_start3A] : memref<10240x128xf32, #tpu.memory_space<vmem_shared>> -> memref<128x128xf32, #tpu.memory_space<vmem_shared>>
      %dma_start3A_48 = arith.constant 0 : i32
      %dma_start3A_49 = tpu.memref_slice %arg10[%add3A_16, %dma_start3A_48] : memref<10240x128xf32, #tpu.memory_space<vmem_shared>> -> memref<128x128xf32, #tpu.memory_space<vmem_shared>>
      tpu.enqueue_dma source(%arg9 : memref<128x128xf32, #tpu.memory_space<vmem>>) target(%dma_start3A_49 : memref<128x128xf32, #tpu.memory_space<vmem_shared>>) target_semaphore(%run_scoped3A : memref<!tpu.dma_semaphore, #tpu.memory_space<semaphore_mem>>)
      %dma_wait3A = arith.constant 0 : i32
      %dma_wait3A_50 = tpu.memref_slice %arg10[%add3A_16, %dma_wait3A] : memref<10240x128xf32, #tpu.memory_space<vmem_shared>> -> memref<128x128xf32, #tpu.memory_space<vmem_shared>>
      %dma_wait3A_51 = arith.constant 0 : i32
      %dma_wait3A_52 = tpu.memref_slice %arg10[%add3A_16, %dma_wait3A_51] : memref<10240x128xf32, #tpu.memory_space<vmem_shared>> -> memref<128x128xf32, #tpu.memory_space<vmem_shared>>
      tpu.wait_dma2 semaphore(%run_scoped3A : memref<!tpu.dma_semaphore, #tpu.memory_space<semaphore_mem>>) src(%arg9 : memref<128x128xf32, #tpu.memory_space<vmem>>) dst(%dma_wait3A_52 : memref<128x128xf32, #tpu.memory_space<vmem_shared>>)
      tpu.yield
    }) : () -> ()
    %mul3A_17 = arith.constant 640 : i32
    %mul3A_18 = arith.muli %arg1, %mul3A_17 : i32
    %add3A_19 = arith.constant 512 : i32
    %add3A_20 = arith.addi %mul3A_18, %add3A_19 : i32
    "tpu.region"() ({
      %run_scoped3A = tpu.sem_alloc : memref<!tpu.dma_semaphore, #tpu.memory_space<semaphore_mem>>
      %dma_start3A = arith.constant 0 : i32
      %dma_start3A_47 = tpu.memref_slice %arg10[%add3A_20, %dma_start3A] : memref<10240x128xf32, #tpu.memory_space<vmem_shared>> -> memref<128x128xf32, #tpu.memory_space<vmem_shared>>
      %dma_start3A_48 = arith.constant 0 : i32
      %dma_start3A_49 = tpu.memref_slice %arg10[%add3A_20, %dma_start3A_48] : memref<10240x128xf32, #tpu.memory_space<vmem_shared>> -> memref<128x128xf32, #tpu.memory_space<vmem_shared>>
      tpu.enqueue_dma source(%arg9 : memref<128x128xf32, #tpu.memory_space<vmem>>) target(%dma_start3A_49 : memref<128x128xf32, #tpu.memory_space<vmem_shared>>) target_semaphore(%run_scoped3A : memref<!tpu.dma_semaphore, #tpu.memory_space<semaphore_mem>>)
      %dma_wait3A = arith.constant 0 : i32
      %dma_wait3A_50 = tpu.memref_slice %arg10[%add3A_20, %dma_wait3A] : memref<10240x128xf32, #tpu.memory_space<vmem_shared>> -> memref<128x128xf32, #tpu.memory_space<vmem_shared>>
      %dma_wait3A_51 = arith.constant 0 : i32
      %dma_wait3A_52 = tpu.memref_slice %arg10[%add3A_20, %dma_wait3A_51] : memref<10240x128xf32, #tpu.memory_space<vmem_shared>> -> memref<128x128xf32, #tpu.memory_space<vmem_shared>>
      tpu.wait_dma2 semaphore(%run_scoped3A : memref<!tpu.dma_semaphore, #tpu.memory_space<semaphore_mem>>) src(%arg9 : memref<128x128xf32, #tpu.memory_space<vmem>>) dst(%dma_wait3A_52 : memref<128x128xf32, #tpu.memory_space<vmem_shared>>)
      tpu.yield
    }) : () -> ()
    %barrier3A = arith.constant 0 : index
    tpu.barrier barrier_id(%barrier3A)
    %scan3A = arith.constant 0 : i32
    %scan3A_21 = arith.constant 0 : i32
    %scan3A_22 = arith.constant 40 : i32
    %scan3A_23 = arith.addi %scan3A_21, %scan3A_22 : i32
    %scan3A_24 = arith.constant 1 : i32
    scf.for %scan3A_47 = %scan3A_21 to %scan3A_23 step %scan3A_24  : i32 {
      %dma_start3A = arith.constant 0 : i32
      %dma_start3A_48 = tpu.memref_slice %arg7[%scan3A_47, %dma_start3A] : memref<40x128xi32, #tpu.memory_space<vmem>> -> memref<1x128xi32, #tpu.memory_space<vmem>>
      %dma_start3A_49 = tpu.memref_squeeze %dma_start3A_48 : memref<1x128xi32, #tpu.memory_space<vmem>> -> memref<128xi32, #tpu.memory_space<vmem>>
      %dma_start3A_50 = arith.constant 0 : i32
      %dma_start3A_51 = arith.constant 0 : i32
      %dma_start3A_52 = tpu.memref_slice %arg2[%dma_start3A_50, %dma_start3A_51] : memref<10000x128xf32, #tpu.memory_space<hbm>> -> memref<10000x128xf32, #tpu.memory_space<hbm>>
      tpu.enqueue_indirect_dma source(%dma_start3A_52 : memref<10000x128xf32, #tpu.memory_space<hbm>>) target(%arg9 : memref<128x128xf32, #tpu.memory_space<vmem>>) offsets(%dma_start3A_49 : memref<128xi32, #tpu.memory_space<vmem>>) semaphore(%arg11 : memref<!tpu.dma_semaphore, #tpu.memory_space<semaphore_mem>>)
      %dma_wait3A = arith.constant 0 : i32
      %dma_wait3A_53 = tpu.memref_slice %arg7[%scan3A_47, %dma_wait3A] : memref<40x128xi32, #tpu.memory_space<vmem>> -> memref<1x128xi32, #tpu.memory_space<vmem>>
      %dma_wait3A_54 = tpu.memref_squeeze %dma_wait3A_53 : memref<1x128xi32, #tpu.memory_space<vmem>> -> memref<128xi32, #tpu.memory_space<vmem>>
      %dma_wait3A_55 = arith.constant 0 : i32
      %dma_wait3A_56 = arith.constant 0 : i32
      %dma_wait3A_57 = tpu.memref_slice %arg2[%dma_wait3A_55, %dma_wait3A_56] : memref<10000x128xf32, #tpu.memory_space<hbm>> -> memref<10000x128xf32, #tpu.memory_space<hbm>>
      tpu.wait_indirect_dma semaphore(%arg11 : memref<!tpu.dma_semaphore, #tpu.memory_space<semaphore_mem>>) src(%dma_wait3A_57 : memref<10000x128xf32, #tpu.memory_space<hbm>>) dst(%arg9 : memref<128x128xf32, #tpu.memory_space<vmem>>)
      "tpu.region"() ({
        %run_scoped3A = tpu.sem_alloc : memref<!tpu.dma_semaphore, #tpu.memory_space<semaphore_mem>>
        %dma_start3A_58 = arith.constant 0 : i32
        %dma_start3A_59 = tpu.memref_slice %arg8[%scan3A_47, %dma_start3A_58] : memref<40x128xi32, #tpu.memory_space<vmem>> -> memref<1x128xi32, #tpu.memory_space<vmem>>
        %dma_start3A_60 = tpu.memref_squeeze %dma_start3A_59 : memref<1x128xi32, #tpu.memory_space<vmem>> -> memref<128xi32, #tpu.memory_space<vmem>>
        %dma_start3A_61 = arith.constant 0 : i32
        %dma_start3A_62 = arith.constant 0 : i32
        %dma_start3A_63 = tpu.memref_slice %arg10[%dma_start3A_61, %dma_start3A_62] : memref<10240x128xf32, #tpu.memory_space<vmem_shared>> -> memref<10240x128xf32, #tpu.memory_space<vmem_shared>>
        tpu.enqueue_indirect_dma source(%arg9 : memref<128x128xf32, #tpu.memory_space<vmem>>) target(%dma_start3A_63 : memref<10240x128xf32, #tpu.memory_space<vmem_shared>>) offsets(%dma_start3A_60 : memref<128xi32, #tpu.memory_space<vmem>>) semaphore(%run_scoped3A : memref<!tpu.dma_semaphore, #tpu.memory_space<semaphore_mem>>) {add = true}
        %dma_wait3A_64 = arith.constant 0 : i32
        %dma_wait3A_65 = tpu.memref_slice %arg8[%scan3A_47, %dma_wait3A_64] : memref<40x128xi32, #tpu.memory_space<vmem>> -> memref<1x128xi32, #tpu.memory_space<vmem>>
        %dma_wait3A_66 = tpu.memref_squeeze %dma_wait3A_65 : memref<1x128xi32, #tpu.memory_space<vmem>> -> memref<128xi32, #tpu.memory_space<vmem>>
        %dma_wait3A_67 = arith.constant 0 : i32
        %dma_wait3A_68 = arith.constant 0 : i32
        %dma_wait3A_69 = tpu.memref_slice %arg10[%dma_wait3A_67, %dma_wait3A_68] : memref<10240x128xf32, #tpu.memory_space<vmem_shared>> -> memref<10240x128xf32, #tpu.memory_space<vmem_shared>>
        tpu.wait_indirect_dma semaphore(%run_scoped3A : memref<!tpu.dma_semaphore, #tpu.memory_space<semaphore_mem>>) src(%arg9 : memref<128x128xf32, #tpu.memory_space<vmem>>) dst(%dma_wait3A_69 : memref<10240x128xf32, #tpu.memory_space<vmem_shared>>)
        tpu.yield
      }) : () -> ()
    }
    %scan3A_25 = arith.constant 40 : i32
    %barrier3A_26 = arith.constant 0 : index
    tpu.barrier barrier_id(%barrier3A_26)
    %mul3A_27 = arith.constant 640 : i32
    %mul3A_28 = arith.muli %arg1, %mul3A_27 : i32
    %add3A_29 = arith.constant 0 : i32
    %add3A_30 = arith.addi %mul3A_28, %add3A_29 : i32
    "tpu.region"() ({
      %run_scoped3A = tpu.sem_alloc : memref<!tpu.dma_semaphore, #tpu.memory_space<semaphore_mem>>
      %dma_start3A = arith.constant 0 : i32
      %dma_start3A_47 = tpu.memref_slice %arg10[%add3A_30, %dma_start3A] : memref<10240x128xf32, #tpu.memory_space<vmem_shared>> -> memref<128x128xf32, #tpu.memory_space<vmem_shared>>
      %dma_start3A_48 = arith.constant 0 : i32
      %dma_start3A_49 = tpu.memref_slice %arg10[%add3A_30, %dma_start3A_48] : memref<10240x128xf32, #tpu.memory_space<vmem_shared>> -> memref<128x128xf32, #tpu.memory_space<vmem_shared>>
      tpu.enqueue_dma source(%dma_start3A_49 : memref<128x128xf32, #tpu.memory_space<vmem_shared>>) target(%arg9 : memref<128x128xf32, #tpu.memory_space<vmem>>) target_semaphore(%run_scoped3A : memref<!tpu.dma_semaphore, #tpu.memory_space<semaphore_mem>>)
      %dma_wait3A = arith.constant 0 : i32
      %dma_wait3A_50 = tpu.memref_slice %arg10[%add3A_30, %dma_wait3A] : memref<10240x128xf32, #tpu.memory_space<vmem_shared>> -> memref<128x128xf32, #tpu.memory_space<vmem_shared>>
      %dma_wait3A_51 = arith.constant 0 : i32
      %dma_wait3A_52 = tpu.memref_slice %arg10[%add3A_30, %dma_wait3A_51] : memref<10240x128xf32, #tpu.memory_space<vmem_shared>> -> memref<128x128xf32, #tpu.memory_space<vmem_shared>>
      tpu.wait_dma2 semaphore(%run_scoped3A : memref<!tpu.dma_semaphore, #tpu.memory_space<semaphore_mem>>) src(%dma_wait3A_52 : memref<128x128xf32, #tpu.memory_space<vmem_shared>>) dst(%arg9 : memref<128x128xf32, #tpu.memory_space<vmem>>)
      tpu.yield
    }) : () -> ()
    "tpu.region"() ({
      %run_scoped3A = tpu.sem_alloc : memref<!tpu.dma_semaphore, #tpu.memory_space<semaphore_mem>>
      %dma_start3A = arith.constant 0 : i32
      %dma_start3A_47 = tpu.memref_slice %arg6[%arg0, %add3A_30, %dma_start3A] : memref<2x10240x128xf32, #tpu.memory_space<hbm>> -> memref<1x128x128xf32, #tpu.memory_space<hbm>>
      %dma_start3A_48 = tpu.memref_squeeze %dma_start3A_47 : memref<1x128x128xf32, #tpu.memory_space<hbm>> -> memref<128x128xf32, #tpu.memory_space<hbm>>
      %dma_start3A_49 = arith.constant 0 : i32
      %dma_start3A_50 = tpu.memref_slice %arg6[%arg0, %add3A_30, %dma_start3A_49] : memref<2x10240x128xf32, #tpu.memory_space<hbm>> -> memref<1x128x128xf32, #tpu.memory_space<hbm>>
      %dma_start3A_51 = tpu.memref_squeeze %dma_start3A_50 : memref<1x128x128xf32, #tpu.memory_space<hbm>> -> memref<128x128xf32, #tpu.memory_space<hbm>>
      tpu.enqueue_dma source(%arg9 : memref<128x128xf32, #tpu.memory_space<vmem>>) target(%dma_start3A_51 : memref<128x128xf32, #tpu.memory_space<hbm>>) target_semaphore(%run_scoped3A : memref<!tpu.dma_semaphore, #tpu.memory_space<semaphore_mem>>)
      %dma_wait3A = arith.constant 0 : i32
      %dma_wait3A_52 = tpu.memref_slice %arg6[%arg0, %add3A_30, %dma_wait3A] : memref<2x10240x128xf32, #tpu.memory_space<hbm>> -> memref<1x128x128xf32, #tpu.memory_space<hbm>>
      %dma_wait3A_53 = tpu.memref_squeeze %dma_wait3A_52 : memref<1x128x128xf32, #tpu.memory_space<hbm>> -> memref<128x128xf32, #tpu.memory_space<hbm>>
      %dma_wait3A_54 = arith.constant 0 : i32
      %dma_wait3A_55 = tpu.memref_slice %arg6[%arg0, %add3A_30, %dma_wait3A_54] : memref<2x10240x128xf32, #tpu.memory_space<hbm>> -> memref<1x128x128xf32, #tpu.memory_space<hbm>>
      %dma_wait3A_56 = tpu.memref_squeeze %dma_wait3A_55 : memref<1x128x128xf32, #tpu.memory_space<hbm>> -> memref<128x128xf32, #tpu.memory_space<hbm>>
      tpu.wait_dma2 semaphore(%run_scoped3A : memref<!tpu.dma_semaphore, #tpu.memory_space<semaphore_mem>>) src(%arg9 : memref<128x128xf32, #tpu.memory_space<vmem>>) dst(%dma_wait3A_56 : memref<128x128xf32, #tpu.memory_space<hbm>>)
      tpu.yield
    }) : () -> ()
    %mul3A_31 = arith.constant 640 : i32
    %mul3A_32 = arith.muli %arg1, %mul3A_31 : i32
    %add3A_33 = arith.constant 128 : i32
    %add3A_34 = arith.addi %mul3A_32, %add3A_33 : i32
    "tpu.region"() ({
      %run_scoped3A = tpu.sem_alloc : memref<!tpu.dma_semaphore, #tpu.memory_space<semaphore_mem>>
      %dma_start3A = arith.constant 0 : i32
      %dma_start3A_47 = tpu.memref_slice %arg10[%add3A_34, %dma_start3A] : memref<10240x128xf32, #tpu.memory_space<vmem_shared>> -> memref<128x128xf32, #tpu.memory_space<vmem_shared>>
      %dma_start3A_48 = arith.constant 0 : i32
      %dma_start3A_49 = tpu.memref_slice %arg10[%add3A_34, %dma_start3A_48] : memref<10240x128xf32, #tpu.memory_space<vmem_shared>> -> memref<128x128xf32, #tpu.memory_space<vmem_shared>>
      tpu.enqueue_dma source(%dma_start3A_49 : memref<128x128xf32, #tpu.memory_space<vmem_shared>>) target(%arg9 : memref<128x128xf32, #tpu.memory_space<vmem>>) target_semaphore(%run_scoped3A : memref<!tpu.dma_semaphore, #tpu.memory_space<semaphore_mem>>)
      %dma_wait3A = arith.constant 0 : i32
      %dma_wait3A_50 = tpu.memref_slice %arg10[%add3A_34, %dma_wait3A] : memref<10240x128xf32, #tpu.memory_space<vmem_shared>> -> memref<128x128xf32, #tpu.memory_space<vmem_shared>>
      %dma_wait3A_51 = arith.constant 0 : i32
      %dma_wait3A_52 = tpu.memref_slice %arg10[%add3A_34, %dma_wait3A_51] : memref<10240x128xf32, #tpu.memory_space<vmem_shared>> -> memref<128x128xf32, #tpu.memory_space<vmem_shared>>
      tpu.wait_dma2 semaphore(%run_scoped3A : memref<!tpu.dma_semaphore, #tpu.memory_space<semaphore_mem>>) src(%dma_wait3A_52 : memref<128x128xf32, #tpu.memory_space<vmem_shared>>) dst(%arg9 : memref<128x128xf32, #tpu.memory_space<vmem>>)
      tpu.yield
    }) : () -> ()
    "tpu.region"() ({
      %run_scoped3A = tpu.sem_alloc : memref<!tpu.dma_semaphore, #tpu.memory_space<semaphore_mem>>
      %dma_start3A = arith.constant 0 : i32
      %dma_start3A_47 = tpu.memref_slice %arg6[%arg0, %add3A_34, %dma_start3A] : memref<2x10240x128xf32, #tpu.memory_space<hbm>> -> memref<1x128x128xf32, #tpu.memory_space<hbm>>
      %dma_start3A_48 = tpu.memref_squeeze %dma_start3A_47 : memref<1x128x128xf32, #tpu.memory_space<hbm>> -> memref<128x128xf32, #tpu.memory_space<hbm>>
      %dma_start3A_49 = arith.constant 0 : i32
      %dma_start3A_50 = tpu.memref_slice %arg6[%arg0, %add3A_34, %dma_start3A_49] : memref<2x10240x128xf32, #tpu.memory_space<hbm>> -> memref<1x128x128xf32, #tpu.memory_space<hbm>>
      %dma_start3A_51 = tpu.memref_squeeze %dma_start3A_50 : memref<1x128x128xf32, #tpu.memory_space<hbm>> -> memref<128x128xf32, #tpu.memory_space<hbm>>
      tpu.enqueue_dma source(%arg9 : memref<128x128xf32, #tpu.memory_space<vmem>>) target(%dma_start3A_51 : memref<128x128xf32, #tpu.memory_space<hbm>>) target_semaphore(%run_scoped3A : memref<!tpu.dma_semaphore, #tpu.memory_space<semaphore_mem>>)
      %dma_wait3A = arith.constant 0 : i32
      %dma_wait3A_52 = tpu.memref_slice %arg6[%arg0, %add3A_34, %dma_wait3A] : memref<2x10240x128xf32, #tpu.memory_space<hbm>> -> memref<1x128x128xf32, #tpu.memory_space<hbm>>
      %dma_wait3A_53 = tpu.memref_squeeze %dma_wait3A_52 : memref<1x128x128xf32, #tpu.memory_space<hbm>> -> memref<128x128xf32, #tpu.memory_space<hbm>>
      %dma_wait3A_54 = arith.constant 0 : i32
      %dma_wait3A_55 = tpu.memref_slice %arg6[%arg0, %add3A_34, %dma_wait3A_54] : memref<2x10240x128xf32, #tpu.memory_space<hbm>> -> memref<1x128x128xf32, #tpu.memory_space<hbm>>
      %dma_wait3A_56 = tpu.memref_squeeze %dma_wait3A_55 : memref<1x128x128xf32, #tpu.memory_space<hbm>> -> memref<128x128xf32, #tpu.memory_space<hbm>>
      tpu.wait_dma2 semaphore(%run_scoped3A : memref<!tpu.dma_semaphore, #tpu.memory_space<semaphore_mem>>) src(%arg9 : memref<128x128xf32, #tpu.memory_space<vmem>>) dst(%dma_wait3A_56 : memref<128x128xf32, #tpu.memory_space<hbm>>)
      tpu.yield
    }) : () -> ()
    %mul3A_35 = arith.constant 640 : i32
    %mul3A_36 = arith.muli %arg1, %mul3A_35 : i32
    %add3A_37 = arith.constant 256 : i32
    %add3A_38 = arith.addi %mul3A_36, %add3A_37 : i32
    "tpu.region"() ({
      %run_scoped3A = tpu.sem_alloc : memref<!tpu.dma_semaphore, #tpu.memory_space<semaphore_mem>>
      %dma_start3A = arith.constant 0 : i32
      %dma_start3A_47 = tpu.memref_slice %arg10[%add3A_38, %dma_start3A] : memref<10240x128xf32, #tpu.memory_space<vmem_shared>> -> memref<128x128xf32, #tpu.memory_space<vmem_shared>>
      %dma_start3A_48 = arith.constant 0 : i32
      %dma_start3A_49 = tpu.memref_slice %arg10[%add3A_38, %dma_start3A_48] : memref<10240x128xf32, #tpu.memory_space<vmem_shared>> -> memref<128x128xf32, #tpu.memory_space<vmem_shared>>
      tpu.enqueue_dma source(%dma_start3A_49 : memref<128x128xf32, #tpu.memory_space<vmem_shared>>) target(%arg9 : memref<128x128xf32, #tpu.memory_space<vmem>>) target_semaphore(%run_scoped3A : memref<!tpu.dma_semaphore, #tpu.memory_space<semaphore_mem>>)
      %dma_wait3A = arith.constant 0 : i32
      %dma_wait3A_50 = tpu.memref_slice %arg10[%add3A_38, %dma_wait3A] : memref<10240x128xf32, #tpu.memory_space<vmem_shared>> -> memref<128x128xf32, #tpu.memory_space<vmem_shared>>
      %dma_wait3A_51 = arith.constant 0 : i32
      %dma_wait3A_52 = tpu.memref_slice %arg10[%add3A_38, %dma_wait3A_51] : memref<10240x128xf32, #tpu.memory_space<vmem_shared>> -> memref<128x128xf32, #tpu.memory_space<vmem_shared>>
      tpu.wait_dma2 semaphore(%run_scoped3A : memref<!tpu.dma_semaphore, #tpu.memory_space<semaphore_mem>>) src(%dma_wait3A_52 : memref<128x128xf32, #tpu.memory_space<vmem_shared>>) dst(%arg9 : memref<128x128xf32, #tpu.memory_space<vmem>>)
      tpu.yield
    }) : () -> ()
    "tpu.region"() ({
      %run_scoped3A = tpu.sem_alloc : memref<!tpu.dma_semaphore, #tpu.memory_space<semaphore_mem>>
      %dma_start3A = arith.constant 0 : i32
      %dma_start3A_47 = tpu.memref_slice %arg6[%arg0, %add3A_38, %dma_start3A] : memref<2x10240x128xf32, #tpu.memory_space<hbm>> -> memref<1x128x128xf32, #tpu.memory_space<hbm>>
      %dma_start3A_48 = tpu.memref_squeeze %dma_start3A_47 : memref<1x128x128xf32, #tpu.memory_space<hbm>> -> memref<128x128xf32, #tpu.memory_space<hbm>>
      %dma_start3A_49 = arith.constant 0 : i32
      %dma_start3A_50 = tpu.memref_slice %arg6[%arg0, %add3A_38, %dma_start3A_49] : memref<2x10240x128xf32, #tpu.memory_space<hbm>> -> memref<1x128x128xf32, #tpu.memory_space<hbm>>
      %dma_start3A_51 = tpu.memref_squeeze %dma_start3A_50 : memref<1x128x128xf32, #tpu.memory_space<hbm>> -> memref<128x128xf32, #tpu.memory_space<hbm>>
      tpu.enqueue_dma source(%arg9 : memref<128x128xf32, #tpu.memory_space<vmem>>) target(%dma_start3A_51 : memref<128x128xf32, #tpu.memory_space<hbm>>) target_semaphore(%run_scoped3A : memref<!tpu.dma_semaphore, #tpu.memory_space<semaphore_mem>>)
      %dma_wait3A = arith.constant 0 : i32
      %dma_wait3A_52 = tpu.memref_slice %arg6[%arg0, %add3A_38, %dma_wait3A] : memref<2x10240x128xf32, #tpu.memory_space<hbm>> -> memref<1x128x128xf32, #tpu.memory_space<hbm>>
      %dma_wait3A_53 = tpu.memref_squeeze %dma_wait3A_52 : memref<1x128x128xf32, #tpu.memory_space<hbm>> -> memref<128x128xf32, #tpu.memory_space<hbm>>
      %dma_wait3A_54 = arith.constant 0 : i32
      %dma_wait3A_55 = tpu.memref_slice %arg6[%arg0, %add3A_38, %dma_wait3A_54] : memref<2x10240x128xf32, #tpu.memory_space<hbm>> -> memref<1x128x128xf32, #tpu.memory_space<hbm>>
      %dma_wait3A_56 = tpu.memref_squeeze %dma_wait3A_55 : memref<1x128x128xf32, #tpu.memory_space<hbm>> -> memref<128x128xf32, #tpu.memory_space<hbm>>
      tpu.wait_dma2 semaphore(%run_scoped3A : memref<!tpu.dma_semaphore, #tpu.memory_space<semaphore_mem>>) src(%arg9 : memref<128x128xf32, #tpu.memory_space<vmem>>) dst(%dma_wait3A_56 : memref<128x128xf32, #tpu.memory_space<hbm>>)
      tpu.yield
    }) : () -> ()
    %mul3A_39 = arith.constant 640 : i32
    %mul3A_40 = arith.muli %arg1, %mul3A_39 : i32
    %add3A_41 = arith.constant 384 : i32
    %add3A_42 = arith.addi %mul3A_40, %add3A_41 : i32
    "tpu.region"() ({
      %run_scoped3A = tpu.sem_alloc : memref<!tpu.dma_semaphore, #tpu.memory_space<semaphore_mem>>
      %dma_start3A = arith.constant 0 : i32
      %dma_start3A_47 = tpu.memref_slice %arg10[%add3A_42, %dma_start3A] : memref<10240x128xf32, #tpu.memory_space<vmem_shared>> -> memref<128x128xf32, #tpu.memory_space<vmem_shared>>
      %dma_start3A_48 = arith.constant 0 : i32
      %dma_start3A_49 = tpu.memref_slice %arg10[%add3A_42, %dma_start3A_48] : memref<10240x128xf32, #tpu.memory_space<vmem_shared>> -> memref<128x128xf32, #tpu.memory_space<vmem_shared>>
      tpu.enqueue_dma source(%dma_start3A_49 : memref<128x128xf32, #tpu.memory_space<vmem_shared>>) target(%arg9 : memref<128x128xf32, #tpu.memory_space<vmem>>) target_semaphore(%run_scoped3A : memref<!tpu.dma_semaphore, #tpu.memory_space<semaphore_mem>>)
      %dma_wait3A = arith.constant 0 : i32
      %dma_wait3A_50 = tpu.memref_slice %arg10[%add3A_42, %dma_wait3A] : memref<10240x128xf32, #tpu.memory_space<vmem_shared>> -> memref<128x128xf32, #tpu.memory_space<vmem_shared>>
      %dma_wait3A_51 = arith.constant 0 : i32
      %dma_wait3A_52 = tpu.memref_slice %arg10[%add3A_42, %dma_wait3A_51] : memref<10240x128xf32, #tpu.memory_space<vmem_shared>> -> memref<128x128xf32, #tpu.memory_space<vmem_shared>>
      tpu.wait_dma2 semaphore(%run_scoped3A : memref<!tpu.dma_semaphore, #tpu.memory_space<semaphore_mem>>) src(%dma_wait3A_52 : memref<128x128xf32, #tpu.memory_space<vmem_shared>>) dst(%arg9 : memref<128x128xf32, #tpu.memory_space<vmem>>)
      tpu.yield
    }) : () -> ()
    "tpu.region"() ({
      %run_scoped3A = tpu.sem_alloc : memref<!tpu.dma_semaphore, #tpu.memory_space<semaphore_mem>>
      %dma_start3A = arith.constant 0 : i32
      %dma_start3A_47 = tpu.memref_slice %arg6[%arg0, %add3A_42, %dma_start3A] : memref<2x10240x128xf32, #tpu.memory_space<hbm>> -> memref<1x128x128xf32, #tpu.memory_space<hbm>>
      %dma_start3A_48 = tpu.memref_squeeze %dma_start3A_47 : memref<1x128x128xf32, #tpu.memory_space<hbm>> -> memref<128x128xf32, #tpu.memory_space<hbm>>
      %dma_start3A_49 = arith.constant 0 : i32
      %dma_start3A_50 = tpu.memref_slice %arg6[%arg0, %add3A_42, %dma_start3A_49] : memref<2x10240x128xf32, #tpu.memory_space<hbm>> -> memref<1x128x128xf32, #tpu.memory_space<hbm>>
      %dma_start3A_51 = tpu.memref_squeeze %dma_start3A_50 : memref<1x128x128xf32, #tpu.memory_space<hbm>> -> memref<128x128xf32, #tpu.memory_space<hbm>>
      tpu.enqueue_dma source(%arg9 : memref<128x128xf32, #tpu.memory_space<vmem>>) target(%dma_start3A_51 : memref<128x128xf32, #tpu.memory_space<hbm>>) target_semaphore(%run_scoped3A : memref<!tpu.dma_semaphore, #tpu.memory_space<semaphore_mem>>)
      %dma_wait3A = arith.constant 0 : i32
      %dma_wait3A_52 = tpu.memref_slice %arg6[%arg0, %add3A_42, %dma_wait3A] : memref<2x10240x128xf32, #tpu.memory_space<hbm>> -> memref<1x128x128xf32, #tpu.memory_space<hbm>>
      %dma_wait3A_53 = tpu.memref_squeeze %dma_wait3A_52 : memref<1x128x128xf32, #tpu.memory_space<hbm>> -> memref<128x128xf32, #tpu.memory_space<hbm>>
      %dma_wait3A_54 = arith.constant 0 : i32
      %dma_wait3A_55 = tpu.memref_slice %arg6[%arg0, %add3A_42, %dma_wait3A_54] : memref<2x10240x128xf32, #tpu.memory_space<hbm>> -> memref<1x128x128xf32, #tpu.memory_space<hbm>>
      %dma_wait3A_56 = tpu.memref_squeeze %dma_wait3A_55 : memref<1x128x128xf32, #tpu.memory_space<hbm>> -> memref<128x128xf32, #tpu.memory_space<hbm>>
      tpu.wait_dma2 semaphore(%run_scoped3A : memref<!tpu.dma_semaphore, #tpu.memory_space<semaphore_mem>>) src(%arg9 : memref<128x128xf32, #tpu.memory_space<vmem>>) dst(%dma_wait3A_56 : memref<128x128xf32, #tpu.memory_space<hbm>>)
      tpu.yield
    }) : () -> ()
    %mul3A_43 = arith.constant 640 : i32
    %mul3A_44 = arith.muli %arg1, %mul3A_43 : i32
    %add3A_45 = arith.constant 512 : i32
    %add3A_46 = arith.addi %mul3A_44, %add3A_45 : i32
    "tpu.region"() ({
      %run_scoped3A = tpu.sem_alloc : memref<!tpu.dma_semaphore, #tpu.memory_space<semaphore_mem>>
      %dma_start3A = arith.constant 0 : i32
      %dma_start3A_47 = tpu.memref_slice %arg10[%add3A_46, %dma_start3A] : memref<10240x128xf32, #tpu.memory_space<vmem_shared>> -> memref<128x128xf32, #tpu.memory_space<vmem_shared>>
      %dma_start3A_48 = arith.constant 0 : i32
      %dma_start3A_49 = tpu.memref_slice %arg10[%add3A_46, %dma_start3A_48] : memref<10240x128xf32, #tpu.memory_space<vmem_shared>> -> memref<128x128xf32, #tpu.memory_space<vmem_shared>>
      tpu.enqueue_dma source(%dma_start3A_49 : memref<128x128xf32, #tpu.memory_space<vmem_shared>>) target(%arg9 : memref<128x128xf32, #tpu.memory_space<vmem>>) target_semaphore(%run_scoped3A : memref<!tpu.dma_semaphore, #tpu.memory_space<semaphore_mem>>)
      %dma_wait3A = arith.constant 0 : i32
      %dma_wait3A_50 = tpu.memref_slice %arg10[%add3A_46, %dma_wait3A] : memref<10240x128xf32, #tpu.memory_space<vmem_shared>> -> memref<128x128xf32, #tpu.memory_space<vmem_shared>>
      %dma_wait3A_51 = arith.constant 0 : i32
      %dma_wait3A_52 = tpu.memref_slice %arg10[%add3A_46, %dma_wait3A_51] : memref<10240x128xf32, #tpu.memory_space<vmem_shared>> -> memref<128x128xf32, #tpu.memory_space<vmem_shared>>
      tpu.wait_dma2 semaphore(%run_scoped3A : memref<!tpu.dma_semaphore, #tpu.memory_space<semaphore_mem>>) src(%dma_wait3A_52 : memref<128x128xf32, #tpu.memory_space<vmem_shared>>) dst(%arg9 : memref<128x128xf32, #tpu.memory_space<vmem>>)
      tpu.yield
    }) : () -> ()
    "tpu.region"() ({
      %run_scoped3A = tpu.sem_alloc : memref<!tpu.dma_semaphore, #tpu.memory_space<semaphore_mem>>
      %dma_start3A = arith.constant 0 : i32
      %dma_start3A_47 = tpu.memref_slice %arg6[%arg0, %add3A_46, %dma_start3A] : memref<2x10240x128xf32, #tpu.memory_space<hbm>> -> memref<1x128x128xf32, #tpu.memory_space<hbm>>
      %dma_start3A_48 = tpu.memref_squeeze %dma_start3A_47 : memref<1x128x128xf32, #tpu.memory_space<hbm>> -> memref<128x128xf32, #tpu.memory_space<hbm>>
      %dma_start3A_49 = arith.constant 0 : i32
      %dma_start3A_50 = tpu.memref_slice %arg6[%arg0, %add3A_46, %dma_start3A_49] : memref<2x10240x128xf32, #tpu.memory_space<hbm>> -> memref<1x128x128xf32, #tpu.memory_space<hbm>>
      %dma_start3A_51 = tpu.memref_squeeze %dma_start3A_50 : memref<1x128x128xf32, #tpu.memory_space<hbm>> -> memref<128x128xf32, #tpu.memory_space<hbm>>
      tpu.enqueue_dma source(%arg9 : memref<128x128xf32, #tpu.memory_space<vmem>>) target(%dma_start3A_51 : memref<128x128xf32, #tpu.memory_space<hbm>>) target_semaphore(%run_scoped3A : memref<!tpu.dma_semaphore, #tpu.memory_space<semaphore_mem>>)
      %dma_wait3A = arith.constant 0 : i32
      %dma_wait3A_52 = tpu.memref_slice %arg6[%arg0, %add3A_46, %dma_wait3A] : memref<2x10240x128xf32, #tpu.memory_space<hbm>> -> memref<1x128x128xf32, #tpu.memory_space<hbm>>
      %dma_wait3A_53 = tpu.memref_squeeze %dma_wait3A_52 : memref<1x128x128xf32, #tpu.memory_space<hbm>> -> memref<128x128xf32, #tpu.memory_space<hbm>>
      %dma_wait3A_54 = arith.constant 0 : i32
      %dma_wait3A_55 = tpu.memref_slice %arg6[%arg0, %add3A_46, %dma_wait3A_54] : memref<2x10240x128xf32, #tpu.memory_space<hbm>> -> memref<1x128x128xf32, #tpu.memory_space<hbm>>
      %dma_wait3A_56 = tpu.memref_squeeze %dma_wait3A_55 : memref<1x128x128xf32, #tpu.memory_space<hbm>> -> memref<128x128xf32, #tpu.memory_space<hbm>>
      tpu.wait_dma2 semaphore(%run_scoped3A : memref<!tpu.dma_semaphore, #tpu.memory_space<semaphore_mem>>) src(%arg9 : memref<128x128xf32, #tpu.memory_space<vmem>>) dst(%dma_wait3A_56 : memref<128x128xf32, #tpu.memory_space<hbm>>)
      tpu.yield
    }) : () -> ()
    return
  }
}

#map = affine_map<(d0, d1) -> (0, 0)>
#map1 = affine_map<(d0, d1) -> (0, 0, 0)>
module attributes {stable_mosaic.version = 14 : i64} {
  func.func @k(%arg0: i32, %arg1: i32, %arg2: memref<10000x128xf32, #tpu.memory_space<hbm>>, %arg3: memref<32x40x128xi32, #tpu.memory_space<hbm>>, %arg4: memref<32x40x128xi32, #tpu.memory_space<hbm>>, %arg5: memref<163840x128xf32, #tpu.memory_space<hbm>>, %arg6: memref<163840x128xf32, #tpu.memory_space<hbm>>, %arg7: memref<40x128xi32, #tpu.memory_space<vmem>>, %arg8: memref<40x128xi32, #tpu.memory_space<vmem>>, %arg9: memref<128x128xf32, #tpu.memory_space<vmem>>, %arg10: memref<128x128xf32, #tpu.memory_space<vmem>>, %arg11: memref<!tpu.dma_semaphore, #tpu.memory_space<semaphore_mem>>) attributes {dimension_semantics = [#tpu.dimension_semantics<core_parallel>, #tpu.dimension_semantics<subcore_parallel>], iteration_bounds = array<i64: 2, 16>, scalar_prefetch = 0 : i64, scratch_operands = 5 : i64, tpu.core_type = #tpu.core_type<sc_vector_subcore>, window_params = [{transform_indices = #map}, {transform_indices = #map1}, {transform_indices = #map1}, {transform_indices = #map}, {transform_indices = #map}]} {
    %mul3A = arith.constant 16 : i32
    %mul3A_0 = arith.muli %arg0, %mul3A : i32
    %add3A = arith.addi %mul3A_0, %arg1 : i32
    "tpu.region"() ({
      %run_scoped3A = tpu.sem_alloc : memref<!tpu.dma_semaphore, #tpu.memory_space<semaphore_mem>>
      %dma_start3A = arith.constant 0 : i32
      %dma_start3A_6 = arith.constant 0 : i32
      %dma_start3A_7 = tpu.memref_slice %arg3[%add3A, %dma_start3A, %dma_start3A_6] : memref<32x40x128xi32, #tpu.memory_space<hbm>> -> memref<1x40x128xi32, #tpu.memory_space<hbm>>
      %dma_start3A_8 = tpu.memref_squeeze %dma_start3A_7 : memref<1x40x128xi32, #tpu.memory_space<hbm>> -> memref<40x128xi32, #tpu.memory_space<hbm>>
      %dma_start3A_9 = arith.constant 0 : i32
      %dma_start3A_10 = arith.constant 0 : i32
      %dma_start3A_11 = tpu.memref_slice %arg3[%add3A, %dma_start3A_9, %dma_start3A_10] : memref<32x40x128xi32, #tpu.memory_space<hbm>> -> memref<1x40x128xi32, #tpu.memory_space<hbm>>
      %dma_start3A_12 = tpu.memref_squeeze %dma_start3A_11 : memref<1x40x128xi32, #tpu.memory_space<hbm>> -> memref<40x128xi32, #tpu.memory_space<hbm>>
      tpu.enqueue_dma source(%dma_start3A_12 : memref<40x128xi32, #tpu.memory_space<hbm>>) target(%arg7 : memref<40x128xi32, #tpu.memory_space<vmem>>) target_semaphore(%run_scoped3A : memref<!tpu.dma_semaphore, #tpu.memory_space<semaphore_mem>>)
      %dma_wait3A = arith.constant 0 : i32
      %dma_wait3A_13 = arith.constant 0 : i32
      %dma_wait3A_14 = tpu.memref_slice %arg3[%add3A, %dma_wait3A, %dma_wait3A_13] : memref<32x40x128xi32, #tpu.memory_space<hbm>> -> memref<1x40x128xi32, #tpu.memory_space<hbm>>
      %dma_wait3A_15 = tpu.memref_squeeze %dma_wait3A_14 : memref<1x40x128xi32, #tpu.memory_space<hbm>> -> memref<40x128xi32, #tpu.memory_space<hbm>>
      %dma_wait3A_16 = arith.constant 0 : i32
      %dma_wait3A_17 = arith.constant 0 : i32
      %dma_wait3A_18 = tpu.memref_slice %arg3[%add3A, %dma_wait3A_16, %dma_wait3A_17] : memref<32x40x128xi32, #tpu.memory_space<hbm>> -> memref<1x40x128xi32, #tpu.memory_space<hbm>>
      %dma_wait3A_19 = tpu.memref_squeeze %dma_wait3A_18 : memref<1x40x128xi32, #tpu.memory_space<hbm>> -> memref<40x128xi32, #tpu.memory_space<hbm>>
      tpu.wait_dma2 semaphore(%run_scoped3A : memref<!tpu.dma_semaphore, #tpu.memory_space<semaphore_mem>>) src(%dma_wait3A_19 : memref<40x128xi32, #tpu.memory_space<hbm>>) dst(%arg7 : memref<40x128xi32, #tpu.memory_space<vmem>>)
      tpu.yield
    }) : () -> ()
    "tpu.region"() ({
      %run_scoped3A = tpu.sem_alloc : memref<!tpu.dma_semaphore, #tpu.memory_space<semaphore_mem>>
      %dma_start3A = arith.constant 0 : i32
      %dma_start3A_6 = arith.constant 0 : i32
      %dma_start3A_7 = tpu.memref_slice %arg4[%add3A, %dma_start3A, %dma_start3A_6] : memref<32x40x128xi32, #tpu.memory_space<hbm>> -> memref<1x40x128xi32, #tpu.memory_space<hbm>>
      %dma_start3A_8 = tpu.memref_squeeze %dma_start3A_7 : memref<1x40x128xi32, #tpu.memory_space<hbm>> -> memref<40x128xi32, #tpu.memory_space<hbm>>
      %dma_start3A_9 = arith.constant 0 : i32
      %dma_start3A_10 = arith.constant 0 : i32
      %dma_start3A_11 = tpu.memref_slice %arg4[%add3A, %dma_start3A_9, %dma_start3A_10] : memref<32x40x128xi32, #tpu.memory_space<hbm>> -> memref<1x40x128xi32, #tpu.memory_space<hbm>>
      %dma_start3A_12 = tpu.memref_squeeze %dma_start3A_11 : memref<1x40x128xi32, #tpu.memory_space<hbm>> -> memref<40x128xi32, #tpu.memory_space<hbm>>
      tpu.enqueue_dma source(%dma_start3A_12 : memref<40x128xi32, #tpu.memory_space<hbm>>) target(%arg8 : memref<40x128xi32, #tpu.memory_space<vmem>>) target_semaphore(%run_scoped3A : memref<!tpu.dma_semaphore, #tpu.memory_space<semaphore_mem>>)
      %dma_wait3A = arith.constant 0 : i32
      %dma_wait3A_13 = arith.constant 0 : i32
      %dma_wait3A_14 = tpu.memref_slice %arg4[%add3A, %dma_wait3A, %dma_wait3A_13] : memref<32x40x128xi32, #tpu.memory_space<hbm>> -> memref<1x40x128xi32, #tpu.memory_space<hbm>>
      %dma_wait3A_15 = tpu.memref_squeeze %dma_wait3A_14 : memref<1x40x128xi32, #tpu.memory_space<hbm>> -> memref<40x128xi32, #tpu.memory_space<hbm>>
      %dma_wait3A_16 = arith.constant 0 : i32
      %dma_wait3A_17 = arith.constant 0 : i32
      %dma_wait3A_18 = tpu.memref_slice %arg4[%add3A, %dma_wait3A_16, %dma_wait3A_17] : memref<32x40x128xi32, #tpu.memory_space<hbm>> -> memref<1x40x128xi32, #tpu.memory_space<hbm>>
      %dma_wait3A_19 = tpu.memref_squeeze %dma_wait3A_18 : memref<1x40x128xi32, #tpu.memory_space<hbm>> -> memref<40x128xi32, #tpu.memory_space<hbm>>
      tpu.wait_dma2 semaphore(%run_scoped3A : memref<!tpu.dma_semaphore, #tpu.memory_space<semaphore_mem>>) src(%dma_wait3A_19 : memref<40x128xi32, #tpu.memory_space<hbm>>) dst(%arg8 : memref<40x128xi32, #tpu.memory_space<vmem>>)
      tpu.yield
    }) : () -> ()
    %scan3A = arith.constant 0 : i32
    %scan3A_1 = arith.constant 0 : i32
    %scan3A_2 = arith.constant 40 : i32
    %scan3A_3 = arith.addi %scan3A_1, %scan3A_2 : i32
    %scan3A_4 = arith.constant 1 : i32
    scf.for %scan3A_6 = %scan3A_1 to %scan3A_3 step %scan3A_4  : i32 {
      %mul3A_7 = arith.constant 5120 : i32
      %mul3A_8 = arith.muli %add3A, %mul3A_7 : i32
      %mul3A_9 = arith.constant 128 : i32
      %mul3A_10 = arith.muli %scan3A_6, %mul3A_9 : i32
      %add3A_11 = arith.addi %mul3A_8, %mul3A_10 : i32
      %dma_start3A = arith.constant 0 : i32
      %dma_start3A_12 = tpu.memref_slice %arg7[%scan3A_6, %dma_start3A] : memref<40x128xi32, #tpu.memory_space<vmem>> -> memref<1x128xi32, #tpu.memory_space<vmem>>
      %dma_start3A_13 = tpu.memref_squeeze %dma_start3A_12 : memref<1x128xi32, #tpu.memory_space<vmem>> -> memref<128xi32, #tpu.memory_space<vmem>>
      %dma_start3A_14 = arith.constant 0 : i32
      %dma_start3A_15 = arith.constant 0 : i32
      %dma_start3A_16 = tpu.memref_slice %arg2[%dma_start3A_14, %dma_start3A_15] : memref<10000x128xf32, #tpu.memory_space<hbm>> -> memref<10000x128xf32, #tpu.memory_space<hbm>>
      tpu.enqueue_indirect_dma source(%dma_start3A_16 : memref<10000x128xf32, #tpu.memory_space<hbm>>) target(%arg9 : memref<128x128xf32, #tpu.memory_space<vmem>>) offsets(%dma_start3A_13 : memref<128xi32, #tpu.memory_space<vmem>>) semaphore(%arg11 : memref<!tpu.dma_semaphore, #tpu.memory_space<semaphore_mem>>)
      %dma_start3A_17 = arith.constant 0 : i32
      %dma_start3A_18 = tpu.memref_slice %arg8[%scan3A_6, %dma_start3A_17] : memref<40x128xi32, #tpu.memory_space<vmem>> -> memref<1x128xi32, #tpu.memory_space<vmem>>
      %dma_start3A_19 = tpu.memref_squeeze %dma_start3A_18 : memref<1x128xi32, #tpu.memory_space<vmem>> -> memref<128xi32, #tpu.memory_space<vmem>>
      %dma_start3A_20 = arith.constant 0 : i32
      %dma_start3A_21 = arith.constant 0 : i32
      %dma_start3A_22 = tpu.memref_slice %arg2[%dma_start3A_20, %dma_start3A_21] : memref<10000x128xf32, #tpu.memory_space<hbm>> -> memref<10000x128xf32, #tpu.memory_space<hbm>>
      tpu.enqueue_indirect_dma source(%dma_start3A_22 : memref<10000x128xf32, #tpu.memory_space<hbm>>) target(%arg10 : memref<128x128xf32, #tpu.memory_space<vmem>>) offsets(%dma_start3A_19 : memref<128xi32, #tpu.memory_space<vmem>>) semaphore(%arg11 : memref<!tpu.dma_semaphore, #tpu.memory_space<semaphore_mem>>)
      %dma_wait3A = arith.constant 0 : i32
      %dma_wait3A_23 = tpu.memref_slice %arg7[%scan3A_6, %dma_wait3A] : memref<40x128xi32, #tpu.memory_space<vmem>> -> memref<1x128xi32, #tpu.memory_space<vmem>>
      %dma_wait3A_24 = tpu.memref_squeeze %dma_wait3A_23 : memref<1x128xi32, #tpu.memory_space<vmem>> -> memref<128xi32, #tpu.memory_space<vmem>>
      %dma_wait3A_25 = arith.constant 0 : i32
      %dma_wait3A_26 = arith.constant 0 : i32
      %dma_wait3A_27 = tpu.memref_slice %arg2[%dma_wait3A_25, %dma_wait3A_26] : memref<10000x128xf32, #tpu.memory_space<hbm>> -> memref<10000x128xf32, #tpu.memory_space<hbm>>
      tpu.wait_indirect_dma semaphore(%arg11 : memref<!tpu.dma_semaphore, #tpu.memory_space<semaphore_mem>>) src(%dma_wait3A_27 : memref<10000x128xf32, #tpu.memory_space<hbm>>) dst(%arg9 : memref<128x128xf32, #tpu.memory_space<vmem>>)
      %dma_wait3A_28 = arith.constant 0 : i32
      %dma_wait3A_29 = tpu.memref_slice %arg8[%scan3A_6, %dma_wait3A_28] : memref<40x128xi32, #tpu.memory_space<vmem>> -> memref<1x128xi32, #tpu.memory_space<vmem>>
      %dma_wait3A_30 = tpu.memref_squeeze %dma_wait3A_29 : memref<1x128xi32, #tpu.memory_space<vmem>> -> memref<128xi32, #tpu.memory_space<vmem>>
      %dma_wait3A_31 = arith.constant 0 : i32
      %dma_wait3A_32 = arith.constant 0 : i32
      %dma_wait3A_33 = tpu.memref_slice %arg2[%dma_wait3A_31, %dma_wait3A_32] : memref<10000x128xf32, #tpu.memory_space<hbm>> -> memref<10000x128xf32, #tpu.memory_space<hbm>>
      tpu.wait_indirect_dma semaphore(%arg11 : memref<!tpu.dma_semaphore, #tpu.memory_space<semaphore_mem>>) src(%dma_wait3A_33 : memref<10000x128xf32, #tpu.memory_space<hbm>>) dst(%arg10 : memref<128x128xf32, #tpu.memory_space<vmem>>)
      "tpu.region"() ({
        %run_scoped3A = tpu.sem_alloc : memref<!tpu.dma_semaphore, #tpu.memory_space<semaphore_mem>>
        %dma_start3A_34 = arith.constant 0 : i32
        %dma_start3A_35 = tpu.memref_slice %arg5[%add3A_11, %dma_start3A_34] : memref<163840x128xf32, #tpu.memory_space<hbm>> -> memref<128x128xf32, #tpu.memory_space<hbm>>
        %dma_start3A_36 = arith.constant 0 : i32
        %dma_start3A_37 = tpu.memref_slice %arg5[%add3A_11, %dma_start3A_36] : memref<163840x128xf32, #tpu.memory_space<hbm>> -> memref<128x128xf32, #tpu.memory_space<hbm>>
        tpu.enqueue_dma source(%arg9 : memref<128x128xf32, #tpu.memory_space<vmem>>) target(%dma_start3A_37 : memref<128x128xf32, #tpu.memory_space<hbm>>) target_semaphore(%run_scoped3A : memref<!tpu.dma_semaphore, #tpu.memory_space<semaphore_mem>>)
        %dma_wait3A_38 = arith.constant 0 : i32
        %dma_wait3A_39 = tpu.memref_slice %arg5[%add3A_11, %dma_wait3A_38] : memref<163840x128xf32, #tpu.memory_space<hbm>> -> memref<128x128xf32, #tpu.memory_space<hbm>>
        %dma_wait3A_40 = arith.constant 0 : i32
        %dma_wait3A_41 = tpu.memref_slice %arg5[%add3A_11, %dma_wait3A_40] : memref<163840x128xf32, #tpu.memory_space<hbm>> -> memref<128x128xf32, #tpu.memory_space<hbm>>
        tpu.wait_dma2 semaphore(%run_scoped3A : memref<!tpu.dma_semaphore, #tpu.memory_space<semaphore_mem>>) src(%arg9 : memref<128x128xf32, #tpu.memory_space<vmem>>) dst(%dma_wait3A_41 : memref<128x128xf32, #tpu.memory_space<hbm>>)
        tpu.yield
      }) : () -> ()
      "tpu.region"() ({
        %run_scoped3A = tpu.sem_alloc : memref<!tpu.dma_semaphore, #tpu.memory_space<semaphore_mem>>
        %dma_start3A_34 = arith.constant 0 : i32
        %dma_start3A_35 = tpu.memref_slice %arg6[%add3A_11, %dma_start3A_34] : memref<163840x128xf32, #tpu.memory_space<hbm>> -> memref<128x128xf32, #tpu.memory_space<hbm>>
        %dma_start3A_36 = arith.constant 0 : i32
        %dma_start3A_37 = tpu.memref_slice %arg6[%add3A_11, %dma_start3A_36] : memref<163840x128xf32, #tpu.memory_space<hbm>> -> memref<128x128xf32, #tpu.memory_space<hbm>>
        tpu.enqueue_dma source(%arg10 : memref<128x128xf32, #tpu.memory_space<vmem>>) target(%dma_start3A_37 : memref<128x128xf32, #tpu.memory_space<hbm>>) target_semaphore(%run_scoped3A : memref<!tpu.dma_semaphore, #tpu.memory_space<semaphore_mem>>)
        %dma_wait3A_38 = arith.constant 0 : i32
        %dma_wait3A_39 = tpu.memref_slice %arg6[%add3A_11, %dma_wait3A_38] : memref<163840x128xf32, #tpu.memory_space<hbm>> -> memref<128x128xf32, #tpu.memory_space<hbm>>
        %dma_wait3A_40 = arith.constant 0 : i32
        %dma_wait3A_41 = tpu.memref_slice %arg6[%add3A_11, %dma_wait3A_40] : memref<163840x128xf32, #tpu.memory_space<hbm>> -> memref<128x128xf32, #tpu.memory_space<hbm>>
        tpu.wait_dma2 semaphore(%run_scoped3A : memref<!tpu.dma_semaphore, #tpu.memory_space<semaphore_mem>>) src(%arg10 : memref<128x128xf32, #tpu.memory_space<vmem>>) dst(%dma_wait3A_41 : memref<128x128xf32, #tpu.memory_space<hbm>>)
        tpu.yield
      }) : () -> ()
    }
    %scan3A_5 = arith.constant 40 : i32
    return
  }
}

module attributes {stable_mosaic.version = 14 : i64} {
  func.func @body(%arg0: i32, %arg1: memref<1000x128xf32, #tpu.memory_space<vmem>>, %arg2: memref<2x1000x128xf32, #tpu.memory_space<vmem>>, %arg3: memref<1000x128xf32, #tpu.memory_space<vmem>>) attributes {dimension_semantics = [#tpu.dimension_semantics<arbitrary>], iteration_bounds = array<i64: 10>, scalar_prefetch = 0 : i64, scratch_operands = 0 : i64, tpu.core_type = #tpu.core_type<tc>, window_params = [{transform_indices = @transform_0, window_bounds = array<i64: 1000, 128>}, {transform_indices = @transform_1, window_bounds = array<i64: 2, 1000, 128>}, {transform_indices = @transform_2, window_bounds = array<i64: 1000, 128>}]} {
    %get3A = arith.constant 0 : index
    %get3A_0 = arith.constant 0 : index
    %get3A_1 = vector.load %arg1[%get3A, %get3A_0] : memref<1000x128xf32, #tpu.memory_space<vmem>>, vector<1000x128xf32>
    %get3A_2 = arith.constant 0 : index
    %get3A_3 = arith.constant 0 : index
    %get3A_4 = arith.constant 0 : index
    %get3A_5 = vector.load %arg2[%get3A_2, %get3A_3, %get3A_4] : memref<2x1000x128xf32, #tpu.memory_space<vmem>>, vector<1x1000x1xf32>
    %get3A_6 = vector.shape_cast %get3A_5 : vector<1x1000x1xf32> to vector<1000x1xf32>
    %get3A_7 = arith.constant 1 : index
    %get3A_8 = arith.constant 0 : index
    %get3A_9 = arith.constant 0 : index
    %get3A_10 = vector.load %arg2[%get3A_7, %get3A_8, %get3A_9] : memref<2x1000x128xf32, #tpu.memory_space<vmem>>, vector<1x1000x1xf32>
    %get3A_11 = vector.shape_cast %get3A_10 : vector<1x1000x1xf32> to vector<1000x1xf32>
    %add3A = arith.addf %get3A_6, %get3A_11 : vector<1000x1xf32>
    %max3A = arith.constant 1.000000e+00 : f32
    %max3A_12 = vector.broadcast %max3A : f32 to vector<1000x1xf32>
    %max3A_13 = arith.maximumf %add3A, %max3A_12 : vector<1000x1xf32>
    %rsqrt3A = math.rsqrt %max3A_13 : vector<1000x1xf32>
    %mul3A = vector.broadcast %rsqrt3A : vector<1000x1xf32> to vector<1000x128xf32>
    %mul3A_14 = arith.mulf %get3A_1, %mul3A : vector<1000x128xf32>
    %swap3A = arith.constant 0 : index
    %swap3A_15 = arith.constant 0 : index
    %swap3A_16 = vector.load %arg3[%swap3A, %swap3A_15] : memref<1000x128xf32, #tpu.memory_space<vmem>>, vector<1000x128xf32>
    tpu.vector_store %arg3[%swap3A, %swap3A_15], %mul3A_14 {strides = array<i32>} : memref<1000x128xf32, #tpu.memory_space<vmem>>, vector<1000x128xf32>,
    return
  }
  func.func @transform_0(%arg0: i32) -> (i32, i32) {
    %c0_i32 = arith.constant 0 : i32
    %c0_i32_0 = arith.constant 0 : i32
    return %arg0, %c0_i32 : i32, i32
  }
  func.func @transform_1(%arg0: i32) -> (i32, i32, i32) {
    %c0_i32 = arith.constant 0 : i32
    %c0_i32_0 = arith.constant 0 : i32
    %c0_i32_1 = arith.constant 0 : i32
    return %c0_i32, %arg0, %c0_i32_0 : i32, i32, i32
  }
  func.func @transform_2(%arg0: i32) -> (i32, i32) {
    %c0_i32 = arith.constant 0 : i32
    %c0_i32_0 = arith.constant 0 : i32
    return %arg0, %c0_i32 : i32, i32
  }
}

module attributes {stable_mosaic.version = 14 : i64} {
  func.func @body(%arg0: i32, %arg1: memref<2x1000x128xf32, #tpu.memory_space<vmem>>, %arg2: memref<2x1000x128xf32, #tpu.memory_space<vmem>>, %arg3: memref<2x1000x128xf32, #tpu.memory_space<vmem>>, %arg4: memref<128x128xf32, #tpu.memory_space<vmem>>, %arg5: memref<1x128xf32, #tpu.memory_space<vmem>>, %arg6: memref<1x128xf32, #tpu.memory_space<vmem>>, %arg7: memref<1x128xf32, #tpu.memory_space<vmem>>, %arg8: memref<1000x128xf32, #tpu.memory_space<vmem>>, %arg9: memref<1000x128xf32, #tpu.memory_space<vmem>>) attributes {dimension_semantics = [#tpu.dimension_semantics<arbitrary>], iteration_bounds = array<i64: 10>, scalar_prefetch = 0 : i64, scratch_operands = 0 : i64, tpu.core_type = #tpu.core_type<tc>, window_params = [{transform_indices = @transform_0, window_bounds = array<i64: 2, 1000, 128>}, {transform_indices = @transform_1, window_bounds = array<i64: 2, 1000, 128>}, {transform_indices = @transform_2, window_bounds = array<i64: 2, 1000, 128>}, {pipeline_mode = #tpu.pipeline_mode<synchronous>, transform_indices = @transform_3, window_bounds = array<i64: 128, 128>}, {pipeline_mode = #tpu.pipeline_mode<synchronous>, transform_indices = @transform_4, window_bounds = array<i64: 1, 128>}, {pipeline_mode = #tpu.pipeline_mode<synchronous>, transform_indices = @transform_5, window_bounds = array<i64: 1, 128>}, {pipeline_mode = #tpu.pipeline_mode<synchronous>, transform_indices = @transform_6, window_bounds = array<i64: 1, 128>}, {transform_indices = @transform_7, window_bounds = array<i64: 1000, 128>}, {transform_indices = @transform_8, window_bounds = array<i64: 1000, 128>}]} {
    %get3A = arith.constant 0 : index
    %get3A_0 = arith.constant 0 : index
    %get3A_1 = arith.constant 0 : index
    %get3A_2 = vector.load %arg1[%get3A, %get3A_0, %get3A_1] : memref<2x1000x128xf32, #tpu.memory_space<vmem>>, vector<1x1000x128xf32>
    %get3A_3 = vector.shape_cast %get3A_2 : vector<1x1000x128xf32> to vector<1000x128xf32>
    %get3A_4 = arith.constant 1 : index
    %get3A_5 = arith.constant 0 : index
    %get3A_6 = arith.constant 0 : index
    %get3A_7 = vector.load %arg1[%get3A_4, %get3A_5, %get3A_6] : memref<2x1000x128xf32, #tpu.memory_space<vmem>>, vector<1x1000x128xf32>
    %get3A_8 = vector.shape_cast %get3A_7 : vector<1x1000x128xf32> to vector<1000x128xf32>
    %add3A = arith.addf %get3A_3, %get3A_8 : vector<1000x128xf32>
    %get3A_9 = arith.constant 0 : index
    %get3A_10 = arith.constant 0 : index
    %get3A_11 = arith.constant 0 : index
    %get3A_12 = vector.load %arg2[%get3A_9, %get3A_10, %get3A_11] : memref<2x1000x128xf32, #tpu.memory_space<vmem>>, vector<1x1000x1xf32>
    %get3A_13 = vector.shape_cast %get3A_12 : vector<1x1000x1xf32> to vector<1000x1xf32>
    %get3A_14 = arith.constant 1 : index
    %get3A_15 = arith.constant 0 : index
    %get3A_16 = arith.constant 0 : index
    %get3A_17 = vector.load %arg2[%get3A_14, %get3A_15, %get3A_16] : memref<2x1000x128xf32, #tpu.memory_space<vmem>>, vector<1x1000x1xf32>
    %get3A_18 = vector.shape_cast %get3A_17 : vector<1x1000x1xf32> to vector<1000x1xf32>
    %add3A_19 = arith.addf %get3A_13, %get3A_18 : vector<1000x1xf32>
    %max3A = arith.constant 1.000000e+00 : f32
    %max3A_20 = vector.broadcast %max3A : f32 to vector<1000x1xf32>
    %max3A_21 = arith.maximumf %add3A_19, %max3A_20 : vector<1000x1xf32>
    %rsqrt3A = math.rsqrt %max3A_21 : vector<1000x1xf32>
    %mul3A = vector.broadcast %rsqrt3A : vector<1000x1xf32> to vector<1000x128xf32>
    %mul3A_22 = arith.mulf %add3A, %mul3A : vector<1000x128xf32>
    %get3A_23 = arith.constant 0 : index
    %get3A_24 = arith.constant 0 : index
    %get3A_25 = vector.load %arg4[%get3A_23, %get3A_24] : memref<128x128xf32, #tpu.memory_space<vmem>>, vector<128x128xf32>
    %dot_general3A = arith.constant dense<0.000000e+00> : vector<1000x128xf32>
    %dot_general3A_26 = tpu.matmul %mul3A_22, %get3A_25, %dot_general3A {dimension_numbers = #tpu.dot_dimension_numbers<[1], [0], [0], [1], [0, 0, 1, 1], [], []>, transpose_lhs_hint = false} : vector<1000x128xf32>, vector<128x128xf32>, vector<1000x128xf32> -> vector<1000x128xf32>
    %get3A_27 = arith.constant 0 : index
    %get3A_28 = arith.constant 0 : index
    %get3A_29 = vector.load %arg5[%get3A_27, %get3A_28] : memref<1x128xf32, #tpu.memory_space<vmem>>, vector<1x128xf32>
    %add3A_30 = vector.broadcast %get3A_29 : vector<1x128xf32> to vector<1000x128xf32>
    %add3A_31 = arith.addf %dot_general3A_26, %add3A_30 : vector<1000x128xf32>
    %max3A_32 = arith.constant 0.000000e+00 : f32
    %max3A_33 = vector.broadcast %max3A_32 : f32 to vector<1000x128xf32>
    %max3A_34 = arith.maximumf %add3A_31, %max3A_33 : vector<1000x128xf32>
    %reduce_sum3A = arith.constant dense<0.000000e+00> : vector<1000xf32>
    %reduce_sum3A_35 = vector.multi_reduction <add>, %max3A_34, %reduce_sum3A [1] : vector<1000x128xf32> to vector<1000xf32>
    %broadcast_in_dim3A = vector.shape_cast %reduce_sum3A_35 : vector<1000xf32> to vector<1000x1xf32>
    %div3A = arith.constant 1.280000e+02 : f32
    %div3A_36 = vector.broadcast %div3A : f32 to vector<1000x1xf32>
    %div3A_37 = arith.divf %broadcast_in_dim3A, %div3A_36 : vector<1000x1xf32>
    %sub3A = vector.broadcast %div3A_37 : vector<1000x1xf32> to vector<1000x128xf32>
    %sub3A_38 = arith.subf %max3A_34, %sub3A : vector<1000x128xf32>
    %integer_pow3A = arith.mulf %sub3A_38, %sub3A_38 : vector<1000x128xf32>
    %reduce_sum3A_39 = arith.constant dense<0.000000e+00> : vector<1000xf32>
    %reduce_sum3A_40 = vector.multi_reduction <add>, %integer_pow3A, %reduce_sum3A_39 [1] : vector<1000x128xf32> to vector<1000xf32>
    %broadcast_in_dim3A_41 = vector.shape_cast %reduce_sum3A_40 : vector<1000xf32> to vector<1000x1xf32>
    %div3A_42 = arith.constant 1.280000e+02 : f32
    %div3A_43 = vector.broadcast %div3A_42 : f32 to vector<1000x1xf32>
    %div3A_44 = arith.divf %broadcast_in_dim3A_41, %div3A_43 : vector<1000x1xf32>
    %sub3A_45 = vector.broadcast %div3A_37 : vector<1000x1xf32> to vector<1000x128xf32>
    %sub3A_46 = arith.subf %max3A_34, %sub3A_45 : vector<1000x128xf32>
    %add3A_47 = arith.constant 9.99999974E-6 : f32
    %add3A_48 = vector.broadcast %add3A_47 : f32 to vector<1000x1xf32>
    %add3A_49 = arith.addf %div3A_44, %add3A_48 : vector<1000x1xf32>
    %rsqrt3A_50 = math.rsqrt %add3A_49 : vector<1000x1xf32>
    %mul3A_51 = vector.broadcast %rsqrt3A_50 : vector<1000x1xf32> to vector<1000x128xf32>
    %mul3A_52 = arith.mulf %sub3A_46, %mul3A_51 : vector<1000x128xf32>
    %get3A_53 = arith.constant 0 : index
    %get3A_54 = arith.constant 0 : index
    %get3A_55 = vector.load %arg6[%get3A_53, %get3A_54] : memref<1x128xf32, #tpu.memory_space<vmem>>, vector<1x128xf32>
    %mul3A_56 = vector.broadcast %get3A_55 : vector<1x128xf32> to vector<1000x128xf32>
    %mul3A_57 = arith.mulf %mul3A_52, %mul3A_56 : vector<1000x128xf32>
    %get3A_58 = arith.constant 0 : index
    %get3A_59 = arith.constant 0 : index
    %get3A_60 = vector.load %arg7[%get3A_58, %get3A_59] : memref<1x128xf32, #tpu.memory_space<vmem>>, vector<1x128xf32>
    %add3A_61 = vector.broadcast %get3A_60 : vector<1x128xf32> to vector<1000x128xf32>
    %add3A_62 = arith.addf %mul3A_57, %add3A_61 : vector<1000x128xf32>
    %swap3A = arith.constant 0 : index
    %swap3A_63 = arith.constant 0 : index
    %swap3A_64 = vector.load %arg8[%swap3A, %swap3A_63] : memref<1000x128xf32, #tpu.memory_space<vmem>>, vector<1000x128xf32>
    tpu.vector_store %arg8[%swap3A, %swap3A_63], %add3A_62 {strides = array<i32>} : memref<1000x128xf32, #tpu.memory_space<vmem>>, vector<1000x128xf32>,
    %get3A_65 = arith.constant 0 : index
    %get3A_66 = arith.constant 0 : index
    %get3A_67 = arith.constant 0 : index
    %get3A_68 = vector.load %arg3[%get3A_65, %get3A_66, %get3A_67] : memref<2x1000x128xf32, #tpu.memory_space<vmem>>, vector<1x1000x1xf32>
    %get3A_69 = vector.shape_cast %get3A_68 : vector<1x1000x1xf32> to vector<1000x1xf32>
    %get3A_70 = arith.constant 1 : index
    %get3A_71 = arith.constant 0 : index
    %get3A_72 = arith.constant 0 : index
    %get3A_73 = vector.load %arg3[%get3A_70, %get3A_71, %get3A_72] : memref<2x1000x128xf32, #tpu.memory_space<vmem>>, vector<1x1000x1xf32>
    %get3A_74 = vector.shape_cast %get3A_73 : vector<1x1000x1xf32> to vector<1000x1xf32>
    %add3A_75 = arith.addf %get3A_69, %get3A_74 : vector<1000x1xf32>
    %max3A_76 = arith.constant 1.000000e+00 : f32
    %max3A_77 = vector.broadcast %max3A_76 : f32 to vector<1000x1xf32>
    %max3A_78 = arith.maximumf %add3A_75, %max3A_77 : vector<1000x1xf32>
    %rsqrt3A_79 = math.rsqrt %max3A_78 : vector<1000x1xf32>
    %mul3A_80 = vector.broadcast %rsqrt3A_79 : vector<1000x1xf32> to vector<1000x128xf32>
    %mul3A_81 = arith.mulf %add3A_62, %mul3A_80 : vector<1000x128xf32>
    %swap3A_82 = arith.constant 0 : index
    %swap3A_83 = arith.constant 0 : index
    %swap3A_84 = vector.load %arg9[%swap3A_82, %swap3A_83] : memref<1000x128xf32, #tpu.memory_space<vmem>>, vector<1000x128xf32>
    tpu.vector_store %arg9[%swap3A_82, %swap3A_83], %mul3A_81 {strides = array<i32>} : memref<1000x128xf32, #tpu.memory_space<vmem>>, vector<1000x128xf32>,
    return
  }
  func.func @transform_0(%arg0: i32) -> (i32, i32, i32) {
    %c0_i32 = arith.constant 0 : i32
    %c0_i32_0 = arith.constant 0 : i32
    %c0_i32_1 = arith.constant 0 : i32
    return %c0_i32, %arg0, %c0_i32_0 : i32, i32, i32
  }
  func.func @transform_1(%arg0: i32) -> (i32, i32, i32) {
    %c0_i32 = arith.constant 0 : i32
    %c0_i32_0 = arith.constant 0 : i32
    %c0_i32_1 = arith.constant 0 : i32
    return %c0_i32, %arg0, %c0_i32_0 : i32, i32, i32
  }
  func.func @transform_2(%arg0: i32) -> (i32, i32, i32) {
    %c0_i32 = arith.constant 0 : i32
    %c0_i32_0 = arith.constant 0 : i32
    %c0_i32_1 = arith.constant 0 : i32
    return %c0_i32, %arg0, %c0_i32_0 : i32, i32, i32
  }
  func.func @transform_3(%arg0: i32) -> (i32, i32) {
    %c0_i32 = arith.constant 0 : i32
    %c0_i32_0 = arith.constant 0 : i32
    %c0_i32_1 = arith.constant 0 : i32
    return %c0_i32, %c0_i32_0 : i32, i32
  }
  func.func @transform_4(%arg0: i32) -> (i32, i32) {
    %c0_i32 = arith.constant 0 : i32
    %c0_i32_0 = arith.constant 0 : i32
    %c0_i32_1 = arith.constant 0 : i32
    return %c0_i32, %c0_i32_0 : i32, i32
  }
  func.func @transform_5(%arg0: i32) -> (i32, i32) {
    %c0_i32 = arith.constant 0 : i32
    %c0_i32_0 = arith.constant 0 : i32
    %c0_i32_1 = arith.constant 0 : i32
    return %c0_i32, %c0_i32_0 : i32, i32
  }
  func.func @transform_6(%arg0: i32) -> (i32, i32) {
    %c0_i32 = arith.constant 0 : i32
    %c0_i32_0 = arith.constant 0 : i32
    %c0_i32_1 = arith.constant 0 : i32
    return %c0_i32, %c0_i32_0 : i32, i32
  }
  func.func @transform_7(%arg0: i32) -> (i32, i32) {
    %c0_i32 = arith.constant 0 : i32
    %c0_i32_0 = arith.constant 0 : i32
    return %arg0, %c0_i32 : i32, i32
  }
  func.func @transform_8(%arg0: i32) -> (i32, i32) {
    %c0_i32 = arith.constant 0 : i32
    %c0_i32_0 = arith.constant 0 : i32
    return %arg0, %c0_i32 : i32, i32
  }
}

module attributes {stable_mosaic.version = 14 : i64} {
  func.func @body(%arg0: i32, %arg1: memref<2x1000x128xf32, #tpu.memory_space<vmem>>, %arg2: memref<2x1000x128xf32, #tpu.memory_space<vmem>>, %arg3: memref<128x128xf32, #tpu.memory_space<vmem>>, %arg4: memref<1x128xf32, #tpu.memory_space<vmem>>, %arg5: memref<128x128xf32, #tpu.memory_space<vmem>>, %arg6: memref<1x128xf32, #tpu.memory_space<vmem>>, %arg7: memref<128x128xf32, #tpu.memory_space<vmem>>, %arg8: memref<1x128xf32, #tpu.memory_space<vmem>>, %arg9: memref<1000x128xf32, #tpu.memory_space<vmem>>, %arg10: memref<1000x128xf32, #tpu.memory_space<vmem>>, %arg11: memref<1x1xf32, #tpu.memory_space<vmem>>) attributes {dimension_semantics = [#tpu.dimension_semantics<arbitrary>], iteration_bounds = array<i64: 10>, scalar_prefetch = 0 : i64, scratch_operands = 0 : i64, tpu.core_type = #tpu.core_type<tc>, window_params = [{transform_indices = @transform_0, window_bounds = array<i64: 2, 1000, 128>}, {transform_indices = @transform_1, window_bounds = array<i64: 2, 1000, 128>}, {pipeline_mode = #tpu.pipeline_mode<synchronous>, transform_indices = @transform_2, window_bounds = array<i64: 128, 128>}, {pipeline_mode = #tpu.pipeline_mode<synchronous>, transform_indices = @transform_3, window_bounds = array<i64: 1, 128>}, {pipeline_mode = #tpu.pipeline_mode<synchronous>, transform_indices = @transform_4, window_bounds = array<i64: 128, 128>}, {pipeline_mode = #tpu.pipeline_mode<synchronous>, transform_indices = @transform_5, window_bounds = array<i64: 1, 128>}, {pipeline_mode = #tpu.pipeline_mode<synchronous>, transform_indices = @transform_6, window_bounds = array<i64: 128, 128>}, {pipeline_mode = #tpu.pipeline_mode<synchronous>, transform_indices = @transform_7, window_bounds = array<i64: 1, 128>}, {transform_indices = @transform_8, window_bounds = array<i64: 1000, 128>}, {transform_indices = @transform_9, window_bounds = array<i64: 1000, 128>}, {pipeline_mode = #tpu.pipeline_mode<synchronous>, transform_indices = @transform_10, window_bounds = array<i64: 1, 1>}]} {
    %get3A = arith.constant 0 : index
    %get3A_0 = arith.constant 0 : index
    %get3A_1 = arith.constant 0 : index
    %get3A_2 = vector.load %arg1[%get3A, %get3A_0, %get3A_1] : memref<2x1000x128xf32, #tpu.memory_space<vmem>>, vector<1x1000x128xf32>
    %get3A_3 = vector.shape_cast %get3A_2 : vector<1x1000x128xf32> to vector<1000x128xf32>
    %get3A_4 = arith.constant 1 : index
    %get3A_5 = arith.constant 0 : index
    %get3A_6 = arith.constant 0 : index
    %get3A_7 = vector.load %arg1[%get3A_4, %get3A_5, %get3A_6] : memref<2x1000x128xf32, #tpu.memory_space<vmem>>, vector<1x1000x128xf32>
    %get3A_8 = vector.shape_cast %get3A_7 : vector<1x1000x128xf32> to vector<1000x128xf32>
    %add3A = arith.addf %get3A_3, %get3A_8 : vector<1000x128xf32>
    %get3A_9 = arith.constant 0 : index
    %get3A_10 = arith.constant 0 : index
    %get3A_11 = arith.constant 0 : index
    %get3A_12 = vector.load %arg2[%get3A_9, %get3A_10, %get3A_11] : memref<2x1000x128xf32, #tpu.memory_space<vmem>>, vector<1x1000x1xf32>
    %get3A_13 = vector.shape_cast %get3A_12 : vector<1x1000x1xf32> to vector<1000x1xf32>
    %get3A_14 = arith.constant 1 : index
    %get3A_15 = arith.constant 0 : index
    %get3A_16 = arith.constant 0 : index
    %get3A_17 = vector.load %arg2[%get3A_14, %get3A_15, %get3A_16] : memref<2x1000x128xf32, #tpu.memory_space<vmem>>, vector<1x1000x1xf32>
    %get3A_18 = vector.shape_cast %get3A_17 : vector<1x1000x1xf32> to vector<1000x1xf32>
    %add3A_19 = arith.addf %get3A_13, %get3A_18 : vector<1000x1xf32>
    %max3A = arith.constant 1.000000e+00 : f32
    %max3A_20 = vector.broadcast %max3A : f32 to vector<1000x1xf32>
    %max3A_21 = arith.maximumf %add3A_19, %max3A_20 : vector<1000x1xf32>
    %rsqrt3A = math.rsqrt %max3A_21 : vector<1000x1xf32>
    %mul3A = vector.broadcast %rsqrt3A : vector<1000x1xf32> to vector<1000x128xf32>
    %mul3A_22 = arith.mulf %add3A, %mul3A : vector<1000x128xf32>
    %get3A_23 = arith.constant 0 : index
    %get3A_24 = arith.constant 0 : index
    %get3A_25 = vector.load %arg3[%get3A_23, %get3A_24] : memref<128x128xf32, #tpu.memory_space<vmem>>, vector<128x128xf32>
    %dot_general3A = arith.constant dense<0.000000e+00> : vector<1000x128xf32>
    %dot_general3A_26 = tpu.matmul %mul3A_22, %get3A_25, %dot_general3A {dimension_numbers = #tpu.dot_dimension_numbers<[1], [0], [0], [1], [0, 0, 1, 1], [], []>, transpose_lhs_hint = false} : vector<1000x128xf32>, vector<128x128xf32>, vector<1000x128xf32> -> vector<1000x128xf32>
    %get3A_27 = arith.constant 0 : index
    %get3A_28 = arith.constant 0 : index
    %get3A_29 = vector.load %arg4[%get3A_27, %get3A_28] : memref<1x128xf32, #tpu.memory_space<vmem>>, vector<1x128xf32>
    %add3A_30 = vector.broadcast %get3A_29 : vector<1x128xf32> to vector<1000x128xf32>
    %add3A_31 = arith.addf %dot_general3A_26, %add3A_30 : vector<1000x128xf32>
    %max3A_32 = arith.constant 0.000000e+00 : f32
    %max3A_33 = vector.broadcast %max3A_32 : f32 to vector<1000x128xf32>
    %max3A_34 = arith.maximumf %add3A_31, %max3A_33 : vector<1000x128xf32>
    %get3A_35 = arith.constant 0 : index
    %get3A_36 = arith.constant 0 : index
    %get3A_37 = vector.load %arg5[%get3A_35, %get3A_36] : memref<128x128xf32, #tpu.memory_space<vmem>>, vector<128x128xf32>
    %dot_general3A_38 = arith.constant dense<0.000000e+00> : vector<1000x128xf32>
    %dot_general3A_39 = tpu.matmul %max3A_34, %get3A_37, %dot_general3A_38 {dimension_numbers = #tpu.dot_dimension_numbers<[1], [0], [0], [1], [0, 0, 1, 1], [], []>, transpose_lhs_hint = false} : vector<1000x128xf32>, vector<128x128xf32>, vector<1000x128xf32> -> vector<1000x128xf32>
    %get3A_40 = arith.constant 0 : index
    %get3A_41 = arith.constant 0 : index
    %get3A_42 = vector.load %arg6[%get3A_40, %get3A_41] : memref<1x128xf32, #tpu.memory_space<vmem>>, vector<1x128xf32>
    %add3A_43 = vector.broadcast %get3A_42 : vector<1x128xf32> to vector<1000x128xf32>
    %add3A_44 = arith.addf %dot_general3A_39, %add3A_43 : vector<1000x128xf32>
    %get3A_45 = arith.constant 0 : index
    %get3A_46 = arith.constant 0 : index
    %get3A_47 = vector.load %arg7[%get3A_45, %get3A_46] : memref<128x128xf32, #tpu.memory_space<vmem>>, vector<128x128xf32>
    %dot_general3A_48 = arith.constant dense<0.000000e+00> : vector<1000x128xf32>
    %dot_general3A_49 = tpu.matmul %max3A_34, %get3A_47, %dot_general3A_48 {dimension_numbers = #tpu.dot_dimension_numbers<[1], [0], [0], [1], [0, 0, 1, 1], [], []>, transpose_lhs_hint = false} : vector<1000x128xf32>, vector<128x128xf32>, vector<1000x128xf32> -> vector<1000x128xf32>
    %get3A_50 = arith.constant 0 : index
    %get3A_51 = arith.constant 0 : index
    %get3A_52 = vector.load %arg8[%get3A_50, %get3A_51] : memref<1x128xf32, #tpu.memory_space<vmem>>, vector<1x128xf32>
    %add3A_53 = vector.broadcast %get3A_52 : vector<1x128xf32> to vector<1000x128xf32>
    %add3A_54 = arith.addf %dot_general3A_49, %add3A_53 : vector<1000x128xf32>
    %swap3A = arith.constant 0 : index
    %swap3A_55 = arith.constant 0 : index
    %swap3A_56 = vector.load %arg9[%swap3A, %swap3A_55] : memref<1000x128xf32, #tpu.memory_space<vmem>>, vector<1000x128xf32>
    tpu.vector_store %arg9[%swap3A, %swap3A_55], %max3A_34 {strides = array<i32>} : memref<1000x128xf32, #tpu.memory_space<vmem>>, vector<1000x128xf32>,
    %swap3A_57 = arith.constant 0 : index
    %swap3A_58 = arith.constant 0 : index
    %swap3A_59 = vector.load %arg10[%swap3A_57, %swap3A_58] : memref<1000x128xf32, #tpu.memory_space<vmem>>, vector<1000x128xf32>
    tpu.vector_store %arg10[%swap3A_57, %swap3A_58], %add3A_44 {strides = array<i32>} : memref<1000x128xf32, #tpu.memory_space<vmem>>, vector<1000x128xf32>,
    %eq3A = arith.constant 0 : i32
    %eq3A_60 = arith.cmpi eq, %arg0, %eq3A : i32
    %convert_element_type3A = arith.extui %eq3A_60 : i1 to i32
    %cond3A = arith.constant 0 : i32
    %cond3A_61 = arith.cmpi ne, %convert_element_type3A, %cond3A : i32
    scf.if %cond3A_61 {
      %broadcast_in_dim3A = arith.constant 0.000000e+00 : f32
      %broadcast_in_dim3A_73 = vector.broadcast %broadcast_in_dim3A : f32 to vector<1x1xf32>
      %swap3A_74 = arith.constant 0 : index
      %swap3A_75 = arith.constant 0 : index
      %swap3A_76 = vector.load %arg11[%swap3A_74, %swap3A_75] : memref<1x1xf32, #tpu.memory_space<vmem>>, vector<1x1xf32>
      tpu.vector_store %arg11[%swap3A_74, %swap3A_75], %broadcast_in_dim3A_73 {strides = array<i32>} : memref<1x1xf32, #tpu.memory_space<vmem>>, vector<1x1xf32>,
    } else {
    }
    %get3A_62 = arith.constant 0 : index
    %get3A_63 = arith.constant 0 : index
    %get3A_64 = vector.load %arg11[%get3A_62, %get3A_63] : memref<1x1xf32, #tpu.memory_space<vmem>>, vector<1x1xf32>
    %sub3A = arith.subf %max3A_34, %add3A_54 : vector<1000x128xf32>
    %integer_pow3A = arith.mulf %sub3A, %sub3A : vector<1000x128xf32>
    %reduce_sum3A = vector.shape_cast %integer_pow3A : vector<1000x128xf32> to vector<1x1000x128xf32>
    %reduce_sum3A_65 = arith.constant dense<0.000000e+00> : vector<1xf32>
    %reduce_sum3A_66 = vector.multi_reduction <add>, %reduce_sum3A, %reduce_sum3A_65 [1, 2] : vector<1x1000x128xf32> to vector<1xf32>
    %reduce_sum3A_67 = vector.shape_cast %reduce_sum3A_66 : vector<1xf32> to vector<1x1x1xf32>
    %reduce_sum3A_68 = vector.extract %reduce_sum3A_67[0, 0, 0] : f32 from vector<1x1x1xf32>
    %reshape3A = vector.broadcast %reduce_sum3A_68 : f32 to vector<1x1xf32>
    %add3A_69 = arith.addf %get3A_64, %reshape3A : vector<1x1xf32>
    %swap3A_70 = arith.constant 0 : index
    %swap3A_71 = arith.constant 0 : index
    %swap3A_72 = vector.load %arg11[%swap3A_70, %swap3A_71] : memref<1x1xf32, #tpu.memory_space<vmem>>, vector<1x1xf32>
    tpu.vector_store %arg11[%swap3A_70, %swap3A_71], %add3A_69 {strides = array<i32>} : memref<1x1xf32, #tpu.memory_space<vmem>>, vector<1x1xf32>,
    return
  }
  func.func @transform_0(%arg0: i32) -> (i32, i32, i32) {
    %c0_i32 = arith.constant 0 : i32
    %c0_i32_0 = arith.constant 0 : i32
    %c0_i32_1 = arith.constant 0 : i32
    return %c0_i32, %arg0, %c0_i32_0 : i32, i32, i32
  }
  func.func @transform_1(%arg0: i32) -> (i32, i32, i32) {
    %c0_i32 = arith.constant 0 : i32
    %c0_i32_0 = arith.constant 0 : i32
    %c0_i32_1 = arith.constant 0 : i32
    return %c0_i32, %arg0, %c0_i32_0 : i32, i32, i32
  }
  func.func @transform_2(%arg0: i32) -> (i32, i32) {
    %c0_i32 = arith.constant 0 : i32
    %c0_i32_0 = arith.constant 0 : i32
    %c0_i32_1 = arith.constant 0 : i32
    return %c0_i32, %c0_i32_0 : i32, i32
  }
  func.func @transform_3(%arg0: i32) -> (i32, i32) {
    %c0_i32 = arith.constant 0 : i32
    %c0_i32_0 = arith.constant 0 : i32
    %c0_i32_1 = arith.constant 0 : i32
    return %c0_i32, %c0_i32_0 : i32, i32
  }
  func.func @transform_4(%arg0: i32) -> (i32, i32) {
    %c0_i32 = arith.constant 0 : i32
    %c0_i32_0 = arith.constant 0 : i32
    %c0_i32_1 = arith.constant 0 : i32
    return %c0_i32, %c0_i32_0 : i32, i32
  }
  func.func @transform_5(%arg0: i32) -> (i32, i32) {
    %c0_i32 = arith.constant 0 : i32
    %c0_i32_0 = arith.constant 0 : i32
    %c0_i32_1 = arith.constant 0 : i32
    return %c0_i32, %c0_i32_0 : i32, i32
  }
  func.func @transform_6(%arg0: i32) -> (i32, i32) {
    %c0_i32 = arith.constant 0 : i32
    %c0_i32_0 = arith.constant 0 : i32
    %c0_i32_1 = arith.constant 0 : i32
    return %c0_i32, %c0_i32_0 : i32, i32
  }
  func.func @transform_7(%arg0: i32) -> (i32, i32) {
    %c0_i32 = arith.constant 0 : i32
    %c0_i32_0 = arith.constant 0 : i32
    %c0_i32_1 = arith.constant 0 : i32
    return %c0_i32, %c0_i32_0 : i32, i32
  }
  func.func @transform_8(%arg0: i32) -> (i32, i32) {
    %c0_i32 = arith.constant 0 : i32
    %c0_i32_0 = arith.constant 0 : i32
    return %arg0, %c0_i32 : i32, i32
  }
  func.func @transform_9(%arg0: i32) -> (i32, i32) {
    %c0_i32 = arith.constant 0 : i32
    %c0_i32_0 = arith.constant 0 : i32
    return %arg0, %c0_i32 : i32, i32
  }
  func.func @transform_10(%arg0: i32) -> (i32, i32) {
    %c0_i32 = arith.constant 0 : i32
    %c0_i32_0 = arith.constant 0 : i32
    %c0_i32_1 = arith.constant 0 : i32
    return %c0_i32, %c0_i32_0 : i32, i32
  }
}

module attributes {stable_mosaic.version = 14 : i64} {
  func.func @body(%arg0: i32, %arg1: memref<2x55xi32, #tpu.memory_space<smem>>, %arg2: memref<1000x128xf32, #tpu.memory_space<vmem>>, %arg3: memref<1000x128xf32, #tpu.memory_space<vmem>>, %arg4: memref<1x1xf32, #tpu.memory_space<vmem>>) attributes {dimension_semantics = [#tpu.dimension_semantics<arbitrary>], iteration_bounds = array<i64: 55>, scalar_prefetch = 1 : i64, scratch_operands = 0 : i64, tpu.core_type = #tpu.core_type<tc>, window_params = [{transform_indices = @transform_0, window_bounds = array<i64: 1000, 128>}, {transform_indices = @transform_1, window_bounds = array<i64: 1000, 128>}, {pipeline_mode = #tpu.pipeline_mode<synchronous>, transform_indices = @transform_2, window_bounds = array<i64: 1, 1>}]} {
    %get3A = arith.constant 0 : index
    %get3A_0 = arith.index_cast %arg0 : i32 to index
    %get3A_1 = memref.load %arg1[%get3A, %get3A_0] : memref<2x55xi32, #tpu.memory_space<smem>>
    %get3A_2 = arith.constant 1 : index
    %get3A_3 = arith.index_cast %arg0 : i32 to index
    %get3A_4 = memref.load %arg1[%get3A_2, %get3A_3] : memref<2x55xi32, #tpu.memory_space<smem>>
    %get3A_5 = arith.constant 0 : index
    %get3A_6 = arith.constant 0 : index
    %get3A_7 = vector.load %arg2[%get3A_5, %get3A_6] : memref<1000x128xf32, #tpu.memory_space<vmem>>, vector<1000x128xf32>
    %get3A_8 = arith.constant 0 : index
    %get3A_9 = arith.constant 0 : index
    %get3A_10 = vector.load %arg3[%get3A_8, %get3A_9] : memref<1000x128xf32, #tpu.memory_space<vmem>>, vector<1000x128xf32>
    %dot_general3A = arith.constant dense<0.000000e+00> : vector<1000x1000xf32>
    %dot_general3A_11 = tpu.matmul %get3A_7, %get3A_10, %dot_general3A {dimension_numbers = #tpu.dot_dimension_numbers<[1], [1], [0], [0], [0, 0, 1, 0], [], []>, transpose_lhs_hint = false} : vector<1000x128xf32>, vector<1000x128xf32>, vector<1000x1000xf32> -> vector<1000x1000xf32>
    %max3A = arith.constant 0.000000e+00 : f32
    %max3A_12 = vector.broadcast %max3A : f32 to vector<1000x1000xf32>
    %max3A_13 = arith.maximumf %dot_general3A_11, %max3A_12 : vector<1000x1000xf32>
    %abs3A = math.absf %dot_general3A_11 : vector<1000x1000xf32>
    %neg3A = arith.constant 0.000000e+00 : f32
    %neg3A_14 = vector.broadcast %neg3A : f32 to vector<1000x1000xf32>
    %neg3A_15 = arith.subf %neg3A_14, %abs3A : vector<1000x1000xf32>
    %exp3A = math.exp %neg3A_15 : vector<1000x1000xf32>
    %log1p3A = math.log1p %exp3A : vector<1000x1000xf32>
    %add3A = arith.addf %max3A_13, %log1p3A : vector<1000x1000xf32>
    %iota3A = tpu.iota {dimensions = array<i32: 0>} : vector<1000x1000xi32>
    %iota3A_16 = tpu.iota {dimensions = array<i32: 1>} : vector<1000x1000xi32>
    %ne3A = arith.cmpi ne, %get3A_1, %get3A_4 : i32
    %lt3A = arith.cmpi slt, %iota3A, %iota3A_16 : vector<1000x1000xi32>
    %or3A = vector.broadcast %ne3A : i1 to vector<1000x1000xi1>
    %or3A_17 = arith.ori %or3A, %lt3A : vector<1000x1000xi1>
    %jit3A = arith.constant 0.000000e+00 : f32
    %broadcast_in_dim3A = vector.broadcast %jit3A : f32 to vector<1000x1000xf32>
    %select_n3A = arith.select %or3A_17, %add3A, %broadcast_in_dim3A : vector<1000x1000xi1>, vector<1000x1000xf32>
    %eq3A = arith.constant 0 : i32
    %eq3A_18 = arith.cmpi eq, %arg0, %eq3A : i32
    %convert_element_type3A = arith.extui %eq3A_18 : i1 to i32
    %cond3A = arith.constant 0 : i32
    %cond3A_19 = arith.cmpi ne, %convert_element_type3A, %cond3A : i32
    scf.if %cond3A_19 {
      %broadcast_in_dim3A_30 = arith.constant 0.000000e+00 : f32
      %broadcast_in_dim3A_31 = vector.broadcast %broadcast_in_dim3A_30 : f32 to vector<1x1xf32>
      %swap3A_32 = arith.constant 0 : index
      %swap3A_33 = arith.constant 0 : index
      %swap3A_34 = vector.load %arg4[%swap3A_32, %swap3A_33] : memref<1x1xf32, #tpu.memory_space<vmem>>, vector<1x1xf32>
      tpu.vector_store %arg4[%swap3A_32, %swap3A_33], %broadcast_in_dim3A_31 {strides = array<i32>} : memref<1x1xf32, #tpu.memory_space<vmem>>, vector<1x1xf32>,
    } else {
    }
    %get3A_20 = arith.constant 0 : index
    %get3A_21 = arith.constant 0 : index
    %get3A_22 = vector.load %arg4[%get3A_20, %get3A_21] : memref<1x1xf32, #tpu.memory_space<vmem>>, vector<1x1xf32>
    %reduce_sum3A = vector.shape_cast %select_n3A : vector<1000x1000xf32> to vector<1x1000x1000xf32>
    %reduce_sum3A_23 = arith.constant dense<0.000000e+00> : vector<1xf32>
    %reduce_sum3A_24 = vector.multi_reduction <add>, %reduce_sum3A, %reduce_sum3A_23 [1, 2] : vector<1x1000x1000xf32> to vector<1xf32>
    %reduce_sum3A_25 = vector.shape_cast %reduce_sum3A_24 : vector<1xf32> to vector<1x1x1xf32>
    %reduce_sum3A_26 = vector.extract %reduce_sum3A_25[0, 0, 0] : f32 from vector<1x1x1xf32>
    %reshape3A = vector.broadcast %reduce_sum3A_26 : f32 to vector<1x1xf32>
    %add3A_27 = arith.addf %get3A_22, %reshape3A : vector<1x1xf32>
    %swap3A = arith.constant 0 : index
    %swap3A_28 = arith.constant 0 : index
    %swap3A_29 = vector.load %arg4[%swap3A, %swap3A_28] : memref<1x1xf32, #tpu.memory_space<vmem>>, vector<1x1xf32>
    tpu.vector_store %arg4[%swap3A, %swap3A_28], %add3A_27 {strides = array<i32>} : memref<1x1xf32, #tpu.memory_space<vmem>>, vector<1x1xf32>,
    return
  }
  func.func @transform_0(%arg0: i32, %arg1: memref<2x55xi32, #tpu.memory_space<smem>>) -> (i32, i32) {
    %get3A = arith.constant 0 : index
    %get3A_0 = arith.index_cast %arg0 : i32 to index
    %get3A_1 = memref.load %arg1[%get3A, %get3A_0] : memref<2x55xi32, #tpu.memory_space<smem>>
    %c0_i32 = arith.constant 0 : i32
    %c0_i32_2 = arith.constant 0 : i32
    return %get3A_1, %c0_i32 : i32, i32
  }
  func.func @transform_1(%arg0: i32, %arg1: memref<2x55xi32, #tpu.memory_space<smem>>) -> (i32, i32) {
    %get3A = arith.constant 1 : index
    %get3A_0 = arith.index_cast %arg0 : i32 to index
    %get3A_1 = memref.load %arg1[%get3A, %get3A_0] : memref<2x55xi32, #tpu.memory_space<smem>>
    %c0_i32 = arith.constant 0 : i32
    %c0_i32_2 = arith.constant 0 : i32
    return %get3A_1, %c0_i32 : i32, i32
  }
  func.func @transform_2(%arg0: i32, %arg1: memref<2x55xi32, #tpu.memory_space<smem>>) -> (i32, i32) {
    %c0_i32 = arith.constant 0 : i32
    %c0_i32_0 = arith.constant 0 : i32
    %c0_i32_1 = arith.constant 0 : i32
    return %c0_i32, %c0_i32_0 : i32, i32
  }
}

module attributes {stable_mosaic.version = 14 : i64} {
  func.func @body(%arg0: i32, %arg1: memref<1024x128xf32, #tpu.memory_space<vmem>>, %arg2: memref<1024x128xf32, #tpu.memory_space<vmem>>, %arg3: memref<1024x1xf32, #tpu.memory_space<vmem>>, %arg4: memref<1x1xf32, #tpu.memory_space<vmem>>, %arg5: memref<1x1xf32, #tpu.memory_space<vmem>>, %arg6: memref<1x1xf32, #tpu.memory_space<vmem>>) attributes {dimension_semantics = [#tpu.dimension_semantics<arbitrary>], iteration_bounds = array<i64: 160>, scalar_prefetch = 0 : i64, scratch_operands = 0 : i64, tpu.core_type = #tpu.core_type<tc>, window_params = [{transform_indices = @transform_0, window_bounds = array<i64: 1024, 128>}, {transform_indices = @transform_1, window_bounds = array<i64: 1024, 128>}, {transform_indices = @transform_2, window_bounds = array<i64: 1024, 1>}, {pipeline_mode = #tpu.pipeline_mode<synchronous>, transform_indices = @transform_3, window_bounds = array<i64: 1, 1>}, {pipeline_mode = #tpu.pipeline_mode<synchronous>, transform_indices = @transform_4, window_bounds = array<i64: 1, 1>}, {pipeline_mode = #tpu.pipeline_mode<synchronous>, transform_indices = @transform_5, window_bounds = array<i64: 1, 1>}]} {
    %get3A = arith.constant 0 : index
    %get3A_0 = arith.constant 0 : index
    %get3A_1 = vector.load %arg1[%get3A, %get3A_0] : memref<1024x128xf32, #tpu.memory_space<vmem>>, vector<1024x128xf32>
    %get3A_2 = arith.constant 0 : index
    %get3A_3 = arith.constant 0 : index
    %get3A_4 = vector.load %arg2[%get3A_2, %get3A_3] : memref<1024x128xf32, #tpu.memory_space<vmem>>, vector<1024x128xf32>
    %mul3A = arith.mulf %get3A_1, %get3A_4 : vector<1024x128xf32>
    %broadcast_in_dim3A = arith.constant 1.000000e+00 : f32
    %broadcast_in_dim3A_5 = vector.broadcast %broadcast_in_dim3A : f32 to vector<128x128xf32>
    %dot_general3A = arith.constant dense<0.000000e+00> : vector<1024x128xf32>
    %dot_general3A_6 = tpu.matmul %mul3A, %broadcast_in_dim3A_5, %dot_general3A {dimension_numbers = #tpu.dot_dimension_numbers<[1], [0], [0], [1], [0, 0, 1, 1], [], []>, transpose_lhs_hint = false} : vector<1024x128xf32>, vector<128x128xf32>, vector<1024x128xf32> -> vector<1024x128xf32>
    %get3A_7 = arith.constant 0 : index
    %get3A_8 = arith.constant 0 : index
    %get3A_9 = vector.load %arg3[%get3A_7, %get3A_8] : memref<1024x1xf32, #tpu.memory_space<vmem>>, vector<1024x1xf32>
    %eq3A = arith.constant 0 : i32
    %eq3A_10 = arith.cmpi eq, %arg0, %eq3A : i32
    %convert_element_type3A = arith.extui %eq3A_10 : i1 to i32
    %cond3A = arith.constant 0 : i32
    %cond3A_11 = arith.cmpi ne, %convert_element_type3A, %cond3A : i32
    scf.if %cond3A_11 {
      %broadcast_in_dim3A_59 = arith.constant 0.000000e+00 : f32
      %broadcast_in_dim3A_60 = vector.broadcast %broadcast_in_dim3A_59 : f32 to vector<1x1xf32>
      %swap3A_61 = arith.constant 0 : index
      %swap3A_62 = arith.constant 0 : index
      %swap3A_63 = vector.load %arg4[%swap3A_61, %swap3A_62] : memref<1x1xf32, #tpu.memory_space<vmem>>, vector<1x1xf32>
      tpu.vector_store %arg4[%swap3A_61, %swap3A_62], %broadcast_in_dim3A_60 {strides = array<i32>} : memref<1x1xf32, #tpu.memory_space<vmem>>, vector<1x1xf32>,
      %broadcast_in_dim3A_64 = arith.constant 0.000000e+00 : f32
      %broadcast_in_dim3A_65 = vector.broadcast %broadcast_in_dim3A_64 : f32 to vector<1x1xf32>
      %swap3A_66 = arith.constant 0 : index
      %swap3A_67 = arith.constant 0 : index
      %swap3A_68 = vector.load %arg5[%swap3A_66, %swap3A_67] : memref<1x1xf32, #tpu.memory_space<vmem>>, vector<1x1xf32>
      tpu.vector_store %arg5[%swap3A_66, %swap3A_67], %broadcast_in_dim3A_65 {strides = array<i32>} : memref<1x1xf32, #tpu.memory_space<vmem>>, vector<1x1xf32>,
      %broadcast_in_dim3A_69 = arith.constant 0.000000e+00 : f32
      %broadcast_in_dim3A_70 = vector.broadcast %broadcast_in_dim3A_69 : f32 to vector<1x1xf32>
      %swap3A_71 = arith.constant 0 : index
      %swap3A_72 = arith.constant 0 : index
      %swap3A_73 = vector.load %arg6[%swap3A_71, %swap3A_72] : memref<1x1xf32, #tpu.memory_space<vmem>>, vector<1x1xf32>
      tpu.vector_store %arg6[%swap3A_71, %swap3A_72], %broadcast_in_dim3A_70 {strides = array<i32>} : memref<1x1xf32, #tpu.memory_space<vmem>>, vector<1x1xf32>,
    } else {
    }
    %get3A_12 = arith.constant 0 : index
    %get3A_13 = arith.constant 0 : index
    %get3A_14 = vector.load %arg4[%get3A_12, %get3A_13] : memref<1x1xf32, #tpu.memory_space<vmem>>, vector<1x1xf32>
    %max3A = arith.constant 0.000000e+00 : f32
    %max3A_15 = vector.broadcast %max3A : f32 to vector<1024x128xf32>
    %max3A_16 = arith.maximumf %dot_general3A_6, %max3A_15 : vector<1024x128xf32>
    %abs3A = math.absf %dot_general3A_6 : vector<1024x128xf32>
    %neg3A = arith.constant 0.000000e+00 : f32
    %neg3A_17 = vector.broadcast %neg3A : f32 to vector<1024x128xf32>
    %neg3A_18 = arith.subf %neg3A_17, %abs3A : vector<1024x128xf32>
    %exp3A = math.exp %neg3A_18 : vector<1024x128xf32>
    %log1p3A = math.log1p %exp3A : vector<1024x128xf32>
    %add3A = arith.addf %max3A_16, %log1p3A : vector<1024x128xf32>
    %mul3A_19 = vector.broadcast %get3A_9 : vector<1024x1xf32> to vector<1024x128xf32>
    %mul3A_20 = arith.mulf %mul3A_19, %add3A : vector<1024x128xf32>
    %reduce_sum3A = vector.shape_cast %mul3A_20 : vector<1024x128xf32> to vector<1x1024x128xf32>
    %reduce_sum3A_21 = arith.constant dense<0.000000e+00> : vector<1xf32>
    %reduce_sum3A_22 = vector.multi_reduction <add>, %reduce_sum3A, %reduce_sum3A_21 [1, 2] : vector<1x1024x128xf32> to vector<1xf32>
    %reduce_sum3A_23 = vector.shape_cast %reduce_sum3A_22 : vector<1xf32> to vector<1x1x1xf32>
    %reduce_sum3A_24 = vector.extract %reduce_sum3A_23[0, 0, 0] : f32 from vector<1x1x1xf32>
    %div3A = arith.constant 1.280000e+02 : f32
    %div3A_25 = arith.divf %reduce_sum3A_24, %div3A : f32
    %reshape3A = vector.broadcast %div3A_25 : f32 to vector<1x1xf32>
    %add3A_26 = arith.addf %get3A_14, %reshape3A : vector<1x1xf32>
    %swap3A = arith.constant 0 : index
    %swap3A_27 = arith.constant 0 : index
    %swap3A_28 = vector.load %arg4[%swap3A, %swap3A_27] : memref<1x1xf32, #tpu.memory_space<vmem>>, vector<1x1xf32>
    tpu.vector_store %arg4[%swap3A, %swap3A_27], %add3A_26 {strides = array<i32>} : memref<1x1xf32, #tpu.memory_space<vmem>>, vector<1x1xf32>,
    %get3A_29 = arith.constant 0 : index
    %get3A_30 = arith.constant 0 : index
    %get3A_31 = vector.load %arg5[%get3A_29, %get3A_30] : memref<1x1xf32, #tpu.memory_space<vmem>>, vector<1x1xf32>
    %mul3A_32 = vector.broadcast %get3A_9 : vector<1024x1xf32> to vector<1024x128xf32>
    %mul3A_33 = arith.mulf %mul3A_32, %dot_general3A_6 : vector<1024x128xf32>
    %reduce_sum3A_34 = vector.shape_cast %mul3A_33 : vector<1024x128xf32> to vector<1x1024x128xf32>
    %reduce_sum3A_35 = arith.constant dense<0.000000e+00> : vector<1xf32>
    %reduce_sum3A_36 = vector.multi_reduction <add>, %reduce_sum3A_34, %reduce_sum3A_35 [1, 2] : vector<1x1024x128xf32> to vector<1xf32>
    %reduce_sum3A_37 = vector.shape_cast %reduce_sum3A_36 : vector<1xf32> to vector<1x1x1xf32>
    %reduce_sum3A_38 = vector.extract %reduce_sum3A_37[0, 0, 0] : f32 from vector<1x1x1xf32>
    %div3A_39 = arith.constant 1.280000e+02 : f32
    %div3A_40 = arith.divf %reduce_sum3A_38, %div3A_39 : f32
    %reshape3A_41 = vector.broadcast %div3A_40 : f32 to vector<1x1xf32>
    %add3A_42 = arith.addf %get3A_31, %reshape3A_41 : vector<1x1xf32>
    %swap3A_43 = arith.constant 0 : index
    %swap3A_44 = arith.constant 0 : index
    %swap3A_45 = vector.load %arg5[%swap3A_43, %swap3A_44] : memref<1x1xf32, #tpu.memory_space<vmem>>, vector<1x1xf32>
    tpu.vector_store %arg5[%swap3A_43, %swap3A_44], %add3A_42 {strides = array<i32>} : memref<1x1xf32, #tpu.memory_space<vmem>>, vector<1x1xf32>,
    %get3A_46 = arith.constant 0 : index
    %get3A_47 = arith.constant 0 : index
    %get3A_48 = vector.load %arg6[%get3A_46, %get3A_47] : memref<1x1xf32, #tpu.memory_space<vmem>>, vector<1x1xf32>
    %reduce_sum3A_49 = vector.shape_cast %get3A_9 : vector<1024x1xf32> to vector<1x1024x1xf32>
    %reduce_sum3A_50 = arith.constant dense<0.000000e+00> : vector<1xf32>
    %reduce_sum3A_51 = vector.multi_reduction <add>, %reduce_sum3A_49, %reduce_sum3A_50 [1, 2] : vector<1x1024x1xf32> to vector<1xf32>
    %reduce_sum3A_52 = vector.shape_cast %reduce_sum3A_51 : vector<1xf32> to vector<1x1x1xf32>
    %reduce_sum3A_53 = vector.extract %reduce_sum3A_52[0, 0, 0] : f32 from vector<1x1x1xf32>
    %reshape3A_54 = vector.broadcast %reduce_sum3A_53 : f32 to vector<1x1xf32>
    %add3A_55 = arith.addf %get3A_48, %reshape3A_54 : vector<1x1xf32>
    %swap3A_56 = arith.constant 0 : index
    %swap3A_57 = arith.constant 0 : index
    %swap3A_58 = vector.load %arg6[%swap3A_56, %swap3A_57] : memref<1x1xf32, #tpu.memory_space<vmem>>, vector<1x1xf32>
    tpu.vector_store %arg6[%swap3A_56, %swap3A_57], %add3A_55 {strides = array<i32>} : memref<1x1xf32, #tpu.memory_space<vmem>>, vector<1x1xf32>,
    return
  }
  func.func @transform_0(%arg0: i32) -> (i32, i32) {
    %c0_i32 = arith.constant 0 : i32
    %c0_i32_0 = arith.constant 0 : i32
    return %arg0, %c0_i32 : i32, i32
  }
  func.func @transform_1(%arg0: i32) -> (i32, i32) {
    %c0_i32 = arith.constant 0 : i32
    %c0_i32_0 = arith.constant 0 : i32
    return %arg0, %c0_i32 : i32, i32
  }
  func.func @transform_2(%arg0: i32) -> (i32, i32) {
    %c0_i32 = arith.constant 0 : i32
    %c0_i32_0 = arith.constant 0 : i32
    return %arg0, %c0_i32 : i32, i32
  }
  func.func @transform_3(%arg0: i32) -> (i32, i32) {
    %c0_i32 = arith.constant 0 : i32
    %c0_i32_0 = arith.constant 0 : i32
    %c0_i32_1 = arith.constant 0 : i32
    return %c0_i32, %c0_i32_0 : i32, i32
  }
  func.func @transform_4(%arg0: i32) -> (i32, i32) {
    %c0_i32 = arith.constant 0 : i32
    %c0_i32_0 = arith.constant 0 : i32
    %c0_i32_1 = arith.constant 0 : i32
    return %c0_i32, %c0_i32_0 : i32, i32
  }
  func.func @transform_5(%arg0: i32) -> (i32, i32) {
    %c0_i32 = arith.constant 0 : i32
    %c0_i32_0 = arith.constant 0 : i32
    %c0_i32_1 = arith.constant 0 : i32
    return %c0_i32, %c0_i32_0 : i32, i32
  }
}

</mosaic_0001>

<sc_bundles>
// kernel: kernel.12.cloned.1.call-start
scs
__scs_entry_jumppad:
0x0: {  	(pc) =	sbr.rel $0x88, $3  }
0x1: {  	(tag) =	ssettag $0x0;
	lr =	simm.s32 $0x1  }
0x2: {  	[smem:$0x3F95] =	sst lr;
	_ =	strace $0xD0000000  }
0x3: {  	_ = 	snop  }
0x4: {  	_ = 	snop  }
0x5: {  	_ = 	snop  }
0x6: {  	_ = 	snop  }
0x7: {  	_ = 	snop  }
__scs_overlays_trampoline_lowered:
0x8: {  	[smem:$0x3FA4] =	sst s0  }
0x9: {  	[smem:$0x3FA5] =	sst s1  }
0xa: {  	[smem:$0x3FA6] =	sst s2  }
0xb: {  	[smem:$0x3FA7] =	sst s3  }
0xc: {  	[smem:$0x3FA8] =	sst s4  }
0xd: {  	[smem:$0x3FA9] =	sst s5  }
0xe: {  	[smem:$0x3FAA] =	sst s6  }
0xf: {  	[smem:$0x3FAB] =	sst s7  }
0x10: {  	[smem:$0x3FAC] =	sst s8  }
0x11: {  	[smem:$0x3FAD] =	sst s9;
	s0 =	simm.s32 @!p0 $0x0  }
0x12: {  	s1 =	sld [smem:$0x3F93];
	s0 =	simm.s32 @p0 $0x1  }
0x13: {  	[smem:$0x3FAE] =	sst s0;
	s0 =	simm.s32 @!p1 $0x0  }
0x14: {  	s2 =	sld [smem:$0x3F92];
	s0 =	simm.s32 @p1 $0x1  }
0x15: {  	[smem:$0x3FAF] =	sst s0;
	s0 =	simm.s32 @!p2 $0x0  }
0x16: {  	s3 =	sld [smem:$0x3FDB];
	s0 =	simm.s32 @p2 $0x1  }
0x17: {  	s4 =	simm.s32 $0x1BF5;
	[smem:$0x3FB1] =	sst s0  }
0x18: {  	s0 =	sld [smem:$0x3F94];
	_ =	swait.ge [sflag:s4], $0x0  }
0x19: {  	s7 =	sld [smem:$0x3F95]  }
0x1a: {  	s8 =	sadd.s32 $0xFFFFE003, lr  }
0x1b: {  	s9 =	sadd.s32 $0xFFFFFEF7, lr;
	s5 =	simm.s32 $0xFFFFFFFF;
	p2 =	slt.u32 s8, $0xFFFFF086  }
0x1c: {  	p1 =	slt.u32 s9, $0xF7A;
	s5 =	simm.s32 @!p2 $0x0  }
0x1d: {  	s5 =	simm.s32 @p1 $0x1;
	p0 =	seq.s32 s7, s2  }
0x1e: {  	s7 =	smul.u32 @!p0 $0xF7A, s2;
	p2 =	seq.s32 @!p0 s5, $0x0  }
0x1f: {  	s9 =	smul.u32 $0xF7A, s1;
	s8 =	simm.s32 @!p0 $0x1BF5;
	p2 =	por !p2, p0  }
0x20: {  	[sflag:s8] =	ssyncset.s32 @!p0 $0xFFFFF086;
	s6 =	sadd.s32 @!p0 s3, s7;
	s7 =	simm.s32 @!p0 $0x108  }
0x21: {  	s3 =	sadd.s32 s3, s9;
	s6 =	sadd.s32 @!p0 $0x88, s6;
	s7 =	simm.s32 @p2 $0x1082  }
0x22: {  	[simem:s7], [sflag:s8] =	dma.local @!p0 [hbm:s6], $0xF7A  }
0x23: {  	s9 =	sor.u32 $0xD0000000, s2;
	s6 =	simm.s32 $0x108;
	_ =	swait.ge @!p0 [sflag:s8], $0x0  }
0x24: {  	s3 =	sadd.s32 $0x88, s3;
	s6 =	simm.s32 @!p1 $0x1082;
	[sflag:s4] =	ssyncset.s32 $0xFFFFF086  }
0x25: {  	[simem:s6], [sflag:s4] =	dma.local [hbm:s3], $0xF7A  }
0x26: {  	[smem:$0x3F95] =	sst s1;
	(tag) =	ssettag s2;
	_ =	strace s9  }
0x27: {  	s1 =	sld [smem:$0x3FA5]  }
0x28: {  	s2 =	sld [smem:$0x3FA6]  }
0x29: {  	s4 =	sld [smem:$0x3FA8]  }
0x2a: {  	p0 =	seq.s32 s5, $0x0;
	s5 =	sld [smem:$0x3FA9]  }
0x2b: {  	s6 =	sld [smem:$0x3FAA]  }
0x2c: {  	s7 =	sld [smem:$0x3FAB]  }
0x2d: {  	s3 =	simm.s32 $0x108;
	s8 =	sld [smem:$0x3FAC]  }
0x2e: {  	s3 =	simm.s32 @!p0 $0x1082;
	s9 =	sld [smem:$0x3FAD]  }
0x2f: {  	lr =	sadd.s32 s0, s3;
	s0 =	sld [smem:$0x3FA4]  }
0x30: {  	s3 =	sld [smem:$0x3FA7]  }
0x31: {  	[smem:$0x3FB0] =	sst s10  }
0x32: {  	s10 =	sld [smem:$0x3FAE];
	_ =	sdelay $0x3  }
0x33: {  	p0 =	seq.s32 s10, $0x1;
	s10 =	sld [smem:$0x3FB0];
	_ =	sdelay $0x3  }
0x34: {  	[smem:$0x3FB0] =	sst s10  }
0x35: {  	s10 =	sld [smem:$0x3FAF];
	_ =	sdelay $0x3  }
0x36: {  	p1 =	seq.s32 s10, $0x1;
	s10 =	sld [smem:$0x3FB0];
	_ =	sdelay $0x3  }
0x37: {  	[smem:$0x3FB0] =	sst s10  }
0x38: {  	s10 =	sld [smem:$0x3FB1]  }
0x39: {  	_ = 	snop;
	(pc) =	sbr.ind lr, $3  }
0x3a: {  	_ = 	snop  }
0x3b: {  	_ = 	snop  }
0x3c: {  	p2 =	seq.s32 s10, $0x1;
	s10 =	sld [smem:$0x3FB0]  }
0x3d: {  	_ =	shalt  }
0x3e: {  	_ =	shalt  }
0x3f: {  	_ =	shalt  }
0x40: {  	_ =	shalt  }
0x41: {  	_ =	shalt  }
0x42: {  	_ =	shalt  }
0x43: {  	_ =	shalt  }
0x44: {  	_ =	shalt  }
0x45: {  	_ =	shalt  }
0x46: {  	_ =	shalt  }
0x47: {  	_ =	shalt  }
0x48: {  	_ =	shalt  }
0x49: {  	_ =	shalt  }
0x4a: {  	_ =	shalt  }
0x4b: {  	_ =	shalt  }
0x4c: {  	_ =	shalt  }
0x4d: {  	_ =	shalt  }
0x4e: {  	_ =	shalt  }
0x4f: {  	_ =	shalt  }
0x50: {  	_ =	shalt  }
0x51: {  	_ =	shalt  }
0x52: {  	_ =	shalt  }
0x53: {  	_ =	shalt  }
0x54: {  	_ =	shalt  }
0x55: {  	_ =	shalt  }
0x56: {  	_ =	shalt  }
0x57: {  	_ =	shalt  }
0x58: {  	_ =	shalt  }
0x59: {  	_ =	shalt  }
0x5a: {  	_ =	shalt  }
0x5b: {  	_ =	shalt  }
0x5c: {  	_ =	shalt  }
0x5d: {  	_ =	shalt  }
0x5e: {  	_ =	shalt  }
0x5f: {  	_ =	shalt  }
0x60: {  	_ =	shalt  }
0x61: {  	_ =	shalt  }
0x62: {  	_ =	shalt  }
0x63: {  	_ =	shalt  }
0x64: {  	_ =	shalt  }
0x65: {  	_ =	shalt  }
0x66: {  	_ =	shalt  }
0x67: {  	_ =	shalt  }
0x68: {  	_ =	shalt  }
0x69: {  	_ =	shalt  }
0x6a: {  	_ =	shalt  }
0x6b: {  	_ =	shalt  }
0x6c: {  	_ =	shalt  }
0x6d: {  	_ =	shalt  }
0x6e: {  	_ =	shalt  }
0x6f: {  	_ =	shalt  }
0x70: {  	_ =	shalt  }
0x71: {  	_ =	shalt  }
0x72: {  	_ =	shalt  }
0x73: {  	_ =	shalt  }
0x74: {  	_ =	shalt  }
0x75: {  	_ =	shalt  }
0x76: {  	_ =	shalt  }
0x77: {  	_ =	shalt  }
0x78: {  	_ =	shalt  }
0x79: {  	_ =	shalt  }
0x7a: {  	_ =	shalt  }
0x7b: {  	_ =	shalt  }
0x7c: {  	_ =	shalt  }
0x7d: {  	_ =	shalt  }
0x7e: {  	_ =	shalt  }
0x7f: {  	_ =	shalt  }
0x80: {  	_ =	shalt  }
0x81: {  	_ =	shalt  }
0x82: {  	_ =	shalt  }
0x83: {  	_ =	shalt  }
0x84: {  	_ =	shalt  }
0x85: {  	_ =	shalt  }
0x86: {  	_ =	shalt  }
0x87: {  	_ =	shalt  }
.Lfunc_end0:
.L_simem_size_0:
called_computation_lowered:
.L_overlay_start_0:
0x88: {  	s2 =	sld [smem:$0x3FD9]  }
0x89: {  	s3 =	sld [smem:$0x3FFE];
	_ =	sdelay $0x1  }
0x8a: {  	s1 =	srdreg.scid  }
0x8b: {  	s0 =	sand.u32 $0x1, s1  }
0x8c: {  	s14 =	sshll.u32 s0, $0xA;
	s2 =	sadd.s32 s3, s2  }
0x8d: {  	s2 =	sadd.s32 s2, s14  }
0x8e: {  	[smem:$0x3FBC] =	sst s2  }
0x8f: {  	_ = 	snop  }
0x90: {  	s2 =	sld [smem:$0x3FD0];
	_ =	sdelay $0x2  }
0x91: {  	s15 =	simm.s32 $0xB;
	s4 =	simm.s32 $0x10  }
0x92: {  	[smem:s4], [sflag:s15] =	dma.local [hbm:s2], $0x1  }
0x93: {  	_ =	swait.eq [sflag:s15], $0x1  }
0x94: {  	[sflag:s15] =	ssyncset.done $0x0  }
0x95: {  	s16 =	sld [smem:$0x10];
	[sflag:s15] =	ssyncadd.s32 $0xFFFFFFFF  }
0x96: {  	s17 =	sld [smem:$0x13];
	(tm) =	ssettm $0x1  }
0x97: {  	s18 =	sld [smem:$0x3FFB];
	_ =	sdelay $0x3  }
0x98: {  	_ =	strace s18  }
0x99: {  	s4 =	sld [smem:$0x3FFC];
	_ =	sdelay $0x3  }
0x9a: {  	_ =	strace s4  }
0x9b: {  	s4 =	sld [smem:$0x3FFD];
	_ =	sdelay $0x3  }
0x9c: {  	_ =	strace s4  }
0x9d: {  	_ =	strace $0x8FFFFFFF  }
0x9e: {  	s19 =	sld [smem:$0x3FDB];
	_ =	sdelay $0x1  }
0x9f: {  	s5 =	simm.s32 $_scs_section_size  }
0xa0: {  	s6 =	simm.s32 $_size__tile_overlayer_lowered;
	s7 =	simm.s32 $_tile_overlayer_lowered  }
0xa1: {  	s22 =	simm.s32 $0x1BFF;
	s21 =	sshll.u32 s7, $0x1;
	s4 =	sadd.s32 s5, s19  }
0xa2: {  	s8 =	simm.s32 $0x0;
	s20 =	sshll.u32 s6, $0x1;
	s6 =	sadd.s32 s21, s4  }
0xa3: {  	[timem:s8], [sflag:s22] =	dma.local [hbm:s6], s20  }
0xa4: {  	_ =	swait.ge [sflag:s22], s20  }
0xa5: {  	s5 =	ssub.s32 $0x0, s20;
	[sflag:s22] =	ssyncset.done $0x0  }
0xa6: {  	[sflag:s22] =	ssyncadd.s32 s5;
	_ =	sdelay $0x1  }
0xa7: {  	s23 =	simm.s32 $0x1B8B  }
0xa8: {  	_ =	swait.ge [sflag:s23], $0x1  }
0xa9: {  	[sflag:s23] =	ssyncset.done $0x0  }
0xaa: {  	s25 =	simm.s32 $0x1B8E;
	s24 =	sld [smem:$0x3FFE];
	[sflag:s23] =	ssyncadd.s32 $0xFFFFFFFF  }
0xab: {  	s26 =	simm.s32 $execute0_lowered;
	[smem:$0x3FD2] =	sst s25  }
0xac: {  	s6 =	sshll.u32 s26, $0x1;
	_ =	strace $0x80000046;
	[dreg:$0x1] =	wrdreg $0xFFFFFFFF  }
0xad: {  	s28 =	simm.s32 $_size_execute0_lowered;
	s4 =	sadd.s32 s4, s6;
	[dreg:$0x0] =	wrdreg $0x0  }
0xae: {  	s6 =	sshll.u32 s28, $0x1;
	[dreg:$0x2] =	wrdreg s4  }
0xaf: {  	[dreg:$0x3] =	wrdreg s6  }
0xb0: {  	[dreg:$0x4] =	wrdreg $0xC0  }
0xb1: {  	_ =	task [dreg:s8], $0x5FFFF  }
0xb2: {  	[dreg:$0x1] =	wrdreg $0xFFFFFFFF  }
0xb3: {  	[dreg:$0x0] =	wrdreg $0x60  }
0xb4: {  	[dreg:$0x2] =	wrdreg s17  }
0xb5: {  	[dreg:$0x3] =	wrdreg s16  }
0xb6: {  	[dreg:$0x4] =	wrdreg s24  }
0xb7: {  	[dreg:$0x5] =	wrdreg $0x94000  }
0xb8: {  	[dreg:$0x6] =	wrdreg $0xA  }
0xb9: {  	_ =	task.clear_ibuf [dreg:s8], $0x7FFFF;
	_ =	strace $0x90000046  }
0xba: {  	s29 =	simm.s32 $0xA;
	_ =	strace $0x80000048  }
0xbb: {  	_ =	swait.ge [sflag:s29], $0x1  }
0xbc: {  	[sflag:s29] =	ssyncadd.s32 $0xFFFFFFFF  }
0xbd: {  	_ =	strace $0x90000048  }
0xbe: {  	_ =	sfence  }
0xbf: {  	s30 =	sld [smem:$0x0];
	_ =	sdelay $0x2  }
0xc0: {  	s31 =	sshll.u32 s1, $0xD;
	s1 =	sshrl.u32 s1, $0x2  }
0xc1: {  	s3 =	sand.u32 $0x4000, s31;
	s1 =	sadd.s32 s1, s30  }
0xc2: {  	s0 =	sor.u32 s3, s0;
	s1 =	sshll.u32 s1, $0x11  }
0xc3: {  	s0 =	sor.u32 s1, s0  }
0xc4: {  	s0 =	sadd.s32 $0x8F2B, s0  }
0xc5: {  	[sflag:s0] =	ssyncadd.remote.s32 $0x1  }
0xc6: {  	_ =	sfence.sel $0xFFFF  }
0xc7: {  	[dreg:$0x0] =	wrdreg $0xFFFFFFFF;
	(pc) =	sbr.abs _section_cstart, $3  }
0xc8: {  	[dreg:$0x1] =	wrdreg $0xFFFFFFFF  }
0xc9: {  	_ =	task.clear_ibuf [dreg:s8], $0x2FFFF;
	_ =	strace $0x9FFFFFFF  }
0xca: {  	(tm) =	ssettm $0x7FFFFFFF  }
0xcb: {  	_ =	shalt  }
tec
execute0_lowered:
.L_overlay_start_1:
0x0: {  	(tag) =	ssettag $0x1  }
0x1: {  	s6 =	rddreg [dreg:$0x0]  }
0x2: {  	s1 =	rddreg [dreg:$0x1]  }
0x3: {  	s7 =	rddreg [dreg:$0x2]  }
0x4: {  	s2 =	rddreg [dreg:$0x3]  }
0x5: {  	s0 =	rddreg [dreg:$0x4];
	s3 =	simm.s32 $0x0  }
0x6: {  	s4 =	srdreg.scid;
	s20 =	simm.s32 $0x5400;
	s21 =	simm.s32 $0x80  }
0x7: {  	s22 =	simm.s32 $0x0;
	s8 =	sand.u32 $0x1, s4;
	s4 =	stileid.u32  }
0x8: {  	[smem:$0x7FF] =	sst s3;
	s5 =	sadd.s32 $0x5000, s7;
	s10 =	smul.u32 $0x50000, s4  }
0x9: {  	s16 =	sadd.s32 $0x5800, s7;
	s9 =	sshll.u32 s8, $0x4;
	s12 =	smul.u32 $0x14000, s4  }
0xa: {  	s28 =	ssub.s32 $0x2, s8;
	s15 =	smul.u32 $0x140000, s8;
	s9 =	sor.u32 s4, s9  }
0xb: {  	_ =	strace $0x80000047;
	s11 =	sshrl.u32 s28, $0x1;
	s9 =	smul.u32 $0x280, s9  }
0xc: {  	s10 =	sshrl.u32 s10, $0x2;
	s17 =	ssub.s32 s28, s11;
	s29 =	sadd.s32 $0x4000, s12  }
0xd: {  	s14 =	sadd.s32 $0x8000, s12;
	s18 =	sadd.s32 $0xC000, s12;
	s13 =	sadd.s32 s12, s15  }
0xe: {  	s19 =	sadd.s32 $0x10000, s12;
	s7 =	sadd.s32 s10, s2;
	s8 =	sadd.s32 s29, s2  }
0xf: {  	s10 =	sadd.s32 s18, s2;
	s11 =	sadd.s32 s15, s29;
	s30 =	sshrl.u32 s13, $0x3  }
0x10: {  	s18 =	sadd.s32 s15, s18;
	s17 =	smax.u32 s17, $0x1;
	s6 =	sadd.s32 s6, s9  }
0x11: {  	s9 =	sadd.s32 s14, s2;
	s31 =	sshrl.u32 s11, $0x3;
	s11 =	sadd.s32 s19, s2  }
0x12: {  	s12 =	sadd.s32 s16, s30;
	s14 =	sadd.s32 s15, s14;
	s15 =	sadd.s32 s15, s19  }
0x13: {  	s18 =	sshrl.u32 s18, $0x3;
	s13 =	sadd.s32 s16, s31;
	s14 =	sshrl.u32 s14, $0x3  }
0x14: {  	s19 =	sshrl.u32 s15, $0x3;
	s15 =	sadd.s32 s16, s18;
	s18 =	simm.s32 $0x1  }
0x15: {  	s14 =	sadd.s32 s16, s14;
	s16 =	sadd.s32 s16, s19;
	s19 =	simm.s32 $0x1400  }
.LBB2_1:
0x16: {  	[tilespmem:s3], [sflag:$0x1] =	stream.linear.gather [hbm4b:s6+s3], $0x1400, $0x38;
	[tilespmem:$0x1D400] =	vst v63  }
0x17: {  	_ =	swait.ge [sflag:s18], $0x1400  }
0x18: {  	[sflag:s18] =	ssyncset.done $0x0  }
0x19: {  	[sflag:s18] =	ssyncadd.s32 $0xFFFFEC00  }
0x1a: {  	[tilespmem:s19], [sflag:$0x1] =	stream.linear.gather [hbm4b:s1+s3], $0x4000, $0x38;
	[tilespmem:$0x1D400] =	vst v63  }
0x1b: {  	_ =	swait.ge [sflag:s18], $0x4000  }
0x1c: {  	[sflag:s18] =	ssyncset.done $0x0  }
0x1d: {  	[sflag:s18] =	ssyncadd.s32 $0xFFFFC000  }
0x1e: {  	[tilespmem:s20], [sflag:$0x1] =	stream.linear.gather [hbm4b:s5+s3], $0x4000, $0x38;
	[tilespmem:$0x1D400] =	vst v63  }
0x1f: {  	_ =	swait.ge [sflag:s18], $0x4000  }
0x20: {  	[sflag:s18] =	ssyncset.done $0x0  }
0x21: {  	[sflag:s18] =	ssyncadd.s32 $0xFFFFC000  }
0x22: {  	[spmem:s7] =	stream.linear.scatter [tilespmem:s20], [sflag:$0x1], $0x4000, $0x38;
	[tilespmem:$0x1D400] =	vst v63  }
0x23: {  	_ =	swait.ge [sflag:s18], $0x4000  }
0x24: {  	[sflag:s18] =	ssyncset.done $0x0  }
0x25: {  	[sflag:s18] =	ssyncadd.s32 $0xFFFFC000  }
0x26: {  	[spmem:s8] =	stream.linear.scatter [tilespmem:s20], [sflag:$0x1], $0x4000, $0x38;
	[tilespmem:$0x1D400] =	vst v63  }
0x27: {  	_ =	swait.ge [sflag:s18], $0x4000  }
0x28: {  	[sflag:s18] =	ssyncset.done $0x0  }
0x29: {  	[sflag:s18] =	ssyncadd.s32 $0xFFFFC000  }
0x2a: {  	[spmem:s9] =	stream.linear.scatter [tilespmem:s20], [sflag:$0x1], $0x4000, $0x38;
	[tilespmem:$0x1D400] =	vst v63  }
0x2b: {  	_ =	swait.ge [sflag:s18], $0x4000  }
0x2c: {  	[sflag:s18] =	ssyncset.done $0x0  }
0x2d: {  	[sflag:s18] =	ssyncadd.s32 $0xFFFFC000  }
0x2e: {  	[spmem:s10] =	stream.linear.scatter [tilespmem:s20], [sflag:$0x1], $0x4000, $0x38;
	[tilespmem:$0x1D400] =	vst v63  }
0x2f: {  	_ =	swait.ge [sflag:s18], $0x4000  }
0x30: {  	[sflag:s18] =	ssyncset.done $0x0  }
0x31: {  	[sflag:s18] =	ssyncadd.s32 $0xFFFFC000  }
0x32: {  	[spmem:s11] =	stream.linear.scatter [tilespmem:s20], [sflag:$0x1], $0x4000, $0x38;
	[tilespmem:$0x1D400] =	vst v63  }
0x33: {  	_ =	swait.ge [sflag:s18], $0x4000  }
0x34: {  	[sflag:s18] =	ssyncset.done $0x0  }
0x35: {  	[sflag:s18] =	ssyncadd.s32 $0xFFFFC000  }
0x36: {  	s23 =	simm.s32 $0x0;
	[bflag:$0x0] =	sbarrier.arrive $0xFFFF  }
0x37: {  	[spmem:s2] =	stream.indirect.scatter.add.f32 [tilespmem:s19], [sflag:$0x1], $0x80, s23, s21, $0xb8;
	[tilespmem:$0x1D400] =	vst v63  }
0x38: {  	_ =	swait.ge [sflag:s18], $0x4000  }
0x39: {  	s23 =	simm.s32 $0x200;
	[sflag:s18] =	ssyncset.done $0x0  }
.LBB2_2:
0x3a: {  	s24 =	sshra.s32 s23, $0x2;
	[sflag:s18] =	ssyncadd.s32 $0xFFFFC000;
	p0 =	sne.s32 s23, $0x4E00  }
0x3b: {  	[spmem:s2] =	stream.indirect.scatter.add.f32 [tilespmem:s19], [sflag:$0x1], $0x80, s24, s21, $0xb8;
	[tilespmem:$0x1D400] =	vst v63  }
.Ltmp0:
0x3c: {  	_ = 	snop;
	(pc) =	sbr.rel @p0 .LBB2_2-.Ltmp0, $4  }
0x3d: {  	_ = 	snop  }
0x3e: {  	s23 =	sadd.s32 $0x200, s23  }
0x3f: {  	_ =	swait.ge [sflag:s18], $0x4000  }
0x40: {  	[sflag:s18] =	ssyncset.done $0x0  }
0x41: {  	[sflag:s18] =	ssyncadd.s32 $0xFFFFC000  }
0x42: {  	[bflag:$0x0] =	sbarrier.arrive $0xFFFF  }
0x43: {  	[tilespmem:s20], [sflag:$0x1] =	stream.linear.gather [spmem:s7], $0x4000, $0x38;
	[tilespmem:$0x1D400] =	vst v63  }
0x44: {  	_ =	swait.ge [sflag:s18], $0x4000  }
0x45: {  	[sflag:s18] =	ssyncset.done $0x0  }
0x46: {  	[sflag:s18] =	ssyncadd.s32 $0xFFFFC000  }
0x47: {  	[hbm4b:s12+s3] =	stream.linear.scatter [tilespmem:s20], [sflag:$0x1], $0x4000, $0x38;
	[tilespmem:$0x1D400] =	vst v63  }
0x48: {  	_ =	swait.ge [sflag:s18], $0x4000  }
0x49: {  	[sflag:s18] =	ssyncset.done $0x0  }
0x4a: {  	[sflag:s18] =	ssyncadd.s32 $0xFFFFC000  }
0x4b: {  	[tilespmem:s20], [sflag:$0x1] =	stream.linear.gather [spmem:s8], $0x4000, $0x38;
	[tilespmem:$0x1D400] =	vst v63  }
0x4c: {  	_ =	swait.ge [sflag:s18], $0x4000  }
0x4d: {  	[sflag:s18] =	ssyncset.done $0x0  }
0x4e: {  	[sflag:s18] =	ssyncadd.s32 $0xFFFFC000  }
0x4f: {  	[hbm4b:s13+s3] =	stream.linear.scatter [tilespmem:s20], [sflag:$0x1], $0x4000, $0x38;
	[tilespmem:$0x1D400] =	vst v63  }
0x50: {  	_ =	swait.ge [sflag:s18], $0x4000  }
0x51: {  	[sflag:s18] =	ssyncset.done $0x0  }
0x52: {  	[sflag:s18] =	ssyncadd.s32 $0xFFFFC000  }
0x53: {  	[tilespmem:s20], [sflag:$0x1] =	stream.linear.gather [spmem:s9], $0x4000, $0x38;
	[tilespmem:$0x1D400] =	vst v63  }
0x54: {  	_ =	swait.ge [sflag:s18], $0x4000  }
0x55: {  	[sflag:s18] =	ssyncset.done $0x0  }
0x56: {  	[sflag:s18] =	ssyncadd.s32 $0xFFFFC000  }
0x57: {  	[hbm4b:s14+s3] =	stream.linear.scatter [tilespmem:s20], [sflag:$0x1], $0x4000, $0x38;
	[tilespmem:$0x1D400] =	vst v63  }
0x58: {  	_ =	swait.ge [sflag:s18], $0x4000  }
0x59: {  	[sflag:s18] =	ssyncset.done $0x0  }
0x5a: {  	[sflag:s18] =	ssyncadd.s32 $0xFFFFC000  }
0x5b: {  	[tilespmem:s20], [sflag:$0x1] =	stream.linear.gather [spmem:s10], $0x4000, $0x38;
	[tilespmem:$0x1D400] =	vst v63  }
0x5c: {  	_ =	swait.ge [sflag:s18], $0x4000  }
0x5d: {  	[sflag:s18] =	ssyncset.done $0x0  }
0x5e: {  	[sflag:s18] =	ssyncadd.s32 $0xFFFFC000  }
0x5f: {  	[hbm4b:s15+s3] =	stream.linear.scatter [tilespmem:s20], [sflag:$0x1], $0x4000, $0x38;
	[tilespmem:$0x1D400] =	vst v63  }
0x60: {  	_ =	swait.ge [sflag:s18], $0x4000  }
0x61: {  	[sflag:s18] =	ssyncset.done $0x0  }
0x62: {  	[sflag:s18] =	ssyncadd.s32 $0xFFFFC000  }
0x63: {  	[tilespmem:s20], [sflag:$0x1] =	stream.linear.gather [spmem:s11], $0x4000, $0x38;
	[tilespmem:$0x1D400] =	vst v63  }
0x64: {  	s22 =	sadd.s32 $0x1, s22;
	_ =	swait.ge [sflag:s18], $0x4000  }
0x65: {  	p0 =	sne.s32 s22, s17;
	[sflag:s18] =	ssyncset.done $0x0  }
.Ltmp1:
0x66: {  	[sflag:s18] =	ssyncadd.s32 $0xFFFFC000;
	(pc) =	sbr.rel @p0 .LBB2_1-.Ltmp1, $4  }
0x67: {  	[hbm4b:s16+s3] =	stream.linear.scatter [tilespmem:s20], [sflag:$0x1], $0x4000, $0x38;
	[tilespmem:$0x1D400] =	vst v63  }
0x68: {  	_ =	swait.ge [sflag:s18], $0x4000  }
0x69: {  	[sflag:s18] =	ssyncset.done $0x0  }
0x6a: {  	[sflag:s18] =	ssyncadd.s32 $0xFFFFC000  }
0x6b: {  	_ =	sfence.sel $0x180000  }
0x6c: {  	[bflag:$0x0] =	sbarrier.arrive $0xFFFF  }
0x6d: {  	p0 =	sne.s32 s4, $0x0;
	_ =	strace $0x90000047  }
0x6e: {  	s0 =	sadd.s32 @!p0 $0x100000, s0;
	[bflag:$0x2] =	sbarrier.arrive $0xFFFF  }
0x6f: {  	[sflag:s0] =	ssyncadd.tile.s32 @!p0 $0x1;
	_ =	shalt  }
.Lfunc_end2:
_tile_overlayer_lowered:
.L_overlay_start_2:
0x70: {  	(tag) =	ssettag $0x2  }
0x71: {  	s0 =	rddreg [dreg:$0x0];
	s2 =	stileid.u32  }
0x72: {  	s1 =	rddreg [dreg:$0x1];
	p0 =	sne.s32 s2, $0x0  }
0x73: {  	s3 =	rddreg [dreg:$0x2];
	[bflag:$0x3] =	sbarrier.arrive $0xFFFF;
	s2 =	simm.s32 @!p0 $0x1C01  }
0x74: {  	[timem:s3], [sflag:s2] =	dma.local @!p0 [hbm:s0], s1  }
0x75: {  	s0 =	simm.s32 @!p0 $0x1  }
0x76: {  	_ =	swait.ge @!p0 [sflag:s0], s1  }
0x77: {  	s1 =	ssub.s32 @!p0 $0x0, s1;
	[sflag:s0] =	ssyncset.done @!p0 $0x0  }
0x78: {  	[sflag:s0] =	ssyncadd.s32 @!p0 s1  }
0x79: {  	[bflag:$0x3] =	sbarrier.arrive $0xFFFF  }
0x7a: {  	_ =	shalt  }

// kernel: kernel.15.cloned.1.call-start
scs
__scs_entry_jumppad:
0x0: {  	(pc) =	sbr.rel $0x88, $3  }
0x1: {  	(tag) =	ssettag $0x0;
	lr =	simm.s32 $0x1  }
0x2: {  	[smem:$0x3F95] =	sst lr;
	_ =	strace $0xD0000000  }
0x3: {  	_ = 	snop  }
0x4: {  	_ = 	snop  }
0x5: {  	_ = 	snop  }
0x6: {  	_ = 	snop  }
0x7: {  	_ = 	snop  }
__scs_overlays_trampoline_lowered:
0x8: {  	[smem:$0x3FA4] =	sst s0  }
0x9: {  	[smem:$0x3FA5] =	sst s1  }
0xa: {  	[smem:$0x3FA6] =	sst s2  }
0xb: {  	[smem:$0x3FA7] =	sst s3  }
0xc: {  	[smem:$0x3FA8] =	sst s4  }
0xd: {  	[smem:$0x3FA9] =	sst s5  }
0xe: {  	[smem:$0x3FAA] =	sst s6  }
0xf: {  	[smem:$0x3FAB] =	sst s7  }
0x10: {  	[smem:$0x3FAC] =	sst s8  }
0x11: {  	[smem:$0x3FAD] =	sst s9;
	s0 =	simm.s32 @!p0 $0x0  }
0x12: {  	s1 =	sld [smem:$0x3F93];
	s0 =	simm.s32 @p0 $0x1  }
0x13: {  	[smem:$0x3FAE] =	sst s0;
	s0 =	simm.s32 @!p1 $0x0  }
0x14: {  	s2 =	sld [smem:$0x3F92];
	s0 =	simm.s32 @p1 $0x1  }
0x15: {  	[smem:$0x3FAF] =	sst s0;
	s0 =	simm.s32 @!p2 $0x0  }
0x16: {  	s3 =	sld [smem:$0x3FDB];
	s0 =	simm.s32 @p2 $0x1  }
0x17: {  	s4 =	simm.s32 $0x1BF5;
	[smem:$0x3FB1] =	sst s0  }
0x18: {  	s0 =	sld [smem:$0x3F94];
	_ =	swait.ge [sflag:s4], $0x0  }
0x19: {  	s7 =	sld [smem:$0x3F95]  }
0x1a: {  	s8 =	sadd.s32 $0xFFFFE003, lr  }
0x1b: {  	s9 =	sadd.s32 $0xFFFFFEF7, lr;
	s5 =	simm.s32 $0xFFFFFFFF;
	p2 =	slt.u32 s8, $0xFFFFF086  }
0x1c: {  	p1 =	slt.u32 s9, $0xF7A;
	s5 =	simm.s32 @!p2 $0x0  }
0x1d: {  	s5 =	simm.s32 @p1 $0x1;
	p0 =	seq.s32 s7, s2  }
0x1e: {  	s7 =	smul.u32 @!p0 $0xF7A, s2;
	p2 =	seq.s32 @!p0 s5, $0x0  }
0x1f: {  	s9 =	smul.u32 $0xF7A, s1;
	s8 =	simm.s32 @!p0 $0x1BF5;
	p2 =	por !p2, p0  }
0x20: {  	[sflag:s8] =	ssyncset.s32 @!p0 $0xFFFFF086;
	s6 =	sadd.s32 @!p0 s3, s7;
	s7 =	simm.s32 @!p0 $0x108  }
0x21: {  	s3 =	sadd.s32 s3, s9;
	s6 =	sadd.s32 @!p0 $0x88, s6;
	s7 =	simm.s32 @p2 $0x1082  }
0x22: {  	[simem:s7], [sflag:s8] =	dma.local @!p0 [hbm:s6], $0xF7A  }
0x23: {  	s9 =	sor.u32 $0xD0000000, s2;
	s6 =	simm.s32 $0x108;
	_ =	swait.ge @!p0 [sflag:s8], $0x0  }
0x24: {  	s3 =	sadd.s32 $0x88, s3;
	s6 =	simm.s32 @!p1 $0x1082;
	[sflag:s4] =	ssyncset.s32 $0xFFFFF086  }
0x25: {  	[simem:s6], [sflag:s4] =	dma.local [hbm:s3], $0xF7A  }
0x26: {  	[smem:$0x3F95] =	sst s1;
	(tag) =	ssettag s2;
	_ =	strace s9  }
0x27: {  	s1 =	sld [smem:$0x3FA5]  }
0x28: {  	s2 =	sld [smem:$0x3FA6]  }
0x29: {  	s4 =	sld [smem:$0x3FA8]  }
0x2a: {  	p0 =	seq.s32 s5, $0x0;
	s5 =	sld [smem:$0x3FA9]  }
0x2b: {  	s6 =	sld [smem:$0x3FAA]  }
0x2c: {  	s7 =	sld [smem:$0x3FAB]  }
0x2d: {  	s3 =	simm.s32 $0x108;
	s8 =	sld [smem:$0x3FAC]  }
0x2e: {  	s3 =	simm.s32 @!p0 $0x1082;
	s9 =	sld [smem:$0x3FAD]  }
0x2f: {  	lr =	sadd.s32 s0, s3;
	s0 =	sld [smem:$0x3FA4]  }
0x30: {  	s3 =	sld [smem:$0x3FA7]  }
0x31: {  	[smem:$0x3FB0] =	sst s10  }
0x32: {  	s10 =	sld [smem:$0x3FAE];
	_ =	sdelay $0x3  }
0x33: {  	p0 =	seq.s32 s10, $0x1;
	s10 =	sld [smem:$0x3FB0];
	_ =	sdelay $0x3  }
0x34: {  	[smem:$0x3FB0] =	sst s10  }
0x35: {  	s10 =	sld [smem:$0x3FAF];
	_ =	sdelay $0x3  }
0x36: {  	p1 =	seq.s32 s10, $0x1;
	s10 =	sld [smem:$0x3FB0];
	_ =	sdelay $0x3  }
0x37: {  	[smem:$0x3FB0] =	sst s10  }
0x38: {  	s10 =	sld [smem:$0x3FB1]  }
0x39: {  	_ = 	snop;
	(pc) =	sbr.ind lr, $3  }
0x3a: {  	_ = 	snop  }
0x3b: {  	_ = 	snop  }
0x3c: {  	p2 =	seq.s32 s10, $0x1;
	s10 =	sld [smem:$0x3FB0]  }
0x3d: {  	_ =	shalt  }
0x3e: {  	_ =	shalt  }
0x3f: {  	_ =	shalt  }
0x40: {  	_ =	shalt  }
0x41: {  	_ =	shalt  }
0x42: {  	_ =	shalt  }
0x43: {  	_ =	shalt  }
0x44: {  	_ =	shalt  }
0x45: {  	_ =	shalt  }
0x46: {  	_ =	shalt  }
0x47: {  	_ =	shalt  }
0x48: {  	_ =	shalt  }
0x49: {  	_ =	shalt  }
0x4a: {  	_ =	shalt  }
0x4b: {  	_ =	shalt  }
0x4c: {  	_ =	shalt  }
0x4d: {  	_ =	shalt  }
0x4e: {  	_ =	shalt  }
0x4f: {  	_ =	shalt  }
0x50: {  	_ =	shalt  }
0x51: {  	_ =	shalt  }
0x52: {  	_ =	shalt  }
0x53: {  	_ =	shalt  }
0x54: {  	_ =	shalt  }
0x55: {  	_ =	shalt  }
0x56: {  	_ =	shalt  }
0x57: {  	_ =	shalt  }
0x58: {  	_ =	shalt  }
0x59: {  	_ =	shalt  }
0x5a: {  	_ =	shalt  }
0x5b: {  	_ =	shalt  }
0x5c: {  	_ =	shalt  }
0x5d: {  	_ =	shalt  }
0x5e: {  	_ =	shalt  }
0x5f: {  	_ =	shalt  }
0x60: {  	_ =	shalt  }
0x61: {  	_ =	shalt  }
0x62: {  	_ =	shalt  }
0x63: {  	_ =	shalt  }
0x64: {  	_ =	shalt  }
0x65: {  	_ =	shalt  }
0x66: {  	_ =	shalt  }
0x67: {  	_ =	shalt  }
0x68: {  	_ =	shalt  }
0x69: {  	_ =	shalt  }
0x6a: {  	_ =	shalt  }
0x6b: {  	_ =	shalt  }
0x6c: {  	_ =	shalt  }
0x6d: {  	_ =	shalt  }
0x6e: {  	_ =	shalt  }
0x6f: {  	_ =	shalt  }
0x70: {  	_ =	shalt  }
0x71: {  	_ =	shalt  }
0x72: {  	_ =	shalt  }
0x73: {  	_ =	shalt  }
0x74: {  	_ =	shalt  }
0x75: {  	_ =	shalt  }
0x76: {  	_ =	shalt  }
0x77: {  	_ =	shalt  }
0x78: {  	_ =	shalt  }
0x79: {  	_ =	shalt  }
0x7a: {  	_ =	shalt  }
0x7b: {  	_ =	shalt  }
0x7c: {  	_ =	shalt  }
0x7d: {  	_ =	shalt  }
0x7e: {  	_ =	shalt  }
0x7f: {  	_ =	shalt  }
0x80: {  	_ =	shalt  }
0x81: {  	_ =	shalt  }
0x82: {  	_ =	shalt  }
0x83: {  	_ =	shalt  }
0x84: {  	_ =	shalt  }
0x85: {  	_ =	shalt  }
0x86: {  	_ =	shalt  }
0x87: {  	_ =	shalt  }
.Lfunc_end0:
.L_simem_size_0:
called_computation.1_lowered:
.L_overlay_start_0:
0x88: {  	s2 =	sld [smem:$0x3FD9]  }
0x89: {  	s3 =	sld [smem:$0x3FFE];
	_ =	sdelay $0x1  }
0x8a: {  	s1 =	srdreg.scid  }
0x8b: {  	s0 =	sand.u32 $0x1, s1  }
0x8c: {  	s15 =	sshll.u32 s0, $0xA;
	s2 =	sadd.s32 s3, s2  }
0x8d: {  	s2 =	sadd.s32 s2, s15  }
0x8e: {  	[smem:$0x3FBC] =	sst s2  }
0x8f: {  	_ = 	snop  }
0x90: {  	s2 =	sld [smem:$0x3FD0];
	_ =	sdelay $0x2  }
0x91: {  	s4 =	simm.s32 $0xB;
	s16 =	simm.s32 $0x10  }
0x92: {  	[smem:s16], [sflag:s4] =	dma.local [hbm:s2], $0x1  }
0x93: {  	_ =	swait.eq [sflag:s4], $0x1  }
0x94: {  	[sflag:s4] =	ssyncset.done $0x0  }
0x95: {  	s17 =	sld [smem:$0x10];
	[sflag:s4] =	ssyncadd.s32 $0xFFFFFFFF  }
0x96: {  	s18 =	sld [smem:$0x11];
	(tm) =	ssettm $0x1  }
0x97: {  	s19 =	sld [smem:$0x3FFB];
	_ =	sdelay $0x3  }
0x98: {  	_ =	strace s19  }
0x99: {  	s2 =	sld [smem:$0x3FFC];
	_ =	sdelay $0x3  }
0x9a: {  	_ =	strace s2  }
0x9b: {  	s2 =	sld [smem:$0x3FFD];
	_ =	sdelay $0x3  }
0x9c: {  	_ =	strace s2  }
0x9d: {  	_ =	strace $0x8FFFFFFF  }
0x9e: {  	s20 =	sld [smem:$0x3FDB];
	_ =	sdelay $0x1  }
0x9f: {  	s5 =	simm.s32 $_scs_section_size  }
0xa0: {  	s6 =	simm.s32 $_size__tile_overlayer_lowered;
	s7 =	simm.s32 $_tile_overlayer_lowered  }
0xa1: {  	s8 =	simm.s32 $0x1BFF;
	s21 =	sshll.u32 s7, $0x1;
	s5 =	sadd.s32 s5, s20  }
0xa2: {  	s22 =	simm.s32 $0x0;
	s6 =	sshll.u32 s6, $0x1;
	s7 =	sadd.s32 s21, s5  }
0xa3: {  	[timem:s22], [sflag:s8] =	dma.local [hbm:s7], s6  }
0xa4: {  	_ =	swait.ge [sflag:s8], s6  }
0xa5: {  	s6 =	ssub.s32 $0x0, s6;
	[sflag:s8] =	ssyncset.done $0x0  }
0xa6: {  	[sflag:s8] =	ssyncadd.s32 s6;
	_ =	sdelay $0x1  }
0xa7: {  	s23 =	simm.s32 $0x1B8B  }
0xa8: {  	_ =	swait.ge [sflag:s23], $0x1  }
0xa9: {  	[sflag:s23] =	ssyncset.done $0x0  }
0xaa: {  	[sflag:s23] =	ssyncadd.s32 $0xFFFFFFFF  }
0xab: {  	s6 =	sld [smem:$0x0]  }
0xac: {  	s7 =	sand.u32 $0xFFFFFFFE, s1  }
0xad: {  	p0 =	sne.s32 s1, s7  }
0xae: {  	s7 =	sshll.u32 @p0 s7, $0xE  }
0xaf: {  	s7 =	sadd.s32 @p0 $0x11B8D, s7;
	s8 =	sshll.u32 @p0 s6, $0x11  }
0xb0: {  	s7 =	sor.u32 @p0 s8, s7  }
0xb1: {  	[sflag:s7] =	ssyncadd.remote.s32 @p0 $0x1;
	_ =	sdelay $0x1  }
0xb2: {  	s7 =	simm.s32 @p0 $0x1B8D  }
0xb3: {  	_ =	swait.eq @p0 [sflag:s7], $0x1  }
0xb4: {  	[sflag:s7] =	ssyncadd.s32 @p0 $0xFFFFFFFF  }
0xb5: {  	s8 =	sshll.u32 @!p0 s1, $0xE  }
0xb6: {  	s8 =	sor.u32 @!p0 $0x4000, s8;
	s7 =	simm.s32 @!p0 $0x1B8D  }
0xb7: {  	s6 =	sshll.u32 @!p0 s6, $0x11;
	s8 =	sadd.s32 @!p0 $0x11B8D, s8;
	_ =	swait.eq @!p0 [sflag:s7], $0x1  }
0xb8: {  	s6 =	sor.u32 @!p0 s6, s8;
	[sflag:s7] =	ssyncadd.s32 @!p0 $0xFFFFFFFF  }
0xb9: {  	s25 =	simm.s32 $0x1B8E;
	s24 =	sld [smem:$0x3FFE];
	[sflag:s6] =	ssyncadd.remote.s32 @!p0 $0x1  }
0xba: {  	s26 =	simm.s32 $execute0_lowered;
	[smem:$0x3FD2] =	sst s25  }
0xbb: {  	s7 =	sshll.u32 s26, $0x1;
	_ =	strace $0x80000049;
	[dreg:$0x1] =	wrdreg $0xFFFFFFFF  }
0xbc: {  	s28 =	simm.s32 $_size_execute0_lowered;
	s5 =	sadd.s32 s5, s7;
	[dreg:$0x0] =	wrdreg $0x0  }
0xbd: {  	s7 =	sshll.u32 s28, $0x1;
	[dreg:$0x2] =	wrdreg s5  }
0xbe: {  	[dreg:$0x3] =	wrdreg s7  }
0xbf: {  	[dreg:$0x4] =	wrdreg $0xC0  }
0xc0: {  	_ =	task [dreg:s22], $0x5FFFF  }
0xc1: {  	[dreg:$0x1] =	wrdreg $0xFFFFFFFF  }
0xc2: {  	[dreg:$0x0] =	wrdreg $0x60  }
0xc3: {  	[dreg:$0x2] =	wrdreg s18  }
0xc4: {  	[dreg:$0x3] =	wrdreg s17  }
0xc5: {  	[dreg:$0x4] =	wrdreg s24  }
0xc6: {  	[dreg:$0x5] =	wrdreg $0x94000  }
0xc7: {  	[dreg:$0x6] =	wrdreg $0x9  }
0xc8: {  	_ =	task.clear_ibuf [dreg:s22], $0x7FFFF;
	_ =	strace $0x90000049  }
0xc9: {  	s29 =	simm.s32 $0x9;
	_ =	strace $0x8000004B  }
0xca: {  	_ =	swait.ge [sflag:s29], $0x1  }
0xcb: {  	[sflag:s29] =	ssyncadd.s32 $0xFFFFFFFF  }
0xcc: {  	_ =	strace $0x9000004B  }
0xcd: {  	_ =	sfence  }
0xce: {  	s30 =	sld [smem:$0x0];
	_ =	sdelay $0x2  }
0xcf: {  	s31 =	sshll.u32 s1, $0xD;
	s1 =	sshrl.u32 s1, $0x2  }
0xd0: {  	s4 =	sand.u32 $0x4000, s31;
	s1 =	sadd.s32 s1, s30  }
0xd1: {  	s0 =	sor.u32 s4, s0;
	s1 =	sshll.u32 s1, $0x11  }
0xd2: {  	s0 =	sor.u32 s1, s0  }
0xd3: {  	s0 =	sadd.s32 $0x8F2B, s0  }
0xd4: {  	[sflag:s0] =	ssyncadd.remote.s32 $0x1  }
0xd5: {  	_ =	sfence.sel $0xFFFF  }
0xd6: {  	[dreg:$0x0] =	wrdreg $0xFFFFFFFF;
	(pc) =	sbr.abs _section_cstart, $3  }
0xd7: {  	[dreg:$0x1] =	wrdreg $0xFFFFFFFF  }
0xd8: {  	_ =	task.clear_ibuf [dreg:s22], $0x2FFFF;
	_ =	strace $0x9FFFFFFF  }
0xd9: {  	(tm) =	ssettm $0x7FFFFFFF  }
tec
execute0_lowered:
.L_overlay_start_1:
0x0: {  	(tag) =	ssettag $0x1  }
0x1: {  	s6 =	rddreg [dreg:$0x0]  }
0x2: {  	s1 =	rddreg [dreg:$0x1]  }
0x3: {  	s7 =	rddreg [dreg:$0x2]  }
0x4: {  	s2 =	rddreg [dreg:$0x3]  }
0x5: {  	s0 =	rddreg [dreg:$0x4];
	s3 =	simm.s32 $0x0  }
0x6: {  	s4 =	srdreg.scid;
	s20 =	simm.s32 $0x5400;
	s21 =	simm.s32 $0x80  }
0x7: {  	s22 =	simm.s32 $0x0;
	s8 =	sand.u32 $0x1, s4;
	s4 =	stileid.u32  }
0x8: {  	[smem:$0x7FF] =	sst s3;
	s5 =	sadd.s32 $0x5000, s7;
	s10 =	smul.u32 $0x50000, s4  }
0x9: {  	s16 =	sadd.s32 $0x55800, s7;
	s9 =	sshll.u32 s8, $0x4;
	s12 =	smul.u32 $0x14000, s4  }
0xa: {  	s28 =	ssub.s32 $0x2, s8;
	s15 =	smul.u32 $0x140000, s8;
	s9 =	sor.u32 s4, s9  }
0xb: {  	_ =	strace $0x8000004A;
	s11 =	sshrl.u32 s28, $0x1;
	s9 =	smul.u32 $0x280, s9  }
0xc: {  	s10 =	sshrl.u32 s10, $0x2;
	s17 =	ssub.s32 s28, s11;
	s29 =	sadd.s32 $0x4000, s12  }
0xd: {  	s14 =	sadd.s32 $0x8000, s12;
	s18 =	sadd.s32 $0xC000, s12;
	s13 =	sadd.s32 s12, s15  }
0xe: {  	s19 =	sadd.s32 $0x10000, s12;
	s7 =	sadd.s32 s10, s2;
	s8 =	sadd.s32 s29, s2  }
0xf: {  	s10 =	sadd.s32 s18, s2;
	s11 =	sadd.s32 s15, s29;
	s30 =	sshrl.u32 s13, $0x3  }
0x10: {  	s18 =	sadd.s32 s15, s18;
	s17 =	smax.u32 s17, $0x1;
	s6 =	sadd.s32 s6, s9  }
0x11: {  	s9 =	sadd.s32 s14, s2;
	s31 =	sshrl.u32 s11, $0x3;
	s11 =	sadd.s32 s19, s2  }
0x12: {  	s12 =	sadd.s32 s16, s30;
	s14 =	sadd.s32 s15, s14;
	s15 =	sadd.s32 s15, s19  }
0x13: {  	s18 =	sshrl.u32 s18, $0x3;
	s13 =	sadd.s32 s16, s31;
	s14 =	sshrl.u32 s14, $0x3  }
0x14: {  	s19 =	sshrl.u32 s15, $0x3;
	s15 =	sadd.s32 s16, s18;
	s18 =	simm.s32 $0x1  }
0x15: {  	s14 =	sadd.s32 s16, s14;
	s16 =	sadd.s32 s16, s19;
	s19 =	simm.s32 $0x1400  }
.LBB2_1:
0x16: {  	[tilespmem:s3], [sflag:$0x1] =	stream.linear.gather [hbm4b:s6+s3], $0x1400, $0x38;
	[tilespmem:$0x1D400] =	vst v63  }
0x17: {  	_ =	swait.ge [sflag:s18], $0x1400  }
0x18: {  	[sflag:s18] =	ssyncset.done $0x0  }
0x19: {  	[sflag:s18] =	ssyncadd.s32 $0xFFFFEC00  }
0x1a: {  	[tilespmem:s19], [sflag:$0x1] =	stream.linear.gather [hbm4b:s1+s3], $0x4000, $0x38;
	[tilespmem:$0x1D400] =	vst v63  }
0x1b: {  	_ =	swait.ge [sflag:s18], $0x4000  }
0x1c: {  	[sflag:s18] =	ssyncset.done $0x0  }
0x1d: {  	[sflag:s18] =	ssyncadd.s32 $0xFFFFC000  }
0x1e: {  	[tilespmem:s20], [sflag:$0x1] =	stream.linear.gather [hbm4b:s5+s3], $0x4000, $0x38;
	[tilespmem:$0x1D400] =	vst v63  }
0x1f: {  	_ =	swait.ge [sflag:s18], $0x4000  }
0x20: {  	[sflag:s18] =	ssyncset.done $0x0  }
0x21: {  	[sflag:s18] =	ssyncadd.s32 $0xFFFFC000  }
0x22: {  	[spmem:s7] =	stream.linear.scatter [tilespmem:s20], [sflag:$0x1], $0x4000, $0x38;
	[tilespmem:$0x1D400] =	vst v63  }
0x23: {  	_ =	swait.ge [sflag:s18], $0x4000  }
0x24: {  	[sflag:s18] =	ssyncset.done $0x0  }
0x25: {  	[sflag:s18] =	ssyncadd.s32 $0xFFFFC000  }
0x26: {  	[spmem:s8] =	stream.linear.scatter [tilespmem:s20], [sflag:$0x1], $0x4000, $0x38;
	[tilespmem:$0x1D400] =	vst v63  }
0x27: {  	_ =	swait.ge [sflag:s18], $0x4000  }
0x28: {  	[sflag:s18] =	ssyncset.done $0x0  }
0x29: {  	[sflag:s18] =	ssyncadd.s32 $0xFFFFC000  }
0x2a: {  	[spmem:s9] =	stream.linear.scatter [tilespmem:s20], [sflag:$0x1], $0x4000, $0x38;
	[tilespmem:$0x1D400] =	vst v63  }
0x2b: {  	_ =	swait.ge [sflag:s18], $0x4000  }
0x2c: {  	[sflag:s18] =	ssyncset.done $0x0  }
0x2d: {  	[sflag:s18] =	ssyncadd.s32 $0xFFFFC000  }
0x2e: {  	[spmem:s10] =	stream.linear.scatter [tilespmem:s20], [sflag:$0x1], $0x4000, $0x38;
	[tilespmem:$0x1D400] =	vst v63  }
0x2f: {  	_ =	swait.ge [sflag:s18], $0x4000  }
0x30: {  	[sflag:s18] =	ssyncset.done $0x0  }
0x31: {  	[sflag:s18] =	ssyncadd.s32 $0xFFFFC000  }
0x32: {  	[spmem:s11] =	stream.linear.scatter [tilespmem:s20], [sflag:$0x1], $0x4000, $0x38;
	[tilespmem:$0x1D400] =	vst v63  }
0x33: {  	_ =	swait.ge [sflag:s18], $0x4000  }
0x34: {  	[sflag:s18] =	ssyncset.done $0x0  }
0x35: {  	[sflag:s18] =	ssyncadd.s32 $0xFFFFC000  }
0x36: {  	s23 =	simm.s32 $0x0;
	[bflag:$0x0] =	sbarrier.arrive $0xFFFF  }
0x37: {  	[spmem:s2] =	stream.indirect.scatter.add.f32 [tilespmem:s19], [sflag:$0x1], $0x80, s23, s21, $0xb8;
	[tilespmem:$0x1D400] =	vst v63  }
0x38: {  	_ =	swait.ge [sflag:s18], $0x4000  }
0x39: {  	s23 =	simm.s32 $0x200;
	[sflag:s18] =	ssyncset.done $0x0  }
.LBB2_2:
0x3a: {  	s24 =	sshra.s32 s23, $0x2;
	[sflag:s18] =	ssyncadd.s32 $0xFFFFC000;
	p0 =	sne.s32 s23, $0x4E00  }
0x3b: {  	[spmem:s2] =	stream.indirect.scatter.add.f32 [tilespmem:s19], [sflag:$0x1], $0x80, s24, s21, $0xb8;
	[tilespmem:$0x1D400] =	vst v63  }
.Ltmp0:
0x3c: {  	_ = 	snop;
	(pc) =	sbr.rel @p0 .LBB2_2-.Ltmp0, $4  }
0x3d: {  	_ = 	snop  }
0x3e: {  	s23 =	sadd.s32 $0x200, s23  }
0x3f: {  	_ =	swait.ge [sflag:s18], $0x4000  }
0x40: {  	[sflag:s18] =	ssyncset.done $0x0  }
0x41: {  	[sflag:s18] =	ssyncadd.s32 $0xFFFFC000  }
0x42: {  	[bflag:$0x0] =	sbarrier.arrive $0xFFFF  }
0x43: {  	[tilespmem:s20], [sflag:$0x1] =	stream.linear.gather [spmem:s7], $0x4000, $0x38;
	[tilespmem:$0x1D400] =	vst v63  }
0x44: {  	_ =	swait.ge [sflag:s18], $0x4000  }
0x45: {  	[sflag:s18] =	ssyncset.done $0x0  }
0x46: {  	[sflag:s18] =	ssyncadd.s32 $0xFFFFC000  }
0x47: {  	[hbm4b:s12+s3] =	stream.linear.scatter [tilespmem:s20], [sflag:$0x1], $0x4000, $0x38;
	[tilespmem:$0x1D400] =	vst v63  }
0x48: {  	_ =	swait.ge [sflag:s18], $0x4000  }
0x49: {  	[sflag:s18] =	ssyncset.done $0x0  }
0x4a: {  	[sflag:s18] =	ssyncadd.s32 $0xFFFFC000  }
0x4b: {  	[tilespmem:s20], [sflag:$0x1] =	stream.linear.gather [spmem:s8], $0x4000, $0x38;
	[tilespmem:$0x1D400] =	vst v63  }
0x4c: {  	_ =	swait.ge [sflag:s18], $0x4000  }
0x4d: {  	[sflag:s18] =	ssyncset.done $0x0  }
0x4e: {  	[sflag:s18] =	ssyncadd.s32 $0xFFFFC000  }
0x4f: {  	[hbm4b:s13+s3] =	stream.linear.scatter [tilespmem:s20], [sflag:$0x1], $0x4000, $0x38;
	[tilespmem:$0x1D400] =	vst v63  }
0x50: {  	_ =	swait.ge [sflag:s18], $0x4000  }
0x51: {  	[sflag:s18] =	ssyncset.done $0x0  }
0x52: {  	[sflag:s18] =	ssyncadd.s32 $0xFFFFC000  }
0x53: {  	[tilespmem:s20], [sflag:$0x1] =	stream.linear.gather [spmem:s9], $0x4000, $0x38;
	[tilespmem:$0x1D400] =	vst v63  }
0x54: {  	_ =	swait.ge [sflag:s18], $0x4000  }
0x55: {  	[sflag:s18] =	ssyncset.done $0x0  }
0x56: {  	[sflag:s18] =	ssyncadd.s32 $0xFFFFC000  }
0x57: {  	[hbm4b:s14+s3] =	stream.linear.scatter [tilespmem:s20], [sflag:$0x1], $0x4000, $0x38;
	[tilespmem:$0x1D400] =	vst v63  }
0x58: {  	_ =	swait.ge [sflag:s18], $0x4000  }
0x59: {  	[sflag:s18] =	ssyncset.done $0x0  }
0x5a: {  	[sflag:s18] =	ssyncadd.s32 $0xFFFFC000  }
0x5b: {  	[tilespmem:s20], [sflag:$0x1] =	stream.linear.gather [spmem:s10], $0x4000, $0x38;
	[tilespmem:$0x1D400] =	vst v63  }
0x5c: {  	_ =	swait.ge [sflag:s18], $0x4000  }
0x5d: {  	[sflag:s18] =	ssyncset.done $0x0  }
0x5e: {  	[sflag:s18] =	ssyncadd.s32 $0xFFFFC000  }
0x5f: {  	[hbm4b:s15+s3] =	stream.linear.scatter [tilespmem:s20], [sflag:$0x1], $0x4000, $0x38;
	[tilespmem:$0x1D400] =	vst v63  }
0x60: {  	_ =	swait.ge [sflag:s18], $0x4000  }
0x61: {  	[sflag:s18] =	ssyncset.done $0x0  }
0x62: {  	[sflag:s18] =	ssyncadd.s32 $0xFFFFC000  }
0x63: {  	[tilespmem:s20], [sflag:$0x1] =	stream.linear.gather [spmem:s11], $0x4000, $0x38;
	[tilespmem:$0x1D400] =	vst v63  }
0x64: {  	s22 =	sadd.s32 $0x1, s22;
	_ =	swait.ge [sflag:s18], $0x4000  }
0x65: {  	p0 =	sne.s32 s22, s17;
	[sflag:s18] =	ssyncset.done $0x0  }
.Ltmp1:
0x66: {  	[sflag:s18] =	ssyncadd.s32 $0xFFFFC000;
	(pc) =	sbr.rel @p0 .LBB2_1-.Ltmp1, $4  }
0x67: {  	[hbm4b:s16+s3] =	stream.linear.scatter [tilespmem:s20], [sflag:$0x1], $0x4000, $0x38;
	[tilespmem:$0x1D400] =	vst v63  }
0x68: {  	_ =	swait.ge [sflag:s18], $0x4000  }
0x69: {  	[sflag:s18] =	ssyncset.done $0x0  }
0x6a: {  	[sflag:s18] =	ssyncadd.s32 $0xFFFFC000  }
0x6b: {  	_ =	sfence.sel $0x180000  }
0x6c: {  	[bflag:$0x0] =	sbarrier.arrive $0xFFFF  }
0x6d: {  	p0 =	sne.s32 s4, $0x0;
	_ =	strace $0x9000004A  }
0x6e: {  	s0 =	sadd.s32 @!p0 $0x100000, s0;
	[bflag:$0x2] =	sbarrier.arrive $0xFFFF  }
0x6f: {  	[sflag:s0] =	ssyncadd.tile.s32 @!p0 $0x1;
	_ =	shalt  }
.Lfunc_end2:
_tile_overlayer_lowered:
.L_overlay_start_2:
0x70: {  	(tag) =	ssettag $0x2  }
0x71: {  	s0 =	rddreg [dreg:$0x0];
	s2 =	stileid.u32  }
0x72: {  	s1 =	rddreg [dreg:$0x1];
	p0 =	sne.s32 s2, $0x0  }
0x73: {  	s3 =	rddreg [dreg:$0x2];
	[bflag:$0x3] =	sbarrier.arrive $0xFFFF;
	s2 =	simm.s32 @!p0 $0x1C01  }
0x74: {  	[timem:s3], [sflag:s2] =	dma.local @!p0 [hbm:s0], s1  }
0x75: {  	s0 =	simm.s32 @!p0 $0x1  }
0x76: {  	_ =	swait.ge @!p0 [sflag:s0], s1  }
0x77: {  	s1 =	ssub.s32 @!p0 $0x0, s1;
	[sflag:s0] =	ssyncset.done @!p0 $0x0  }
0x78: {  	[sflag:s0] =	ssyncadd.s32 @!p0 s1  }
0x79: {  	[bflag:$0x3] =	sbarrier.arrive $0xFFFF  }
0x7a: {  	_ =	shalt  }

// kernel: kernel.18.cloned.1.call-start
scs
__scs_entry_jumppad:
0x0: {  	(pc) =	sbr.rel $0x88, $3  }
0x1: {  	(tag) =	ssettag $0x0;
	lr =	simm.s32 $0x1  }
0x2: {  	[smem:$0x3F95] =	sst lr;
	_ =	strace $0xD0000000  }
0x3: {  	_ = 	snop  }
0x4: {  	_ = 	snop  }
0x5: {  	_ = 	snop  }
0x6: {  	_ = 	snop  }
0x7: {  	_ = 	snop  }
__scs_overlays_trampoline_lowered:
0x8: {  	[smem:$0x3FA4] =	sst s0  }
0x9: {  	[smem:$0x3FA5] =	sst s1  }
0xa: {  	[smem:$0x3FA6] =	sst s2  }
0xb: {  	[smem:$0x3FA7] =	sst s3  }
0xc: {  	[smem:$0x3FA8] =	sst s4  }
0xd: {  	[smem:$0x3FA9] =	sst s5  }
0xe: {  	[smem:$0x3FAA] =	sst s6  }
0xf: {  	[smem:$0x3FAB] =	sst s7  }
0x10: {  	[smem:$0x3FAC] =	sst s8  }
0x11: {  	[smem:$0x3FAD] =	sst s9;
	s0 =	simm.s32 @!p0 $0x0  }
0x12: {  	s1 =	sld [smem:$0x3F93];
	s0 =	simm.s32 @p0 $0x1  }
0x13: {  	[smem:$0x3FAE] =	sst s0;
	s0 =	simm.s32 @!p1 $0x0  }
0x14: {  	s2 =	sld [smem:$0x3F92];
	s0 =	simm.s32 @p1 $0x1  }
0x15: {  	[smem:$0x3FAF] =	sst s0;
	s0 =	simm.s32 @!p2 $0x0  }
0x16: {  	s3 =	sld [smem:$0x3FDB];
	s0 =	simm.s32 @p2 $0x1  }
0x17: {  	s4 =	simm.s32 $0x1BF5;
	[smem:$0x3FB1] =	sst s0  }
0x18: {  	s0 =	sld [smem:$0x3F94];
	_ =	swait.ge [sflag:s4], $0x0  }
0x19: {  	s7 =	sld [smem:$0x3F95]  }
0x1a: {  	s8 =	sadd.s32 $0xFFFFE003, lr  }
0x1b: {  	s9 =	sadd.s32 $0xFFFFFEF7, lr;
	s5 =	simm.s32 $0xFFFFFFFF;
	p2 =	slt.u32 s8, $0xFFFFF086  }
0x1c: {  	p1 =	slt.u32 s9, $0xF7A;
	s5 =	simm.s32 @!p2 $0x0  }
0x1d: {  	s5 =	simm.s32 @p1 $0x1;
	p0 =	seq.s32 s7, s2  }
0x1e: {  	s7 =	smul.u32 @!p0 $0xF7A, s2;
	p2 =	seq.s32 @!p0 s5, $0x0  }
0x1f: {  	s9 =	smul.u32 $0xF7A, s1;
	s8 =	simm.s32 @!p0 $0x1BF5;
	p2 =	por !p2, p0  }
0x20: {  	[sflag:s8] =	ssyncset.s32 @!p0 $0xFFFFF086;
	s6 =	sadd.s32 @!p0 s3, s7;
	s7 =	simm.s32 @!p0 $0x108  }
0x21: {  	s3 =	sadd.s32 s3, s9;
	s6 =	sadd.s32 @!p0 $0x88, s6;
	s7 =	simm.s32 @p2 $0x1082  }
0x22: {  	[simem:s7], [sflag:s8] =	dma.local @!p0 [hbm:s6], $0xF7A  }
0x23: {  	s9 =	sor.u32 $0xD0000000, s2;
	s6 =	simm.s32 $0x108;
	_ =	swait.ge @!p0 [sflag:s8], $0x0  }
0x24: {  	s3 =	sadd.s32 $0x88, s3;
	s6 =	simm.s32 @!p1 $0x1082;
	[sflag:s4] =	ssyncset.s32 $0xFFFFF086  }
0x25: {  	[simem:s6], [sflag:s4] =	dma.local [hbm:s3], $0xF7A  }
0x26: {  	[smem:$0x3F95] =	sst s1;
	(tag) =	ssettag s2;
	_ =	strace s9  }
0x27: {  	s1 =	sld [smem:$0x3FA5]  }
0x28: {  	s2 =	sld [smem:$0x3FA6]  }
0x29: {  	s4 =	sld [smem:$0x3FA8]  }
0x2a: {  	p0 =	seq.s32 s5, $0x0;
	s5 =	sld [smem:$0x3FA9]  }
0x2b: {  	s6 =	sld [smem:$0x3FAA]  }
0x2c: {  	s7 =	sld [smem:$0x3FAB]  }
0x2d: {  	s3 =	simm.s32 $0x108;
	s8 =	sld [smem:$0x3FAC]  }
0x2e: {  	s3 =	simm.s32 @!p0 $0x1082;
	s9 =	sld [smem:$0x3FAD]  }
0x2f: {  	lr =	sadd.s32 s0, s3;
	s0 =	sld [smem:$0x3FA4]  }
0x30: {  	s3 =	sld [smem:$0x3FA7]  }
0x31: {  	[smem:$0x3FB0] =	sst s10  }
0x32: {  	s10 =	sld [smem:$0x3FAE];
	_ =	sdelay $0x3  }
0x33: {  	p0 =	seq.s32 s10, $0x1;
	s10 =	sld [smem:$0x3FB0];
	_ =	sdelay $0x3  }
0x34: {  	[smem:$0x3FB0] =	sst s10  }
0x35: {  	s10 =	sld [smem:$0x3FAF];
	_ =	sdelay $0x3  }
0x36: {  	p1 =	seq.s32 s10, $0x1;
	s10 =	sld [smem:$0x3FB0];
	_ =	sdelay $0x3  }
0x37: {  	[smem:$0x3FB0] =	sst s10  }
0x38: {  	s10 =	sld [smem:$0x3FB1]  }
0x39: {  	_ = 	snop;
	(pc) =	sbr.ind lr, $3  }
0x3a: {  	_ = 	snop  }
0x3b: {  	_ = 	snop  }
0x3c: {  	p2 =	seq.s32 s10, $0x1;
	s10 =	sld [smem:$0x3FB0]  }
0x3d: {  	_ =	shalt  }
0x3e: {  	_ =	shalt  }
0x3f: {  	_ =	shalt  }
0x40: {  	_ =	shalt  }
0x41: {  	_ =	shalt  }
0x42: {  	_ =	shalt  }
0x43: {  	_ =	shalt  }
0x44: {  	_ =	shalt  }
0x45: {  	_ =	shalt  }
0x46: {  	_ =	shalt  }
0x47: {  	_ =	shalt  }
0x48: {  	_ =	shalt  }
0x49: {  	_ =	shalt  }
0x4a: {  	_ =	shalt  }
0x4b: {  	_ =	shalt  }
0x4c: {  	_ =	shalt  }
0x4d: {  	_ =	shalt  }
0x4e: {  	_ =	shalt  }
0x4f: {  	_ =	shalt  }
0x50: {  	_ =	shalt  }
0x51: {  	_ =	shalt  }
0x52: {  	_ =	shalt  }
0x53: {  	_ =	shalt  }
0x54: {  	_ =	shalt  }
0x55: {  	_ =	shalt  }
0x56: {  	_ =	shalt  }
0x57: {  	_ =	shalt  }
0x58: {  	_ =	shalt  }
0x59: {  	_ =	shalt  }
0x5a: {  	_ =	shalt  }
0x5b: {  	_ =	shalt  }
0x5c: {  	_ =	shalt  }
0x5d: {  	_ =	shalt  }
0x5e: {  	_ =	shalt  }
0x5f: {  	_ =	shalt  }
0x60: {  	_ =	shalt  }
0x61: {  	_ =	shalt  }
0x62: {  	_ =	shalt  }
0x63: {  	_ =	shalt  }
0x64: {  	_ =	shalt  }
0x65: {  	_ =	shalt  }
0x66: {  	_ =	shalt  }
0x67: {  	_ =	shalt  }
0x68: {  	_ =	shalt  }
0x69: {  	_ =	shalt  }
0x6a: {  	_ =	shalt  }
0x6b: {  	_ =	shalt  }
0x6c: {  	_ =	shalt  }
0x6d: {  	_ =	shalt  }
0x6e: {  	_ =	shalt  }
0x6f: {  	_ =	shalt  }
0x70: {  	_ =	shalt  }
0x71: {  	_ =	shalt  }
0x72: {  	_ =	shalt  }
0x73: {  	_ =	shalt  }
0x74: {  	_ =	shalt  }
0x75: {  	_ =	shalt  }
0x76: {  	_ =	shalt  }
0x77: {  	_ =	shalt  }
0x78: {  	_ =	shalt  }
0x79: {  	_ =	shalt  }
0x7a: {  	_ =	shalt  }
0x7b: {  	_ =	shalt  }
0x7c: {  	_ =	shalt  }
0x7d: {  	_ =	shalt  }
0x7e: {  	_ =	shalt  }
0x7f: {  	_ =	shalt  }
0x80: {  	_ =	shalt  }
0x81: {  	_ =	shalt  }
0x82: {  	_ =	shalt  }
0x83: {  	_ =	shalt  }
0x84: {  	_ =	shalt  }
0x85: {  	_ =	shalt  }
0x86: {  	_ =	shalt  }
0x87: {  	_ =	shalt  }
.Lfunc_end0:
.L_simem_size_0:
called_computation.2_lowered:
.L_overlay_start_0:
0x88: {  	s2 =	sld [smem:$0x3FD9]  }
0x89: {  	s3 =	sld [smem:$0x3FFE];
	_ =	sdelay $0x1  }
0x8a: {  	s1 =	srdreg.scid  }
0x8b: {  	s0 =	sand.u32 $0x1, s1  }
0x8c: {  	s15 =	sshll.u32 s0, $0xA;
	s2 =	sadd.s32 s3, s2  }
0x8d: {  	s2 =	sadd.s32 s2, s15  }
0x8e: {  	[smem:$0x3FBC] =	sst s2  }
0x8f: {  	_ = 	snop  }
0x90: {  	s2 =	sld [smem:$0x3FD0];
	_ =	sdelay $0x2  }
0x91: {  	s5 =	simm.s32 $0xB;
	s16 =	simm.s32 $0x10  }
0x92: {  	[smem:s16], [sflag:s5] =	dma.local [hbm:s2], $0x1  }
0x93: {  	_ =	swait.eq [sflag:s5], $0x1  }
0x94: {  	s17 =	sld [smem:$0x11];
	[sflag:s5] =	ssyncset.done $0x0  }
0x95: {  	s4 =	sld [smem:$0x12];
	[sflag:s5] =	ssyncadd.s32 $0xFFFFFFFF  }
0x96: {  	s18 =	sld [smem:$0x13];
	(tm) =	ssettm $0x1  }
0x97: {  	s19 =	sld [smem:$0x3FFB];
	_ =	sdelay $0x3  }
0x98: {  	_ =	strace s19  }
0x99: {  	s2 =	sld [smem:$0x3FFC];
	_ =	sdelay $0x3  }
0x9a: {  	_ =	strace s2  }
0x9b: {  	s2 =	sld [smem:$0x3FFD];
	_ =	sdelay $0x3  }
0x9c: {  	_ =	strace s2  }
0x9d: {  	_ =	strace $0x8FFFFFFF  }
0x9e: {  	s20 =	sld [smem:$0x3FDB];
	_ =	sdelay $0x1  }
0x9f: {  	s6 =	simm.s32 $_scs_section_size  }
0xa0: {  	s7 =	simm.s32 $_size__tile_overlayer_lowered;
	s8 =	simm.s32 $_tile_overlayer_lowered  }
0xa1: {  	s9 =	simm.s32 $0x1BFF;
	s21 =	sshll.u32 s8, $0x1;
	s6 =	sadd.s32 s6, s20  }
0xa2: {  	s22 =	simm.s32 $0x0;
	s7 =	sshll.u32 s7, $0x1;
	s8 =	sadd.s32 s21, s6  }
0xa3: {  	[timem:s22], [sflag:s9] =	dma.local [hbm:s8], s7  }
0xa4: {  	_ =	swait.ge [sflag:s9], s7  }
0xa5: {  	s7 =	ssub.s32 $0x0, s7;
	[sflag:s9] =	ssyncset.done $0x0  }
0xa6: {  	[sflag:s9] =	ssyncadd.s32 s7;
	_ =	sdelay $0x1  }
0xa7: {  	s23 =	simm.s32 $0x1B8B  }
0xa8: {  	_ =	swait.ge [sflag:s23], $0x1  }
0xa9: {  	[sflag:s23] =	ssyncset.done $0x0  }
0xaa: {  	[sflag:s23] =	ssyncadd.s32 $0xFFFFFFFF  }
0xab: {  	s7 =	sld [smem:$0x0]  }
0xac: {  	s8 =	sand.u32 $0xFFFFFFFE, s1  }
0xad: {  	p0 =	sne.s32 s1, s8  }
0xae: {  	s8 =	sshll.u32 @p0 s8, $0xE  }
0xaf: {  	s8 =	sadd.s32 @p0 $0x11B8D, s8;
	s9 =	sshll.u32 @p0 s7, $0x11  }
0xb0: {  	s8 =	sor.u32 @p0 s9, s8  }
0xb1: {  	[sflag:s8] =	ssyncadd.remote.s32 @p0 $0x1;
	_ =	sdelay $0x1  }
0xb2: {  	s8 =	simm.s32 @p0 $0x1B8D  }
0xb3: {  	_ =	swait.eq @p0 [sflag:s8], $0x1  }
0xb4: {  	[sflag:s8] =	ssyncadd.s32 @p0 $0xFFFFFFFF  }
0xb5: {  	s9 =	sshll.u32 @!p0 s1, $0xE  }
0xb6: {  	s9 =	sor.u32 @!p0 $0x4000, s9;
	s8 =	simm.s32 @!p0 $0x1B8D  }
0xb7: {  	s7 =	sshll.u32 @!p0 s7, $0x11;
	s9 =	sadd.s32 @!p0 $0x11B8D, s9;
	_ =	swait.eq @!p0 [sflag:s8], $0x1  }
0xb8: {  	s7 =	sor.u32 @!p0 s7, s9;
	[sflag:s8] =	ssyncadd.s32 @!p0 $0xFFFFFFFF  }
0xb9: {  	s25 =	simm.s32 $0x1B8E;
	s24 =	sld [smem:$0x3FFE];
	[sflag:s7] =	ssyncadd.remote.s32 @!p0 $0x1  }
0xba: {  	s26 =	simm.s32 $execute0_lowered;
	[smem:$0x3FD2] =	sst s25  }
0xbb: {  	s8 =	sshll.u32 s26, $0x1;
	_ =	strace $0x8000004C;
	[dreg:$0x1] =	wrdreg $0xFFFFFFFF  }
0xbc: {  	s28 =	simm.s32 $_size_execute0_lowered;
	s6 =	sadd.s32 s6, s8;
	[dreg:$0x0] =	wrdreg $0x0  }
0xbd: {  	s8 =	sshll.u32 s28, $0x1;
	[dreg:$0x2] =	wrdreg s6  }
0xbe: {  	[dreg:$0x3] =	wrdreg s8  }
0xbf: {  	[dreg:$0x4] =	wrdreg $0xC0  }
0xc0: {  	_ =	task [dreg:s22], $0x5FFFF  }
0xc1: {  	[dreg:$0x1] =	wrdreg $0xFFFFFFFF  }
0xc2: {  	[dreg:$0x0] =	wrdreg $0x60  }
0xc3: {  	[dreg:$0x2] =	wrdreg s18  }
0xc4: {  	[dreg:$0x3] =	wrdreg s4  }
0xc5: {  	[dreg:$0x4] =	wrdreg s17  }
0xc6: {  	[dreg:$0x5] =	wrdreg s24  }
0xc7: {  	[dreg:$0x6] =	wrdreg $0x68000  }
0xc8: {  	[dreg:$0x7] =	wrdreg $0xA  }
0xc9: {  	_ =	task.clear_ibuf [dreg:s22], $0x8FFFF;
	_ =	strace $0x9000004C  }
0xca: {  	s29 =	simm.s32 $0xA;
	_ =	strace $0x8000004E  }
0xcb: {  	_ =	swait.ge [sflag:s29], $0x1  }
0xcc: {  	[sflag:s29] =	ssyncadd.s32 $0xFFFFFFFF  }
0xcd: {  	_ =	strace $0x9000004E  }
0xce: {  	_ =	sfence  }
0xcf: {  	s30 =	sld [smem:$0x0];
	_ =	sdelay $0x2  }
0xd0: {  	s31 =	sshll.u32 s1, $0xD;
	s1 =	sshrl.u32 s1, $0x2  }
0xd1: {  	s4 =	sand.u32 $0x4000, s31;
	s1 =	sadd.s32 s1, s30  }
0xd2: {  	s0 =	sor.u32 s4, s0;
	s1 =	sshll.u32 s1, $0x11  }
0xd3: {  	s0 =	sor.u32 s1, s0  }
0xd4: {  	s0 =	sadd.s32 $0x8F2B, s0  }
0xd5: {  	[sflag:s0] =	ssyncadd.remote.s32 $0x1  }
0xd6: {  	_ =	sfence.sel $0xFFFF  }
0xd7: {  	[dreg:$0x0] =	wrdreg $0xFFFFFFFF;
	(pc) =	sbr.abs _section_cstart, $3  }
0xd8: {  	[dreg:$0x1] =	wrdreg $0xFFFFFFFF  }
0xd9: {  	_ =	task.clear_ibuf [dreg:s22], $0x2FFFF;
	_ =	strace $0x9FFFFFFF  }
0xda: {  	(tm) =	ssettm $0x7FFFFFFF  }
0xdb: {  	_ =	shalt  }
tec
execute0_lowered:
.L_overlay_start_1:
0x0: {  	(tag) =	ssettag $0x1  }
0x1: {  	s1 =	rddreg [dreg:$0x0]  }
0x2: {  	s6 =	rddreg [dreg:$0x1]  }
0x3: {  	s7 =	rddreg [dreg:$0x2]  }
0x4: {  	s8 =	rddreg [dreg:$0x3]  }
0x5: {  	s2 =	rddreg [dreg:$0x4];
	s3 =	srdreg.scid  }
0x6: {  	s0 =	rddreg [dreg:$0x5];
	s4 =	simm.s32 $0x0;
	s21 =	simm.s32 $0x2800  }
0x7: {  	s22 =	simm.s32 $0x80;
	s23 =	simm.s32 $0x1;
	s24 =	simm.s32 $0x0  }
0x8: {  	s9 =	sand.u32 $0x1, s3;
	s3 =	stileid.u32;
	[smem:$0x7FF] =	sst s4  }
0x9: {  	s17 =	sadd.s32 $0xA5800, s8;
	s5 =	sshll.u32 s9, $0x4;
	s12 =	smul.u32 $0x50000, s3  }
0xa: {  	_ =	strace $0x8000004D;
	s11 =	ssub.s32 $0x2, s9;
	s13 =	smul.u32 $0x14000, s3  }
0xb: {  	s19 =	smul.u32 $0x140000, s9;
	s5 =	sor.u32 s3, s5;
	s29 =	sshrl.u32 s11, $0x1  }
0xc: {  	s10 =	smul.u32 $0x280, s5;
	s5 =	sadd.s32 $0x5000, s8;
	s18 =	ssub.s32 s11, s29  }
0xd: {  	s30 =	sshrl.u32 s12, $0x2;
	s31 =	sadd.s32 $0x4000, s13;
	s15 =	sadd.s32 $0x8000, s13  }
0xe: {  	s16 =	sadd.s32 $0xC000, s13;
	s20 =	sadd.s32 $0x10000, s13;
	s13 =	sadd.s32 s13, s19  }
0xf: {  	s8 =	sadd.s32 s30, s2;
	s9 =	sadd.s32 s31, s2;
	s11 =	sadd.s32 s16, s2  }
0x10: {  	s14 =	sadd.s32 s19, s31;
	s12 =	sadd.s32 s20, s2;
	s13 =	sshrl.u32 s13, $0x3  }
0x11: {  	s16 =	sadd.s32 s19, s16;
	s18 =	smax.u32 s18, $0x1;
	s6 =	sadd.s32 s6, s10  }
0x12: {  	s7 =	sadd.s32 s7, s10;
	s10 =	sadd.s32 s15, s2;
	s14 =	sshrl.u32 s14, $0x3  }
0x13: {  	s13 =	sadd.s32 s17, s13;
	s15 =	sadd.s32 s19, s15;
	s19 =	sadd.s32 s19, s20  }
0x14: {  	s16 =	sshrl.u32 s16, $0x3;
	s20 =	simm.s32 $0x1400;
	s14 =	sadd.s32 s17, s14  }
0x15: {  	s15 =	sshrl.u32 s15, $0x3;
	s19 =	sshrl.u32 s19, $0x3;
	s16 =	sadd.s32 s17, s16  }
0x16: {  	s15 =	sadd.s32 s17, s15;
	s17 =	sadd.s32 s17, s19;
	s19 =	simm.s32 $0x2  }
.LBB2_1:
0x17: {  	[tilespmem:s4], [sflag:$0x2] =	stream.linear.gather [hbm4b:s6+s4], $0x1400, $0x38;
	[tilespmem:$0x1A800] =	vst v63  }
0x18: {  	_ =	swait.ge [sflag:s19], $0x1400  }
0x19: {  	[sflag:s19] =	ssyncset.done $0x0  }
0x1a: {  	[sflag:s19] =	ssyncadd.s32 $0xFFFFEC00  }
0x1b: {  	[tilespmem:s20], [sflag:$0x2] =	stream.linear.gather [hbm4b:s7+s4], $0x1400, $0x38;
	[tilespmem:$0x1A800] =	vst v63  }
0x1c: {  	_ =	swait.ge [sflag:s19], $0x1400  }
0x1d: {  	[sflag:s19] =	ssyncset.done $0x0  }
0x1e: {  	[sflag:s19] =	ssyncadd.s32 $0xFFFFEC00  }
0x1f: {  	[tilespmem:s21], [sflag:$0x2] =	stream.linear.gather [hbm4b:s5+s4], $0x4000, $0x38;
	[tilespmem:$0x1A800] =	vst v63  }
0x20: {  	_ =	swait.ge [sflag:s19], $0x4000  }
0x21: {  	[sflag:s19] =	ssyncset.done $0x0  }
0x22: {  	[sflag:s19] =	ssyncadd.s32 $0xFFFFC000  }
0x23: {  	[spmem:s8] =	stream.linear.scatter [tilespmem:s21], [sflag:$0x2], $0x4000, $0x38;
	[tilespmem:$0x1A800] =	vst v63  }
0x24: {  	_ =	swait.ge [sflag:s19], $0x4000  }
0x25: {  	[sflag:s19] =	ssyncset.done $0x0  }
0x26: {  	[sflag:s19] =	ssyncadd.s32 $0xFFFFC000  }
0x27: {  	[spmem:s9] =	stream.linear.scatter [tilespmem:s21], [sflag:$0x2], $0x4000, $0x38;
	[tilespmem:$0x1A800] =	vst v63  }
0x28: {  	_ =	swait.ge [sflag:s19], $0x4000  }
0x29: {  	[sflag:s19] =	ssyncset.done $0x0  }
0x2a: {  	[sflag:s19] =	ssyncadd.s32 $0xFFFFC000  }
0x2b: {  	[spmem:s10] =	stream.linear.scatter [tilespmem:s21], [sflag:$0x2], $0x4000, $0x38;
	[tilespmem:$0x1A800] =	vst v63  }
0x2c: {  	_ =	swait.ge [sflag:s19], $0x4000  }
0x2d: {  	[sflag:s19] =	ssyncset.done $0x0  }
0x2e: {  	[sflag:s19] =	ssyncadd.s32 $0xFFFFC000  }
0x2f: {  	[spmem:s11] =	stream.linear.scatter [tilespmem:s21], [sflag:$0x2], $0x4000, $0x38;
	[tilespmem:$0x1A800] =	vst v63  }
0x30: {  	_ =	swait.ge [sflag:s19], $0x4000  }
0x31: {  	[sflag:s19] =	ssyncset.done $0x0  }
0x32: {  	[sflag:s19] =	ssyncadd.s32 $0xFFFFC000  }
0x33: {  	[spmem:s12] =	stream.linear.scatter [tilespmem:s21], [sflag:$0x2], $0x4000, $0x38;
	[tilespmem:$0x1A800] =	vst v63  }
0x34: {  	_ =	swait.ge [sflag:s19], $0x4000  }
0x35: {  	[sflag:s19] =	ssyncset.done $0x0  }
0x36: {  	[sflag:s19] =	ssyncadd.s32 $0xFFFFC000  }
0x37: {  	s25 =	simm.s32 $0x0;
	[bflag:$0x0] =	sbarrier.arrive $0xFFFF  }
0x38: {  	[tilespmem:s21], [sflag:$0x1] =	stream.indirect.gather [hbm4b:s1+s22], $0x80, s25, s22, $0xb8;
	[tilespmem:$0x1A800] =	vst v63  }
0x39: {  	_ =	swait.ge [sflag:s23], $0x4000  }
0x3a: {  	[sflag:s23] =	ssyncset.done $0x0  }
0x3b: {  	s31 =	simm.s32 $0x1400;
	[sflag:s23] =	ssyncadd.s32 $0xFFFFC000  }
0x3c: {  	[spmem:s2] =	stream.indirect.scatter.add.f32 [tilespmem:s21], [sflag:$0x2], $0x80, s31, s22, $0xb8;
	[tilespmem:$0x1A800] =	vst v63  }
0x3d: {  	_ =	swait.ge [sflag:s19], $0x4000  }
0x3e: {  	s26 =	simm.s32 $0x400;
	s25 =	simm.s32 $0x200;
	[sflag:s19] =	ssyncset.done $0x0  }
.LBB2_2:
0x3f: {  	s28 =	sshra.s32 s25, $0x2  }
0x40: {  	[sflag:s19] =	ssyncadd.s32 $0xFFFFC000;
	s25 =	smov.u32 s26;
	s29 =	sadd.s32 $0x200, s26  }
0x41: {  	[tilespmem:s21], [sflag:$0x1] =	stream.indirect.gather [hbm4b:s1+s22], $0x80, s28, s22, $0xb8;
	[tilespmem:$0x1A800] =	vst v63  }
0x42: {  	p0 =	sne.s32 s26, $0x4E00;
	_ =	swait.ge [sflag:s23], $0x4000  }
.Ltmp0:
0x43: {  	[sflag:s23] =	ssyncset.done $0x0;
	(pc) =	sbr.rel @p0 .LBB2_2-.Ltmp0, $4  }
0x44: {  	s26 =	sadd.s32 $0x1400, s28;
	[sflag:s23] =	ssyncadd.s32 $0xFFFFC000  }
0x45: {  	[spmem:s2] =	stream.indirect.scatter.add.f32 [tilespmem:s21], [sflag:$0x2], $0x80, s26, s22, $0xb8;
	[tilespmem:$0x1A800] =	vst v63  }
0x46: {  	_ =	swait.ge [sflag:s19], $0x4000  }
0x47: {  	s26 =	smov.u32 s29;
	[sflag:s19] =	ssyncset.done $0x0  }
0x48: {  	s25 =	sshra.s32 s25, $0x2;
	[sflag:s19] =	ssyncadd.s32 $0xFFFFC000  }
0x49: {  	[tilespmem:s21], [sflag:$0x1] =	stream.indirect.gather [hbm4b:s1+s22], $0x80, s25, s22, $0xb8;
	[tilespmem:$0x1A800] =	vst v63  }
0x4a: {  	_ =	swait.ge [sflag:s23], $0x4000  }
0x4b: {  	[sflag:s23] =	ssyncset.done $0x0  }
0x4c: {  	s25 =	sadd.s32 $0x1400, s25;
	[sflag:s23] =	ssyncadd.s32 $0xFFFFC000  }
0x4d: {  	[spmem:s2] =	stream.indirect.scatter.add.f32 [tilespmem:s21], [sflag:$0x2], $0x80, s25, s22, $0xb8;
	[tilespmem:$0x1A800] =	vst v63  }
0x4e: {  	_ =	swait.ge [sflag:s19], $0x4000  }
0x4f: {  	[sflag:s19] =	ssyncset.done $0x0  }
0x50: {  	[sflag:s19] =	ssyncadd.s32 $0xFFFFC000  }
0x51: {  	[bflag:$0x0] =	sbarrier.arrive $0xFFFF  }
0x52: {  	[tilespmem:s21], [sflag:$0x2] =	stream.linear.gather [spmem:s8], $0x4000, $0x38;
	[tilespmem:$0x1A800] =	vst v63  }
0x53: {  	_ =	swait.ge [sflag:s19], $0x4000  }
0x54: {  	[sflag:s19] =	ssyncset.done $0x0  }
0x55: {  	[sflag:s19] =	ssyncadd.s32 $0xFFFFC000  }
0x56: {  	[hbm4b:s13+s4] =	stream.linear.scatter [tilespmem:s21], [sflag:$0x2], $0x4000, $0x38;
	[tilespmem:$0x1A800] =	vst v63  }
0x57: {  	_ =	swait.ge [sflag:s19], $0x4000  }
0x58: {  	[sflag:s19] =	ssyncset.done $0x0  }
0x59: {  	[sflag:s19] =	ssyncadd.s32 $0xFFFFC000  }
0x5a: {  	[tilespmem:s21], [sflag:$0x2] =	stream.linear.gather [spmem:s9], $0x4000, $0x38;
	[tilespmem:$0x1A800] =	vst v63  }
0x5b: {  	_ =	swait.ge [sflag:s19], $0x4000  }
0x5c: {  	[sflag:s19] =	ssyncset.done $0x0  }
0x5d: {  	[sflag:s19] =	ssyncadd.s32 $0xFFFFC000  }
0x5e: {  	[hbm4b:s14+s4] =	stream.linear.scatter [tilespmem:s21], [sflag:$0x2], $0x4000, $0x38;
	[tilespmem:$0x1A800] =	vst v63  }
0x5f: {  	_ =	swait.ge [sflag:s19], $0x4000  }
0x60: {  	[sflag:s19] =	ssyncset.done $0x0  }
0x61: {  	[sflag:s19] =	ssyncadd.s32 $0xFFFFC000  }
0x62: {  	[tilespmem:s21], [sflag:$0x2] =	stream.linear.gather [spmem:s10], $0x4000, $0x38;
	[tilespmem:$0x1A800] =	vst v63  }
0x63: {  	_ =	swait.ge [sflag:s19], $0x4000  }
0x64: {  	[sflag:s19] =	ssyncset.done $0x0  }
0x65: {  	[sflag:s19] =	ssyncadd.s32 $0xFFFFC000  }
0x66: {  	[hbm4b:s15+s4] =	stream.linear.scatter [tilespmem:s21], [sflag:$0x2], $0x4000, $0x38;
	[tilespmem:$0x1A800] =	vst v63  }
0x67: {  	_ =	swait.ge [sflag:s19], $0x4000  }
0x68: {  	[sflag:s19] =	ssyncset.done $0x0  }
0x69: {  	[sflag:s19] =	ssyncadd.s32 $0xFFFFC000  }
0x6a: {  	[tilespmem:s21], [sflag:$0x2] =	stream.linear.gather [spmem:s11], $0x4000, $0x38;
	[tilespmem:$0x1A800] =	vst v63  }
0x6b: {  	_ =	swait.ge [sflag:s19], $0x4000  }
0x6c: {  	[sflag:s19] =	ssyncset.done $0x0  }
0x6d: {  	[sflag:s19] =	ssyncadd.s32 $0xFFFFC000  }
0x6e: {  	[hbm4b:s16+s4] =	stream.linear.scatter [tilespmem:s21], [sflag:$0x2], $0x4000, $0x38;
	[tilespmem:$0x1A800] =	vst v63  }
0x6f: {  	_ =	swait.ge [sflag:s19], $0x4000  }
0x70: {  	[sflag:s19] =	ssyncset.done $0x0  }
0x71: {  	[sflag:s19] =	ssyncadd.s32 $0xFFFFC000  }
0x72: {  	[tilespmem:s21], [sflag:$0x2] =	stream.linear.gather [spmem:s12], $0x4000, $0x38;
	[tilespmem:$0x1A800] =	vst v63  }
0x73: {  	s24 =	sadd.s32 $0x1, s24;
	_ =	swait.ge [sflag:s19], $0x4000  }
0x74: {  	p0 =	sne.s32 s24, s18;
	[sflag:s19] =	ssyncset.done $0x0  }
.Ltmp1:
0x75: {  	[sflag:s19] =	ssyncadd.s32 $0xFFFFC000;
	(pc) =	sbr.rel @p0 .LBB2_1-.Ltmp1, $4  }
0x76: {  	[hbm4b:s17+s4] =	stream.linear.scatter [tilespmem:s21], [sflag:$0x2], $0x4000, $0x38;
	[tilespmem:$0x1A800] =	vst v63  }
0x77: {  	_ =	swait.ge [sflag:s19], $0x4000  }
0x78: {  	[sflag:s19] =	ssyncset.done $0x0  }
0x79: {  	[sflag:s19] =	ssyncadd.s32 $0xFFFFC000  }
0x7a: {  	_ =	sfence.sel $0x180000  }
0x7b: {  	[bflag:$0x0] =	sbarrier.arrive $0xFFFF  }
0x7c: {  	p0 =	sne.s32 s3, $0x0;
	_ =	strace $0x9000004D  }
0x7d: {  	s0 =	sadd.s32 @!p0 $0x100000, s0;
	[bflag:$0x2] =	sbarrier.arrive $0xFFFF  }
0x7e: {  	[sflag:s0] =	ssyncadd.tile.s32 @!p0 $0x1;
	_ =	shalt  }
.Lfunc_end2:
_tile_overlayer_lowered:
.L_overlay_start_2:
0x7f: {  	(tag) =	ssettag $0x2  }
0x80: {  	s0 =	rddreg [dreg:$0x0];
	s2 =	stileid.u32  }
0x81: {  	s1 =	rddreg [dreg:$0x1];
	p0 =	sne.s32 s2, $0x0  }
0x82: {  	s3 =	rddreg [dreg:$0x2];
	[bflag:$0x3] =	sbarrier.arrive $0xFFFF;
	s2 =	simm.s32 @!p0 $0x1C02  }
0x83: {  	[timem:s3], [sflag:s2] =	dma.local @!p0 [hbm:s0], s1  }
0x84: {  	s0 =	simm.s32 @!p0 $0x2  }
0x85: {  	_ =	swait.ge @!p0 [sflag:s0], s1  }
0x86: {  	s1 =	ssub.s32 @!p0 $0x0, s1;
	[sflag:s0] =	ssyncset.done @!p0 $0x0  }
0x87: {  	[sflag:s0] =	ssyncadd.s32 @!p0 s1  }
0x88: {  	[bflag:$0x3] =	sbarrier.arrive $0xFFFF  }
0x89: {  	_ =	shalt  }

// kernel: kernel.21.cloned.1.call-start
scs
__scs_entry_jumppad:
0x0: {  	(pc) =	sbr.rel $0x88, $3  }
0x1: {  	(tag) =	ssettag $0x0;
	lr =	simm.s32 $0x1  }
0x2: {  	[smem:$0x3F95] =	sst lr;
	_ =	strace $0xD0000000  }
0x3: {  	_ = 	snop  }
0x4: {  	_ = 	snop  }
0x5: {  	_ = 	snop  }
0x6: {  	_ = 	snop  }
0x7: {  	_ = 	snop  }
__scs_overlays_trampoline_lowered:
0x8: {  	[smem:$0x3FA4] =	sst s0  }
0x9: {  	[smem:$0x3FA5] =	sst s1  }
0xa: {  	[smem:$0x3FA6] =	sst s2  }
0xb: {  	[smem:$0x3FA7] =	sst s3  }
0xc: {  	[smem:$0x3FA8] =	sst s4  }
0xd: {  	[smem:$0x3FA9] =	sst s5  }
0xe: {  	[smem:$0x3FAA] =	sst s6  }
0xf: {  	[smem:$0x3FAB] =	sst s7  }
0x10: {  	[smem:$0x3FAC] =	sst s8  }
0x11: {  	[smem:$0x3FAD] =	sst s9;
	s0 =	simm.s32 @!p0 $0x0  }
0x12: {  	s1 =	sld [smem:$0x3F93];
	s0 =	simm.s32 @p0 $0x1  }
0x13: {  	[smem:$0x3FAE] =	sst s0;
	s0 =	simm.s32 @!p1 $0x0  }
0x14: {  	s2 =	sld [smem:$0x3F92];
	s0 =	simm.s32 @p1 $0x1  }
0x15: {  	[smem:$0x3FAF] =	sst s0;
	s0 =	simm.s32 @!p2 $0x0  }
0x16: {  	s3 =	sld [smem:$0x3FDB];
	s0 =	simm.s32 @p2 $0x1  }
0x17: {  	s4 =	simm.s32 $0x1BF5;
	[smem:$0x3FB1] =	sst s0  }
0x18: {  	s0 =	sld [smem:$0x3F94];
	_ =	swait.ge [sflag:s4], $0x0  }
0x19: {  	s7 =	sld [smem:$0x3F95]  }
0x1a: {  	s8 =	sadd.s32 $0xFFFFE003, lr  }
0x1b: {  	s9 =	sadd.s32 $0xFFFFFEF7, lr;
	s5 =	simm.s32 $0xFFFFFFFF;
	p2 =	slt.u32 s8, $0xFFFFF086  }
0x1c: {  	p1 =	slt.u32 s9, $0xF7A;
	s5 =	simm.s32 @!p2 $0x0  }
0x1d: {  	s5 =	simm.s32 @p1 $0x1;
	p0 =	seq.s32 s7, s2  }
0x1e: {  	s7 =	smul.u32 @!p0 $0xF7A, s2;
	p2 =	seq.s32 @!p0 s5, $0x0  }
0x1f: {  	s9 =	smul.u32 $0xF7A, s1;
	s8 =	simm.s32 @!p0 $0x1BF5;
	p2 =	por !p2, p0  }
0x20: {  	[sflag:s8] =	ssyncset.s32 @!p0 $0xFFFFF086;
	s6 =	sadd.s32 @!p0 s3, s7;
	s7 =	simm.s32 @!p0 $0x108  }
0x21: {  	s3 =	sadd.s32 s3, s9;
	s6 =	sadd.s32 @!p0 $0x88, s6;
	s7 =	simm.s32 @p2 $0x1082  }
0x22: {  	[simem:s7], [sflag:s8] =	dma.local @!p0 [hbm:s6], $0xF7A  }
0x23: {  	s9 =	sor.u32 $0xD0000000, s2;
	s6 =	simm.s32 $0x108;
	_ =	swait.ge @!p0 [sflag:s8], $0x0  }
0x24: {  	s3 =	sadd.s32 $0x88, s3;
	s6 =	simm.s32 @!p1 $0x1082;
	[sflag:s4] =	ssyncset.s32 $0xFFFFF086  }
0x25: {  	[simem:s6], [sflag:s4] =	dma.local [hbm:s3], $0xF7A  }
0x26: {  	[smem:$0x3F95] =	sst s1;
	(tag) =	ssettag s2;
	_ =	strace s9  }
0x27: {  	s1 =	sld [smem:$0x3FA5]  }
0x28: {  	s2 =	sld [smem:$0x3FA6]  }
0x29: {  	s4 =	sld [smem:$0x3FA8]  }
0x2a: {  	p0 =	seq.s32 s5, $0x0;
	s5 =	sld [smem:$0x3FA9]  }
0x2b: {  	s6 =	sld [smem:$0x3FAA]  }
0x2c: {  	s7 =	sld [smem:$0x3FAB]  }
0x2d: {  	s3 =	simm.s32 $0x108;
	s8 =	sld [smem:$0x3FAC]  }
0x2e: {  	s3 =	simm.s32 @!p0 $0x1082;
	s9 =	sld [smem:$0x3FAD]  }
0x2f: {  	lr =	sadd.s32 s0, s3;
	s0 =	sld [smem:$0x3FA4]  }
0x30: {  	s3 =	sld [smem:$0x3FA7]  }
0x31: {  	[smem:$0x3FB0] =	sst s10  }
0x32: {  	s10 =	sld [smem:$0x3FAE];
	_ =	sdelay $0x3  }
0x33: {  	p0 =	seq.s32 s10, $0x1;
	s10 =	sld [smem:$0x3FB0];
	_ =	sdelay $0x3  }
0x34: {  	[smem:$0x3FB0] =	sst s10  }
0x35: {  	s10 =	sld [smem:$0x3FAF];
	_ =	sdelay $0x3  }
0x36: {  	p1 =	seq.s32 s10, $0x1;
	s10 =	sld [smem:$0x3FB0];
	_ =	sdelay $0x3  }
0x37: {  	[smem:$0x3FB0] =	sst s10  }
0x38: {  	s10 =	sld [smem:$0x3FB1]  }
0x39: {  	_ = 	snop;
	(pc) =	sbr.ind lr, $3  }
0x3a: {  	_ = 	snop  }
0x3b: {  	_ = 	snop  }
0x3c: {  	p2 =	seq.s32 s10, $0x1;
	s10 =	sld [smem:$0x3FB0]  }
0x3d: {  	_ =	shalt  }
0x3e: {  	_ =	shalt  }
0x3f: {  	_ =	shalt  }
0x40: {  	_ =	shalt  }
0x41: {  	_ =	shalt  }
0x42: {  	_ =	shalt  }
0x43: {  	_ =	shalt  }
0x44: {  	_ =	shalt  }
0x45: {  	_ =	shalt  }
0x46: {  	_ =	shalt  }
0x47: {  	_ =	shalt  }
0x48: {  	_ =	shalt  }
0x49: {  	_ =	shalt  }
0x4a: {  	_ =	shalt  }
0x4b: {  	_ =	shalt  }
0x4c: {  	_ =	shalt  }
0x4d: {  	_ =	shalt  }
0x4e: {  	_ =	shalt  }
0x4f: {  	_ =	shalt  }
0x50: {  	_ =	shalt  }
0x51: {  	_ =	shalt  }
0x52: {  	_ =	shalt  }
0x53: {  	_ =	shalt  }
0x54: {  	_ =	shalt  }
0x55: {  	_ =	shalt  }
0x56: {  	_ =	shalt  }
0x57: {  	_ =	shalt  }
0x58: {  	_ =	shalt  }
0x59: {  	_ =	shalt  }
0x5a: {  	_ =	shalt  }
0x5b: {  	_ =	shalt  }
0x5c: {  	_ =	shalt  }
0x5d: {  	_ =	shalt  }
0x5e: {  	_ =	shalt  }
0x5f: {  	_ =	shalt  }
0x60: {  	_ =	shalt  }
0x61: {  	_ =	shalt  }
0x62: {  	_ =	shalt  }
0x63: {  	_ =	shalt  }
0x64: {  	_ =	shalt  }
0x65: {  	_ =	shalt  }
0x66: {  	_ =	shalt  }
0x67: {  	_ =	shalt  }
0x68: {  	_ =	shalt  }
0x69: {  	_ =	shalt  }
0x6a: {  	_ =	shalt  }
0x6b: {  	_ =	shalt  }
0x6c: {  	_ =	shalt  }
0x6d: {  	_ =	shalt  }
0x6e: {  	_ =	shalt  }
0x6f: {  	_ =	shalt  }
0x70: {  	_ =	shalt  }
0x71: {  	_ =	shalt  }
0x72: {  	_ =	shalt  }
0x73: {  	_ =	shalt  }
0x74: {  	_ =	shalt  }
0x75: {  	_ =	shalt  }
0x76: {  	_ =	shalt  }
0x77: {  	_ =	shalt  }
0x78: {  	_ =	shalt  }
0x79: {  	_ =	shalt  }
0x7a: {  	_ =	shalt  }
0x7b: {  	_ =	shalt  }
0x7c: {  	_ =	shalt  }
0x7d: {  	_ =	shalt  }
0x7e: {  	_ =	shalt  }
0x7f: {  	_ =	shalt  }
0x80: {  	_ =	shalt  }
0x81: {  	_ =	shalt  }
0x82: {  	_ =	shalt  }
0x83: {  	_ =	shalt  }
0x84: {  	_ =	shalt  }
0x85: {  	_ =	shalt  }
0x86: {  	_ =	shalt  }
0x87: {  	_ =	shalt  }
.Lfunc_end0:
.L_simem_size_0:
called_computation.3_lowered:
.L_overlay_start_0:
0x88: {  	s2 =	sld [smem:$0x3FD9]  }
0x89: {  	s3 =	sld [smem:$0x3FFE];
	_ =	sdelay $0x1  }
0x8a: {  	s1 =	srdreg.scid  }
0x8b: {  	s0 =	sand.u32 $0x1, s1  }
0x8c: {  	s14 =	sshll.u32 s0, $0xA;
	s2 =	sadd.s32 s3, s2  }
0x8d: {  	s2 =	sadd.s32 s2, s14  }
0x8e: {  	[smem:$0x3FBC] =	sst s2  }
0x8f: {  	_ = 	snop  }
0x90: {  	s2 =	sld [smem:$0x3FD0];
	_ =	sdelay $0x2  }
0x91: {  	s15 =	simm.s32 $0xB;
	s4 =	simm.s32 $0x10  }
0x92: {  	[smem:s4], [sflag:s15] =	dma.local [hbm:s2], $0x1  }
0x93: {  	_ =	swait.eq [sflag:s15], $0x1  }
0x94: {  	s16 =	sld [smem:$0x11];
	[sflag:s15] =	ssyncset.done $0x0  }
0x95: {  	s17 =	sld [smem:$0x12];
	[sflag:s15] =	ssyncadd.s32 $0xFFFFFFFF  }
0x96: {  	s18 =	sld [smem:$0x13];
	(tm) =	ssettm $0x1  }
0x97: {  	s5 =	sld [smem:$0x3FFB];
	_ =	sdelay $0x3  }
0x98: {  	_ =	strace s5  }
0x99: {  	s5 =	sld [smem:$0x3FFC];
	_ =	sdelay $0x3  }
0x9a: {  	_ =	strace s5  }
0x9b: {  	s5 =	sld [smem:$0x3FFD];
	_ =	sdelay $0x3  }
0x9c: {  	_ =	strace s5  }
0x9d: {  	_ =	strace $0x8FFFFFFF  }
0x9e: {  	s19 =	sld [smem:$0x3FDB];
	_ =	sdelay $0x1  }
0x9f: {  	s6 =	simm.s32 $_scs_section_size  }
0xa0: {  	s7 =	simm.s32 $_size__tile_overlayer_lowered;
	s8 =	simm.s32 $_tile_overlayer_lowered  }
0xa1: {  	s22 =	simm.s32 $0x1BFF;
	s21 =	sshll.u32 s8, $0x1;
	s5 =	sadd.s32 s6, s19  }
0xa2: {  	s9 =	simm.s32 $0x0;
	s20 =	sshll.u32 s7, $0x1;
	s7 =	sadd.s32 s21, s5  }
0xa3: {  	[timem:s9], [sflag:s22] =	dma.local [hbm:s7], s20  }
0xa4: {  	_ =	swait.ge [sflag:s22], s20  }
0xa5: {  	s6 =	ssub.s32 $0x0, s20;
	[sflag:s22] =	ssyncset.done $0x0  }
0xa6: {  	[sflag:s22] =	ssyncadd.s32 s6;
	_ =	sdelay $0x1  }
0xa7: {  	s23 =	simm.s32 $0x1B8B  }
0xa8: {  	_ =	swait.ge [sflag:s23], $0x1  }
0xa9: {  	[sflag:s23] =	ssyncset.done $0x0  }
0xaa: {  	s25 =	simm.s32 $0x1B8E;
	s24 =	sld [smem:$0x3FFE];
	[sflag:s23] =	ssyncadd.s32 $0xFFFFFFFF  }
0xab: {  	s26 =	simm.s32 $execute0_lowered;
	[smem:$0x3FD2] =	sst s25  }
0xac: {  	s7 =	sshll.u32 s26, $0x1;
	_ =	strace $0x8000004F;
	[dreg:$0x1] =	wrdreg $0xFFFFFFFF  }
0xad: {  	s28 =	simm.s32 $_size_execute0_lowered;
	s5 =	sadd.s32 s5, s7;
	[dreg:$0x0] =	wrdreg $0x0  }
0xae: {  	s7 =	sshll.u32 s28, $0x1;
	[dreg:$0x2] =	wrdreg s5  }
0xaf: {  	[dreg:$0x3] =	wrdreg s7  }
0xb0: {  	[dreg:$0x4] =	wrdreg $0xC0  }
0xb1: {  	_ =	task [dreg:s9], $0x5FFFF  }
0xb2: {  	[dreg:$0x1] =	wrdreg $0xFFFFFFFF  }
0xb3: {  	[dreg:$0x0] =	wrdreg $0x60  }
0xb4: {  	[dreg:$0x2] =	wrdreg s18  }
0xb5: {  	[dreg:$0x3] =	wrdreg s17  }
0xb6: {  	[dreg:$0x4] =	wrdreg s16  }
0xb7: {  	[dreg:$0x5] =	wrdreg s24  }
0xb8: {  	[dreg:$0x6] =	wrdreg $0x68000  }
0xb9: {  	[dreg:$0x7] =	wrdreg $0x9  }
0xba: {  	_ =	task.clear_ibuf [dreg:s9], $0x8FFFF;
	_ =	strace $0x9000004F  }
0xbb: {  	s29 =	simm.s32 $0x9;
	_ =	strace $0x80000051  }
0xbc: {  	_ =	swait.ge [sflag:s29], $0x1  }
0xbd: {  	[sflag:s29] =	ssyncadd.s32 $0xFFFFFFFF  }
0xbe: {  	_ =	strace $0x90000051  }
0xbf: {  	_ =	sfence  }
0xc0: {  	s30 =	sld [smem:$0x0];
	_ =	sdelay $0x2  }
0xc1: {  	s31 =	sshll.u32 s1, $0xD;
	s1 =	sshrl.u32 s1, $0x2  }
0xc2: {  	s3 =	sand.u32 $0x4000, s31;
	s1 =	sadd.s32 s1, s30  }
0xc3: {  	s0 =	sor.u32 s3, s0;
	s1 =	sshll.u32 s1, $0x11  }
0xc4: {  	s0 =	sor.u32 s1, s0  }
0xc5: {  	s0 =	sadd.s32 $0x8F2B, s0  }
0xc6: {  	[sflag:s0] =	ssyncadd.remote.s32 $0x1  }
0xc7: {  	_ =	sfence.sel $0xFFFF  }
0xc8: {  	[dreg:$0x0] =	wrdreg $0xFFFFFFFF;
	(pc) =	sbr.abs _section_cstart, $3  }
0xc9: {  	[dreg:$0x1] =	wrdreg $0xFFFFFFFF  }
0xca: {  	_ =	task.clear_ibuf [dreg:s9], $0x2FFFF;
	_ =	strace $0x9FFFFFFF  }
0xcb: {  	(tm) =	ssettm $0x7FFFFFFF  }
tec
execute0_lowered:
.L_overlay_start_1:
0x0: {  	(tag) =	ssettag $0x1  }
0x1: {  	s1 =	rddreg [dreg:$0x0]  }
0x2: {  	s6 =	rddreg [dreg:$0x1]  }
0x3: {  	s7 =	rddreg [dreg:$0x2]  }
0x4: {  	s8 =	rddreg [dreg:$0x3]  }
0x5: {  	s2 =	rddreg [dreg:$0x4];
	s3 =	srdreg.scid  }
0x6: {  	s0 =	rddreg [dreg:$0x5];
	s4 =	simm.s32 $0x0;
	s21 =	simm.s32 $0x2800  }
0x7: {  	s22 =	simm.s32 $0x80;
	s23 =	simm.s32 $0x1;
	s24 =	simm.s32 $0x0  }
0x8: {  	s9 =	sand.u32 $0x1, s3;
	s3 =	stileid.u32;
	[smem:$0x7FF] =	sst s4  }
0x9: {  	s17 =	sadd.s32 $0x5800, s8;
	s5 =	sshll.u32 s9, $0x4;
	s12 =	smul.u32 $0x50000, s3  }
0xa: {  	_ =	strace $0x80000050;
	s11 =	ssub.s32 $0x2, s9;
	s13 =	smul.u32 $0x14000, s3  }
0xb: {  	s19 =	smul.u32 $0x140000, s9;
	s5 =	sor.u32 s3, s5;
	s29 =	sshrl.u32 s11, $0x1  }
0xc: {  	s10 =	smul.u32 $0x280, s5;
	s5 =	sadd.s32 $0x5000, s8;
	s18 =	ssub.s32 s11, s29  }
0xd: {  	s30 =	sshrl.u32 s12, $0x2;
	s31 =	sadd.s32 $0x4000, s13;
	s15 =	sadd.s32 $0x8000, s13  }
0xe: {  	s16 =	sadd.s32 $0xC000, s13;
	s20 =	sadd.s32 $0x10000, s13;
	s13 =	sadd.s32 s13, s19  }
0xf: {  	s8 =	sadd.s32 s30, s2;
	s9 =	sadd.s32 s31, s2;
	s11 =	sadd.s32 s16, s2  }
0x10: {  	s14 =	sadd.s32 s19, s31;
	s12 =	sadd.s32 s20, s2;
	s13 =	sshrl.u32 s13, $0x3  }
0x11: {  	s16 =	sadd.s32 s19, s16;
	s18 =	smax.u32 s18, $0x1;
	s6 =	sadd.s32 s6, s10  }
0x12: {  	s7 =	sadd.s32 s7, s10;
	s10 =	sadd.s32 s15, s2;
	s14 =	sshrl.u32 s14, $0x3  }
0x13: {  	s13 =	sadd.s32 s17, s13;
	s15 =	sadd.s32 s19, s15;
	s19 =	sadd.s32 s19, s20  }
0x14: {  	s16 =	sshrl.u32 s16, $0x3;
	s20 =	simm.s32 $0x1400;
	s14 =	sadd.s32 s17, s14  }
0x15: {  	s15 =	sshrl.u32 s15, $0x3;
	s19 =	sshrl.u32 s19, $0x3;
	s16 =	sadd.s32 s17, s16  }
0x16: {  	s15 =	sadd.s32 s17, s15;
	s17 =	sadd.s32 s17, s19;
	s19 =	simm.s32 $0x2  }
.LBB2_1:
0x17: {  	[tilespmem:s4], [sflag:$0x2] =	stream.linear.gather [hbm4b:s6+s4], $0x1400, $0x38;
	[tilespmem:$0x1A800] =	vst v63  }
0x18: {  	_ =	swait.ge [sflag:s19], $0x1400  }
0x19: {  	[sflag:s19] =	ssyncset.done $0x0  }
0x1a: {  	[sflag:s19] =	ssyncadd.s32 $0xFFFFEC00  }
0x1b: {  	[tilespmem:s20], [sflag:$0x2] =	stream.linear.gather [hbm4b:s7+s4], $0x1400, $0x38;
	[tilespmem:$0x1A800] =	vst v63  }
0x1c: {  	_ =	swait.ge [sflag:s19], $0x1400  }
0x1d: {  	[sflag:s19] =	ssyncset.done $0x0  }
0x1e: {  	[sflag:s19] =	ssyncadd.s32 $0xFFFFEC00  }
0x1f: {  	[tilespmem:s21], [sflag:$0x2] =	stream.linear.gather [hbm4b:s5+s4], $0x4000, $0x38;
	[tilespmem:$0x1A800] =	vst v63  }
0x20: {  	_ =	swait.ge [sflag:s19], $0x4000  }
0x21: {  	[sflag:s19] =	ssyncset.done $0x0  }
0x22: {  	[sflag:s19] =	ssyncadd.s32 $0xFFFFC000  }
0x23: {  	[spmem:s8] =	stream.linear.scatter [tilespmem:s21], [sflag:$0x2], $0x4000, $0x38;
	[tilespmem:$0x1A800] =	vst v63  }
0x24: {  	_ =	swait.ge [sflag:s19], $0x4000  }
0x25: {  	[sflag:s19] =	ssyncset.done $0x0  }
0x26: {  	[sflag:s19] =	ssyncadd.s32 $0xFFFFC000  }
0x27: {  	[spmem:s9] =	stream.linear.scatter [tilespmem:s21], [sflag:$0x2], $0x4000, $0x38;
	[tilespmem:$0x1A800] =	vst v63  }
0x28: {  	_ =	swait.ge [sflag:s19], $0x4000  }
0x29: {  	[sflag:s19] =	ssyncset.done $0x0  }
0x2a: {  	[sflag:s19] =	ssyncadd.s32 $0xFFFFC000  }
0x2b: {  	[spmem:s10] =	stream.linear.scatter [tilespmem:s21], [sflag:$0x2], $0x4000, $0x38;
	[tilespmem:$0x1A800] =	vst v63  }
0x2c: {  	_ =	swait.ge [sflag:s19], $0x4000  }
0x2d: {  	[sflag:s19] =	ssyncset.done $0x0  }
0x2e: {  	[sflag:s19] =	ssyncadd.s32 $0xFFFFC000  }
0x2f: {  	[spmem:s11] =	stream.linear.scatter [tilespmem:s21], [sflag:$0x2], $0x4000, $0x38;
	[tilespmem:$0x1A800] =	vst v63  }
0x30: {  	_ =	swait.ge [sflag:s19], $0x4000  }
0x31: {  	[sflag:s19] =	ssyncset.done $0x0  }
0x32: {  	[sflag:s19] =	ssyncadd.s32 $0xFFFFC000  }
0x33: {  	[spmem:s12] =	stream.linear.scatter [tilespmem:s21], [sflag:$0x2], $0x4000, $0x38;
	[tilespmem:$0x1A800] =	vst v63  }
0x34: {  	_ =	swait.ge [sflag:s19], $0x4000  }
0x35: {  	[sflag:s19] =	ssyncset.done $0x0  }
0x36: {  	[sflag:s19] =	ssyncadd.s32 $0xFFFFC000  }
0x37: {  	s25 =	simm.s32 $0x0;
	[bflag:$0x0] =	sbarrier.arrive $0xFFFF  }
0x38: {  	[tilespmem:s21], [sflag:$0x1] =	stream.indirect.gather [hbm4b:s1+s22], $0x80, s25, s22, $0xb8;
	[tilespmem:$0x1A800] =	vst v63  }
0x39: {  	_ =	swait.ge [sflag:s23], $0x4000  }
0x3a: {  	[sflag:s23] =	ssyncset.done $0x0  }
0x3b: {  	s31 =	simm.s32 $0x1400;
	[sflag:s23] =	ssyncadd.s32 $0xFFFFC000  }
0x3c: {  	[spmem:s2] =	stream.indirect.scatter.add.f32 [tilespmem:s21], [sflag:$0x2], $0x80, s31, s22, $0xb8;
	[tilespmem:$0x1A800] =	vst v63  }
0x3d: {  	_ =	swait.ge [sflag:s19], $0x4000  }
0x3e: {  	s26 =	simm.s32 $0x400;
	s25 =	simm.s32 $0x200;
	[sflag:s19] =	ssyncset.done $0x0  }
.LBB2_2:
0x3f: {  	s28 =	sshra.s32 s25, $0x2  }
0x40: {  	[sflag:s19] =	ssyncadd.s32 $0xFFFFC000;
	s25 =	smov.u32 s26;
	s29 =	sadd.s32 $0x200, s26  }
0x41: {  	[tilespmem:s21], [sflag:$0x1] =	stream.indirect.gather [hbm4b:s1+s22], $0x80, s28, s22, $0xb8;
	[tilespmem:$0x1A800] =	vst v63  }
0x42: {  	p0 =	sne.s32 s26, $0x4E00;
	_ =	swait.ge [sflag:s23], $0x4000  }
.Ltmp0:
0x43: {  	[sflag:s23] =	ssyncset.done $0x0;
	(pc) =	sbr.rel @p0 .LBB2_2-.Ltmp0, $4  }
0x44: {  	s26 =	sadd.s32 $0x1400, s28;
	[sflag:s23] =	ssyncadd.s32 $0xFFFFC000  }
0x45: {  	[spmem:s2] =	stream.indirect.scatter.add.f32 [tilespmem:s21], [sflag:$0x2], $0x80, s26, s22, $0xb8;
	[tilespmem:$0x1A800] =	vst v63  }
0x46: {  	_ =	swait.ge [sflag:s19], $0x4000  }
0x47: {  	s26 =	smov.u32 s29;
	[sflag:s19] =	ssyncset.done $0x0  }
0x48: {  	s25 =	sshra.s32 s25, $0x2;
	[sflag:s19] =	ssyncadd.s32 $0xFFFFC000  }
0x49: {  	[tilespmem:s21], [sflag:$0x1] =	stream.indirect.gather [hbm4b:s1+s22], $0x80, s25, s22, $0xb8;
	[tilespmem:$0x1A800] =	vst v63  }
0x4a: {  	_ =	swait.ge [sflag:s23], $0x4000  }
0x4b: {  	[sflag:s23] =	ssyncset.done $0x0  }
0x4c: {  	s25 =	sadd.s32 $0x1400, s25;
	[sflag:s23] =	ssyncadd.s32 $0xFFFFC000  }
0x4d: {  	[spmem:s2] =	stream.indirect.scatter.add.f32 [tilespmem:s21], [sflag:$0x2], $0x80, s25, s22, $0xb8;
	[tilespmem:$0x1A800] =	vst v63  }
0x4e: {  	_ =	swait.ge [sflag:s19], $0x4000  }
0x4f: {  	[sflag:s19] =	ssyncset.done $0x0  }
0x50: {  	[sflag:s19] =	ssyncadd.s32 $0xFFFFC000  }
0x51: {  	[bflag:$0x0] =	sbarrier.arrive $0xFFFF  }
0x52: {  	[tilespmem:s21], [sflag:$0x2] =	stream.linear.gather [spmem:s8], $0x4000, $0x38;
	[tilespmem:$0x1A800] =	vst v63  }
0x53: {  	_ =	swait.ge [sflag:s19], $0x4000  }
0x54: {  	[sflag:s19] =	ssyncset.done $0x0  }
0x55: {  	[sflag:s19] =	ssyncadd.s32 $0xFFFFC000  }
0x56: {  	[hbm4b:s13+s4] =	stream.linear.scatter [tilespmem:s21], [sflag:$0x2], $0x4000, $0x38;
	[tilespmem:$0x1A800] =	vst v63  }
0x57: {  	_ =	swait.ge [sflag:s19], $0x4000  }
0x58: {  	[sflag:s19] =	ssyncset.done $0x0  }
0x59: {  	[sflag:s19] =	ssyncadd.s32 $0xFFFFC000  }
0x5a: {  	[tilespmem:s21], [sflag:$0x2] =	stream.linear.gather [spmem:s9], $0x4000, $0x38;
	[tilespmem:$0x1A800] =	vst v63  }
0x5b: {  	_ =	swait.ge [sflag:s19], $0x4000  }
0x5c: {  	[sflag:s19] =	ssyncset.done $0x0  }
0x5d: {  	[sflag:s19] =	ssyncadd.s32 $0xFFFFC000  }
0x5e: {  	[hbm4b:s14+s4] =	stream.linear.scatter [tilespmem:s21], [sflag:$0x2], $0x4000, $0x38;
	[tilespmem:$0x1A800] =	vst v63  }
0x5f: {  	_ =	swait.ge [sflag:s19], $0x4000  }
0x60: {  	[sflag:s19] =	ssyncset.done $0x0  }
0x61: {  	[sflag:s19] =	ssyncadd.s32 $0xFFFFC000  }
0x62: {  	[tilespmem:s21], [sflag:$0x2] =	stream.linear.gather [spmem:s10], $0x4000, $0x38;
	[tilespmem:$0x1A800] =	vst v63  }
0x63: {  	_ =	swait.ge [sflag:s19], $0x4000  }
0x64: {  	[sflag:s19] =	ssyncset.done $0x0  }
0x65: {  	[sflag:s19] =	ssyncadd.s32 $0xFFFFC000  }
0x66: {  	[hbm4b:s15+s4] =	stream.linear.scatter [tilespmem:s21], [sflag:$0x2], $0x4000, $0x38;
	[tilespmem:$0x1A800] =	vst v63  }
0x67: {  	_ =	swait.ge [sflag:s19], $0x4000  }
0x68: {  	[sflag:s19] =	ssyncset.done $0x0  }
0x69: {  	[sflag:s19] =	ssyncadd.s32 $0xFFFFC000  }
0x6a: {  	[tilespmem:s21], [sflag:$0x2] =	stream.linear.gather [spmem:s11], $0x4000, $0x38;
	[tilespmem:$0x1A800] =	vst v63  }
0x6b: {  	_ =	swait.ge [sflag:s19], $0x4000  }
0x6c: {  	[sflag:s19] =	ssyncset.done $0x0  }
0x6d: {  	[sflag:s19] =	ssyncadd.s32 $0xFFFFC000  }
0x6e: {  	[hbm4b:s16+s4] =	stream.linear.scatter [tilespmem:s21], [sflag:$0x2], $0x4000, $0x38;
	[tilespmem:$0x1A800] =	vst v63  }
0x6f: {  	_ =	swait.ge [sflag:s19], $0x4000  }
0x70: {  	[sflag:s19] =	ssyncset.done $0x0  }
0x71: {  	[sflag:s19] =	ssyncadd.s32 $0xFFFFC000  }
0x72: {  	[tilespmem:s21], [sflag:$0x2] =	stream.linear.gather [spmem:s12], $0x4000, $0x38;
	[tilespmem:$0x1A800] =	vst v63  }
0x73: {  	s24 =	sadd.s32 $0x1, s24;
	_ =	swait.ge [sflag:s19], $0x4000  }
0x74: {  	p0 =	sne.s32 s24, s18;
	[sflag:s19] =	ssyncset.done $0x0  }
.Ltmp1:
0x75: {  	[sflag:s19] =	ssyncadd.s32 $0xFFFFC000;
	(pc) =	sbr.rel @p0 .LBB2_1-.Ltmp1, $4  }
0x76: {  	[hbm4b:s17+s4] =	stream.linear.scatter [tilespmem:s21], [sflag:$0x2], $0x4000, $0x38;
	[tilespmem:$0x1A800] =	vst v63  }
0x77: {  	_ =	swait.ge [sflag:s19], $0x4000  }
0x78: {  	[sflag:s19] =	ssyncset.done $0x0  }
0x79: {  	[sflag:s19] =	ssyncadd.s32 $0xFFFFC000  }
0x7a: {  	_ =	sfence.sel $0x180000  }
0x7b: {  	[bflag:$0x0] =	sbarrier.arrive $0xFFFF  }
0x7c: {  	p0 =	sne.s32 s3, $0x0;
	_ =	strace $0x90000050  }
0x7d: {  	s0 =	sadd.s32 @!p0 $0x100000, s0;
	[bflag:$0x2] =	sbarrier.arrive $0xFFFF  }
0x7e: {  	[sflag:s0] =	ssyncadd.tile.s32 @!p0 $0x1;
	_ =	shalt  }
.Lfunc_end2:
_tile_overlayer_lowered:
.L_overlay_start_2:
0x7f: {  	(tag) =	ssettag $0x2  }
0x80: {  	s0 =	rddreg [dreg:$0x0];
	s2 =	stileid.u32  }
0x81: {  	s1 =	rddreg [dreg:$0x1];
	p0 =	sne.s32 s2, $0x0  }
0x82: {  	s3 =	rddreg [dreg:$0x2];
	[bflag:$0x3] =	sbarrier.arrive $0xFFFF;
	s2 =	simm.s32 @!p0 $0x1C02  }
0x83: {  	[timem:s3], [sflag:s2] =	dma.local @!p0 [hbm:s0], s1  }
0x84: {  	s0 =	simm.s32 @!p0 $0x2  }
0x85: {  	_ =	swait.ge @!p0 [sflag:s0], s1  }
0x86: {  	s1 =	ssub.s32 @!p0 $0x0, s1;
	[sflag:s0] =	ssyncset.done @!p0 $0x0  }
0x87: {  	[sflag:s0] =	ssyncadd.s32 @!p0 s1  }
0x88: {  	[bflag:$0x3] =	sbarrier.arrive $0xFFFF  }
0x89: {  	_ =	shalt  }

// kernel: kernel.24.cloned.1.call-start
scs
__scs_entry_jumppad:
0x0: {  	(pc) =	sbr.rel $0x88, $3  }
0x1: {  	(tag) =	ssettag $0x0;
	lr =	simm.s32 $0x1  }
0x2: {  	[smem:$0x3F95] =	sst lr;
	_ =	strace $0xD0000000  }
0x3: {  	_ = 	snop  }
0x4: {  	_ = 	snop  }
0x5: {  	_ = 	snop  }
0x6: {  	_ = 	snop  }
0x7: {  	_ = 	snop  }
__scs_overlays_trampoline_lowered:
0x8: {  	[smem:$0x3FA4] =	sst s0  }
0x9: {  	[smem:$0x3FA5] =	sst s1  }
0xa: {  	[smem:$0x3FA6] =	sst s2  }
0xb: {  	[smem:$0x3FA7] =	sst s3  }
0xc: {  	[smem:$0x3FA8] =	sst s4  }
0xd: {  	[smem:$0x3FA9] =	sst s5  }
0xe: {  	[smem:$0x3FAA] =	sst s6  }
0xf: {  	[smem:$0x3FAB] =	sst s7  }
0x10: {  	[smem:$0x3FAC] =	sst s8  }
0x11: {  	[smem:$0x3FAD] =	sst s9;
	s0 =	simm.s32 @!p0 $0x0  }
0x12: {  	s1 =	sld [smem:$0x3F93];
	s0 =	simm.s32 @p0 $0x1  }
0x13: {  	[smem:$0x3FAE] =	sst s0;
	s0 =	simm.s32 @!p1 $0x0  }
0x14: {  	s2 =	sld [smem:$0x3F92];
	s0 =	simm.s32 @p1 $0x1  }
0x15: {  	[smem:$0x3FAF] =	sst s0;
	s0 =	simm.s32 @!p2 $0x0  }
0x16: {  	s3 =	sld [smem:$0x3FDB];
	s0 =	simm.s32 @p2 $0x1  }
0x17: {  	s4 =	simm.s32 $0x1BF5;
	[smem:$0x3FB1] =	sst s0  }
0x18: {  	s0 =	sld [smem:$0x3F94];
	_ =	swait.ge [sflag:s4], $0x0  }
0x19: {  	s7 =	sld [smem:$0x3F95]  }
0x1a: {  	s8 =	sadd.s32 $0xFFFFE003, lr  }
0x1b: {  	s9 =	sadd.s32 $0xFFFFFEF7, lr;
	s5 =	simm.s32 $0xFFFFFFFF;
	p2 =	slt.u32 s8, $0xFFFFF086  }
0x1c: {  	p1 =	slt.u32 s9, $0xF7A;
	s5 =	simm.s32 @!p2 $0x0  }
0x1d: {  	s5 =	simm.s32 @p1 $0x1;
	p0 =	seq.s32 s7, s2  }
0x1e: {  	s7 =	smul.u32 @!p0 $0xF7A, s2;
	p2 =	seq.s32 @!p0 s5, $0x0  }
0x1f: {  	s9 =	smul.u32 $0xF7A, s1;
	s8 =	simm.s32 @!p0 $0x1BF5;
	p2 =	por !p2, p0  }
0x20: {  	[sflag:s8] =	ssyncset.s32 @!p0 $0xFFFFF086;
	s6 =	sadd.s32 @!p0 s3, s7;
	s7 =	simm.s32 @!p0 $0x108  }
0x21: {  	s3 =	sadd.s32 s3, s9;
	s6 =	sadd.s32 @!p0 $0x88, s6;
	s7 =	simm.s32 @p2 $0x1082  }
0x22: {  	[simem:s7], [sflag:s8] =	dma.local @!p0 [hbm:s6], $0xF7A  }
0x23: {  	s9 =	sor.u32 $0xD0000000, s2;
	s6 =	simm.s32 $0x108;
	_ =	swait.ge @!p0 [sflag:s8], $0x0  }
0x24: {  	s3 =	sadd.s32 $0x88, s3;
	s6 =	simm.s32 @!p1 $0x1082;
	[sflag:s4] =	ssyncset.s32 $0xFFFFF086  }
0x25: {  	[simem:s6], [sflag:s4] =	dma.local [hbm:s3], $0xF7A  }
0x26: {  	[smem:$0x3F95] =	sst s1;
	(tag) =	ssettag s2;
	_ =	strace s9  }
0x27: {  	s1 =	sld [smem:$0x3FA5]  }
0x28: {  	s2 =	sld [smem:$0x3FA6]  }
0x29: {  	s4 =	sld [smem:$0x3FA8]  }
0x2a: {  	p0 =	seq.s32 s5, $0x0;
	s5 =	sld [smem:$0x3FA9]  }
0x2b: {  	s6 =	sld [smem:$0x3FAA]  }
0x2c: {  	s7 =	sld [smem:$0x3FAB]  }
0x2d: {  	s3 =	simm.s32 $0x108;
	s8 =	sld [smem:$0x3FAC]  }
0x2e: {  	s3 =	simm.s32 @!p0 $0x1082;
	s9 =	sld [smem:$0x3FAD]  }
0x2f: {  	lr =	sadd.s32 s0, s3;
	s0 =	sld [smem:$0x3FA4]  }
0x30: {  	s3 =	sld [smem:$0x3FA7]  }
0x31: {  	[smem:$0x3FB0] =	sst s10  }
0x32: {  	s10 =	sld [smem:$0x3FAE];
	_ =	sdelay $0x3  }
0x33: {  	p0 =	seq.s32 s10, $0x1;
	s10 =	sld [smem:$0x3FB0];
	_ =	sdelay $0x3  }
0x34: {  	[smem:$0x3FB0] =	sst s10  }
0x35: {  	s10 =	sld [smem:$0x3FAF];
	_ =	sdelay $0x3  }
0x36: {  	p1 =	seq.s32 s10, $0x1;
	s10 =	sld [smem:$0x3FB0];
	_ =	sdelay $0x3  }
0x37: {  	[smem:$0x3FB0] =	sst s10  }
0x38: {  	s10 =	sld [smem:$0x3FB1]  }
0x39: {  	_ = 	snop;
	(pc) =	sbr.ind lr, $3  }
0x3a: {  	_ = 	snop  }
0x3b: {  	_ = 	snop  }
0x3c: {  	p2 =	seq.s32 s10, $0x1;
	s10 =	sld [smem:$0x3FB0]  }
0x3d: {  	_ =	shalt  }
0x3e: {  	_ =	shalt  }
0x3f: {  	_ =	shalt  }
0x40: {  	_ =	shalt  }
0x41: {  	_ =	shalt  }
0x42: {  	_ =	shalt  }
0x43: {  	_ =	shalt  }
0x44: {  	_ =	shalt  }
0x45: {  	_ =	shalt  }
0x46: {  	_ =	shalt  }
0x47: {  	_ =	shalt  }
0x48: {  	_ =	shalt  }
0x49: {  	_ =	shalt  }
0x4a: {  	_ =	shalt  }
0x4b: {  	_ =	shalt  }
0x4c: {  	_ =	shalt  }
0x4d: {  	_ =	shalt  }
0x4e: {  	_ =	shalt  }
0x4f: {  	_ =	shalt  }
0x50: {  	_ =	shalt  }
0x51: {  	_ =	shalt  }
0x52: {  	_ =	shalt  }
0x53: {  	_ =	shalt  }
0x54: {  	_ =	shalt  }
0x55: {  	_ =	shalt  }
0x56: {  	_ =	shalt  }
0x57: {  	_ =	shalt  }
0x58: {  	_ =	shalt  }
0x59: {  	_ =	shalt  }
0x5a: {  	_ =	shalt  }
0x5b: {  	_ =	shalt  }
0x5c: {  	_ =	shalt  }
0x5d: {  	_ =	shalt  }
0x5e: {  	_ =	shalt  }
0x5f: {  	_ =	shalt  }
0x60: {  	_ =	shalt  }
0x61: {  	_ =	shalt  }
0x62: {  	_ =	shalt  }
0x63: {  	_ =	shalt  }
0x64: {  	_ =	shalt  }
0x65: {  	_ =	shalt  }
0x66: {  	_ =	shalt  }
0x67: {  	_ =	shalt  }
0x68: {  	_ =	shalt  }
0x69: {  	_ =	shalt  }
0x6a: {  	_ =	shalt  }
0x6b: {  	_ =	shalt  }
0x6c: {  	_ =	shalt  }
0x6d: {  	_ =	shalt  }
0x6e: {  	_ =	shalt  }
0x6f: {  	_ =	shalt  }
0x70: {  	_ =	shalt  }
0x71: {  	_ =	shalt  }
0x72: {  	_ =	shalt  }
0x73: {  	_ =	shalt  }
0x74: {  	_ =	shalt  }
0x75: {  	_ =	shalt  }
0x76: {  	_ =	shalt  }
0x77: {  	_ =	shalt  }
0x78: {  	_ =	shalt  }
0x79: {  	_ =	shalt  }
0x7a: {  	_ =	shalt  }
0x7b: {  	_ =	shalt  }
0x7c: {  	_ =	shalt  }
0x7d: {  	_ =	shalt  }
0x7e: {  	_ =	shalt  }
0x7f: {  	_ =	shalt  }
0x80: {  	_ =	shalt  }
0x81: {  	_ =	shalt  }
0x82: {  	_ =	shalt  }
0x83: {  	_ =	shalt  }
0x84: {  	_ =	shalt  }
0x85: {  	_ =	shalt  }
0x86: {  	_ =	shalt  }
0x87: {  	_ =	shalt  }
.Lfunc_end0:
.L_simem_size_0:
called_computation.4_lowered:
.L_overlay_start_0:
0x88: {  	s2 =	sld [smem:$0x3FD9]  }
0x89: {  	s3 =	sld [smem:$0x3FFE];
	_ =	sdelay $0x1  }
0x8a: {  	s1 =	srdreg.scid  }
0x8b: {  	s0 =	sand.u32 $0x1, s1  }
0x8c: {  	s14 =	sshll.u32 s0, $0xA;
	s2 =	sadd.s32 s3, s2  }
0x8d: {  	s2 =	sadd.s32 s2, s14  }
0x8e: {  	[smem:$0x3FBC] =	sst s2  }
0x8f: {  	_ = 	snop  }
0x90: {  	s2 =	sld [smem:$0x3FD0];
	_ =	sdelay $0x2  }
0x91: {  	s15 =	simm.s32 $0xB;
	s4 =	simm.s32 $0x10  }
0x92: {  	[smem:s4], [sflag:s15] =	dma.local [hbm:s2], $0x1  }
0x93: {  	_ =	swait.eq [sflag:s15], $0x1  }
0x94: {  	[sflag:s15] =	ssyncset.done $0x0  }
0x95: {  	[sflag:s15] =	ssyncadd.s32 $0xFFFFFFFF  }
0x96: {  	s16 =	sld [smem:$0x12];
	(tm) =	ssettm $0x1  }
0x97: {  	s17 =	sld [smem:$0x3FFB];
	_ =	sdelay $0x3  }
0x98: {  	_ =	strace s17  }
0x99: {  	s3 =	sld [smem:$0x3FFC];
	_ =	sdelay $0x3  }
0x9a: {  	_ =	strace s3  }
0x9b: {  	s3 =	sld [smem:$0x3FFD];
	_ =	sdelay $0x3  }
0x9c: {  	_ =	strace s3  }
0x9d: {  	_ =	strace $0x8FFFFFFF  }
0x9e: {  	s18 =	sld [smem:$0x3FDB];
	_ =	sdelay $0x1  }
0x9f: {  	s19 =	simm.s32 $_scs_section_size  }
0xa0: {  	s5 =	simm.s32 $_size__tile_overlayer_lowered;
	s6 =	simm.s32 $_tile_overlayer_lowered  }
0xa1: {  	s22 =	simm.s32 $0x1BFF;
	s21 =	sshll.u32 s6, $0x1;
	s3 =	sadd.s32 s19, s18  }
0xa2: {  	s7 =	simm.s32 $0x0;
	s20 =	sshll.u32 s5, $0x1;
	s5 =	sadd.s32 s21, s3  }
0xa3: {  	[timem:s7], [sflag:s22] =	dma.local [hbm:s5], s20  }
0xa4: {  	_ =	swait.ge [sflag:s22], s20  }
0xa5: {  	s4 =	ssub.s32 $0x0, s20;
	[sflag:s22] =	ssyncset.done $0x0  }
0xa6: {  	[sflag:s22] =	ssyncadd.s32 s4;
	_ =	sdelay $0x1  }
0xa7: {  	s23 =	simm.s32 $0x1B8B  }
0xa8: {  	_ =	swait.ge [sflag:s23], $0x1  }
0xa9: {  	[sflag:s23] =	ssyncset.done $0x0  }
0xaa: {  	s25 =	simm.s32 $0x1B8E;
	s24 =	sld [smem:$0x3FFE];
	[sflag:s23] =	ssyncadd.s32 $0xFFFFFFFF  }
0xab: {  	s26 =	simm.s32 $execute0_lowered;
	[smem:$0x3FD2] =	sst s25  }
0xac: {  	s5 =	sshll.u32 s26, $0x1;
	_ =	strace $0x80000052;
	[dreg:$0x1] =	wrdreg $0xFFFFFFFF  }
0xad: {  	s28 =	simm.s32 $_size_execute0_lowered;
	s3 =	sadd.s32 s3, s5;
	[dreg:$0x0] =	wrdreg $0x0  }
0xae: {  	s5 =	sshll.u32 s28, $0x1;
	[dreg:$0x2] =	wrdreg s3  }
0xaf: {  	[dreg:$0x3] =	wrdreg s5  }
0xb0: {  	[dreg:$0x4] =	wrdreg $0xC0  }
0xb1: {  	_ =	task [dreg:s7], $0x5FFFF  }
0xb2: {  	[dreg:$0x1] =	wrdreg $0xFFFFFFFF  }
0xb3: {  	[dreg:$0x0] =	wrdreg $0x60  }
0xb4: {  	[dreg:$0x2] =	wrdreg s16  }
0xb5: {  	[dreg:$0x3] =	wrdreg s24  }
0xb6: {  	[dreg:$0x4] =	wrdreg $0x9  }
0xb7: {  	_ =	task.clear_ibuf [dreg:s7], $0x5FFFF;
	_ =	strace $0x90000052  }
0xb8: {  	s29 =	simm.s32 $0x9;
	_ =	strace $0x80000054  }
0xb9: {  	_ =	swait.ge [sflag:s29], $0x1  }
0xba: {  	[sflag:s29] =	ssyncadd.s32 $0xFFFFFFFF  }
0xbb: {  	_ =	strace $0x90000054  }
0xbc: {  	_ =	sfence  }
0xbd: {  	s30 =	sld [smem:$0x0];
	_ =	sdelay $0x2  }
0xbe: {  	s31 =	sshll.u32 s1, $0xD;
	s1 =	sshrl.u32 s1, $0x2  }
0xbf: {  	s3 =	sand.u32 $0x4000, s31;
	s1 =	sadd.s32 s1, s30  }
0xc0: {  	s0 =	sor.u32 s3, s0;
	s1 =	sshll.u32 s1, $0x11  }
0xc1: {  	s0 =	sor.u32 s1, s0  }
0xc2: {  	s0 =	sadd.s32 $0x8F2B, s0  }
0xc3: {  	[sflag:s0] =	ssyncadd.remote.s32 $0x1  }
0xc4: {  	_ =	sfence.sel $0xFFFF  }
0xc5: {  	[dreg:$0x0] =	wrdreg $0xFFFFFFFF;
	(pc) =	sbr.abs _section_cstart, $3  }
0xc6: {  	[dreg:$0x1] =	wrdreg $0xFFFFFFFF  }
0xc7: {  	_ =	task.clear_ibuf [dreg:s7], $0x2FFFF;
	_ =	strace $0x9FFFFFFF  }
0xc8: {  	(tm) =	ssettm $0x7FFFFFFF  }
0xc9: {  	_ =	shalt  }
tec
execute0_lowered:
.L_overlay_start_1:
0x0: {  	(tag) =	ssettag $0x1  }
0x1: {  	s2 =	rddreg [dreg:$0x0]  }
0x2: {  	s0 =	srdreg.scid;
	s5 =	rddreg [dreg:$0x1]  }
0x3: {  	s1 =	stileid.u32;
	s3 =	simm.s32 $0x0;
	s10 =	simm.s32 $0x1400  }
0x4: {  	s11 =	simm.s32 $0x80;
	s12 =	simm.s32 $0x2800;
	s4 =	sand.u32 $0x1, s0  }
0x5: {  	s13 =	simm.s32 $0x6800;
	s14 =	simm.s32 $0x1;
	s6 =	sshll.u32 s4, $0x4  }
0x6: {  	s0 =	rddreg [dreg:$0x2];
	s7 =	smul.u32 $0x140000, s4;
	s6 =	sor.u32 s1, s6  }
0x7: {  	s15 =	simm.s32 $0x0;
	[smem:$0x7FF] =	sst s3;
	s6 =	smul.u32 $0x1400, s6  }
0x8: {  	s9 =	smul.u32 $0x14000, s1;
	_ =	strace $0x80000053;
	s4 =	ssub.s32 $0x2, s4  }
0x9: {  	s8 =	sshrl.u32 s4, $0x1;
	s7 =	sadd.s32 s7, s5;
	s6 =	sshrl.u32 s6, $0x3  }
0xa: {  	s8 =	ssub.s32 s4, s8;
	s31 =	sadd.s32 s9, s7;
	s6 =	sadd.s32 s6, s5  }
0xb: {  	s9 =	simm.s32 $0x2;
	s7 =	sadd.s32 $0xAF800, s31;
	s4 =	sadd.s32 $0xAA800, s6  }
0xc: {  	s5 =	sadd.s32 $0xA5800, s6;
	s6 =	smax.u32 s8, $0x1;
	s8 =	sadd.s32 $0x32F800, s31  }
.LBB2_1:
0xd: {  	[tilespmem:s3], [sflag:$0x2] =	stream.linear.gather [hbm4b:s4+s3], $0x1400, $0x38;
	[tilespmem:$0xA800] =	vst v63  }
0xe: {  	_ =	swait.ge [sflag:s9], $0x1400  }
0xf: {  	[sflag:s9] =	ssyncset.done $0x0  }
0x10: {  	[sflag:s9] =	ssyncadd.s32 $0xFFFFEC00  }
0x11: {  	[tilespmem:s10], [sflag:$0x2] =	stream.linear.gather [hbm4b:s5+s3], $0x1400, $0x38;
	[tilespmem:$0xA800] =	vst v63  }
0x12: {  	_ =	swait.ge [sflag:s9], $0x1400  }
0x13: {  	[sflag:s9] =	ssyncset.done $0x0  }
0x14: {  	s16 =	simm.s32 $0x0;
	[sflag:s9] =	ssyncadd.s32 $0xFFFFEC00  }
0x15: {  	[tilespmem:s12], [sflag:$0x1] =	stream.indirect.gather [hbm4b:s2+s11], $0x80, s16, s11, $0xb8;
	[tilespmem:$0xA800] =	vst v63  }
0x16: {  	s31 =	simm.s32 $0x1400  }
0x17: {  	[tilespmem:s13], [sflag:$0x1] =	stream.indirect.gather [hbm4b:s2+s11], $0x80, s31, s11, $0xb8;
	[tilespmem:$0xA800] =	vst v63  }
0x18: {  	_ =	swait.ge [sflag:s14], $0x4000  }
0x19: {  	[sflag:s14] =	ssyncset.done $0x0  }
0x1a: {  	[sflag:s14] =	ssyncadd.s32 $0xFFFFC000  }
0x1b: {  	_ =	swait.ge [sflag:s14], $0x4000  }
0x1c: {  	[sflag:s14] =	ssyncset.done $0x0  }
0x1d: {  	[sflag:s14] =	ssyncadd.s32 $0xFFFFC000  }
0x1e: {  	[hbm4b:s7+s3] =	stream.linear.scatter [tilespmem:s12], [sflag:$0x2], $0x4000, $0x38;
	[tilespmem:$0xA800] =	vst v63  }
0x1f: {  	_ =	swait.ge [sflag:s9], $0x4000  }
0x20: {  	[sflag:s9] =	ssyncset.done $0x0  }
0x21: {  	[sflag:s9] =	ssyncadd.s32 $0xFFFFC000  }
0x22: {  	[hbm4b:s8+s3] =	stream.linear.scatter [tilespmem:s13], [sflag:$0x2], $0x4000, $0x38;
	[tilespmem:$0xA800] =	vst v63  }
0x23: {  	s18 =	simm.s32 $0x200;
	s19 =	simm.s32 $0x400;
	_ =	swait.ge [sflag:s9], $0x4000  }
0x24: {  	s17 =	sadd.s32 $0x800, s7;
	s16 =	sadd.s32 $0x800, s8;
	[sflag:s9] =	ssyncset.done $0x0  }
.LBB2_2:
0x25: {  	s20 =	sshra.s32 s18, $0x2  }
0x26: {  	[sflag:s9] =	ssyncadd.s32 $0xFFFFC000;
	s18 =	smov.u32 s19;
	s21 =	sadd.s32 $0x200, s19  }
0x27: {  	[tilespmem:s12], [sflag:$0x1] =	stream.indirect.gather [hbm4b:s2+s11], $0x80, s20, s11, $0xb8;
	[tilespmem:$0xA800] =	vst v63  }
0x28: {  	p0 =	sne.s32 s19, $0x4E00;
	s19 =	sadd.s32 $0x1400, s20  }
0x29: {  	[tilespmem:s13], [sflag:$0x1] =	stream.indirect.gather [hbm4b:s2+s11], $0x80, s19, s11, $0xb8;
	[tilespmem:$0xA800] =	vst v63  }
0x2a: {  	_ =	swait.ge [sflag:s14], $0x4000  }
0x2b: {  	[sflag:s14] =	ssyncset.done $0x0  }
0x2c: {  	[sflag:s14] =	ssyncadd.s32 $0xFFFFC000  }
0x2d: {  	_ =	swait.ge [sflag:s14], $0x4000  }
0x2e: {  	[sflag:s14] =	ssyncset.done $0x0  }
0x2f: {  	[sflag:s14] =	ssyncadd.s32 $0xFFFFC000  }
0x30: {  	[hbm4b:s17+s3] =	stream.linear.scatter [tilespmem:s12], [sflag:$0x2], $0x4000, $0x38;
	[tilespmem:$0xA800] =	vst v63  }
0x31: {  	_ =	swait.ge [sflag:s9], $0x4000  }
.Ltmp0:
0x32: {  	[sflag:s9] =	ssyncset.done $0x0;
	(pc) =	sbr.rel @p0 .LBB2_2-.Ltmp0, $4  }
0x33: {  	[sflag:s9] =	ssyncadd.s32 $0xFFFFC000  }
0x34: {  	[hbm4b:s16+s3] =	stream.linear.scatter [tilespmem:s13], [sflag:$0x2], $0x4000, $0x38;
	[tilespmem:$0xA800] =	vst v63  }
0x35: {  	s19 =	smov.u32 s21;
	_ =	swait.ge [sflag:s9], $0x4000  }
0x36: {  	s17 =	sadd.s32 $0x800, s17;
	s16 =	sadd.s32 $0x800, s16;
	[sflag:s9] =	ssyncset.done $0x0  }
0x37: {  	s18 =	sshra.s32 s18, $0x2;
	[sflag:s9] =	ssyncadd.s32 $0xFFFFC000  }
0x38: {  	[tilespmem:s12], [sflag:$0x1] =	stream.indirect.gather [hbm4b:s2+s11], $0x80, s18, s11, $0xb8;
	[tilespmem:$0xA800] =	vst v63  }
0x39: {  	s18 =	sadd.s32 $0x1400, s18  }
0x3a: {  	[tilespmem:s13], [sflag:$0x1] =	stream.indirect.gather [hbm4b:s2+s11], $0x80, s18, s11, $0xb8;
	[tilespmem:$0xA800] =	vst v63  }
0x3b: {  	_ =	swait.ge [sflag:s14], $0x4000  }
0x3c: {  	[sflag:s14] =	ssyncset.done $0x0  }
0x3d: {  	[sflag:s14] =	ssyncadd.s32 $0xFFFFC000  }
0x3e: {  	_ =	swait.ge [sflag:s14], $0x4000  }
0x3f: {  	[sflag:s14] =	ssyncset.done $0x0  }
0x40: {  	[sflag:s14] =	ssyncadd.s32 $0xFFFFC000  }
0x41: {  	[hbm4b:s17+s3] =	stream.linear.scatter [tilespmem:s12], [sflag:$0x2], $0x4000, $0x38;
	[tilespmem:$0xA800] =	vst v63  }
0x42: {  	s15 =	sadd.s32 $0x1, s15;
	_ =	swait.ge [sflag:s9], $0x4000  }
0x43: {  	p0 =	sne.s32 s15, s6;
	[sflag:s9] =	ssyncset.done $0x0  }
.Ltmp1:
0x44: {  	[sflag:s9] =	ssyncadd.s32 $0xFFFFC000;
	(pc) =	sbr.rel @p0 .LBB2_1-.Ltmp1, $4  }
0x45: {  	[hbm4b:s16+s3] =	stream.linear.scatter [tilespmem:s13], [sflag:$0x2], $0x4000, $0x38;
	[tilespmem:$0xA800] =	vst v63  }
0x46: {  	_ =	swait.ge [sflag:s9], $0x4000  }
0x47: {  	[sflag:s9] =	ssyncset.done $0x0  }
0x48: {  	[sflag:s9] =	ssyncadd.s32 $0xFFFFC000  }
0x49: {  	_ =	sfence.sel $0x180000  }
0x4a: {  	[bflag:$0x0] =	sbarrier.arrive $0xFFFF  }
0x4b: {  	p0 =	sne.s32 s1, $0x0;
	_ =	strace $0x90000053  }
0x4c: {  	s0 =	sadd.s32 @!p0 $0x100000, s0;
	[bflag:$0x2] =	sbarrier.arrive $0xFFFF  }
0x4d: {  	[sflag:s0] =	ssyncadd.tile.s32 @!p0 $0x1;
	_ =	shalt  }
.Lfunc_end2:
_tile_overlayer_lowered:
.L_overlay_start_2:
0x4e: {  	(tag) =	ssettag $0x2  }
0x4f: {  	s0 =	rddreg [dreg:$0x0];
	s2 =	stileid.u32  }
0x50: {  	s1 =	rddreg [dreg:$0x1];
	p0 =	sne.s32 s2, $0x0  }
0x51: {  	s3 =	rddreg [dreg:$0x2];
	[bflag:$0x3] =	sbarrier.arrive $0xFFFF;
	s2 =	simm.s32 @!p0 $0x1C02  }
0x52: {  	[timem:s3], [sflag:s2] =	dma.local @!p0 [hbm:s0], s1  }
0x53: {  	s0 =	simm.s32 @!p0 $0x2  }
0x54: {  	_ =	swait.ge @!p0 [sflag:s0], s1  }
0x55: {  	s1 =	ssub.s32 @!p0 $0x0, s1;
	[sflag:s0] =	ssyncset.done @!p0 $0x0  }
0x56: {  	[sflag:s0] =	ssyncadd.s32 @!p0 s1  }
0x57: {  	[bflag:$0x3] =	sbarrier.arrive $0xFFFF  }
0x58: {  	_ =	shalt  }

</sc_bundles>
